<compile_context>
chip_gen: v7x
topology: tpu7x:2x2x1
jax: 0.10.2.dev20260603
libtpu: 0.0.44.dev20260713+nightly
codegen_flags: <defaults>
</compile_context>

<pallas_src>
import functools

import jax
import jax.numpy as jnp
from jax import lax
from jax.experimental import pallas as pl
from jax.experimental.pallas import tpu as pltpu
from jax.experimental.pallas import tpu_sc as plsc

HDIM = 64
NC = 2
NS = 16
NW = NC * NS
HALF_A = 104
HALF_B = 96
NBUF = 8
PDIST = 4


def _gather_kernel(B, S):
    rows_w = B // NW

    mesh = plsc.VectorSubcoreMesh(
        core_axis_name="c", subcore_axis_name="s",
        num_cores=NC, num_subcores=NS,
    )

    @functools.partial(
        pl.kernel,
        out_type=jax.ShapeDtypeStruct((B * S, 2 * HDIM), jnp.float32),
        mesh=mesh,
        scratch_types=[
            pltpu.VMEM((rows_w, S), jnp.int32),
            [pltpu.VMEM((S, HDIM), jnp.float32) for _ in range(NBUF)],
            [pltpu.SemaphoreType.DMA for _ in range(NBUF)],
            [pltpu.SemaphoreType.DMA for _ in range(NBUF)],
        ],
        compiler_params=pltpu.CompilerParams(use_tc_tiling_on_sc=False),
    )
    def k(x_hbm, table_hbm, out_hbm, idx_v, bufs, gsems, osems):
        wid = lax.axis_index("s") * NC + lax.axis_index("c")
        row0 = wid * rows_w
        pltpu.sync_copy(x_hbm.at[pl.ds(row0, rows_w)], idx_v)

        def wb_dst(r):
            return out_hbm.at[pl.ds((row0 + r) * S, S), pl.ds(0, HDIM)]

        def fire(r, b):
            pltpu.async_copy(table_hbm.at[idx_v.at[r, pl.ds(0, HALF_A)]],
                             bufs[b].at[pl.ds(0, HALF_A)], gsems[b])
            pltpu.async_copy(table_hbm.at[idx_v.at[r, pl.ds(HALF_A, HALF_B)]],
                             bufs[b].at[pl.ds(HALF_A, HALF_B)], gsems[b])

        def wait_fire(b):
            pltpu.make_async_copy(table_hbm.at[idx_v.at[0, pl.ds(0, S)]],
                                  bufs[b], gsems[b]).wait()

        def wait_wb(r, b):
            pltpu.make_async_copy(bufs[b], wb_dst(r), osems[b]).wait()

        for b in range(PDIST):
            fire(b, b)

        def group(g, carry):
            for b in range(NBUF):
                r = g * NBUF + b
                rp = r + PDIST
                bp = (b + PDIST) % NBUF

                @pl.when(jnp.logical_and(rp >= NBUF, rp < rows_w))
                def _():
                    wait_wb(rp - NBUF, bp)

                @pl.when(rp < rows_w)
                def _():
                    fire(rp, bp)

                wait_fire(b)
                pltpu.async_copy(bufs[b], wb_dst(r), osems[b])
            return carry

        lax.fori_loop(0, rows_w // NBUF, group, 0)

        for b in range(NBUF):
            wait_wb(rows_w - NBUF + b, b)

    return k


def _transpose_kernel(V):
    BW = 256
    NBLK = V // BW
    TAILV = V - NBLK * BW
    BLK_W = BW * HDIM
    base_cnt, extra = NBLK // NW, NBLK % NW

    mesh = plsc.VectorSubcoreMesh(
        core_axis_name="c", subcore_axis_name="s",
        num_cores=NC, num_subcores=NS,
    )

    @functools.partial(
        pl.kernel,
        out_type=jax.ShapeDtypeStruct((V * HDIM,), jnp.float32),
        mesh=mesh,
        scratch_types=[
            [pltpu.VMEM((HDIM, BW), jnp.float32) for _ in range(2)],
            [pltpu.VMEM((BLK_W,), jnp.float32) for _ in range(2)],
            [pltpu.SemaphoreType.DMA for _ in range(2)],
            [pltpu.SemaphoreType.DMA for _ in range(2)],
        ],
        compiler_params=pltpu.CompilerParams(use_tc_tiling_on_sc=True,
                                             needs_layout_passes=False),
    )
    def k0(wt_hbm, tail_hbm, t1d_hbm, ins, outs, isems, osems):
        wid = lax.axis_index("s") * NC + lax.axis_index("c")
        cnt = base_cnt + (wid < extra).astype(jnp.int32)
        iota64 = lax.iota(jnp.int32, 16) * HDIM

        def blk(i):
            return wid + NW * i

        def start_in(i, p):
            pltpu.async_copy(wt_hbm.at[:, pl.ds(blk(i) * BW, BW)],
                             ins[p], isems[p])

        def wait_in(p):
            pltpu.make_async_copy(wt_hbm.at[:, pl.ds(0, BW)],
                                  ins[p], isems[p]).wait()

        def start_out(i, p):
            pltpu.async_copy(outs[p], t1d_hbm.at[pl.ds(blk(i) * BLK_W, BLK_W)],
                             osems[p])

        def wait_out(p):
            pltpu.make_async_copy(outs[p], t1d_hbm.at[pl.ds(0, BLK_W)],
                                  osems[p]).wait()

        def transpose(src, dst, ncols):
            def kbody(kk, carry):
                base = iota64 + 16 * HDIM * kk
                for h in range(HDIM):
                    val = src[h, pl.ds(16 * kk, 16)]
                    plsc.store_scatter(dst, [base + h], val)
                return carry
            lax.fori_loop(0, ncols // 16, kbody, 0)

        start_in(0, 0)

        def grp(g, carry):
            for q in range(2):
                i = 2 * g + q

                @pl.when(i < cnt)
                def _():
                    wait_in(q)

                    @pl.when(i + 1 < cnt)
                    def _():
                        start_in(i + 1, 1 - q)

                    @pl.when(i >= 2)
                    def _():
                        wait_out(q)

                    transpose(ins[q], outs[q], BW)
                    start_out(i, q)
            return carry

        lax.fori_loop(0, (base_cnt + 2) // 2, grp, 0)
        wait_out(0)
        wait_out(1)

        @pl.when(wid == NW - 1)
        def _():
            pltpu.sync_copy(tail_hbm, ins[0].at[:, pl.ds(0, 128)])
            transpose(ins[0], outs[0], 128)
            pltpu.sync_copy(outs[0].at[pl.ds(0, TAILV * HDIM)],
                            t1d_hbm.at[pl.ds(NBLK * BLK_W, TAILV * HDIM)])

    return k0


def kernel(x, weight):
    B, S = x.shape
    V = weight.shape[0]
    n_tail = V % 128
    wt = weight.T
    tail = jnp.pad(weight[V - n_tail:].T, ((0, 0), (0, 128 - n_tail)))
    t1d = _transpose_kernel(V)(wt, tail)
    table = t1d.reshape(V, HDIM)
    out128 = _gather_kernel(B, S)(x, table)
    return out128[:, :HDIM].reshape(B, S, HDIM)

# --- scband reference (transcript-rebuilt; emitter-appended) ---
"""Pipeline reference for scband-parallel-vocabulary-embedding-71176198029432 (READ-ONLY COPY).

The authoritative reference and input builder live on the scoring server;
editing this copy changes nothing except your own understanding.
"""

import jax, jax.numpy as jnp
import numpy as np

VOCAB = 1000000
HDIM = 64

def setup_inputs(seed: int = 0) -> dict:
    key = jax.random.key(seed)
    k1, k2 = jax.random.split(key)
    x = jax.random.randint(k1, (4096, 200), 0, VOCAB, dtype=jnp.int64 if jax.config.jax_enable_x64 else jnp.int32).astype(jnp.int32)
    weight = jax.random.normal(k2, (VOCAB, HDIM), dtype=jnp.float32)
    return {"x": x, "weight": weight}

def reference(x, weight):
    # Single-chip (tp_size=1): vocab_st_idx=0, vocab_ed_idx=VOCAB.
    vocab_st_idx = 0
    vocab_ed_idx = weight.shape[0]
    m = jnp.logical_and(x >= vocab_st_idx, x < vocab_ed_idx)
    x_local = jnp.where(m, x - vocab_st_idx, 0)
    out = jnp.take(weight, x_local, axis=0)
    out = jnp.where(m[..., None], out, 0.0)
    # Reduce.apply is an all-reduce across TP ranks; identity for tp_size=1.
    return out

if __name__ == "__main__":
    import jax
    _d = setup_inputs()
    print(jax.jit(kernel)(*tuple(_d.values())))

</pallas_src>

<mosaic_0001>
#map = affine_map<(d0, d1) -> (0, 0)>
module attributes {stable_mosaic.version = 14 : i64} {
  func.func @k(%arg0: i32, %arg1: i32, %arg2: memref<4096x200xi32, #tpu.memory_space<hbm>>, %arg3: memref<1000000x64xf32, #tpu.memory_space<hbm>>, %arg4: memref<819200x128xf32, #tpu.memory_space<hbm>>, %arg5: memref<128x200xi32, #tpu.memory_space<vmem>>, %arg6: memref<200x64xf32, #tpu.memory_space<vmem>>, %arg7: memref<200x64xf32, #tpu.memory_space<vmem>>, %arg8: memref<200x64xf32, #tpu.memory_space<vmem>>, %arg9: memref<200x64xf32, #tpu.memory_space<vmem>>, %arg10: memref<200x64xf32, #tpu.memory_space<vmem>>, %arg11: memref<200x64xf32, #tpu.memory_space<vmem>>, %arg12: memref<200x64xf32, #tpu.memory_space<vmem>>, %arg13: memref<200x64xf32, #tpu.memory_space<vmem>>, %arg14: memref<!tpu.dma_semaphore, #tpu.memory_space<semaphore_mem>>, %arg15: memref<!tpu.dma_semaphore, #tpu.memory_space<semaphore_mem>>, %arg16: memref<!tpu.dma_semaphore, #tpu.memory_space<semaphore_mem>>, %arg17: memref<!tpu.dma_semaphore, #tpu.memory_space<semaphore_mem>>, %arg18: memref<!tpu.dma_semaphore, #tpu.memory_space<semaphore_mem>>, %arg19: memref<!tpu.dma_semaphore, #tpu.memory_space<semaphore_mem>>, %arg20: memref<!tpu.dma_semaphore, #tpu.memory_space<semaphore_mem>>, %arg21: memref<!tpu.dma_semaphore, #tpu.memory_space<semaphore_mem>>, %arg22: memref<!tpu.dma_semaphore, #tpu.memory_space<semaphore_mem>>, %arg23: memref<!tpu.dma_semaphore, #tpu.memory_space<semaphore_mem>>, %arg24: memref<!tpu.dma_semaphore, #tpu.memory_space<semaphore_mem>>, %arg25: memref<!tpu.dma_semaphore, #tpu.memory_space<semaphore_mem>>, %arg26: memref<!tpu.dma_semaphore, #tpu.memory_space<semaphore_mem>>, %arg27: memref<!tpu.dma_semaphore, #tpu.memory_space<semaphore_mem>>, %arg28: memref<!tpu.dma_semaphore, #tpu.memory_space<semaphore_mem>>, %arg29: memref<!tpu.dma_semaphore, #tpu.memory_space<semaphore_mem>>) attributes {dimension_semantics = [#tpu.dimension_semantics<core_parallel>, #tpu.dimension_semantics<subcore_parallel>], iteration_bounds = array<i64: 2, 16>, scalar_prefetch = 0 : i64, scratch_operands = 25 : i64, tpu.core_type = #tpu.core_type<sc_vector_subcore>, window_params = [{transform_indices = #map}, {transform_indices = #map}, {transform_indices = #map}]} {
    %mul3A = arith.constant 2 : i32
    %mul3A_0 = arith.muli %arg1, %mul3A : i32
    %add3A = arith.addi %mul3A_0, %arg0 : i32
    %mul3A_1 = arith.constant 128 : i32
    %mul3A_2 = arith.muli %add3A, %mul3A_1 : i32
    "tpu.region"() ({
      %run_scoped3A = tpu.sem_alloc : memref<!tpu.dma_semaphore, #tpu.memory_space<semaphore_mem>>
      %dma_start3A_150 = arith.constant 0 : i32
      %dma_start3A_151 = tpu.memref_slice %arg2[%mul3A_2, %dma_start3A_150] : memref<4096x200xi32, #tpu.memory_space<hbm>> -> memref<128x200xi32, #tpu.memory_space<hbm>>
      %dma_start3A_152 = arith.constant 0 : i32
      %dma_start3A_153 = tpu.memref_slice %arg2[%mul3A_2, %dma_start3A_152] : memref<4096x200xi32, #tpu.memory_space<hbm>> -> memref<128x200xi32, #tpu.memory_space<hbm>>
      tpu.enqueue_dma source(%dma_start3A_153 : memref<128x200xi32, #tpu.memory_space<hbm>>) target(%arg5 : memref<128x200xi32, #tpu.memory_space<vmem>>) target_semaphore(%run_scoped3A : memref<!tpu.dma_semaphore, #tpu.memory_space<semaphore_mem>>)
      %dma_wait3A_154 = arith.constant 0 : i32
      %dma_wait3A_155 = tpu.memref_slice %arg2[%mul3A_2, %dma_wait3A_154] : memref<4096x200xi32, #tpu.memory_space<hbm>> -> memref<128x200xi32, #tpu.memory_space<hbm>>
      %dma_wait3A_156 = arith.constant 0 : i32
      %dma_wait3A_157 = tpu.memref_slice %arg2[%mul3A_2, %dma_wait3A_156] : memref<4096x200xi32, #tpu.memory_space<hbm>> -> memref<128x200xi32, #tpu.memory_space<hbm>>
      tpu.wait_dma2 semaphore(%run_scoped3A : memref<!tpu.dma_semaphore, #tpu.memory_space<semaphore_mem>>) src(%dma_wait3A_157 : memref<128x200xi32, #tpu.memory_space<hbm>>) dst(%arg5 : memref<128x200xi32, #tpu.memory_space<vmem>>)
      tpu.yield
    }) : () -> ()
    %dma_start3A = arith.constant 0 : i32
    %dma_start3A_3 = arith.constant 0 : i32
    %dma_start3A_4 = arith.constant 0 : i32
    %dma_start3A_5 = tpu.memref_slice %arg6[%dma_start3A_3, %dma_start3A_4] : memref<200x64xf32, #tpu.memory_space<vmem>> -> memref<104x64xf32, #tpu.memory_space<vmem>>
    %dma_start3A_6 = arith.constant 0 : i32
    %dma_start3A_7 = tpu.memref_slice %arg5[%dma_start3A, %dma_start3A_6] : memref<128x200xi32, #tpu.memory_space<vmem>> -> memref<1x104xi32, #tpu.memory_space<vmem>>
    %dma_start3A_8 = tpu.memref_squeeze %dma_start3A_7 : memref<1x104xi32, #tpu.memory_space<vmem>> -> memref<104xi32, #tpu.memory_space<vmem>>
    %dma_start3A_9 = arith.constant 0 : i32
    %dma_start3A_10 = arith.constant 0 : i32
    %dma_start3A_11 = tpu.memref_slice %arg3[%dma_start3A_9, %dma_start3A_10] : memref<1000000x64xf32, #tpu.memory_space<hbm>> -> memref<1000000x64xf32, #tpu.memory_space<hbm>>
    tpu.enqueue_indirect_dma source(%dma_start3A_11 : memref<1000000x64xf32, #tpu.memory_space<hbm>>) target(%dma_start3A_5 : memref<104x64xf32, #tpu.memory_space<vmem>>) offsets(%dma_start3A_8 : memref<104xi32, #tpu.memory_space<vmem>>) semaphore(%arg14 : memref<!tpu.dma_semaphore, #tpu.memory_space<semaphore_mem>>)
    %dma_start3A_12 = arith.constant 0 : i32
    %dma_start3A_13 = arith.constant 104 : i32
    %dma_start3A_14 = arith.constant 0 : i32
    %dma_start3A_15 = tpu.memref_slice %arg6[%dma_start3A_13, %dma_start3A_14] : memref<200x64xf32, #tpu.memory_space<vmem>> -> memref<96x64xf32, #tpu.memory_space<vmem>>
    %dma_start3A_16 = arith.constant 104 : i32
    %dma_start3A_17 = tpu.memref_slice %arg5[%dma_start3A_12, %dma_start3A_16] : memref<128x200xi32, #tpu.memory_space<vmem>> -> memref<1x96xi32, #tpu.memory_space<vmem>>
    %dma_start3A_18 = tpu.memref_squeeze %dma_start3A_17 : memref<1x96xi32, #tpu.memory_space<vmem>> -> memref<96xi32, #tpu.memory_space<vmem>>
    %dma_start3A_19 = arith.constant 0 : i32
    %dma_start3A_20 = arith.constant 0 : i32
    %dma_start3A_21 = tpu.memref_slice %arg3[%dma_start3A_19, %dma_start3A_20] : memref<1000000x64xf32, #tpu.memory_space<hbm>> -> memref<1000000x64xf32, #tpu.memory_space<hbm>>
    tpu.enqueue_indirect_dma source(%dma_start3A_21 : memref<1000000x64xf32, #tpu.memory_space<hbm>>) target(%dma_start3A_15 : memref<96x64xf32, #tpu.memory_space<vmem>>) offsets(%dma_start3A_18 : memref<96xi32, #tpu.memory_space<vmem>>) semaphore(%arg14 : memref<!tpu.dma_semaphore, #tpu.memory_space<semaphore_mem>>)
    %dma_start3A_22 = arith.constant 1 : i32
    %dma_start3A_23 = arith.constant 0 : i32
    %dma_start3A_24 = arith.constant 0 : i32
    %dma_start3A_25 = tpu.memref_slice %arg7[%dma_start3A_23, %dma_start3A_24] : memref<200x64xf32, #tpu.memory_space<vmem>> -> memref<104x64xf32, #tpu.memory_space<vmem>>
    %dma_start3A_26 = arith.constant 0 : i32
    %dma_start3A_27 = tpu.memref_slice %arg5[%dma_start3A_22, %dma_start3A_26] : memref<128x200xi32, #tpu.memory_space<vmem>> -> memref<1x104xi32, #tpu.memory_space<vmem>>
    %dma_start3A_28 = tpu.memref_squeeze %dma_start3A_27 : memref<1x104xi32, #tpu.memory_space<vmem>> -> memref<104xi32, #tpu.memory_space<vmem>>
    %dma_start3A_29 = arith.constant 0 : i32
    %dma_start3A_30 = arith.constant 0 : i32
    %dma_start3A_31 = tpu.memref_slice %arg3[%dma_start3A_29, %dma_start3A_30] : memref<1000000x64xf32, #tpu.memory_space<hbm>> -> memref<1000000x64xf32, #tpu.memory_space<hbm>>
    tpu.enqueue_indirect_dma source(%dma_start3A_31 : memref<1000000x64xf32, #tpu.memory_space<hbm>>) target(%dma_start3A_25 : memref<104x64xf32, #tpu.memory_space<vmem>>) offsets(%dma_start3A_28 : memref<104xi32, #tpu.memory_space<vmem>>) semaphore(%arg15 : memref<!tpu.dma_semaphore, #tpu.memory_space<semaphore_mem>>)
    %dma_start3A_32 = arith.constant 1 : i32
    %dma_start3A_33 = arith.constant 104 : i32
    %dma_start3A_34 = arith.constant 0 : i32
    %dma_start3A_35 = tpu.memref_slice %arg7[%dma_start3A_33, %dma_start3A_34] : memref<200x64xf32, #tpu.memory_space<vmem>> -> memref<96x64xf32, #tpu.memory_space<vmem>>
    %dma_start3A_36 = arith.constant 104 : i32
    %dma_start3A_37 = tpu.memref_slice %arg5[%dma_start3A_32, %dma_start3A_36] : memref<128x200xi32, #tpu.memory_space<vmem>> -> memref<1x96xi32, #tpu.memory_space<vmem>>
    %dma_start3A_38 = tpu.memref_squeeze %dma_start3A_37 : memref<1x96xi32, #tpu.memory_space<vmem>> -> memref<96xi32, #tpu.memory_space<vmem>>
    %dma_start3A_39 = arith.constant 0 : i32
    %dma_start3A_40 = arith.constant 0 : i32
    %dma_start3A_41 = tpu.memref_slice %arg3[%dma_start3A_39, %dma_start3A_40] : memref<1000000x64xf32, #tpu.memory_space<hbm>> -> memref<1000000x64xf32, #tpu.memory_space<hbm>>
    tpu.enqueue_indirect_dma source(%dma_start3A_41 : memref<1000000x64xf32, #tpu.memory_space<hbm>>) target(%dma_start3A_35 : memref<96x64xf32, #tpu.memory_space<vmem>>) offsets(%dma_start3A_38 : memref<96xi32, #tpu.memory_space<vmem>>) semaphore(%arg15 : memref<!tpu.dma_semaphore, #tpu.memory_space<semaphore_mem>>)
    %dma_start3A_42 = arith.constant 2 : i32
    %dma_start3A_43 = arith.constant 0 : i32
    %dma_start3A_44 = arith.constant 0 : i32
    %dma_start3A_45 = tpu.memref_slice %arg8[%dma_start3A_43, %dma_start3A_44] : memref<200x64xf32, #tpu.memory_space<vmem>> -> memref<104x64xf32, #tpu.memory_space<vmem>>
    %dma_start3A_46 = arith.constant 0 : i32
    %dma_start3A_47 = tpu.memref_slice %arg5[%dma_start3A_42, %dma_start3A_46] : memref<128x200xi32, #tpu.memory_space<vmem>> -> memref<1x104xi32, #tpu.memory_space<vmem>>
    %dma_start3A_48 = tpu.memref_squeeze %dma_start3A_47 : memref<1x104xi32, #tpu.memory_space<vmem>> -> memref<104xi32, #tpu.memory_space<vmem>>
    %dma_start3A_49 = arith.constant 0 : i32
    %dma_start3A_50 = arith.constant 0 : i32
    %dma_start3A_51 = tpu.memref_slice %arg3[%dma_start3A_49, %dma_start3A_50] : memref<1000000x64xf32, #tpu.memory_space<hbm>> -> memref<1000000x64xf32, #tpu.memory_space<hbm>>
    tpu.enqueue_indirect_dma source(%dma_start3A_51 : memref<1000000x64xf32, #tpu.memory_space<hbm>>) target(%dma_start3A_45 : memref<104x64xf32, #tpu.memory_space<vmem>>) offsets(%dma_start3A_48 : memref<104xi32, #tpu.memory_space<vmem>>) semaphore(%arg16 : memref<!tpu.dma_semaphore, #tpu.memory_space<semaphore_mem>>)
    %dma_start3A_52 = arith.constant 2 : i32
    %dma_start3A_53 = arith.constant 104 : i32
    %dma_start3A_54 = arith.constant 0 : i32
    %dma_start3A_55 = tpu.memref_slice %arg8[%dma_start3A_53, %dma_start3A_54] : memref<200x64xf32, #tpu.memory_space<vmem>> -> memref<96x64xf32, #tpu.memory_space<vmem>>
    %dma_start3A_56 = arith.constant 104 : i32
    %dma_start3A_57 = tpu.memref_slice %arg5[%dma_start3A_52, %dma_start3A_56] : memref<128x200xi32, #tpu.memory_space<vmem>> -> memref<1x96xi32, #tpu.memory_space<vmem>>
    %dma_start3A_58 = tpu.memref_squeeze %dma_start3A_57 : memref<1x96xi32, #tpu.memory_space<vmem>> -> memref<96xi32, #tpu.memory_space<vmem>>
    %dma_start3A_59 = arith.constant 0 : i32
    %dma_start3A_60 = arith.constant 0 : i32
    %dma_start3A_61 = tpu.memref_slice %arg3[%dma_start3A_59, %dma_start3A_60] : memref<1000000x64xf32, #tpu.memory_space<hbm>> -> memref<1000000x64xf32, #tpu.memory_space<hbm>>
    tpu.enqueue_indirect_dma source(%dma_start3A_61 : memref<1000000x64xf32, #tpu.memory_space<hbm>>) target(%dma_start3A_55 : memref<96x64xf32, #tpu.memory_space<vmem>>) offsets(%dma_start3A_58 : memref<96xi32, #tpu.memory_space<vmem>>) semaphore(%arg16 : memref<!tpu.dma_semaphore, #tpu.memory_space<semaphore_mem>>)
    %dma_start3A_62 = arith.constant 3 : i32
    %dma_start3A_63 = arith.constant 0 : i32
    %dma_start3A_64 = arith.constant 0 : i32
    %dma_start3A_65 = tpu.memref_slice %arg9[%dma_start3A_63, %dma_start3A_64] : memref<200x64xf32, #tpu.memory_space<vmem>> -> memref<104x64xf32, #tpu.memory_space<vmem>>
    %dma_start3A_66 = arith.constant 0 : i32
    %dma_start3A_67 = tpu.memref_slice %arg5[%dma_start3A_62, %dma_start3A_66] : memref<128x200xi32, #tpu.memory_space<vmem>> -> memref<1x104xi32, #tpu.memory_space<vmem>>
    %dma_start3A_68 = tpu.memref_squeeze %dma_start3A_67 : memref<1x104xi32, #tpu.memory_space<vmem>> -> memref<104xi32, #tpu.memory_space<vmem>>
    %dma_start3A_69 = arith.constant 0 : i32
    %dma_start3A_70 = arith.constant 0 : i32
    %dma_start3A_71 = tpu.memref_slice %arg3[%dma_start3A_69, %dma_start3A_70] : memref<1000000x64xf32, #tpu.memory_space<hbm>> -> memref<1000000x64xf32, #tpu.memory_space<hbm>>
    tpu.enqueue_indirect_dma source(%dma_start3A_71 : memref<1000000x64xf32, #tpu.memory_space<hbm>>) target(%dma_start3A_65 : memref<104x64xf32, #tpu.memory_space<vmem>>) offsets(%dma_start3A_68 : memref<104xi32, #tpu.memory_space<vmem>>) semaphore(%arg17 : memref<!tpu.dma_semaphore, #tpu.memory_space<semaphore_mem>>)
    %dma_start3A_72 = arith.constant 3 : i32
    %dma_start3A_73 = arith.constant 104 : i32
    %dma_start3A_74 = arith.constant 0 : i32
    %dma_start3A_75 = tpu.memref_slice %arg9[%dma_start3A_73, %dma_start3A_74] : memref<200x64xf32, #tpu.memory_space<vmem>> -> memref<96x64xf32, #tpu.memory_space<vmem>>
    %dma_start3A_76 = arith.constant 104 : i32
    %dma_start3A_77 = tpu.memref_slice %arg5[%dma_start3A_72, %dma_start3A_76] : memref<128x200xi32, #tpu.memory_space<vmem>> -> memref<1x96xi32, #tpu.memory_space<vmem>>
    %dma_start3A_78 = tpu.memref_squeeze %dma_start3A_77 : memref<1x96xi32, #tpu.memory_space<vmem>> -> memref<96xi32, #tpu.memory_space<vmem>>
    %dma_start3A_79 = arith.constant 0 : i32
    %dma_start3A_80 = arith.constant 0 : i32
    %dma_start3A_81 = tpu.memref_slice %arg3[%dma_start3A_79, %dma_start3A_80] : memref<1000000x64xf32, #tpu.memory_space<hbm>> -> memref<1000000x64xf32, #tpu.memory_space<hbm>>
    tpu.enqueue_indirect_dma source(%dma_start3A_81 : memref<1000000x64xf32, #tpu.memory_space<hbm>>) target(%dma_start3A_75 : memref<96x64xf32, #tpu.memory_space<vmem>>) offsets(%dma_start3A_78 : memref<96xi32, #tpu.memory_space<vmem>>) semaphore(%arg17 : memref<!tpu.dma_semaphore, #tpu.memory_space<semaphore_mem>>)
    %scan3A = arith.constant 0 : i32
    %scan3A_82 = arith.constant 0 : i32
    %scan3A_83 = arith.constant 16 : i32
    %scan3A_84 = arith.addi %scan3A_82, %scan3A_83 : i32
    %scan3A_85 = arith.constant 1 : i32
    scf.for %scan3A_150 = %scan3A_82 to %scan3A_84 step %scan3A_85  : i32 {
      %mul3A_151 = arith.constant 8 : i32
      %mul3A_152 = arith.muli %scan3A_150, %mul3A_151 : i32
      %add3A_153 = arith.constant 0 : i32
      %add3A_154 = arith.addi %mul3A_152, %add3A_153 : i32
      %add3A_155 = arith.constant 4 : i32
      %add3A_156 = arith.addi %add3A_154, %add3A_155 : i32
      %ge3A = arith.constant 8 : i32
      %ge3A_157 = arith.cmpi sge, %add3A_156, %ge3A : i32
      %lt3A = arith.constant 128 : i32
      %lt3A_158 = arith.cmpi slt, %add3A_156, %lt3A : i32
      %and3A = arith.andi %ge3A_157, %lt3A_158 : i1
      %convert_element_type3A = arith.extui %and3A : i1 to i32
      %cond3A = arith.constant 0 : i32
      %cond3A_159 = arith.cmpi ne, %convert_element_type3A, %cond3A : i32
      scf.if %cond3A_159 {
        %sub3A = arith.constant 8 : i32
        %sub3A_410 = arith.subi %add3A_156, %sub3A : i32
        %add3A_411 = arith.addi %mul3A_2, %sub3A_410 : i32
        %mul3A_412 = arith.constant 200 : i32
        %mul3A_413 = arith.muli %add3A_411, %mul3A_412 : i32
        %dma_wait3A_414 = arith.constant 0 : i32
        %dma_wait3A_415 = tpu.memref_slice %arg4[%mul3A_413, %dma_wait3A_414] : memref<819200x128xf32, #tpu.memory_space<hbm>> -> memref<200x64xf32, #tpu.memory_space<hbm>>
        %dma_wait3A_416 = arith.constant 0 : i32
        %dma_wait3A_417 = tpu.memref_slice %arg4[%mul3A_413, %dma_wait3A_416] : memref<819200x128xf32, #tpu.memory_space<hbm>> -> memref<200x64xf32, #tpu.memory_space<hbm>>
        tpu.wait_dma2 semaphore(%arg26 : memref<!tpu.dma_semaphore, #tpu.memory_space<semaphore_mem>>) src(%arg10 : memref<200x64xf32, #tpu.memory_space<vmem>>) dst(%dma_wait3A_417 : memref<200x64xf32, #tpu.memory_space<hbm>>)
      } else {
      }
      %lt3A_160 = arith.constant 128 : i32
      %lt3A_161 = arith.cmpi slt, %add3A_156, %lt3A_160 : i32
      %convert_element_type3A_162 = arith.extui %lt3A_161 : i1 to i32
      %cond3A_163 = arith.constant 0 : i32
      %cond3A_164 = arith.cmpi ne, %convert_element_type3A_162, %cond3A_163 : i32
      scf.if %cond3A_164 {
        %dma_start3A_410 = arith.constant 0 : i32
        %dma_start3A_411 = arith.constant 0 : i32
        %dma_start3A_412 = tpu.memref_slice %arg10[%dma_start3A_410, %dma_start3A_411] : memref<200x64xf32, #tpu.memory_space<vmem>> -> memref<104x64xf32, #tpu.memory_space<vmem>>
        %dma_start3A_413 = arith.constant 0 : i32
        %dma_start3A_414 = tpu.memref_slice %arg5[%add3A_156, %dma_start3A_413] : memref<128x200xi32, #tpu.memory_space<vmem>> -> memref<1x104xi32, #tpu.memory_space<vmem>>
        %dma_start3A_415 = tpu.memref_squeeze %dma_start3A_414 : memref<1x104xi32, #tpu.memory_space<vmem>> -> memref<104xi32, #tpu.memory_space<vmem>>
        %dma_start3A_416 = arith.constant 0 : i32
        %dma_start3A_417 = arith.constant 0 : i32
        %dma_start3A_418 = tpu.memref_slice %arg3[%dma_start3A_416, %dma_start3A_417] : memref<1000000x64xf32, #tpu.memory_space<hbm>> -> memref<1000000x64xf32, #tpu.memory_space<hbm>>
        tpu.enqueue_indirect_dma source(%dma_start3A_418 : memref<1000000x64xf32, #tpu.memory_space<hbm>>) target(%dma_start3A_412 : memref<104x64xf32, #tpu.memory_space<vmem>>) offsets(%dma_start3A_415 : memref<104xi32, #tpu.memory_space<vmem>>) semaphore(%arg18 : memref<!tpu.dma_semaphore, #tpu.memory_space<semaphore_mem>>)
        %dma_start3A_419 = arith.constant 104 : i32
        %dma_start3A_420 = arith.constant 0 : i32
        %dma_start3A_421 = tpu.memref_slice %arg10[%dma_start3A_419, %dma_start3A_420] : memref<200x64xf32, #tpu.memory_space<vmem>> -> memref<96x64xf32, #tpu.memory_space<vmem>>
        %dma_start3A_422 = arith.constant 104 : i32
        %dma_start3A_423 = tpu.memref_slice %arg5[%add3A_156, %dma_start3A_422] : memref<128x200xi32, #tpu.memory_space<vmem>> -> memref<1x96xi32, #tpu.memory_space<vmem>>
        %dma_start3A_424 = tpu.memref_squeeze %dma_start3A_423 : memref<1x96xi32, #tpu.memory_space<vmem>> -> memref<96xi32, #tpu.memory_space<vmem>>
        %dma_start3A_425 = arith.constant 0 : i32
        %dma_start3A_426 = arith.constant 0 : i32
        %dma_start3A_427 = tpu.memref_slice %arg3[%dma_start3A_425, %dma_start3A_426] : memref<1000000x64xf32, #tpu.memory_space<hbm>> -> memref<1000000x64xf32, #tpu.memory_space<hbm>>
        tpu.enqueue_indirect_dma source(%dma_start3A_427 : memref<1000000x64xf32, #tpu.memory_space<hbm>>) target(%dma_start3A_421 : memref<96x64xf32, #tpu.memory_space<vmem>>) offsets(%dma_start3A_424 : memref<96xi32, #tpu.memory_space<vmem>>) semaphore(%arg18 : memref<!tpu.dma_semaphore, #tpu.memory_space<semaphore_mem>>)
      } else {
      }
      %dma_wait3A_165 = arith.constant 0 : i32
      %dma_wait3A_166 = arith.constant 0 : i32
      %dma_wait3A_167 = tpu.memref_slice %arg5[%dma_wait3A_165, %dma_wait3A_166] : memref<128x200xi32, #tpu.memory_space<vmem>> -> memref<1x200xi32, #tpu.memory_space<vmem>>
      %dma_wait3A_168 = tpu.memref_squeeze %dma_wait3A_167 : memref<1x200xi32, #tpu.memory_space<vmem>> -> memref<200xi32, #tpu.memory_space<vmem>>
      %dma_wait3A_169 = arith.constant 0 : i32
      %dma_wait3A_170 = arith.constant 0 : i32
      %dma_wait3A_171 = tpu.memref_slice %arg3[%dma_wait3A_169, %dma_wait3A_170] : memref<1000000x64xf32, #tpu.memory_space<hbm>> -> memref<1000000x64xf32, #tpu.memory_space<hbm>>
      tpu.wait_indirect_dma semaphore(%arg14 : memref<!tpu.dma_semaphore, #tpu.memory_space<semaphore_mem>>) src(%dma_wait3A_171 : memref<1000000x64xf32, #tpu.memory_space<hbm>>) dst(%arg6 : memref<200x64xf32, #tpu.memory_space<vmem>>)
      %add3A_172 = arith.addi %mul3A_2, %add3A_154 : i32
      %mul3A_173 = arith.constant 200 : i32
      %mul3A_174 = arith.muli %add3A_172, %mul3A_173 : i32
      %dma_start3A_175 = arith.constant 0 : i32
      %dma_start3A_176 = tpu.memref_slice %arg4[%mul3A_174, %dma_start3A_175] : memref<819200x128xf32, #tpu.memory_space<hbm>> -> memref<200x64xf32, #tpu.memory_space<hbm>>
      %dma_start3A_177 = arith.constant 0 : i32
      %dma_start3A_178 = tpu.memref_slice %arg4[%mul3A_174, %dma_start3A_177] : memref<819200x128xf32, #tpu.memory_space<hbm>> -> memref<200x64xf32, #tpu.memory_space<hbm>>
      tpu.enqueue_dma source(%arg6 : memref<200x64xf32, #tpu.memory_space<vmem>>) target(%dma_start3A_178 : memref<200x64xf32, #tpu.memory_space<hbm>>) target_semaphore(%arg22 : memref<!tpu.dma_semaphore, #tpu.memory_space<semaphore_mem>>)
      %mul3A_179 = arith.constant 8 : i32
      %mul3A_180 = arith.muli %scan3A_150, %mul3A_179 : i32
      %add3A_181 = arith.constant 1 : i32
      %add3A_182 = arith.addi %mul3A_180, %add3A_181 : i32
      %add3A_183 = arith.constant 4 : i32
      %add3A_184 = arith.addi %add3A_182, %add3A_183 : i32
      %ge3A_185 = arith.constant 8 : i32
      %ge3A_186 = arith.cmpi sge, %add3A_184, %ge3A_185 : i32
      %lt3A_187 = arith.constant 128 : i32
      %lt3A_188 = arith.cmpi slt, %add3A_184, %lt3A_187 : i32
      %and3A_189 = arith.andi %ge3A_186, %lt3A_188 : i1
      %convert_element_type3A_190 = arith.extui %and3A_189 : i1 to i32
      %cond3A_191 = arith.constant 0 : i32
      %cond3A_192 = arith.cmpi ne, %convert_element_type3A_190, %cond3A_191 : i32
      scf.if %cond3A_192 {
        %sub3A = arith.constant 8 : i32
        %sub3A_410 = arith.subi %add3A_184, %sub3A : i32
        %add3A_411 = arith.addi %mul3A_2, %sub3A_410 : i32
        %mul3A_412 = arith.constant 200 : i32
        %mul3A_413 = arith.muli %add3A_411, %mul3A_412 : i32
        %dma_wait3A_414 = arith.constant 0 : i32
        %dma_wait3A_415 = tpu.memref_slice %arg4[%mul3A_413, %dma_wait3A_414] : memref<819200x128xf32, #tpu.memory_space<hbm>> -> memref<200x64xf32, #tpu.memory_space<hbm>>
        %dma_wait3A_416 = arith.constant 0 : i32
        %dma_wait3A_417 = tpu.memref_slice %arg4[%mul3A_413, %dma_wait3A_416] : memref<819200x128xf32, #tpu.memory_space<hbm>> -> memref<200x64xf32, #tpu.memory_space<hbm>>
        tpu.wait_dma2 semaphore(%arg27 : memref<!tpu.dma_semaphore, #tpu.memory_space<semaphore_mem>>) src(%arg11 : memref<200x64xf32, #tpu.memory_space<vmem>>) dst(%dma_wait3A_417 : memref<200x64xf32, #tpu.memory_space<hbm>>)
      } else {
      }
      %lt3A_193 = arith.constant 128 : i32
      %lt3A_194 = arith.cmpi slt, %add3A_184, %lt3A_193 : i32
      %convert_element_type3A_195 = arith.extui %lt3A_194 : i1 to i32
      %cond3A_196 = arith.constant 0 : i32
      %cond3A_197 = arith.cmpi ne, %convert_element_type3A_195, %cond3A_196 : i32
      scf.if %cond3A_197 {
        %dma_start3A_410 = arith.constant 0 : i32
        %dma_start3A_411 = arith.constant 0 : i32
        %dma_start3A_412 = tpu.memref_slice %arg11[%dma_start3A_410, %dma_start3A_411] : memref<200x64xf32, #tpu.memory_space<vmem>> -> memref<104x64xf32, #tpu.memory_space<vmem>>
        %dma_start3A_413 = arith.constant 0 : i32
        %dma_start3A_414 = tpu.memref_slice %arg5[%add3A_184, %dma_start3A_413] : memref<128x200xi32, #tpu.memory_space<vmem>> -> memref<1x104xi32, #tpu.memory_space<vmem>>
        %dma_start3A_415 = tpu.memref_squeeze %dma_start3A_414 : memref<1x104xi32, #tpu.memory_space<vmem>> -> memref<104xi32, #tpu.memory_space<vmem>>
        %dma_start3A_416 = arith.constant 0 : i32
        %dma_start3A_417 = arith.constant 0 : i32
        %dma_start3A_418 = tpu.memref_slice %arg3[%dma_start3A_416, %dma_start3A_417] : memref<1000000x64xf32, #tpu.memory_space<hbm>> -> memref<1000000x64xf32, #tpu.memory_space<hbm>>
        tpu.enqueue_indirect_dma source(%dma_start3A_418 : memref<1000000x64xf32, #tpu.memory_space<hbm>>) target(%dma_start3A_412 : memref<104x64xf32, #tpu.memory_space<vmem>>) offsets(%dma_start3A_415 : memref<104xi32, #tpu.memory_space<vmem>>) semaphore(%arg19 : memref<!tpu.dma_semaphore, #tpu.memory_space<semaphore_mem>>)
        %dma_start3A_419 = arith.constant 104 : i32
        %dma_start3A_420 = arith.constant 0 : i32
        %dma_start3A_421 = tpu.memref_slice %arg11[%dma_start3A_419, %dma_start3A_420] : memref<200x64xf32, #tpu.memory_space<vmem>> -> memref<96x64xf32, #tpu.memory_space<vmem>>
        %dma_start3A_422 = arith.constant 104 : i32
        %dma_start3A_423 = tpu.memref_slice %arg5[%add3A_184, %dma_start3A_422] : memref<128x200xi32, #tpu.memory_space<vmem>> -> memref<1x96xi32, #tpu.memory_space<vmem>>
        %dma_start3A_424 = tpu.memref_squeeze %dma_start3A_423 : memref<1x96xi32, #tpu.memory_space<vmem>> -> memref<96xi32, #tpu.memory_space<vmem>>
        %dma_start3A_425 = arith.constant 0 : i32
        %dma_start3A_426 = arith.constant 0 : i32
        %dma_start3A_427 = tpu.memref_slice %arg3[%dma_start3A_425, %dma_start3A_426] : memref<1000000x64xf32, #tpu.memory_space<hbm>> -> memref<1000000x64xf32, #tpu.memory_space<hbm>>
        tpu.enqueue_indirect_dma source(%dma_start3A_427 : memref<1000000x64xf32, #tpu.memory_space<hbm>>) target(%dma_start3A_421 : memref<96x64xf32, #tpu.memory_space<vmem>>) offsets(%dma_start3A_424 : memref<96xi32, #tpu.memory_space<vmem>>) semaphore(%arg19 : memref<!tpu.dma_semaphore, #tpu.memory_space<semaphore_mem>>)
      } else {
      }
      %dma_wait3A_198 = arith.constant 0 : i32
      %dma_wait3A_199 = arith.constant 0 : i32
      %dma_wait3A_200 = tpu.memref_slice %arg5[%dma_wait3A_198, %dma_wait3A_199] : memref<128x200xi32, #tpu.memory_space<vmem>> -> memref<1x200xi32, #tpu.memory_space<vmem>>
      %dma_wait3A_201 = tpu.memref_squeeze %dma_wait3A_200 : memref<1x200xi32, #tpu.memory_space<vmem>> -> memref<200xi32, #tpu.memory_space<vmem>>
      %dma_wait3A_202 = arith.constant 0 : i32
      %dma_wait3A_203 = arith.constant 0 : i32
      %dma_wait3A_204 = tpu.memref_slice %arg3[%dma_wait3A_202, %dma_wait3A_203] : memref<1000000x64xf32, #tpu.memory_space<hbm>> -> memref<1000000x64xf32, #tpu.memory_space<hbm>>
      tpu.wait_indirect_dma semaphore(%arg15 : memref<!tpu.dma_semaphore, #tpu.memory_space<semaphore_mem>>) src(%dma_wait3A_204 : memref<1000000x64xf32, #tpu.memory_space<hbm>>) dst(%arg7 : memref<200x64xf32, #tpu.memory_space<vmem>>)
      %add3A_205 = arith.addi %mul3A_2, %add3A_182 : i32
      %mul3A_206 = arith.constant 200 : i32
      %mul3A_207 = arith.muli %add3A_205, %mul3A_206 : i32
      %dma_start3A_208 = arith.constant 0 : i32
      %dma_start3A_209 = tpu.memref_slice %arg4[%mul3A_207, %dma_start3A_208] : memref<819200x128xf32, #tpu.memory_space<hbm>> -> memref<200x64xf32, #tpu.memory_space<hbm>>
      %dma_start3A_210 = arith.constant 0 : i32
      %dma_start3A_211 = tpu.memref_slice %arg4[%mul3A_207, %dma_start3A_210] : memref<819200x128xf32, #tpu.memory_space<hbm>> -> memref<200x64xf32, #tpu.memory_space<hbm>>
      tpu.enqueue_dma source(%arg7 : memref<200x64xf32, #tpu.memory_space<vmem>>) target(%dma_start3A_211 : memref<200x64xf32, #tpu.memory_space<hbm>>) target_semaphore(%arg23 : memref<!tpu.dma_semaphore, #tpu.memory_space<semaphore_mem>>)
      %mul3A_212 = arith.constant 8 : i32
      %mul3A_213 = arith.muli %scan3A_150, %mul3A_212 : i32
      %add3A_214 = arith.constant 2 : i32
      %add3A_215 = arith.addi %mul3A_213, %add3A_214 : i32
      %add3A_216 = arith.constant 4 : i32
      %add3A_217 = arith.addi %add3A_215, %add3A_216 : i32
      %ge3A_218 = arith.constant 8 : i32
      %ge3A_219 = arith.cmpi sge, %add3A_217, %ge3A_218 : i32
      %lt3A_220 = arith.constant 128 : i32
      %lt3A_221 = arith.cmpi slt, %add3A_217, %lt3A_220 : i32
      %and3A_222 = arith.andi %ge3A_219, %lt3A_221 : i1
      %convert_element_type3A_223 = arith.extui %and3A_222 : i1 to i32
      %cond3A_224 = arith.constant 0 : i32
      %cond3A_225 = arith.cmpi ne, %convert_element_type3A_223, %cond3A_224 : i32
      scf.if %cond3A_225 {
        %sub3A = arith.constant 8 : i32
        %sub3A_410 = arith.subi %add3A_217, %sub3A : i32
        %add3A_411 = arith.addi %mul3A_2, %sub3A_410 : i32
        %mul3A_412 = arith.constant 200 : i32
        %mul3A_413 = arith.muli %add3A_411, %mul3A_412 : i32
        %dma_wait3A_414 = arith.constant 0 : i32
        %dma_wait3A_415 = tpu.memref_slice %arg4[%mul3A_413, %dma_wait3A_414] : memref<819200x128xf32, #tpu.memory_space<hbm>> -> memref<200x64xf32, #tpu.memory_space<hbm>>
        %dma_wait3A_416 = arith.constant 0 : i32
        %dma_wait3A_417 = tpu.memref_slice %arg4[%mul3A_413, %dma_wait3A_416] : memref<819200x128xf32, #tpu.memory_space<hbm>> -> memref<200x64xf32, #tpu.memory_space<hbm>>
        tpu.wait_dma2 semaphore(%arg28 : memref<!tpu.dma_semaphore, #tpu.memory_space<semaphore_mem>>) src(%arg12 : memref<200x64xf32, #tpu.memory_space<vmem>>) dst(%dma_wait3A_417 : memref<200x64xf32, #tpu.memory_space<hbm>>)
      } else {
      }
      %lt3A_226 = arith.constant 128 : i32
      %lt3A_227 = arith.cmpi slt, %add3A_217, %lt3A_226 : i32
      %convert_element_type3A_228 = arith.extui %lt3A_227 : i1 to i32
      %cond3A_229 = arith.constant 0 : i32
      %cond3A_230 = arith.cmpi ne, %convert_element_type3A_228, %cond3A_229 : i32
      scf.if %cond3A_230 {
        %dma_start3A_410 = arith.constant 0 : i32
        %dma_start3A_411 = arith.constant 0 : i32
        %dma_start3A_412 = tpu.memref_slice %arg12[%dma_start3A_410, %dma_start3A_411] : memref<200x64xf32, #tpu.memory_space<vmem>> -> memref<104x64xf32, #tpu.memory_space<vmem>>
        %dma_start3A_413 = arith.constant 0 : i32
        %dma_start3A_414 = tpu.memref_slice %arg5[%add3A_217, %dma_start3A_413] : memref<128x200xi32, #tpu.memory_space<vmem>> -> memref<1x104xi32, #tpu.memory_space<vmem>>
        %dma_start3A_415 = tpu.memref_squeeze %dma_start3A_414 : memref<1x104xi32, #tpu.memory_space<vmem>> -> memref<104xi32, #tpu.memory_space<vmem>>
        %dma_start3A_416 = arith.constant 0 : i32
        %dma_start3A_417 = arith.constant 0 : i32
        %dma_start3A_418 = tpu.memref_slice %arg3[%dma_start3A_416, %dma_start3A_417] : memref<1000000x64xf32, #tpu.memory_space<hbm>> -> memref<1000000x64xf32, #tpu.memory_space<hbm>>
        tpu.enqueue_indirect_dma source(%dma_start3A_418 : memref<1000000x64xf32, #tpu.memory_space<hbm>>) target(%dma_start3A_412 : memref<104x64xf32, #tpu.memory_space<vmem>>) offsets(%dma_start3A_415 : memref<104xi32, #tpu.memory_space<vmem>>) semaphore(%arg20 : memref<!tpu.dma_semaphore, #tpu.memory_space<semaphore_mem>>)
        %dma_start3A_419 = arith.constant 104 : i32
        %dma_start3A_420 = arith.constant 0 : i32
        %dma_start3A_421 = tpu.memref_slice %arg12[%dma_start3A_419, %dma_start3A_420] : memref<200x64xf32, #tpu.memory_space<vmem>> -> memref<96x64xf32, #tpu.memory_space<vmem>>
        %dma_start3A_422 = arith.constant 104 : i32
        %dma_start3A_423 = tpu.memref_slice %arg5[%add3A_217, %dma_start3A_422] : memref<128x200xi32, #tpu.memory_space<vmem>> -> memref<1x96xi32, #tpu.memory_space<vmem>>
        %dma_start3A_424 = tpu.memref_squeeze %dma_start3A_423 : memref<1x96xi32, #tpu.memory_space<vmem>> -> memref<96xi32, #tpu.memory_space<vmem>>
        %dma_start3A_425 = arith.constant 0 : i32
        %dma_start3A_426 = arith.constant 0 : i32
        %dma_start3A_427 = tpu.memref_slice %arg3[%dma_start3A_425, %dma_start3A_426] : memref<1000000x64xf32, #tpu.memory_space<hbm>> -> memref<1000000x64xf32, #tpu.memory_space<hbm>>
        tpu.enqueue_indirect_dma source(%dma_start3A_427 : memref<1000000x64xf32, #tpu.memory_space<hbm>>) target(%dma_start3A_421 : memref<96x64xf32, #tpu.memory_space<vmem>>) offsets(%dma_start3A_424 : memref<96xi32, #tpu.memory_space<vmem>>) semaphore(%arg20 : memref<!tpu.dma_semaphore, #tpu.memory_space<semaphore_mem>>)
      } else {
      }
      %dma_wait3A_231 = arith.constant 0 : i32
      %dma_wait3A_232 = arith.constant 0 : i32
      %dma_wait3A_233 = tpu.memref_slice %arg5[%dma_wait3A_231, %dma_wait3A_232] : memref<128x200xi32, #tpu.memory_space<vmem>> -> memref<1x200xi32, #tpu.memory_space<vmem>>
      %dma_wait3A_234 = tpu.memref_squeeze %dma_wait3A_233 : memref<1x200xi32, #tpu.memory_space<vmem>> -> memref<200xi32, #tpu.memory_space<vmem>>
      %dma_wait3A_235 = arith.constant 0 : i32
      %dma_wait3A_236 = arith.constant 0 : i32
      %dma_wait3A_237 = tpu.memref_slice %arg3[%dma_wait3A_235, %dma_wait3A_236] : memref<1000000x64xf32, #tpu.memory_space<hbm>> -> memref<1000000x64xf32, #tpu.memory_space<hbm>>
      tpu.wait_indirect_dma semaphore(%arg16 : memref<!tpu.dma_semaphore, #tpu.memory_space<semaphore_mem>>) src(%dma_wait3A_237 : memref<1000000x64xf32, #tpu.memory_space<hbm>>) dst(%arg8 : memref<200x64xf32, #tpu.memory_space<vmem>>)
      %add3A_238 = arith.addi %mul3A_2, %add3A_215 : i32
      %mul3A_239 = arith.constant 200 : i32
      %mul3A_240 = arith.muli %add3A_238, %mul3A_239 : i32
      %dma_start3A_241 = arith.constant 0 : i32
      %dma_start3A_242 = tpu.memref_slice %arg4[%mul3A_240, %dma_start3A_241] : memref<819200x128xf32, #tpu.memory_space<hbm>> -> memref<200x64xf32, #tpu.memory_space<hbm>>
      %dma_start3A_243 = arith.constant 0 : i32
      %dma_start3A_244 = tpu.memref_slice %arg4[%mul3A_240, %dma_start3A_243] : memref<819200x128xf32, #tpu.memory_space<hbm>> -> memref<200x64xf32, #tpu.memory_space<hbm>>
      tpu.enqueue_dma source(%arg8 : memref<200x64xf32, #tpu.memory_space<vmem>>) target(%dma_start3A_244 : memref<200x64xf32, #tpu.memory_space<hbm>>) target_semaphore(%arg24 : memref<!tpu.dma_semaphore, #tpu.memory_space<semaphore_mem>>)
      %mul3A_245 = arith.constant 8 : i32
      %mul3A_246 = arith.muli %scan3A_150, %mul3A_245 : i32
      %add3A_247 = arith.constant 3 : i32
      %add3A_248 = arith.addi %mul3A_246, %add3A_247 : i32
      %add3A_249 = arith.constant 4 : i32
      %add3A_250 = arith.addi %add3A_248, %add3A_249 : i32
      %ge3A_251 = arith.constant 8 : i32
      %ge3A_252 = arith.cmpi sge, %add3A_250, %ge3A_251 : i32
      %lt3A_253 = arith.constant 128 : i32
      %lt3A_254 = arith.cmpi slt, %add3A_250, %lt3A_253 : i32
      %and3A_255 = arith.andi %ge3A_252, %lt3A_254 : i1
      %convert_element_type3A_256 = arith.extui %and3A_255 : i1 to i32
      %cond3A_257 = arith.constant 0 : i32
      %cond3A_258 = arith.cmpi ne, %convert_element_type3A_256, %cond3A_257 : i32
      scf.if %cond3A_258 {
        %sub3A = arith.constant 8 : i32
        %sub3A_410 = arith.subi %add3A_250, %sub3A : i32
        %add3A_411 = arith.addi %mul3A_2, %sub3A_410 : i32
        %mul3A_412 = arith.constant 200 : i32
        %mul3A_413 = arith.muli %add3A_411, %mul3A_412 : i32
        %dma_wait3A_414 = arith.constant 0 : i32
        %dma_wait3A_415 = tpu.memref_slice %arg4[%mul3A_413, %dma_wait3A_414] : memref<819200x128xf32, #tpu.memory_space<hbm>> -> memref<200x64xf32, #tpu.memory_space<hbm>>
        %dma_wait3A_416 = arith.constant 0 : i32
        %dma_wait3A_417 = tpu.memref_slice %arg4[%mul3A_413, %dma_wait3A_416] : memref<819200x128xf32, #tpu.memory_space<hbm>> -> memref<200x64xf32, #tpu.memory_space<hbm>>
        tpu.wait_dma2 semaphore(%arg29 : memref<!tpu.dma_semaphore, #tpu.memory_space<semaphore_mem>>) src(%arg13 : memref<200x64xf32, #tpu.memory_space<vmem>>) dst(%dma_wait3A_417 : memref<200x64xf32, #tpu.memory_space<hbm>>)
      } else {
      }
      %lt3A_259 = arith.constant 128 : i32
      %lt3A_260 = arith.cmpi slt, %add3A_250, %lt3A_259 : i32
      %convert_element_type3A_261 = arith.extui %lt3A_260 : i1 to i32
      %cond3A_262 = arith.constant 0 : i32
      %cond3A_263 = arith.cmpi ne, %convert_element_type3A_261, %cond3A_262 : i32
      scf.if %cond3A_263 {
        %dma_start3A_410 = arith.constant 0 : i32
        %dma_start3A_411 = arith.constant 0 : i32
        %dma_start3A_412 = tpu.memref_slice %arg13[%dma_start3A_410, %dma_start3A_411] : memref<200x64xf32, #tpu.memory_space<vmem>> -> memref<104x64xf32, #tpu.memory_space<vmem>>
        %dma_start3A_413 = arith.constant 0 : i32
        %dma_start3A_414 = tpu.memref_slice %arg5[%add3A_250, %dma_start3A_413] : memref<128x200xi32, #tpu.memory_space<vmem>> -> memref<1x104xi32, #tpu.memory_space<vmem>>
        %dma_start3A_415 = tpu.memref_squeeze %dma_start3A_414 : memref<1x104xi32, #tpu.memory_space<vmem>> -> memref<104xi32, #tpu.memory_space<vmem>>
        %dma_start3A_416 = arith.constant 0 : i32
        %dma_start3A_417 = arith.constant 0 : i32
        %dma_start3A_418 = tpu.memref_slice %arg3[%dma_start3A_416, %dma_start3A_417] : memref<1000000x64xf32, #tpu.memory_space<hbm>> -> memref<1000000x64xf32, #tpu.memory_space<hbm>>
        tpu.enqueue_indirect_dma source(%dma_start3A_418 : memref<1000000x64xf32, #tpu.memory_space<hbm>>) target(%dma_start3A_412 : memref<104x64xf32, #tpu.memory_space<vmem>>) offsets(%dma_start3A_415 : memref<104xi32, #tpu.memory_space<vmem>>) semaphore(%arg21 : memref<!tpu.dma_semaphore, #tpu.memory_space<semaphore_mem>>)
        %dma_start3A_419 = arith.constant 104 : i32
        %dma_start3A_420 = arith.constant 0 : i32
        %dma_start3A_421 = tpu.memref_slice %arg13[%dma_start3A_419, %dma_start3A_420] : memref<200x64xf32, #tpu.memory_space<vmem>> -> memref<96x64xf32, #tpu.memory_space<vmem>>
        %dma_start3A_422 = arith.constant 104 : i32
        %dma_start3A_423 = tpu.memref_slice %arg5[%add3A_250, %dma_start3A_422] : memref<128x200xi32, #tpu.memory_space<vmem>> -> memref<1x96xi32, #tpu.memory_space<vmem>>
        %dma_start3A_424 = tpu.memref_squeeze %dma_start3A_423 : memref<1x96xi32, #tpu.memory_space<vmem>> -> memref<96xi32, #tpu.memory_space<vmem>>
        %dma_start3A_425 = arith.constant 0 : i32
        %dma_start3A_426 = arith.constant 0 : i32
        %dma_start3A_427 = tpu.memref_slice %arg3[%dma_start3A_425, %dma_start3A_426] : memref<1000000x64xf32, #tpu.memory_space<hbm>> -> memref<1000000x64xf32, #tpu.memory_space<hbm>>
        tpu.enqueue_indirect_dma source(%dma_start3A_427 : memref<1000000x64xf32, #tpu.memory_space<hbm>>) target(%dma_start3A_421 : memref<96x64xf32, #tpu.memory_space<vmem>>) offsets(%dma_start3A_424 : memref<96xi32, #tpu.memory_space<vmem>>) semaphore(%arg21 : memref<!tpu.dma_semaphore, #tpu.memory_space<semaphore_mem>>)
      } else {
      }
      %dma_wait3A_264 = arith.constant 0 : i32
      %dma_wait3A_265 = arith.constant 0 : i32
      %dma_wait3A_266 = tpu.memref_slice %arg5[%dma_wait3A_264, %dma_wait3A_265] : memref<128x200xi32, #tpu.memory_space<vmem>> -> memref<1x200xi32, #tpu.memory_space<vmem>>
      %dma_wait3A_267 = tpu.memref_squeeze %dma_wait3A_266 : memref<1x200xi32, #tpu.memory_space<vmem>> -> memref<200xi32, #tpu.memory_space<vmem>>
      %dma_wait3A_268 = arith.constant 0 : i32
      %dma_wait3A_269 = arith.constant 0 : i32
      %dma_wait3A_270 = tpu.memref_slice %arg3[%dma_wait3A_268, %dma_wait3A_269] : memref<1000000x64xf32, #tpu.memory_space<hbm>> -> memref<1000000x64xf32, #tpu.memory_space<hbm>>
      tpu.wait_indirect_dma semaphore(%arg17 : memref<!tpu.dma_semaphore, #tpu.memory_space<semaphore_mem>>) src(%dma_wait3A_270 : memref<1000000x64xf32, #tpu.memory_space<hbm>>) dst(%arg9 : memref<200x64xf32, #tpu.memory_space<vmem>>)
      %add3A_271 = arith.addi %mul3A_2, %add3A_248 : i32
      %mul3A_272 = arith.constant 200 : i32
      %mul3A_273 = arith.muli %add3A_271, %mul3A_272 : i32
      %dma_start3A_274 = arith.constant 0 : i32
      %dma_start3A_275 = tpu.memref_slice %arg4[%mul3A_273, %dma_start3A_274] : memref<819200x128xf32, #tpu.memory_space<hbm>> -> memref<200x64xf32, #tpu.memory_space<hbm>>
      %dma_start3A_276 = arith.constant 0 : i32
      %dma_start3A_277 = tpu.memref_slice %arg4[%mul3A_273, %dma_start3A_276] : memref<819200x128xf32, #tpu.memory_space<hbm>> -> memref<200x64xf32, #tpu.memory_space<hbm>>
      tpu.enqueue_dma source(%arg9 : memref<200x64xf32, #tpu.memory_space<vmem>>) target(%dma_start3A_277 : memref<200x64xf32, #tpu.memory_space<hbm>>) target_semaphore(%arg25 : memref<!tpu.dma_semaphore, #tpu.memory_space<semaphore_mem>>)
      %mul3A_278 = arith.constant 8 : i32
      %mul3A_279 = arith.muli %scan3A_150, %mul3A_278 : i32
      %add3A_280 = arith.constant 4 : i32
      %add3A_281 = arith.addi %mul3A_279, %add3A_280 : i32
      %add3A_282 = arith.constant 4 : i32
      %add3A_283 = arith.addi %add3A_281, %add3A_282 : i32
      %ge3A_284 = arith.constant 8 : i32
      %ge3A_285 = arith.cmpi sge, %add3A_283, %ge3A_284 : i32
      %lt3A_286 = arith.constant 128 : i32
      %lt3A_287 = arith.cmpi slt, %add3A_283, %lt3A_286 : i32
      %and3A_288 = arith.andi %ge3A_285, %lt3A_287 : i1
      %convert_element_type3A_289 = arith.extui %and3A_288 : i1 to i32
      %cond3A_290 = arith.constant 0 : i32
      %cond3A_291 = arith.cmpi ne, %convert_element_type3A_289, %cond3A_290 : i32
      scf.if %cond3A_291 {
        %sub3A = arith.constant 8 : i32
        %sub3A_410 = arith.subi %add3A_283, %sub3A : i32
        %add3A_411 = arith.addi %mul3A_2, %sub3A_410 : i32
        %mul3A_412 = arith.constant 200 : i32
        %mul3A_413 = arith.muli %add3A_411, %mul3A_412 : i32
        %dma_wait3A_414 = arith.constant 0 : i32
        %dma_wait3A_415 = tpu.memref_slice %arg4[%mul3A_413, %dma_wait3A_414] : memref<819200x128xf32, #tpu.memory_space<hbm>> -> memref<200x64xf32, #tpu.memory_space<hbm>>
        %dma_wait3A_416 = arith.constant 0 : i32
        %dma_wait3A_417 = tpu.memref_slice %arg4[%mul3A_413, %dma_wait3A_416] : memref<819200x128xf32, #tpu.memory_space<hbm>> -> memref<200x64xf32, #tpu.memory_space<hbm>>
        tpu.wait_dma2 semaphore(%arg22 : memref<!tpu.dma_semaphore, #tpu.memory_space<semaphore_mem>>) src(%arg6 : memref<200x64xf32, #tpu.memory_space<vmem>>) dst(%dma_wait3A_417 : memref<200x64xf32, #tpu.memory_space<hbm>>)
      } else {
      }
      %lt3A_292 = arith.constant 128 : i32
      %lt3A_293 = arith.cmpi slt, %add3A_283, %lt3A_292 : i32
      %convert_element_type3A_294 = arith.extui %lt3A_293 : i1 to i32
      %cond3A_295 = arith.constant 0 : i32
      %cond3A_296 = arith.cmpi ne, %convert_element_type3A_294, %cond3A_295 : i32
      scf.if %cond3A_296 {
        %dma_start3A_410 = arith.constant 0 : i32
        %dma_start3A_411 = arith.constant 0 : i32
        %dma_start3A_412 = tpu.memref_slice %arg6[%dma_start3A_410, %dma_start3A_411] : memref<200x64xf32, #tpu.memory_space<vmem>> -> memref<104x64xf32, #tpu.memory_space<vmem>>
        %dma_start3A_413 = arith.constant 0 : i32
        %dma_start3A_414 = tpu.memref_slice %arg5[%add3A_283, %dma_start3A_413] : memref<128x200xi32, #tpu.memory_space<vmem>> -> memref<1x104xi32, #tpu.memory_space<vmem>>
        %dma_start3A_415 = tpu.memref_squeeze %dma_start3A_414 : memref<1x104xi32, #tpu.memory_space<vmem>> -> memref<104xi32, #tpu.memory_space<vmem>>
        %dma_start3A_416 = arith.constant 0 : i32
        %dma_start3A_417 = arith.constant 0 : i32
        %dma_start3A_418 = tpu.memref_slice %arg3[%dma_start3A_416, %dma_start3A_417] : memref<1000000x64xf32, #tpu.memory_space<hbm>> -> memref<1000000x64xf32, #tpu.memory_space<hbm>>
        tpu.enqueue_indirect_dma source(%dma_start3A_418 : memref<1000000x64xf32, #tpu.memory_space<hbm>>) target(%dma_start3A_412 : memref<104x64xf32, #tpu.memory_space<vmem>>) offsets(%dma_start3A_415 : memref<104xi32, #tpu.memory_space<vmem>>) semaphore(%arg14 : memref<!tpu.dma_semaphore, #tpu.memory_space<semaphore_mem>>)
        %dma_start3A_419 = arith.constant 104 : i32
        %dma_start3A_420 = arith.constant 0 : i32
        %dma_start3A_421 = tpu.memref_slice %arg6[%dma_start3A_419, %dma_start3A_420] : memref<200x64xf32, #tpu.memory_space<vmem>> -> memref<96x64xf32, #tpu.memory_space<vmem>>
        %dma_start3A_422 = arith.constant 104 : i32
        %dma_start3A_423 = tpu.memref_slice %arg5[%add3A_283, %dma_start3A_422] : memref<128x200xi32, #tpu.memory_space<vmem>> -> memref<1x96xi32, #tpu.memory_space<vmem>>
        %dma_start3A_424 = tpu.memref_squeeze %dma_start3A_423 : memref<1x96xi32, #tpu.memory_space<vmem>> -> memref<96xi32, #tpu.memory_space<vmem>>
        %dma_start3A_425 = arith.constant 0 : i32
        %dma_start3A_426 = arith.constant 0 : i32
        %dma_start3A_427 = tpu.memref_slice %arg3[%dma_start3A_425, %dma_start3A_426] : memref<1000000x64xf32, #tpu.memory_space<hbm>> -> memref<1000000x64xf32, #tpu.memory_space<hbm>>
        tpu.enqueue_indirect_dma source(%dma_start3A_427 : memref<1000000x64xf32, #tpu.memory_space<hbm>>) target(%dma_start3A_421 : memref<96x64xf32, #tpu.memory_space<vmem>>) offsets(%dma_start3A_424 : memref<96xi32, #tpu.memory_space<vmem>>) semaphore(%arg14 : memref<!tpu.dma_semaphore, #tpu.memory_space<semaphore_mem>>)
      } else {
      }
      %dma_wait3A_297 = arith.constant 0 : i32
      %dma_wait3A_298 = arith.constant 0 : i32
      %dma_wait3A_299 = tpu.memref_slice %arg5[%dma_wait3A_297, %dma_wait3A_298] : memref<128x200xi32, #tpu.memory_space<vmem>> -> memref<1x200xi32, #tpu.memory_space<vmem>>
      %dma_wait3A_300 = tpu.memref_squeeze %dma_wait3A_299 : memref<1x200xi32, #tpu.memory_space<vmem>> -> memref<200xi32, #tpu.memory_space<vmem>>
      %dma_wait3A_301 = arith.constant 0 : i32
      %dma_wait3A_302 = arith.constant 0 : i32
      %dma_wait3A_303 = tpu.memref_slice %arg3[%dma_wait3A_301, %dma_wait3A_302] : memref<1000000x64xf32, #tpu.memory_space<hbm>> -> memref<1000000x64xf32, #tpu.memory_space<hbm>>
      tpu.wait_indirect_dma semaphore(%arg18 : memref<!tpu.dma_semaphore, #tpu.memory_space<semaphore_mem>>) src(%dma_wait3A_303 : memref<1000000x64xf32, #tpu.memory_space<hbm>>) dst(%arg10 : memref<200x64xf32, #tpu.memory_space<vmem>>)
      %add3A_304 = arith.addi %mul3A_2, %add3A_281 : i32
      %mul3A_305 = arith.constant 200 : i32
      %mul3A_306 = arith.muli %add3A_304, %mul3A_305 : i32
      %dma_start3A_307 = arith.constant 0 : i32
      %dma_start3A_308 = tpu.memref_slice %arg4[%mul3A_306, %dma_start3A_307] : memref<819200x128xf32, #tpu.memory_space<hbm>> -> memref<200x64xf32, #tpu.memory_space<hbm>>
      %dma_start3A_309 = arith.constant 0 : i32
      %dma_start3A_310 = tpu.memref_slice %arg4[%mul3A_306, %dma_start3A_309] : memref<819200x128xf32, #tpu.memory_space<hbm>> -> memref<200x64xf32, #tpu.memory_space<hbm>>
      tpu.enqueue_dma source(%arg10 : memref<200x64xf32, #tpu.memory_space<vmem>>) target(%dma_start3A_310 : memref<200x64xf32, #tpu.memory_space<hbm>>) target_semaphore(%arg26 : memref<!tpu.dma_semaphore, #tpu.memory_space<semaphore_mem>>)
      %mul3A_311 = arith.constant 8 : i32
      %mul3A_312 = arith.muli %scan3A_150, %mul3A_311 : i32
      %add3A_313 = arith.constant 5 : i32
      %add3A_314 = arith.addi %mul3A_312, %add3A_313 : i32
      %add3A_315 = arith.constant 4 : i32
      %add3A_316 = arith.addi %add3A_314, %add3A_315 : i32
      %ge3A_317 = arith.constant 8 : i32
      %ge3A_318 = arith.cmpi sge, %add3A_316, %ge3A_317 : i32
      %lt3A_319 = arith.constant 128 : i32
      %lt3A_320 = arith.cmpi slt, %add3A_316, %lt3A_319 : i32
      %and3A_321 = arith.andi %ge3A_318, %lt3A_320 : i1
      %convert_element_type3A_322 = arith.extui %and3A_321 : i1 to i32
      %cond3A_323 = arith.constant 0 : i32
      %cond3A_324 = arith.cmpi ne, %convert_element_type3A_322, %cond3A_323 : i32
      scf.if %cond3A_324 {
        %sub3A = arith.constant 8 : i32
        %sub3A_410 = arith.subi %add3A_316, %sub3A : i32
        %add3A_411 = arith.addi %mul3A_2, %sub3A_410 : i32
        %mul3A_412 = arith.constant 200 : i32
        %mul3A_413 = arith.muli %add3A_411, %mul3A_412 : i32
        %dma_wait3A_414 = arith.constant 0 : i32
        %dma_wait3A_415 = tpu.memref_slice %arg4[%mul3A_413, %dma_wait3A_414] : memref<819200x128xf32, #tpu.memory_space<hbm>> -> memref<200x64xf32, #tpu.memory_space<hbm>>
        %dma_wait3A_416 = arith.constant 0 : i32
        %dma_wait3A_417 = tpu.memref_slice %arg4[%mul3A_413, %dma_wait3A_416] : memref<819200x128xf32, #tpu.memory_space<hbm>> -> memref<200x64xf32, #tpu.memory_space<hbm>>
        tpu.wait_dma2 semaphore(%arg23 : memref<!tpu.dma_semaphore, #tpu.memory_space<semaphore_mem>>) src(%arg7 : memref<200x64xf32, #tpu.memory_space<vmem>>) dst(%dma_wait3A_417 : memref<200x64xf32, #tpu.memory_space<hbm>>)
      } else {
      }
      %lt3A_325 = arith.constant 128 : i32
      %lt3A_326 = arith.cmpi slt, %add3A_316, %lt3A_325 : i32
      %convert_element_type3A_327 = arith.extui %lt3A_326 : i1 to i32
      %cond3A_328 = arith.constant 0 : i32
      %cond3A_329 = arith.cmpi ne, %convert_element_type3A_327, %cond3A_328 : i32
      scf.if %cond3A_329 {
        %dma_start3A_410 = arith.constant 0 : i32
        %dma_start3A_411 = arith.constant 0 : i32
        %dma_start3A_412 = tpu.memref_slice %arg7[%dma_start3A_410, %dma_start3A_411] : memref<200x64xf32, #tpu.memory_space<vmem>> -> memref<104x64xf32, #tpu.memory_space<vmem>>
        %dma_start3A_413 = arith.constant 0 : i32
        %dma_start3A_414 = tpu.memref_slice %arg5[%add3A_316, %dma_start3A_413] : memref<128x200xi32, #tpu.memory_space<vmem>> -> memref<1x104xi32, #tpu.memory_space<vmem>>
        %dma_start3A_415 = tpu.memref_squeeze %dma_start3A_414 : memref<1x104xi32, #tpu.memory_space<vmem>> -> memref<104xi32, #tpu.memory_space<vmem>>
        %dma_start3A_416 = arith.constant 0 : i32
        %dma_start3A_417 = arith.constant 0 : i32
        %dma_start3A_418 = tpu.memref_slice %arg3[%dma_start3A_416, %dma_start3A_417] : memref<1000000x64xf32, #tpu.memory_space<hbm>> -> memref<1000000x64xf32, #tpu.memory_space<hbm>>
        tpu.enqueue_indirect_dma source(%dma_start3A_418 : memref<1000000x64xf32, #tpu.memory_space<hbm>>) target(%dma_start3A_412 : memref<104x64xf32, #tpu.memory_space<vmem>>) offsets(%dma_start3A_415 : memref<104xi32, #tpu.memory_space<vmem>>) semaphore(%arg15 : memref<!tpu.dma_semaphore, #tpu.memory_space<semaphore_mem>>)
        %dma_start3A_419 = arith.constant 104 : i32
        %dma_start3A_420 = arith.constant 0 : i32
        %dma_start3A_421 = tpu.memref_slice %arg7[%dma_start3A_419, %dma_start3A_420] : memref<200x64xf32, #tpu.memory_space<vmem>> -> memref<96x64xf32, #tpu.memory_space<vmem>>
        %dma_start3A_422 = arith.constant 104 : i32
        %dma_start3A_423 = tpu.memref_slice %arg5[%add3A_316, %dma_start3A_422] : memref<128x200xi32, #tpu.memory_space<vmem>> -> memref<1x96xi32, #tpu.memory_space<vmem>>
        %dma_start3A_424 = tpu.memref_squeeze %dma_start3A_423 : memref<1x96xi32, #tpu.memory_space<vmem>> -> memref<96xi32, #tpu.memory_space<vmem>>
        %dma_start3A_425 = arith.constant 0 : i32
        %dma_start3A_426 = arith.constant 0 : i32
        %dma_start3A_427 = tpu.memref_slice %arg3[%dma_start3A_425, %dma_start3A_426] : memref<1000000x64xf32, #tpu.memory_space<hbm>> -> memref<1000000x64xf32, #tpu.memory_space<hbm>>
        tpu.enqueue_indirect_dma source(%dma_start3A_427 : memref<1000000x64xf32, #tpu.memory_space<hbm>>) target(%dma_start3A_421 : memref<96x64xf32, #tpu.memory_space<vmem>>) offsets(%dma_start3A_424 : memref<96xi32, #tpu.memory_space<vmem>>) semaphore(%arg15 : memref<!tpu.dma_semaphore, #tpu.memory_space<semaphore_mem>>)
      } else {
      }
      %dma_wait3A_330 = arith.constant 0 : i32
      %dma_wait3A_331 = arith.constant 0 : i32
      %dma_wait3A_332 = tpu.memref_slice %arg5[%dma_wait3A_330, %dma_wait3A_331] : memref<128x200xi32, #tpu.memory_space<vmem>> -> memref<1x200xi32, #tpu.memory_space<vmem>>
      %dma_wait3A_333 = tpu.memref_squeeze %dma_wait3A_332 : memref<1x200xi32, #tpu.memory_space<vmem>> -> memref<200xi32, #tpu.memory_space<vmem>>
      %dma_wait3A_334 = arith.constant 0 : i32
      %dma_wait3A_335 = arith.constant 0 : i32
      %dma_wait3A_336 = tpu.memref_slice %arg3[%dma_wait3A_334, %dma_wait3A_335] : memref<1000000x64xf32, #tpu.memory_space<hbm>> -> memref<1000000x64xf32, #tpu.memory_space<hbm>>
      tpu.wait_indirect_dma semaphore(%arg19 : memref<!tpu.dma_semaphore, #tpu.memory_space<semaphore_mem>>) src(%dma_wait3A_336 : memref<1000000x64xf32, #tpu.memory_space<hbm>>) dst(%arg11 : memref<200x64xf32, #tpu.memory_space<vmem>>)
      %add3A_337 = arith.addi %mul3A_2, %add3A_314 : i32
      %mul3A_338 = arith.constant 200 : i32
      %mul3A_339 = arith.muli %add3A_337, %mul3A_338 : i32
      %dma_start3A_340 = arith.constant 0 : i32
      %dma_start3A_341 = tpu.memref_slice %arg4[%mul3A_339, %dma_start3A_340] : memref<819200x128xf32, #tpu.memory_space<hbm>> -> memref<200x64xf32, #tpu.memory_space<hbm>>
      %dma_start3A_342 = arith.constant 0 : i32
      %dma_start3A_343 = tpu.memref_slice %arg4[%mul3A_339, %dma_start3A_342] : memref<819200x128xf32, #tpu.memory_space<hbm>> -> memref<200x64xf32, #tpu.memory_space<hbm>>
      tpu.enqueue_dma source(%arg11 : memref<200x64xf32, #tpu.memory_space<vmem>>) target(%dma_start3A_343 : memref<200x64xf32, #tpu.memory_space<hbm>>) target_semaphore(%arg27 : memref<!tpu.dma_semaphore, #tpu.memory_space<semaphore_mem>>)
      %mul3A_344 = arith.constant 8 : i32
      %mul3A_345 = arith.muli %scan3A_150, %mul3A_344 : i32
      %add3A_346 = arith.constant 6 : i32
      %add3A_347 = arith.addi %mul3A_345, %add3A_346 : i32
      %add3A_348 = arith.constant 4 : i32
      %add3A_349 = arith.addi %add3A_347, %add3A_348 : i32
      %ge3A_350 = arith.constant 8 : i32
      %ge3A_351 = arith.cmpi sge, %add3A_349, %ge3A_350 : i32
      %lt3A_352 = arith.constant 128 : i32
      %lt3A_353 = arith.cmpi slt, %add3A_349, %lt3A_352 : i32
      %and3A_354 = arith.andi %ge3A_351, %lt3A_353 : i1
      %convert_element_type3A_355 = arith.extui %and3A_354 : i1 to i32
      %cond3A_356 = arith.constant 0 : i32
      %cond3A_357 = arith.cmpi ne, %convert_element_type3A_355, %cond3A_356 : i32
      scf.if %cond3A_357 {
        %sub3A = arith.constant 8 : i32
        %sub3A_410 = arith.subi %add3A_349, %sub3A : i32
        %add3A_411 = arith.addi %mul3A_2, %sub3A_410 : i32
        %mul3A_412 = arith.constant 200 : i32
        %mul3A_413 = arith.muli %add3A_411, %mul3A_412 : i32
        %dma_wait3A_414 = arith.constant 0 : i32
        %dma_wait3A_415 = tpu.memref_slice %arg4[%mul3A_413, %dma_wait3A_414] : memref<819200x128xf32, #tpu.memory_space<hbm>> -> memref<200x64xf32, #tpu.memory_space<hbm>>
        %dma_wait3A_416 = arith.constant 0 : i32
        %dma_wait3A_417 = tpu.memref_slice %arg4[%mul3A_413, %dma_wait3A_416] : memref<819200x128xf32, #tpu.memory_space<hbm>> -> memref<200x64xf32, #tpu.memory_space<hbm>>
        tpu.wait_dma2 semaphore(%arg24 : memref<!tpu.dma_semaphore, #tpu.memory_space<semaphore_mem>>) src(%arg8 : memref<200x64xf32, #tpu.memory_space<vmem>>) dst(%dma_wait3A_417 : memref<200x64xf32, #tpu.memory_space<hbm>>)
      } else {
      }
      %lt3A_358 = arith.constant 128 : i32
      %lt3A_359 = arith.cmpi slt, %add3A_349, %lt3A_358 : i32
      %convert_element_type3A_360 = arith.extui %lt3A_359 : i1 to i32
      %cond3A_361 = arith.constant 0 : i32
      %cond3A_362 = arith.cmpi ne, %convert_element_type3A_360, %cond3A_361 : i32
      scf.if %cond3A_362 {
        %dma_start3A_410 = arith.constant 0 : i32
        %dma_start3A_411 = arith.constant 0 : i32
        %dma_start3A_412 = tpu.memref_slice %arg8[%dma_start3A_410, %dma_start3A_411] : memref<200x64xf32, #tpu.memory_space<vmem>> -> memref<104x64xf32, #tpu.memory_space<vmem>>
        %dma_start3A_413 = arith.constant 0 : i32
        %dma_start3A_414 = tpu.memref_slice %arg5[%add3A_349, %dma_start3A_413] : memref<128x200xi32, #tpu.memory_space<vmem>> -> memref<1x104xi32, #tpu.memory_space<vmem>>
        %dma_start3A_415 = tpu.memref_squeeze %dma_start3A_414 : memref<1x104xi32, #tpu.memory_space<vmem>> -> memref<104xi32, #tpu.memory_space<vmem>>
        %dma_start3A_416 = arith.constant 0 : i32
        %dma_start3A_417 = arith.constant 0 : i32
        %dma_start3A_418 = tpu.memref_slice %arg3[%dma_start3A_416, %dma_start3A_417] : memref<1000000x64xf32, #tpu.memory_space<hbm>> -> memref<1000000x64xf32, #tpu.memory_space<hbm>>
        tpu.enqueue_indirect_dma source(%dma_start3A_418 : memref<1000000x64xf32, #tpu.memory_space<hbm>>) target(%dma_start3A_412 : memref<104x64xf32, #tpu.memory_space<vmem>>) offsets(%dma_start3A_415 : memref<104xi32, #tpu.memory_space<vmem>>) semaphore(%arg16 : memref<!tpu.dma_semaphore, #tpu.memory_space<semaphore_mem>>)
        %dma_start3A_419 = arith.constant 104 : i32
        %dma_start3A_420 = arith.constant 0 : i32
        %dma_start3A_421 = tpu.memref_slice %arg8[%dma_start3A_419, %dma_start3A_420] : memref<200x64xf32, #tpu.memory_space<vmem>> -> memref<96x64xf32, #tpu.memory_space<vmem>>
        %dma_start3A_422 = arith.constant 104 : i32
        %dma_start3A_423 = tpu.memref_slice %arg5[%add3A_349, %dma_start3A_422] : memref<128x200xi32, #tpu.memory_space<vmem>> -> memref<1x96xi32, #tpu.memory_space<vmem>>
        %dma_start3A_424 = tpu.memref_squeeze %dma_start3A_423 : memref<1x96xi32, #tpu.memory_space<vmem>> -> memref<96xi32, #tpu.memory_space<vmem>>
        %dma_start3A_425 = arith.constant 0 : i32
        %dma_start3A_426 = arith.constant 0 : i32
        %dma_start3A_427 = tpu.memref_slice %arg3[%dma_start3A_425, %dma_start3A_426] : memref<1000000x64xf32, #tpu.memory_space<hbm>> -> memref<1000000x64xf32, #tpu.memory_space<hbm>>
        tpu.enqueue_indirect_dma source(%dma_start3A_427 : memref<1000000x64xf32, #tpu.memory_space<hbm>>) target(%dma_start3A_421 : memref<96x64xf32, #tpu.memory_space<vmem>>) offsets(%dma_start3A_424 : memref<96xi32, #tpu.memory_space<vmem>>) semaphore(%arg16 : memref<!tpu.dma_semaphore, #tpu.memory_space<semaphore_mem>>)
      } else {
      }
      %dma_wait3A_363 = arith.constant 0 : i32
      %dma_wait3A_364 = arith.constant 0 : i32
      %dma_wait3A_365 = tpu.memref_slice %arg5[%dma_wait3A_363, %dma_wait3A_364] : memref<128x200xi32, #tpu.memory_space<vmem>> -> memref<1x200xi32, #tpu.memory_space<vmem>>
      %dma_wait3A_366 = tpu.memref_squeeze %dma_wait3A_365 : memref<1x200xi32, #tpu.memory_space<vmem>> -> memref<200xi32, #tpu.memory_space<vmem>>
      %dma_wait3A_367 = arith.constant 0 : i32
      %dma_wait3A_368 = arith.constant 0 : i32
      %dma_wait3A_369 = tpu.memref_slice %arg3[%dma_wait3A_367, %dma_wait3A_368] : memref<1000000x64xf32, #tpu.memory_space<hbm>> -> memref<1000000x64xf32, #tpu.memory_space<hbm>>
      tpu.wait_indirect_dma semaphore(%arg20 : memref<!tpu.dma_semaphore, #tpu.memory_space<semaphore_mem>>) src(%dma_wait3A_369 : memref<1000000x64xf32, #tpu.memory_space<hbm>>) dst(%arg12 : memref<200x64xf32, #tpu.memory_space<vmem>>)
      %add3A_370 = arith.addi %mul3A_2, %add3A_347 : i32
      %mul3A_371 = arith.constant 200 : i32
      %mul3A_372 = arith.muli %add3A_370, %mul3A_371 : i32
      %dma_start3A_373 = arith.constant 0 : i32
      %dma_start3A_374 = tpu.memref_slice %arg4[%mul3A_372, %dma_start3A_373] : memref<819200x128xf32, #tpu.memory_space<hbm>> -> memref<200x64xf32, #tpu.memory_space<hbm>>
      %dma_start3A_375 = arith.constant 0 : i32
      %dma_start3A_376 = tpu.memref_slice %arg4[%mul3A_372, %dma_start3A_375] : memref<819200x128xf32, #tpu.memory_space<hbm>> -> memref<200x64xf32, #tpu.memory_space<hbm>>
      tpu.enqueue_dma source(%arg12 : memref<200x64xf32, #tpu.memory_space<vmem>>) target(%dma_start3A_376 : memref<200x64xf32, #tpu.memory_space<hbm>>) target_semaphore(%arg28 : memref<!tpu.dma_semaphore, #tpu.memory_space<semaphore_mem>>)
      %mul3A_377 = arith.constant 8 : i32
      %mul3A_378 = arith.muli %scan3A_150, %mul3A_377 : i32
      %add3A_379 = arith.constant 7 : i32
      %add3A_380 = arith.addi %mul3A_378, %add3A_379 : i32
      %add3A_381 = arith.constant 4 : i32
      %add3A_382 = arith.addi %add3A_380, %add3A_381 : i32
      %ge3A_383 = arith.constant 8 : i32
      %ge3A_384 = arith.cmpi sge, %add3A_382, %ge3A_383 : i32
      %lt3A_385 = arith.constant 128 : i32
      %lt3A_386 = arith.cmpi slt, %add3A_382, %lt3A_385 : i32
      %and3A_387 = arith.andi %ge3A_384, %lt3A_386 : i1
      %convert_element_type3A_388 = arith.extui %and3A_387 : i1 to i32
      %cond3A_389 = arith.constant 0 : i32
      %cond3A_390 = arith.cmpi ne, %convert_element_type3A_388, %cond3A_389 : i32
      scf.if %cond3A_390 {
        %sub3A = arith.constant 8 : i32
        %sub3A_410 = arith.subi %add3A_382, %sub3A : i32
        %add3A_411 = arith.addi %mul3A_2, %sub3A_410 : i32
        %mul3A_412 = arith.constant 200 : i32
        %mul3A_413 = arith.muli %add3A_411, %mul3A_412 : i32
        %dma_wait3A_414 = arith.constant 0 : i32
        %dma_wait3A_415 = tpu.memref_slice %arg4[%mul3A_413, %dma_wait3A_414] : memref<819200x128xf32, #tpu.memory_space<hbm>> -> memref<200x64xf32, #tpu.memory_space<hbm>>
        %dma_wait3A_416 = arith.constant 0 : i32
        %dma_wait3A_417 = tpu.memref_slice %arg4[%mul3A_413, %dma_wait3A_416] : memref<819200x128xf32, #tpu.memory_space<hbm>> -> memref<200x64xf32, #tpu.memory_space<hbm>>
        tpu.wait_dma2 semaphore(%arg25 : memref<!tpu.dma_semaphore, #tpu.memory_space<semaphore_mem>>) src(%arg9 : memref<200x64xf32, #tpu.memory_space<vmem>>) dst(%dma_wait3A_417 : memref<200x64xf32, #tpu.memory_space<hbm>>)
      } else {
      }
      %lt3A_391 = arith.constant 128 : i32
      %lt3A_392 = arith.cmpi slt, %add3A_382, %lt3A_391 : i32
      %convert_element_type3A_393 = arith.extui %lt3A_392 : i1 to i32
      %cond3A_394 = arith.constant 0 : i32
      %cond3A_395 = arith.cmpi ne, %convert_element_type3A_393, %cond3A_394 : i32
      scf.if %cond3A_395 {
        %dma_start3A_410 = arith.constant 0 : i32
        %dma_start3A_411 = arith.constant 0 : i32
        %dma_start3A_412 = tpu.memref_slice %arg9[%dma_start3A_410, %dma_start3A_411] : memref<200x64xf32, #tpu.memory_space<vmem>> -> memref<104x64xf32, #tpu.memory_space<vmem>>
        %dma_start3A_413 = arith.constant 0 : i32
        %dma_start3A_414 = tpu.memref_slice %arg5[%add3A_382, %dma_start3A_413] : memref<128x200xi32, #tpu.memory_space<vmem>> -> memref<1x104xi32, #tpu.memory_space<vmem>>
        %dma_start3A_415 = tpu.memref_squeeze %dma_start3A_414 : memref<1x104xi32, #tpu.memory_space<vmem>> -> memref<104xi32, #tpu.memory_space<vmem>>
        %dma_start3A_416 = arith.constant 0 : i32
        %dma_start3A_417 = arith.constant 0 : i32
        %dma_start3A_418 = tpu.memref_slice %arg3[%dma_start3A_416, %dma_start3A_417] : memref<1000000x64xf32, #tpu.memory_space<hbm>> -> memref<1000000x64xf32, #tpu.memory_space<hbm>>
        tpu.enqueue_indirect_dma source(%dma_start3A_418 : memref<1000000x64xf32, #tpu.memory_space<hbm>>) target(%dma_start3A_412 : memref<104x64xf32, #tpu.memory_space<vmem>>) offsets(%dma_start3A_415 : memref<104xi32, #tpu.memory_space<vmem>>) semaphore(%arg17 : memref<!tpu.dma_semaphore, #tpu.memory_space<semaphore_mem>>)
        %dma_start3A_419 = arith.constant 104 : i32
        %dma_start3A_420 = arith.constant 0 : i32
        %dma_start3A_421 = tpu.memref_slice %arg9[%dma_start3A_419, %dma_start3A_420] : memref<200x64xf32, #tpu.memory_space<vmem>> -> memref<96x64xf32, #tpu.memory_space<vmem>>
        %dma_start3A_422 = arith.constant 104 : i32
        %dma_start3A_423 = tpu.memref_slice %arg5[%add3A_382, %dma_start3A_422] : memref<128x200xi32, #tpu.memory_space<vmem>> -> memref<1x96xi32, #tpu.memory_space<vmem>>
        %dma_start3A_424 = tpu.memref_squeeze %dma_start3A_423 : memref<1x96xi32, #tpu.memory_space<vmem>> -> memref<96xi32, #tpu.memory_space<vmem>>
        %dma_start3A_425 = arith.constant 0 : i32
        %dma_start3A_426 = arith.constant 0 : i32
        %dma_start3A_427 = tpu.memref_slice %arg3[%dma_start3A_425, %dma_start3A_426] : memref<1000000x64xf32, #tpu.memory_space<hbm>> -> memref<1000000x64xf32, #tpu.memory_space<hbm>>
        tpu.enqueue_indirect_dma source(%dma_start3A_427 : memref<1000000x64xf32, #tpu.memory_space<hbm>>) target(%dma_start3A_421 : memref<96x64xf32, #tpu.memory_space<vmem>>) offsets(%dma_start3A_424 : memref<96xi32, #tpu.memory_space<vmem>>) semaphore(%arg17 : memref<!tpu.dma_semaphore, #tpu.memory_space<semaphore_mem>>)
      } else {
      }
      %dma_wait3A_396 = arith.constant 0 : i32
      %dma_wait3A_397 = arith.constant 0 : i32
      %dma_wait3A_398 = tpu.memref_slice %arg5[%dma_wait3A_396, %dma_wait3A_397] : memref<128x200xi32, #tpu.memory_space<vmem>> -> memref<1x200xi32, #tpu.memory_space<vmem>>
      %dma_wait3A_399 = tpu.memref_squeeze %dma_wait3A_398 : memref<1x200xi32, #tpu.memory_space<vmem>> -> memref<200xi32, #tpu.memory_space<vmem>>
      %dma_wait3A_400 = arith.constant 0 : i32
      %dma_wait3A_401 = arith.constant 0 : i32
      %dma_wait3A_402 = tpu.memref_slice %arg3[%dma_wait3A_400, %dma_wait3A_401] : memref<1000000x64xf32, #tpu.memory_space<hbm>> -> memref<1000000x64xf32, #tpu.memory_space<hbm>>
      tpu.wait_indirect_dma semaphore(%arg21 : memref<!tpu.dma_semaphore, #tpu.memory_space<semaphore_mem>>) src(%dma_wait3A_402 : memref<1000000x64xf32, #tpu.memory_space<hbm>>) dst(%arg13 : memref<200x64xf32, #tpu.memory_space<vmem>>)
      %add3A_403 = arith.addi %mul3A_2, %add3A_380 : i32
      %mul3A_404 = arith.constant 200 : i32
      %mul3A_405 = arith.muli %add3A_403, %mul3A_404 : i32
      %dma_start3A_406 = arith.constant 0 : i32
      %dma_start3A_407 = tpu.memref_slice %arg4[%mul3A_405, %dma_start3A_406] : memref<819200x128xf32, #tpu.memory_space<hbm>> -> memref<200x64xf32, #tpu.memory_space<hbm>>
      %dma_start3A_408 = arith.constant 0 : i32
      %dma_start3A_409 = tpu.memref_slice %arg4[%mul3A_405, %dma_start3A_408] : memref<819200x128xf32, #tpu.memory_space<hbm>> -> memref<200x64xf32, #tpu.memory_space<hbm>>
      tpu.enqueue_dma source(%arg13 : memref<200x64xf32, #tpu.memory_space<vmem>>) target(%dma_start3A_409 : memref<200x64xf32, #tpu.memory_space<hbm>>) target_semaphore(%arg29 : memref<!tpu.dma_semaphore, #tpu.memory_space<semaphore_mem>>)
    }
    %scan3A_86 = arith.constant 16 : i32
    %add3A_87 = arith.constant 120 : i32
    %add3A_88 = arith.addi %mul3A_2, %add3A_87 : i32
    %mul3A_89 = arith.constant 200 : i32
    %mul3A_90 = arith.muli %add3A_88, %mul3A_89 : i32
    %dma_wait3A = arith.constant 0 : i32
    %dma_wait3A_91 = tpu.memref_slice %arg4[%mul3A_90, %dma_wait3A] : memref<819200x128xf32, #tpu.memory_space<hbm>> -> memref<200x64xf32, #tpu.memory_space<hbm>>
    %dma_wait3A_92 = arith.constant 0 : i32
    %dma_wait3A_93 = tpu.memref_slice %arg4[%mul3A_90, %dma_wait3A_92] : memref<819200x128xf32, #tpu.memory_space<hbm>> -> memref<200x64xf32, #tpu.memory_space<hbm>>
    tpu.wait_dma2 semaphore(%arg22 : memref<!tpu.dma_semaphore, #tpu.memory_space<semaphore_mem>>) src(%arg6 : memref<200x64xf32, #tpu.memory_space<vmem>>) dst(%dma_wait3A_93 : memref<200x64xf32, #tpu.memory_space<hbm>>)
    %add3A_94 = arith.constant 121 : i32
    %add3A_95 = arith.addi %mul3A_2, %add3A_94 : i32
    %mul3A_96 = arith.constant 200 : i32
    %mul3A_97 = arith.muli %add3A_95, %mul3A_96 : i32
    %dma_wait3A_98 = arith.constant 0 : i32
    %dma_wait3A_99 = tpu.memref_slice %arg4[%mul3A_97, %dma_wait3A_98] : memref<819200x128xf32, #tpu.memory_space<hbm>> -> memref<200x64xf32, #tpu.memory_space<hbm>>
    %dma_wait3A_100 = arith.constant 0 : i32
    %dma_wait3A_101 = tpu.memref_slice %arg4[%mul3A_97, %dma_wait3A_100] : memref<819200x128xf32, #tpu.memory_space<hbm>> -> memref<200x64xf32, #tpu.memory_space<hbm>>
    tpu.wait_dma2 semaphore(%arg23 : memref<!tpu.dma_semaphore, #tpu.memory_space<semaphore_mem>>) src(%arg7 : memref<200x64xf32, #tpu.memory_space<vmem>>) dst(%dma_wait3A_101 : memref<200x64xf32, #tpu.memory_space<hbm>>)
    %add3A_102 = arith.constant 122 : i32
    %add3A_103 = arith.addi %mul3A_2, %add3A_102 : i32
    %mul3A_104 = arith.constant 200 : i32
    %mul3A_105 = arith.muli %add3A_103, %mul3A_104 : i32
    %dma_wait3A_106 = arith.constant 0 : i32
    %dma_wait3A_107 = tpu.memref_slice %arg4[%mul3A_105, %dma_wait3A_106] : memref<819200x128xf32, #tpu.memory_space<hbm>> -> memref<200x64xf32, #tpu.memory_space<hbm>>
    %dma_wait3A_108 = arith.constant 0 : i32
    %dma_wait3A_109 = tpu.memref_slice %arg4[%mul3A_105, %dma_wait3A_108] : memref<819200x128xf32, #tpu.memory_space<hbm>> -> memref<200x64xf32, #tpu.memory_space<hbm>>
    tpu.wait_dma2 semaphore(%arg24 : memref<!tpu.dma_semaphore, #tpu.memory_space<semaphore_mem>>) src(%arg8 : memref<200x64xf32, #tpu.memory_space<vmem>>) dst(%dma_wait3A_109 : memref<200x64xf32, #tpu.memory_space<hbm>>)
    %add3A_110 = arith.constant 123 : i32
    %add3A_111 = arith.addi %mul3A_2, %add3A_110 : i32
    %mul3A_112 = arith.constant 200 : i32
    %mul3A_113 = arith.muli %add3A_111, %mul3A_112 : i32
    %dma_wait3A_114 = arith.constant 0 : i32
    %dma_wait3A_115 = tpu.memref_slice %arg4[%mul3A_113, %dma_wait3A_114] : memref<819200x128xf32, #tpu.memory_space<hbm>> -> memref<200x64xf32, #tpu.memory_space<hbm>>
    %dma_wait3A_116 = arith.constant 0 : i32
    %dma_wait3A_117 = tpu.memref_slice %arg4[%mul3A_113, %dma_wait3A_116] : memref<819200x128xf32, #tpu.memory_space<hbm>> -> memref<200x64xf32, #tpu.memory_space<hbm>>
    tpu.wait_dma2 semaphore(%arg25 : memref<!tpu.dma_semaphore, #tpu.memory_space<semaphore_mem>>) src(%arg9 : memref<200x64xf32, #tpu.memory_space<vmem>>) dst(%dma_wait3A_117 : memref<200x64xf32, #tpu.memory_space<hbm>>)
    %add3A_118 = arith.constant 124 : i32
    %add3A_119 = arith.addi %mul3A_2, %add3A_118 : i32
    %mul3A_120 = arith.constant 200 : i32
    %mul3A_121 = arith.muli %add3A_119, %mul3A_120 : i32
    %dma_wait3A_122 = arith.constant 0 : i32
    %dma_wait3A_123 = tpu.memref_slice %arg4[%mul3A_121, %dma_wait3A_122] : memref<819200x128xf32, #tpu.memory_space<hbm>> -> memref<200x64xf32, #tpu.memory_space<hbm>>
    %dma_wait3A_124 = arith.constant 0 : i32
    %dma_wait3A_125 = tpu.memref_slice %arg4[%mul3A_121, %dma_wait3A_124] : memref<819200x128xf32, #tpu.memory_space<hbm>> -> memref<200x64xf32, #tpu.memory_space<hbm>>
    tpu.wait_dma2 semaphore(%arg26 : memref<!tpu.dma_semaphore, #tpu.memory_space<semaphore_mem>>) src(%arg10 : memref<200x64xf32, #tpu.memory_space<vmem>>) dst(%dma_wait3A_125 : memref<200x64xf32, #tpu.memory_space<hbm>>)
    %add3A_126 = arith.constant 125 : i32
    %add3A_127 = arith.addi %mul3A_2, %add3A_126 : i32
    %mul3A_128 = arith.constant 200 : i32
    %mul3A_129 = arith.muli %add3A_127, %mul3A_128 : i32
    %dma_wait3A_130 = arith.constant 0 : i32
    %dma_wait3A_131 = tpu.memref_slice %arg4[%mul3A_129, %dma_wait3A_130] : memref<819200x128xf32, #tpu.memory_space<hbm>> -> memref<200x64xf32, #tpu.memory_space<hbm>>
    %dma_wait3A_132 = arith.constant 0 : i32
    %dma_wait3A_133 = tpu.memref_slice %arg4[%mul3A_129, %dma_wait3A_132] : memref<819200x128xf32, #tpu.memory_space<hbm>> -> memref<200x64xf32, #tpu.memory_space<hbm>>
    tpu.wait_dma2 semaphore(%arg27 : memref<!tpu.dma_semaphore, #tpu.memory_space<semaphore_mem>>) src(%arg11 : memref<200x64xf32, #tpu.memory_space<vmem>>) dst(%dma_wait3A_133 : memref<200x64xf32, #tpu.memory_space<hbm>>)
    %add3A_134 = arith.constant 126 : i32
    %add3A_135 = arith.addi %mul3A_2, %add3A_134 : i32
    %mul3A_136 = arith.constant 200 : i32
    %mul3A_137 = arith.muli %add3A_135, %mul3A_136 : i32
    %dma_wait3A_138 = arith.constant 0 : i32
    %dma_wait3A_139 = tpu.memref_slice %arg4[%mul3A_137, %dma_wait3A_138] : memref<819200x128xf32, #tpu.memory_space<hbm>> -> memref<200x64xf32, #tpu.memory_space<hbm>>
    %dma_wait3A_140 = arith.constant 0 : i32
    %dma_wait3A_141 = tpu.memref_slice %arg4[%mul3A_137, %dma_wait3A_140] : memref<819200x128xf32, #tpu.memory_space<hbm>> -> memref<200x64xf32, #tpu.memory_space<hbm>>
    tpu.wait_dma2 semaphore(%arg28 : memref<!tpu.dma_semaphore, #tpu.memory_space<semaphore_mem>>) src(%arg12 : memref<200x64xf32, #tpu.memory_space<vmem>>) dst(%dma_wait3A_141 : memref<200x64xf32, #tpu.memory_space<hbm>>)
    %add3A_142 = arith.constant 127 : i32
    %add3A_143 = arith.addi %mul3A_2, %add3A_142 : i32
    %mul3A_144 = arith.constant 200 : i32
    %mul3A_145 = arith.muli %add3A_143, %mul3A_144 : i32
    %dma_wait3A_146 = arith.constant 0 : i32
    %dma_wait3A_147 = tpu.memref_slice %arg4[%mul3A_145, %dma_wait3A_146] : memref<819200x128xf32, #tpu.memory_space<hbm>> -> memref<200x64xf32, #tpu.memory_space<hbm>>
    %dma_wait3A_148 = arith.constant 0 : i32
    %dma_wait3A_149 = tpu.memref_slice %arg4[%mul3A_145, %dma_wait3A_148] : memref<819200x128xf32, #tpu.memory_space<hbm>> -> memref<200x64xf32, #tpu.memory_space<hbm>>
    tpu.wait_dma2 semaphore(%arg29 : memref<!tpu.dma_semaphore, #tpu.memory_space<semaphore_mem>>) src(%arg13 : memref<200x64xf32, #tpu.memory_space<vmem>>) dst(%dma_wait3A_149 : memref<200x64xf32, #tpu.memory_space<hbm>>)
    return
  }
}

#map = affine_map<(d0, d1) -> (0, 0)>
#map1 = affine_map<(d0, d1) -> (0)>
module attributes {stable_mosaic.version = 14 : i64} {
  func.func @k0(%arg0: i32, %arg1: i32, %arg2: memref<64x1000000xf32, #tpu.memory_space<hbm>>, %arg3: memref<64x128xf32, #tpu.memory_space<hbm>>, %arg4: memref<64000000xf32, #tpu.memory_space<hbm>>, %arg5: memref<64x256xf32, #tpu.memory_space<vmem>>, %arg6: memref<64x256xf32, #tpu.memory_space<vmem>>, %arg7: memref<16384xf32, #tpu.memory_space<vmem>>, %arg8: memref<16384xf32, #tpu.memory_space<vmem>>, %arg9: memref<!tpu.dma_semaphore, #tpu.memory_space<semaphore_mem>>, %arg10: memref<!tpu.dma_semaphore, #tpu.memory_space<semaphore_mem>>, %arg11: memref<!tpu.dma_semaphore, #tpu.memory_space<semaphore_mem>>, %arg12: memref<!tpu.dma_semaphore, #tpu.memory_space<semaphore_mem>>) attributes {dimension_semantics = [#tpu.dimension_semantics<core_parallel>, #tpu.dimension_semantics<subcore_parallel>], iteration_bounds = array<i64: 2, 16>, scalar_prefetch = 0 : i64, scratch_operands = 8 : i64, tpu.core_type = #tpu.core_type<sc_vector_subcore>, window_params = [{transform_indices = #map}, {transform_indices = #map}, {transform_indices = #map1}]} {
    %mul3A = arith.constant 2 : i32
    %mul3A_0 = arith.muli %arg1, %mul3A : i32
    %add3A = arith.addi %mul3A_0, %arg0 : i32
    %lt3A = arith.constant 2 : i32
    %lt3A_1 = arith.cmpi slt, %add3A, %lt3A : i32
    %convert_element_type3A = arith.extui %lt3A_1 : i1 to i32
    %add3A_2 = arith.constant 122 : i32
    %add3A_3 = arith.addi %add3A_2, %convert_element_type3A : i32
    %iota3A = tpu.iota {dimensions = array<i32: 0>} : vector<16xi32>
    %mul3A_4 = arith.constant 64 : i32
    %mul3A_5 = vector.broadcast %mul3A_4 : i32 to vector<16xi32>
    %mul3A_6 = arith.muli %iota3A, %mul3A_5 : vector<16xi32>
    %add3A_7 = arith.constant 0 : i32
    %add3A_8 = arith.addi %add3A, %add3A_7 : i32
    %mul3A_9 = arith.constant 256 : i32
    %mul3A_10 = arith.muli %add3A_8, %mul3A_9 : i32
    %dma_start3A = arith.constant 0 : i32
    %dma_start3A_11 = tpu.memref_slice %arg2[%dma_start3A, %mul3A_10] : memref<64x1000000xf32, #tpu.memory_space<hbm>> -> memref<64x256xf32, #tpu.memory_space<hbm>>
    %dma_start3A_12 = arith.constant 0 : i32
    %dma_start3A_13 = tpu.memref_slice %arg2[%dma_start3A_12, %mul3A_10] : memref<64x1000000xf32, #tpu.memory_space<hbm>> -> memref<64x256xf32, #tpu.memory_space<hbm>>
    tpu.enqueue_dma source(%dma_start3A_13 : memref<64x256xf32, #tpu.memory_space<hbm>>) target(%arg5 : memref<64x256xf32, #tpu.memory_space<vmem>>) target_semaphore(%arg9 : memref<!tpu.dma_semaphore, #tpu.memory_space<semaphore_mem>>)
    %scan3A = arith.constant 0 : i32
    %scan3A_14 = arith.constant 0 : i32
    %scan3A_15 = arith.constant 62 : i32
    %scan3A_16 = arith.addi %scan3A_14, %scan3A_15 : i32
    %scan3A_17 = arith.constant 1 : i32
    scf.for %scan3A_29 = %scan3A_14 to %scan3A_16 step %scan3A_17  : i32 {
      %mul3A_30 = arith.constant 2 : i32
      %mul3A_31 = arith.muli %mul3A_30, %scan3A_29 : i32
      %add3A_32 = arith.constant 0 : i32
      %add3A_33 = arith.addi %mul3A_31, %add3A_32 : i32
      %lt3A_34 = arith.cmpi slt, %add3A_33, %add3A_3 : i32
      %convert_element_type3A_35 = arith.extui %lt3A_34 : i1 to i32
      %cond3A_36 = arith.constant 0 : i32
      %cond3A_37 = arith.cmpi ne, %convert_element_type3A_35, %cond3A_36 : i32
      scf.if %cond3A_37 {
        %dma_wait3A_46 = arith.constant 0 : i32
        %dma_wait3A_47 = arith.constant 0 : i32
        %dma_wait3A_48 = tpu.memref_slice %arg2[%dma_wait3A_46, %dma_wait3A_47] : memref<64x1000000xf32, #tpu.memory_space<hbm>> -> memref<64x256xf32, #tpu.memory_space<hbm>>
        %dma_wait3A_49 = arith.constant 0 : i32
        %dma_wait3A_50 = arith.constant 0 : i32
        %dma_wait3A_51 = tpu.memref_slice %arg2[%dma_wait3A_49, %dma_wait3A_50] : memref<64x1000000xf32, #tpu.memory_space<hbm>> -> memref<64x256xf32, #tpu.memory_space<hbm>>
        tpu.wait_dma2 semaphore(%arg9 : memref<!tpu.dma_semaphore, #tpu.memory_space<semaphore_mem>>) src(%dma_wait3A_51 : memref<64x256xf32, #tpu.memory_space<hbm>>) dst(%arg5 : memref<64x256xf32, #tpu.memory_space<vmem>>)
        %add3A_52 = arith.constant 1 : i32
        %add3A_53 = arith.addi %add3A_33, %add3A_52 : i32
        %lt3A_54 = arith.cmpi slt, %add3A_53, %add3A_3 : i32
        %convert_element_type3A_55 = arith.extui %lt3A_54 : i1 to i32
        %cond3A_56 = arith.constant 0 : i32
        %cond3A_57 = arith.cmpi ne, %convert_element_type3A_55, %cond3A_56 : i32
        scf.if %cond3A_57 {
          %add3A_75 = arith.constant 1 : i32
          %add3A_76 = arith.addi %add3A_33, %add3A_75 : i32
          %mul3A_77 = arith.constant 32 : i32
          %mul3A_78 = arith.muli %mul3A_77, %add3A_76 : i32
          %add3A_79 = arith.addi %add3A, %mul3A_78 : i32
          %mul3A_80 = arith.constant 256 : i32
          %mul3A_81 = arith.muli %add3A_79, %mul3A_80 : i32
          %dma_start3A_82 = arith.constant 0 : i32
          %dma_start3A_83 = tpu.memref_slice %arg2[%dma_start3A_82, %mul3A_81] : memref<64x1000000xf32, #tpu.memory_space<hbm>> -> memref<64x256xf32, #tpu.memory_space<hbm>>
          %dma_start3A_84 = arith.constant 0 : i32
          %dma_start3A_85 = tpu.memref_slice %arg2[%dma_start3A_84, %mul3A_81] : memref<64x1000000xf32, #tpu.memory_space<hbm>> -> memref<64x256xf32, #tpu.memory_space<hbm>>
          tpu.enqueue_dma source(%dma_start3A_85 : memref<64x256xf32, #tpu.memory_space<hbm>>) target(%arg6 : memref<64x256xf32, #tpu.memory_space<vmem>>) target_semaphore(%arg10 : memref<!tpu.dma_semaphore, #tpu.memory_space<semaphore_mem>>)
        } else {
        }
        %ge3A = arith.constant 2 : i32
        %ge3A_58 = arith.cmpi sge, %add3A_33, %ge3A : i32
        %convert_element_type3A_59 = arith.extui %ge3A_58 : i1 to i32
        %cond3A_60 = arith.constant 0 : i32
        %cond3A_61 = arith.cmpi ne, %convert_element_type3A_59, %cond3A_60 : i32
        scf.if %cond3A_61 {
          %dma_wait3A_75 = arith.constant 0 : i32
          %dma_wait3A_76 = tpu.memref_slice %arg4[%dma_wait3A_75] : memref<64000000xf32, #tpu.memory_space<hbm>> -> memref<16384xf32, #tpu.memory_space<hbm>>
          %dma_wait3A_77 = arith.constant 0 : i32
          %dma_wait3A_78 = tpu.memref_slice %arg4[%dma_wait3A_77] : memref<64000000xf32, #tpu.memory_space<hbm>> -> memref<16384xf32, #tpu.memory_space<hbm>>
          tpu.wait_dma2 semaphore(%arg11 : memref<!tpu.dma_semaphore, #tpu.memory_space<semaphore_mem>>) src(%arg7 : memref<16384xf32, #tpu.memory_space<vmem>>) dst(%dma_wait3A_78 : memref<16384xf32, #tpu.memory_space<hbm>>)
        } else {
        }
        %scan3A_62 = arith.constant 0 : i32
        %scan3A_63 = arith.constant 0 : i32
        %scan3A_64 = arith.constant 16 : i32
        %scan3A_65 = arith.addi %scan3A_63, %scan3A_64 : i32
        %scan3A_66 = arith.constant 1 : i32
        scf.for %scan3A_75 = %scan3A_63 to %scan3A_65 step %scan3A_66  : i32 {
          %mul3A_76 = arith.constant 1024 : i32
          %mul3A_77 = arith.muli %mul3A_76, %scan3A_75 : i32
          %add3A_78 = vector.broadcast %mul3A_77 : i32 to vector<16xi32>
          %add3A_79 = arith.addi %mul3A_6, %add3A_78 : vector<16xi32>
          %mul3A_80 = arith.constant 16 : i32
          %mul3A_81 = arith.muli %mul3A_80, %scan3A_75 : i32
          %get3A = arith.constant 0 : i32
          %get3A_82 = arith.index_cast %get3A : i32 to index
          %get3A_83 = arith.index_cast %mul3A_81 : i32 to index
          %get3A_84 = tpu.vector_load %arg5[%get3A_82, %get3A_83] {strides = array<i32>} : memref<64x256xf32, #tpu.memory_space<vmem>>, vector<16xf32>,
          %add3A_85 = arith.constant 0 : i32
          %add3A_86 = vector.broadcast %add3A_85 : i32 to vector<16xi32>
          %add3A_87 = arith.addi %add3A_79, %add3A_86 : vector<16xi32>
          tpu.vector_store_idx %arg7[%add3A_87], %get3A_84 : memref<16384xf32, #tpu.memory_space<vmem>>[vector<16xi32>], vector<16xf32>,
          %mul3A_88 = arith.constant 16 : i32
          %mul3A_89 = arith.muli %mul3A_88, %scan3A_75 : i32
          %get3A_90 = arith.constant 1 : i32
          %get3A_91 = arith.index_cast %get3A_90 : i32 to index
          %get3A_92 = arith.index_cast %mul3A_89 : i32 to index
          %get3A_93 = tpu.vector_load %arg5[%get3A_91, %get3A_92] {strides = array<i32>} : memref<64x256xf32, #tpu.memory_space<vmem>>, vector<16xf32>,
          %add3A_94 = arith.constant 1 : i32
          %add3A_95 = vector.broadcast %add3A_94 : i32 to vector<16xi32>
          %add3A_96 = arith.addi %add3A_79, %add3A_95 : vector<16xi32>
          tpu.vector_store_idx %arg7[%add3A_96], %get3A_93 : memref<16384xf32, #tpu.memory_space<vmem>>[vector<16xi32>], vector<16xf32>,
          %mul3A_97 = arith.constant 16 : i32
          %mul3A_98 = arith.muli %mul3A_97, %scan3A_75 : i32
          %get3A_99 = arith.constant 2 : i32
          %get3A_100 = arith.index_cast %get3A_99 : i32 to index
          %get3A_101 = arith.index_cast %mul3A_98 : i32 to index
          %get3A_102 = tpu.vector_load %arg5[%get3A_100, %get3A_101] {strides = array<i32>} : memref<64x256xf32, #tpu.memory_space<vmem>>, vector<16xf32>,
          %add3A_103 = arith.constant 2 : i32
          %add3A_104 = vector.broadcast %add3A_103 : i32 to vector<16xi32>
          %add3A_105 = arith.addi %add3A_79, %add3A_104 : vector<16xi32>
          tpu.vector_store_idx %arg7[%add3A_105], %get3A_102 : memref<16384xf32, #tpu.memory_space<vmem>>[vector<16xi32>], vector<16xf32>,
          %mul3A_106 = arith.constant 16 : i32
          %mul3A_107 = arith.muli %mul3A_106, %scan3A_75 : i32
          %get3A_108 = arith.constant 3 : i32
          %get3A_109 = arith.index_cast %get3A_108 : i32 to index
          %get3A_110 = arith.index_cast %mul3A_107 : i32 to index
          %get3A_111 = tpu.vector_load %arg5[%get3A_109, %get3A_110] {strides = array<i32>} : memref<64x256xf32, #tpu.memory_space<vmem>>, vector<16xf32>,
          %add3A_112 = arith.constant 3 : i32
          %add3A_113 = vector.broadcast %add3A_112 : i32 to vector<16xi32>
          %add3A_114 = arith.addi %add3A_79, %add3A_113 : vector<16xi32>
          tpu.vector_store_idx %arg7[%add3A_114], %get3A_111 : memref<16384xf32, #tpu.memory_space<vmem>>[vector<16xi32>], vector<16xf32>,
          %mul3A_115 = arith.constant 16 : i32
          %mul3A_116 = arith.muli %mul3A_115, %scan3A_75 : i32
          %get3A_117 = arith.constant 4 : i32
          %get3A_118 = arith.index_cast %get3A_117 : i32 to index
          %get3A_119 = arith.index_cast %mul3A_116 : i32 to index
          %get3A_120 = tpu.vector_load %arg5[%get3A_118, %get3A_119] {strides = array<i32>} : memref<64x256xf32, #tpu.memory_space<vmem>>, vector<16xf32>,
          %add3A_121 = arith.constant 4 : i32
          %add3A_122 = vector.broadcast %add3A_121 : i32 to vector<16xi32>
          %add3A_123 = arith.addi %add3A_79, %add3A_122 : vector<16xi32>
          tpu.vector_store_idx %arg7[%add3A_123], %get3A_120 : memref<16384xf32, #tpu.memory_space<vmem>>[vector<16xi32>], vector<16xf32>,
          %mul3A_124 = arith.constant 16 : i32
          %mul3A_125 = arith.muli %mul3A_124, %scan3A_75 : i32
          %get3A_126 = arith.constant 5 : i32
          %get3A_127 = arith.index_cast %get3A_126 : i32 to index
          %get3A_128 = arith.index_cast %mul3A_125 : i32 to index
          %get3A_129 = tpu.vector_load %arg5[%get3A_127, %get3A_128] {strides = array<i32>} : memref<64x256xf32, #tpu.memory_space<vmem>>, vector<16xf32>,
          %add3A_130 = arith.constant 5 : i32
          %add3A_131 = vector.broadcast %add3A_130 : i32 to vector<16xi32>
          %add3A_132 = arith.addi %add3A_79, %add3A_131 : vector<16xi32>
          tpu.vector_store_idx %arg7[%add3A_132], %get3A_129 : memref<16384xf32, #tpu.memory_space<vmem>>[vector<16xi32>], vector<16xf32>,
          %mul3A_133 = arith.constant 16 : i32
          %mul3A_134 = arith.muli %mul3A_133, %scan3A_75 : i32
          %get3A_135 = arith.constant 6 : i32
          %get3A_136 = arith.index_cast %get3A_135 : i32 to index
          %get3A_137 = arith.index_cast %mul3A_134 : i32 to index
          %get3A_138 = tpu.vector_load %arg5[%get3A_136, %get3A_137] {strides = array<i32>} : memref<64x256xf32, #tpu.memory_space<vmem>>, vector<16xf32>,
          %add3A_139 = arith.constant 6 : i32
          %add3A_140 = vector.broadcast %add3A_139 : i32 to vector<16xi32>
          %add3A_141 = arith.addi %add3A_79, %add3A_140 : vector<16xi32>
          tpu.vector_store_idx %arg7[%add3A_141], %get3A_138 : memref<16384xf32, #tpu.memory_space<vmem>>[vector<16xi32>], vector<16xf32>,
          %mul3A_142 = arith.constant 16 : i32
          %mul3A_143 = arith.muli %mul3A_142, %scan3A_75 : i32
          %get3A_144 = arith.constant 7 : i32
          %get3A_145 = arith.index_cast %get3A_144 : i32 to index
          %get3A_146 = arith.index_cast %mul3A_143 : i32 to index
          %get3A_147 = tpu.vector_load %arg5[%get3A_145, %get3A_146] {strides = array<i32>} : memref<64x256xf32, #tpu.memory_space<vmem>>, vector<16xf32>,
          %add3A_148 = arith.constant 7 : i32
          %add3A_149 = vector.broadcast %add3A_148 : i32 to vector<16xi32>
          %add3A_150 = arith.addi %add3A_79, %add3A_149 : vector<16xi32>
          tpu.vector_store_idx %arg7[%add3A_150], %get3A_147 : memref<16384xf32, #tpu.memory_space<vmem>>[vector<16xi32>], vector<16xf32>,
          %mul3A_151 = arith.constant 16 : i32
          %mul3A_152 = arith.muli %mul3A_151, %scan3A_75 : i32
          %get3A_153 = arith.constant 8 : i32
          %get3A_154 = arith.index_cast %get3A_153 : i32 to index
          %get3A_155 = arith.index_cast %mul3A_152 : i32 to index
          %get3A_156 = tpu.vector_load %arg5[%get3A_154, %get3A_155] {strides = array<i32>} : memref<64x256xf32, #tpu.memory_space<vmem>>, vector<16xf32>,
          %add3A_157 = arith.constant 8 : i32
          %add3A_158 = vector.broadcast %add3A_157 : i32 to vector<16xi32>
          %add3A_159 = arith.addi %add3A_79, %add3A_158 : vector<16xi32>
          tpu.vector_store_idx %arg7[%add3A_159], %get3A_156 : memref<16384xf32, #tpu.memory_space<vmem>>[vector<16xi32>], vector<16xf32>,
          %mul3A_160 = arith.constant 16 : i32
          %mul3A_161 = arith.muli %mul3A_160, %scan3A_75 : i32
          %get3A_162 = arith.constant 9 : i32
          %get3A_163 = arith.index_cast %get3A_162 : i32 to index
          %get3A_164 = arith.index_cast %mul3A_161 : i32 to index
          %get3A_165 = tpu.vector_load %arg5[%get3A_163, %get3A_164] {strides = array<i32>} : memref<64x256xf32, #tpu.memory_space<vmem>>, vector<16xf32>,
          %add3A_166 = arith.constant 9 : i32
          %add3A_167 = vector.broadcast %add3A_166 : i32 to vector<16xi32>
          %add3A_168 = arith.addi %add3A_79, %add3A_167 : vector<16xi32>
          tpu.vector_store_idx %arg7[%add3A_168], %get3A_165 : memref<16384xf32, #tpu.memory_space<vmem>>[vector<16xi32>], vector<16xf32>,
          %mul3A_169 = arith.constant 16 : i32
          %mul3A_170 = arith.muli %mul3A_169, %scan3A_75 : i32
          %get3A_171 = arith.constant 10 : i32
          %get3A_172 = arith.index_cast %get3A_171 : i32 to index
          %get3A_173 = arith.index_cast %mul3A_170 : i32 to index
          %get3A_174 = tpu.vector_load %arg5[%get3A_172, %get3A_173] {strides = array<i32>} : memref<64x256xf32, #tpu.memory_space<vmem>>, vector<16xf32>,
          %add3A_175 = arith.constant 10 : i32
          %add3A_176 = vector.broadcast %add3A_175 : i32 to vector<16xi32>
          %add3A_177 = arith.addi %add3A_79, %add3A_176 : vector<16xi32>
          tpu.vector_store_idx %arg7[%add3A_177], %get3A_174 : memref<16384xf32, #tpu.memory_space<vmem>>[vector<16xi32>], vector<16xf32>,
          %mul3A_178 = arith.constant 16 : i32
          %mul3A_179 = arith.muli %mul3A_178, %scan3A_75 : i32
          %get3A_180 = arith.constant 11 : i32
          %get3A_181 = arith.index_cast %get3A_180 : i32 to index
          %get3A_182 = arith.index_cast %mul3A_179 : i32 to index
          %get3A_183 = tpu.vector_load %arg5[%get3A_181, %get3A_182] {strides = array<i32>} : memref<64x256xf32, #tpu.memory_space<vmem>>, vector<16xf32>,
          %add3A_184 = arith.constant 11 : i32
          %add3A_185 = vector.broadcast %add3A_184 : i32 to vector<16xi32>
          %add3A_186 = arith.addi %add3A_79, %add3A_185 : vector<16xi32>
          tpu.vector_store_idx %arg7[%add3A_186], %get3A_183 : memref<16384xf32, #tpu.memory_space<vmem>>[vector<16xi32>], vector<16xf32>,
          %mul3A_187 = arith.constant 16 : i32
          %mul3A_188 = arith.muli %mul3A_187, %scan3A_75 : i32
          %get3A_189 = arith.constant 12 : i32
          %get3A_190 = arith.index_cast %get3A_189 : i32 to index
          %get3A_191 = arith.index_cast %mul3A_188 : i32 to index
          %get3A_192 = tpu.vector_load %arg5[%get3A_190, %get3A_191] {strides = array<i32>} : memref<64x256xf32, #tpu.memory_space<vmem>>, vector<16xf32>,
          %add3A_193 = arith.constant 12 : i32
          %add3A_194 = vector.broadcast %add3A_193 : i32 to vector<16xi32>
          %add3A_195 = arith.addi %add3A_79, %add3A_194 : vector<16xi32>
          tpu.vector_store_idx %arg7[%add3A_195], %get3A_192 : memref<16384xf32, #tpu.memory_space<vmem>>[vector<16xi32>], vector<16xf32>,
          %mul3A_196 = arith.constant 16 : i32
          %mul3A_197 = arith.muli %mul3A_196, %scan3A_75 : i32
          %get3A_198 = arith.constant 13 : i32
          %get3A_199 = arith.index_cast %get3A_198 : i32 to index
          %get3A_200 = arith.index_cast %mul3A_197 : i32 to index
          %get3A_201 = tpu.vector_load %arg5[%get3A_199, %get3A_200] {strides = array<i32>} : memref<64x256xf32, #tpu.memory_space<vmem>>, vector<16xf32>,
          %add3A_202 = arith.constant 13 : i32
          %add3A_203 = vector.broadcast %add3A_202 : i32 to vector<16xi32>
          %add3A_204 = arith.addi %add3A_79, %add3A_203 : vector<16xi32>
          tpu.vector_store_idx %arg7[%add3A_204], %get3A_201 : memref<16384xf32, #tpu.memory_space<vmem>>[vector<16xi32>], vector<16xf32>,
          %mul3A_205 = arith.constant 16 : i32
          %mul3A_206 = arith.muli %mul3A_205, %scan3A_75 : i32
          %get3A_207 = arith.constant 14 : i32
          %get3A_208 = arith.index_cast %get3A_207 : i32 to index
          %get3A_209 = arith.index_cast %mul3A_206 : i32 to index
          %get3A_210 = tpu.vector_load %arg5[%get3A_208, %get3A_209] {strides = array<i32>} : memref<64x256xf32, #tpu.memory_space<vmem>>, vector<16xf32>,
          %add3A_211 = arith.constant 14 : i32
          %add3A_212 = vector.broadcast %add3A_211 : i32 to vector<16xi32>
          %add3A_213 = arith.addi %add3A_79, %add3A_212 : vector<16xi32>
          tpu.vector_store_idx %arg7[%add3A_213], %get3A_210 : memref<16384xf32, #tpu.memory_space<vmem>>[vector<16xi32>], vector<16xf32>,
          %mul3A_214 = arith.constant 16 : i32
          %mul3A_215 = arith.muli %mul3A_214, %scan3A_75 : i32
          %get3A_216 = arith.constant 15 : i32
          %get3A_217 = arith.index_cast %get3A_216 : i32 to index
          %get3A_218 = arith.index_cast %mul3A_215 : i32 to index
          %get3A_219 = tpu.vector_load %arg5[%get3A_217, %get3A_218] {strides = array<i32>} : memref<64x256xf32, #tpu.memory_space<vmem>>, vector<16xf32>,
          %add3A_220 = arith.constant 15 : i32
          %add3A_221 = vector.broadcast %add3A_220 : i32 to vector<16xi32>
          %add3A_222 = arith.addi %add3A_79, %add3A_221 : vector<16xi32>
          tpu.vector_store_idx %arg7[%add3A_222], %get3A_219 : memref<16384xf32, #tpu.memory_space<vmem>>[vector<16xi32>], vector<16xf32>,
          %mul3A_223 = arith.constant 16 : i32
          %mul3A_224 = arith.muli %mul3A_223, %scan3A_75 : i32
          %get3A_225 = arith.constant 16 : i32
          %get3A_226 = arith.index_cast %get3A_225 : i32 to index
          %get3A_227 = arith.index_cast %mul3A_224 : i32 to index
          %get3A_228 = tpu.vector_load %arg5[%get3A_226, %get3A_227] {strides = array<i32>} : memref<64x256xf32, #tpu.memory_space<vmem>>, vector<16xf32>,
          %add3A_229 = arith.constant 16 : i32
          %add3A_230 = vector.broadcast %add3A_229 : i32 to vector<16xi32>
          %add3A_231 = arith.addi %add3A_79, %add3A_230 : vector<16xi32>
          tpu.vector_store_idx %arg7[%add3A_231], %get3A_228 : memref<16384xf32, #tpu.memory_space<vmem>>[vector<16xi32>], vector<16xf32>,
          %mul3A_232 = arith.constant 16 : i32
          %mul3A_233 = arith.muli %mul3A_232, %scan3A_75 : i32
          %get3A_234 = arith.constant 17 : i32
          %get3A_235 = arith.index_cast %get3A_234 : i32 to index
          %get3A_236 = arith.index_cast %mul3A_233 : i32 to index
          %get3A_237 = tpu.vector_load %arg5[%get3A_235, %get3A_236] {strides = array<i32>} : memref<64x256xf32, #tpu.memory_space<vmem>>, vector<16xf32>,
          %add3A_238 = arith.constant 17 : i32
          %add3A_239 = vector.broadcast %add3A_238 : i32 to vector<16xi32>
          %add3A_240 = arith.addi %add3A_79, %add3A_239 : vector<16xi32>
          tpu.vector_store_idx %arg7[%add3A_240], %get3A_237 : memref<16384xf32, #tpu.memory_space<vmem>>[vector<16xi32>], vector<16xf32>,
          %mul3A_241 = arith.constant 16 : i32
          %mul3A_242 = arith.muli %mul3A_241, %scan3A_75 : i32
          %get3A_243 = arith.constant 18 : i32
          %get3A_244 = arith.index_cast %get3A_243 : i32 to index
          %get3A_245 = arith.index_cast %mul3A_242 : i32 to index
          %get3A_246 = tpu.vector_load %arg5[%get3A_244, %get3A_245] {strides = array<i32>} : memref<64x256xf32, #tpu.memory_space<vmem>>, vector<16xf32>,
          %add3A_247 = arith.constant 18 : i32
          %add3A_248 = vector.broadcast %add3A_247 : i32 to vector<16xi32>
          %add3A_249 = arith.addi %add3A_79, %add3A_248 : vector<16xi32>
          tpu.vector_store_idx %arg7[%add3A_249], %get3A_246 : memref<16384xf32, #tpu.memory_space<vmem>>[vector<16xi32>], vector<16xf32>,
          %mul3A_250 = arith.constant 16 : i32
          %mul3A_251 = arith.muli %mul3A_250, %scan3A_75 : i32
          %get3A_252 = arith.constant 19 : i32
          %get3A_253 = arith.index_cast %get3A_252 : i32 to index
          %get3A_254 = arith.index_cast %mul3A_251 : i32 to index
          %get3A_255 = tpu.vector_load %arg5[%get3A_253, %get3A_254] {strides = array<i32>} : memref<64x256xf32, #tpu.memory_space<vmem>>, vector<16xf32>,
          %add3A_256 = arith.constant 19 : i32
          %add3A_257 = vector.broadcast %add3A_256 : i32 to vector<16xi32>
          %add3A_258 = arith.addi %add3A_79, %add3A_257 : vector<16xi32>
          tpu.vector_store_idx %arg7[%add3A_258], %get3A_255 : memref<16384xf32, #tpu.memory_space<vmem>>[vector<16xi32>], vector<16xf32>,
          %mul3A_259 = arith.constant 16 : i32
          %mul3A_260 = arith.muli %mul3A_259, %scan3A_75 : i32
          %get3A_261 = arith.constant 20 : i32
          %get3A_262 = arith.index_cast %get3A_261 : i32 to index
          %get3A_263 = arith.index_cast %mul3A_260 : i32 to index
          %get3A_264 = tpu.vector_load %arg5[%get3A_262, %get3A_263] {strides = array<i32>} : memref<64x256xf32, #tpu.memory_space<vmem>>, vector<16xf32>,
          %add3A_265 = arith.constant 20 : i32
          %add3A_266 = vector.broadcast %add3A_265 : i32 to vector<16xi32>
          %add3A_267 = arith.addi %add3A_79, %add3A_266 : vector<16xi32>
          tpu.vector_store_idx %arg7[%add3A_267], %get3A_264 : memref<16384xf32, #tpu.memory_space<vmem>>[vector<16xi32>], vector<16xf32>,
          %mul3A_268 = arith.constant 16 : i32
          %mul3A_269 = arith.muli %mul3A_268, %scan3A_75 : i32
          %get3A_270 = arith.constant 21 : i32
          %get3A_271 = arith.index_cast %get3A_270 : i32 to index
          %get3A_272 = arith.index_cast %mul3A_269 : i32 to index
          %get3A_273 = tpu.vector_load %arg5[%get3A_271, %get3A_272] {strides = array<i32>} : memref<64x256xf32, #tpu.memory_space<vmem>>, vector<16xf32>,
          %add3A_274 = arith.constant 21 : i32
          %add3A_275 = vector.broadcast %add3A_274 : i32 to vector<16xi32>
          %add3A_276 = arith.addi %add3A_79, %add3A_275 : vector<16xi32>
          tpu.vector_store_idx %arg7[%add3A_276], %get3A_273 : memref<16384xf32, #tpu.memory_space<vmem>>[vector<16xi32>], vector<16xf32>,
          %mul3A_277 = arith.constant 16 : i32
          %mul3A_278 = arith.muli %mul3A_277, %scan3A_75 : i32
          %get3A_279 = arith.constant 22 : i32
          %get3A_280 = arith.index_cast %get3A_279 : i32 to index
          %get3A_281 = arith.index_cast %mul3A_278 : i32 to index
          %get3A_282 = tpu.vector_load %arg5[%get3A_280, %get3A_281] {strides = array<i32>} : memref<64x256xf32, #tpu.memory_space<vmem>>, vector<16xf32>,
          %add3A_283 = arith.constant 22 : i32
          %add3A_284 = vector.broadcast %add3A_283 : i32 to vector<16xi32>
          %add3A_285 = arith.addi %add3A_79, %add3A_284 : vector<16xi32>
          tpu.vector_store_idx %arg7[%add3A_285], %get3A_282 : memref<16384xf32, #tpu.memory_space<vmem>>[vector<16xi32>], vector<16xf32>,
          %mul3A_286 = arith.constant 16 : i32
          %mul3A_287 = arith.muli %mul3A_286, %scan3A_75 : i32
          %get3A_288 = arith.constant 23 : i32
          %get3A_289 = arith.index_cast %get3A_288 : i32 to index
          %get3A_290 = arith.index_cast %mul3A_287 : i32 to index
          %get3A_291 = tpu.vector_load %arg5[%get3A_289, %get3A_290] {strides = array<i32>} : memref<64x256xf32, #tpu.memory_space<vmem>>, vector<16xf32>,
          %add3A_292 = arith.constant 23 : i32
          %add3A_293 = vector.broadcast %add3A_292 : i32 to vector<16xi32>
          %add3A_294 = arith.addi %add3A_79, %add3A_293 : vector<16xi32>
          tpu.vector_store_idx %arg7[%add3A_294], %get3A_291 : memref<16384xf32, #tpu.memory_space<vmem>>[vector<16xi32>], vector<16xf32>,
          %mul3A_295 = arith.constant 16 : i32
          %mul3A_296 = arith.muli %mul3A_295, %scan3A_75 : i32
          %get3A_297 = arith.constant 24 : i32
          %get3A_298 = arith.index_cast %get3A_297 : i32 to index
          %get3A_299 = arith.index_cast %mul3A_296 : i32 to index
          %get3A_300 = tpu.vector_load %arg5[%get3A_298, %get3A_299] {strides = array<i32>} : memref<64x256xf32, #tpu.memory_space<vmem>>, vector<16xf32>,
          %add3A_301 = arith.constant 24 : i32
          %add3A_302 = vector.broadcast %add3A_301 : i32 to vector<16xi32>
          %add3A_303 = arith.addi %add3A_79, %add3A_302 : vector<16xi32>
          tpu.vector_store_idx %arg7[%add3A_303], %get3A_300 : memref<16384xf32, #tpu.memory_space<vmem>>[vector<16xi32>], vector<16xf32>,
          %mul3A_304 = arith.constant 16 : i32
          %mul3A_305 = arith.muli %mul3A_304, %scan3A_75 : i32
          %get3A_306 = arith.constant 25 : i32
          %get3A_307 = arith.index_cast %get3A_306 : i32 to index
          %get3A_308 = arith.index_cast %mul3A_305 : i32 to index
          %get3A_309 = tpu.vector_load %arg5[%get3A_307, %get3A_308] {strides = array<i32>} : memref<64x256xf32, #tpu.memory_space<vmem>>, vector<16xf32>,
          %add3A_310 = arith.constant 25 : i32
          %add3A_311 = vector.broadcast %add3A_310 : i32 to vector<16xi32>
          %add3A_312 = arith.addi %add3A_79, %add3A_311 : vector<16xi32>
          tpu.vector_store_idx %arg7[%add3A_312], %get3A_309 : memref<16384xf32, #tpu.memory_space<vmem>>[vector<16xi32>], vector<16xf32>,
          %mul3A_313 = arith.constant 16 : i32
          %mul3A_314 = arith.muli %mul3A_313, %scan3A_75 : i32
          %get3A_315 = arith.constant 26 : i32
          %get3A_316 = arith.index_cast %get3A_315 : i32 to index
          %get3A_317 = arith.index_cast %mul3A_314 : i32 to index
          %get3A_318 = tpu.vector_load %arg5[%get3A_316, %get3A_317] {strides = array<i32>} : memref<64x256xf32, #tpu.memory_space<vmem>>, vector<16xf32>,
          %add3A_319 = arith.constant 26 : i32
          %add3A_320 = vector.broadcast %add3A_319 : i32 to vector<16xi32>
          %add3A_321 = arith.addi %add3A_79, %add3A_320 : vector<16xi32>
          tpu.vector_store_idx %arg7[%add3A_321], %get3A_318 : memref<16384xf32, #tpu.memory_space<vmem>>[vector<16xi32>], vector<16xf32>,
          %mul3A_322 = arith.constant 16 : i32
          %mul3A_323 = arith.muli %mul3A_322, %scan3A_75 : i32
          %get3A_324 = arith.constant 27 : i32
          %get3A_325 = arith.index_cast %get3A_324 : i32 to index
          %get3A_326 = arith.index_cast %mul3A_323 : i32 to index
          %get3A_327 = tpu.vector_load %arg5[%get3A_325, %get3A_326] {strides = array<i32>} : memref<64x256xf32, #tpu.memory_space<vmem>>, vector<16xf32>,
          %add3A_328 = arith.constant 27 : i32
          %add3A_329 = vector.broadcast %add3A_328 : i32 to vector<16xi32>
          %add3A_330 = arith.addi %add3A_79, %add3A_329 : vector<16xi32>
          tpu.vector_store_idx %arg7[%add3A_330], %get3A_327 : memref<16384xf32, #tpu.memory_space<vmem>>[vector<16xi32>], vector<16xf32>,
          %mul3A_331 = arith.constant 16 : i32
          %mul3A_332 = arith.muli %mul3A_331, %scan3A_75 : i32
          %get3A_333 = arith.constant 28 : i32
          %get3A_334 = arith.index_cast %get3A_333 : i32 to index
          %get3A_335 = arith.index_cast %mul3A_332 : i32 to index
          %get3A_336 = tpu.vector_load %arg5[%get3A_334, %get3A_335] {strides = array<i32>} : memref<64x256xf32, #tpu.memory_space<vmem>>, vector<16xf32>,
          %add3A_337 = arith.constant 28 : i32
          %add3A_338 = vector.broadcast %add3A_337 : i32 to vector<16xi32>
          %add3A_339 = arith.addi %add3A_79, %add3A_338 : vector<16xi32>
          tpu.vector_store_idx %arg7[%add3A_339], %get3A_336 : memref<16384xf32, #tpu.memory_space<vmem>>[vector<16xi32>], vector<16xf32>,
          %mul3A_340 = arith.constant 16 : i32
          %mul3A_341 = arith.muli %mul3A_340, %scan3A_75 : i32
          %get3A_342 = arith.constant 29 : i32
          %get3A_343 = arith.index_cast %get3A_342 : i32 to index
          %get3A_344 = arith.index_cast %mul3A_341 : i32 to index
          %get3A_345 = tpu.vector_load %arg5[%get3A_343, %get3A_344] {strides = array<i32>} : memref<64x256xf32, #tpu.memory_space<vmem>>, vector<16xf32>,
          %add3A_346 = arith.constant 29 : i32
          %add3A_347 = vector.broadcast %add3A_346 : i32 to vector<16xi32>
          %add3A_348 = arith.addi %add3A_79, %add3A_347 : vector<16xi32>
          tpu.vector_store_idx %arg7[%add3A_348], %get3A_345 : memref<16384xf32, #tpu.memory_space<vmem>>[vector<16xi32>], vector<16xf32>,
          %mul3A_349 = arith.constant 16 : i32
          %mul3A_350 = arith.muli %mul3A_349, %scan3A_75 : i32
          %get3A_351 = arith.constant 30 : i32
          %get3A_352 = arith.index_cast %get3A_351 : i32 to index
          %get3A_353 = arith.index_cast %mul3A_350 : i32 to index
          %get3A_354 = tpu.vector_load %arg5[%get3A_352, %get3A_353] {strides = array<i32>} : memref<64x256xf32, #tpu.memory_space<vmem>>, vector<16xf32>,
          %add3A_355 = arith.constant 30 : i32
          %add3A_356 = vector.broadcast %add3A_355 : i32 to vector<16xi32>
          %add3A_357 = arith.addi %add3A_79, %add3A_356 : vector<16xi32>
          tpu.vector_store_idx %arg7[%add3A_357], %get3A_354 : memref<16384xf32, #tpu.memory_space<vmem>>[vector<16xi32>], vector<16xf32>,
          %mul3A_358 = arith.constant 16 : i32
          %mul3A_359 = arith.muli %mul3A_358, %scan3A_75 : i32
          %get3A_360 = arith.constant 31 : i32
          %get3A_361 = arith.index_cast %get3A_360 : i32 to index
          %get3A_362 = arith.index_cast %mul3A_359 : i32 to index
          %get3A_363 = tpu.vector_load %arg5[%get3A_361, %get3A_362] {strides = array<i32>} : memref<64x256xf32, #tpu.memory_space<vmem>>, vector<16xf32>,
          %add3A_364 = arith.constant 31 : i32
          %add3A_365 = vector.broadcast %add3A_364 : i32 to vector<16xi32>
          %add3A_366 = arith.addi %add3A_79, %add3A_365 : vector<16xi32>
          tpu.vector_store_idx %arg7[%add3A_366], %get3A_363 : memref<16384xf32, #tpu.memory_space<vmem>>[vector<16xi32>], vector<16xf32>,
          %mul3A_367 = arith.constant 16 : i32
          %mul3A_368 = arith.muli %mul3A_367, %scan3A_75 : i32
          %get3A_369 = arith.constant 32 : i32
          %get3A_370 = arith.index_cast %get3A_369 : i32 to index
          %get3A_371 = arith.index_cast %mul3A_368 : i32 to index
          %get3A_372 = tpu.vector_load %arg5[%get3A_370, %get3A_371] {strides = array<i32>} : memref<64x256xf32, #tpu.memory_space<vmem>>, vector<16xf32>,
          %add3A_373 = arith.constant 32 : i32
          %add3A_374 = vector.broadcast %add3A_373 : i32 to vector<16xi32>
          %add3A_375 = arith.addi %add3A_79, %add3A_374 : vector<16xi32>
          tpu.vector_store_idx %arg7[%add3A_375], %get3A_372 : memref<16384xf32, #tpu.memory_space<vmem>>[vector<16xi32>], vector<16xf32>,
          %mul3A_376 = arith.constant 16 : i32
          %mul3A_377 = arith.muli %mul3A_376, %scan3A_75 : i32
          %get3A_378 = arith.constant 33 : i32
          %get3A_379 = arith.index_cast %get3A_378 : i32 to index
          %get3A_380 = arith.index_cast %mul3A_377 : i32 to index
          %get3A_381 = tpu.vector_load %arg5[%get3A_379, %get3A_380] {strides = array<i32>} : memref<64x256xf32, #tpu.memory_space<vmem>>, vector<16xf32>,
          %add3A_382 = arith.constant 33 : i32
          %add3A_383 = vector.broadcast %add3A_382 : i32 to vector<16xi32>
          %add3A_384 = arith.addi %add3A_79, %add3A_383 : vector<16xi32>
          tpu.vector_store_idx %arg7[%add3A_384], %get3A_381 : memref<16384xf32, #tpu.memory_space<vmem>>[vector<16xi32>], vector<16xf32>,
          %mul3A_385 = arith.constant 16 : i32
          %mul3A_386 = arith.muli %mul3A_385, %scan3A_75 : i32
          %get3A_387 = arith.constant 34 : i32
          %get3A_388 = arith.index_cast %get3A_387 : i32 to index
          %get3A_389 = arith.index_cast %mul3A_386 : i32 to index
          %get3A_390 = tpu.vector_load %arg5[%get3A_388, %get3A_389] {strides = array<i32>} : memref<64x256xf32, #tpu.memory_space<vmem>>, vector<16xf32>,
          %add3A_391 = arith.constant 34 : i32
          %add3A_392 = vector.broadcast %add3A_391 : i32 to vector<16xi32>
          %add3A_393 = arith.addi %add3A_79, %add3A_392 : vector<16xi32>
          tpu.vector_store_idx %arg7[%add3A_393], %get3A_390 : memref<16384xf32, #tpu.memory_space<vmem>>[vector<16xi32>], vector<16xf32>,
          %mul3A_394 = arith.constant 16 : i32
          %mul3A_395 = arith.muli %mul3A_394, %scan3A_75 : i32
          %get3A_396 = arith.constant 35 : i32
          %get3A_397 = arith.index_cast %get3A_396 : i32 to index
          %get3A_398 = arith.index_cast %mul3A_395 : i32 to index
          %get3A_399 = tpu.vector_load %arg5[%get3A_397, %get3A_398] {strides = array<i32>} : memref<64x256xf32, #tpu.memory_space<vmem>>, vector<16xf32>,
          %add3A_400 = arith.constant 35 : i32
          %add3A_401 = vector.broadcast %add3A_400 : i32 to vector<16xi32>
          %add3A_402 = arith.addi %add3A_79, %add3A_401 : vector<16xi32>
          tpu.vector_store_idx %arg7[%add3A_402], %get3A_399 : memref<16384xf32, #tpu.memory_space<vmem>>[vector<16xi32>], vector<16xf32>,
          %mul3A_403 = arith.constant 16 : i32
          %mul3A_404 = arith.muli %mul3A_403, %scan3A_75 : i32
          %get3A_405 = arith.constant 36 : i32
          %get3A_406 = arith.index_cast %get3A_405 : i32 to index
          %get3A_407 = arith.index_cast %mul3A_404 : i32 to index
          %get3A_408 = tpu.vector_load %arg5[%get3A_406, %get3A_407] {strides = array<i32>} : memref<64x256xf32, #tpu.memory_space<vmem>>, vector<16xf32>,
          %add3A_409 = arith.constant 36 : i32
          %add3A_410 = vector.broadcast %add3A_409 : i32 to vector<16xi32>
          %add3A_411 = arith.addi %add3A_79, %add3A_410 : vector<16xi32>
          tpu.vector_store_idx %arg7[%add3A_411], %get3A_408 : memref<16384xf32, #tpu.memory_space<vmem>>[vector<16xi32>], vector<16xf32>,
          %mul3A_412 = arith.constant 16 : i32
          %mul3A_413 = arith.muli %mul3A_412, %scan3A_75 : i32
          %get3A_414 = arith.constant 37 : i32
          %get3A_415 = arith.index_cast %get3A_414 : i32 to index
          %get3A_416 = arith.index_cast %mul3A_413 : i32 to index
          %get3A_417 = tpu.vector_load %arg5[%get3A_415, %get3A_416] {strides = array<i32>} : memref<64x256xf32, #tpu.memory_space<vmem>>, vector<16xf32>,
          %add3A_418 = arith.constant 37 : i32
          %add3A_419 = vector.broadcast %add3A_418 : i32 to vector<16xi32>
          %add3A_420 = arith.addi %add3A_79, %add3A_419 : vector<16xi32>
          tpu.vector_store_idx %arg7[%add3A_420], %get3A_417 : memref<16384xf32, #tpu.memory_space<vmem>>[vector<16xi32>], vector<16xf32>,
          %mul3A_421 = arith.constant 16 : i32
          %mul3A_422 = arith.muli %mul3A_421, %scan3A_75 : i32
          %get3A_423 = arith.constant 38 : i32
          %get3A_424 = arith.index_cast %get3A_423 : i32 to index
          %get3A_425 = arith.index_cast %mul3A_422 : i32 to index
          %get3A_426 = tpu.vector_load %arg5[%get3A_424, %get3A_425] {strides = array<i32>} : memref<64x256xf32, #tpu.memory_space<vmem>>, vector<16xf32>,
          %add3A_427 = arith.constant 38 : i32
          %add3A_428 = vector.broadcast %add3A_427 : i32 to vector<16xi32>
          %add3A_429 = arith.addi %add3A_79, %add3A_428 : vector<16xi32>
          tpu.vector_store_idx %arg7[%add3A_429], %get3A_426 : memref<16384xf32, #tpu.memory_space<vmem>>[vector<16xi32>], vector<16xf32>,
          %mul3A_430 = arith.constant 16 : i32
          %mul3A_431 = arith.muli %mul3A_430, %scan3A_75 : i32
          %get3A_432 = arith.constant 39 : i32
          %get3A_433 = arith.index_cast %get3A_432 : i32 to index
          %get3A_434 = arith.index_cast %mul3A_431 : i32 to index
          %get3A_435 = tpu.vector_load %arg5[%get3A_433, %get3A_434] {strides = array<i32>} : memref<64x256xf32, #tpu.memory_space<vmem>>, vector<16xf32>,
          %add3A_436 = arith.constant 39 : i32
          %add3A_437 = vector.broadcast %add3A_436 : i32 to vector<16xi32>
          %add3A_438 = arith.addi %add3A_79, %add3A_437 : vector<16xi32>
          tpu.vector_store_idx %arg7[%add3A_438], %get3A_435 : memref<16384xf32, #tpu.memory_space<vmem>>[vector<16xi32>], vector<16xf32>,
          %mul3A_439 = arith.constant 16 : i32
          %mul3A_440 = arith.muli %mul3A_439, %scan3A_75 : i32
          %get3A_441 = arith.constant 40 : i32
          %get3A_442 = arith.index_cast %get3A_441 : i32 to index
          %get3A_443 = arith.index_cast %mul3A_440 : i32 to index
          %get3A_444 = tpu.vector_load %arg5[%get3A_442, %get3A_443] {strides = array<i32>} : memref<64x256xf32, #tpu.memory_space<vmem>>, vector<16xf32>,
          %add3A_445 = arith.constant 40 : i32
          %add3A_446 = vector.broadcast %add3A_445 : i32 to vector<16xi32>
          %add3A_447 = arith.addi %add3A_79, %add3A_446 : vector<16xi32>
          tpu.vector_store_idx %arg7[%add3A_447], %get3A_444 : memref<16384xf32, #tpu.memory_space<vmem>>[vector<16xi32>], vector<16xf32>,
          %mul3A_448 = arith.constant 16 : i32
          %mul3A_449 = arith.muli %mul3A_448, %scan3A_75 : i32
          %get3A_450 = arith.constant 41 : i32
          %get3A_451 = arith.index_cast %get3A_450 : i32 to index
          %get3A_452 = arith.index_cast %mul3A_449 : i32 to index
          %get3A_453 = tpu.vector_load %arg5[%get3A_451, %get3A_452] {strides = array<i32>} : memref<64x256xf32, #tpu.memory_space<vmem>>, vector<16xf32>,
          %add3A_454 = arith.constant 41 : i32
          %add3A_455 = vector.broadcast %add3A_454 : i32 to vector<16xi32>
          %add3A_456 = arith.addi %add3A_79, %add3A_455 : vector<16xi32>
          tpu.vector_store_idx %arg7[%add3A_456], %get3A_453 : memref<16384xf32, #tpu.memory_space<vmem>>[vector<16xi32>], vector<16xf32>,
          %mul3A_457 = arith.constant 16 : i32
          %mul3A_458 = arith.muli %mul3A_457, %scan3A_75 : i32
          %get3A_459 = arith.constant 42 : i32
          %get3A_460 = arith.index_cast %get3A_459 : i32 to index
          %get3A_461 = arith.index_cast %mul3A_458 : i32 to index
          %get3A_462 = tpu.vector_load %arg5[%get3A_460, %get3A_461] {strides = array<i32>} : memref<64x256xf32, #tpu.memory_space<vmem>>, vector<16xf32>,
          %add3A_463 = arith.constant 42 : i32
          %add3A_464 = vector.broadcast %add3A_463 : i32 to vector<16xi32>
          %add3A_465 = arith.addi %add3A_79, %add3A_464 : vector<16xi32>
          tpu.vector_store_idx %arg7[%add3A_465], %get3A_462 : memref<16384xf32, #tpu.memory_space<vmem>>[vector<16xi32>], vector<16xf32>,
          %mul3A_466 = arith.constant 16 : i32
          %mul3A_467 = arith.muli %mul3A_466, %scan3A_75 : i32
          %get3A_468 = arith.constant 43 : i32
          %get3A_469 = arith.index_cast %get3A_468 : i32 to index
          %get3A_470 = arith.index_cast %mul3A_467 : i32 to index
          %get3A_471 = tpu.vector_load %arg5[%get3A_469, %get3A_470] {strides = array<i32>} : memref<64x256xf32, #tpu.memory_space<vmem>>, vector<16xf32>,
          %add3A_472 = arith.constant 43 : i32
          %add3A_473 = vector.broadcast %add3A_472 : i32 to vector<16xi32>
          %add3A_474 = arith.addi %add3A_79, %add3A_473 : vector<16xi32>
          tpu.vector_store_idx %arg7[%add3A_474], %get3A_471 : memref<16384xf32, #tpu.memory_space<vmem>>[vector<16xi32>], vector<16xf32>,
          %mul3A_475 = arith.constant 16 : i32
          %mul3A_476 = arith.muli %mul3A_475, %scan3A_75 : i32
          %get3A_477 = arith.constant 44 : i32
          %get3A_478 = arith.index_cast %get3A_477 : i32 to index
          %get3A_479 = arith.index_cast %mul3A_476 : i32 to index
          %get3A_480 = tpu.vector_load %arg5[%get3A_478, %get3A_479] {strides = array<i32>} : memref<64x256xf32, #tpu.memory_space<vmem>>, vector<16xf32>,
          %add3A_481 = arith.constant 44 : i32
          %add3A_482 = vector.broadcast %add3A_481 : i32 to vector<16xi32>
          %add3A_483 = arith.addi %add3A_79, %add3A_482 : vector<16xi32>
          tpu.vector_store_idx %arg7[%add3A_483], %get3A_480 : memref<16384xf32, #tpu.memory_space<vmem>>[vector<16xi32>], vector<16xf32>,
          %mul3A_484 = arith.constant 16 : i32
          %mul3A_485 = arith.muli %mul3A_484, %scan3A_75 : i32
          %get3A_486 = arith.constant 45 : i32
          %get3A_487 = arith.index_cast %get3A_486 : i32 to index
          %get3A_488 = arith.index_cast %mul3A_485 : i32 to index
          %get3A_489 = tpu.vector_load %arg5[%get3A_487, %get3A_488] {strides = array<i32>} : memref<64x256xf32, #tpu.memory_space<vmem>>, vector<16xf32>,
          %add3A_490 = arith.constant 45 : i32
          %add3A_491 = vector.broadcast %add3A_490 : i32 to vector<16xi32>
          %add3A_492 = arith.addi %add3A_79, %add3A_491 : vector<16xi32>
          tpu.vector_store_idx %arg7[%add3A_492], %get3A_489 : memref<16384xf32, #tpu.memory_space<vmem>>[vector<16xi32>], vector<16xf32>,
          %mul3A_493 = arith.constant 16 : i32
          %mul3A_494 = arith.muli %mul3A_493, %scan3A_75 : i32
          %get3A_495 = arith.constant 46 : i32
          %get3A_496 = arith.index_cast %get3A_495 : i32 to index
          %get3A_497 = arith.index_cast %mul3A_494 : i32 to index
          %get3A_498 = tpu.vector_load %arg5[%get3A_496, %get3A_497] {strides = array<i32>} : memref<64x256xf32, #tpu.memory_space<vmem>>, vector<16xf32>,
          %add3A_499 = arith.constant 46 : i32
          %add3A_500 = vector.broadcast %add3A_499 : i32 to vector<16xi32>
          %add3A_501 = arith.addi %add3A_79, %add3A_500 : vector<16xi32>
          tpu.vector_store_idx %arg7[%add3A_501], %get3A_498 : memref<16384xf32, #tpu.memory_space<vmem>>[vector<16xi32>], vector<16xf32>,
          %mul3A_502 = arith.constant 16 : i32
          %mul3A_503 = arith.muli %mul3A_502, %scan3A_75 : i32
          %get3A_504 = arith.constant 47 : i32
          %get3A_505 = arith.index_cast %get3A_504 : i32 to index
          %get3A_506 = arith.index_cast %mul3A_503 : i32 to index
          %get3A_507 = tpu.vector_load %arg5[%get3A_505, %get3A_506] {strides = array<i32>} : memref<64x256xf32, #tpu.memory_space<vmem>>, vector<16xf32>,
          %add3A_508 = arith.constant 47 : i32
          %add3A_509 = vector.broadcast %add3A_508 : i32 to vector<16xi32>
          %add3A_510 = arith.addi %add3A_79, %add3A_509 : vector<16xi32>
          tpu.vector_store_idx %arg7[%add3A_510], %get3A_507 : memref<16384xf32, #tpu.memory_space<vmem>>[vector<16xi32>], vector<16xf32>,
          %mul3A_511 = arith.constant 16 : i32
          %mul3A_512 = arith.muli %mul3A_511, %scan3A_75 : i32
          %get3A_513 = arith.constant 48 : i32
          %get3A_514 = arith.index_cast %get3A_513 : i32 to index
          %get3A_515 = arith.index_cast %mul3A_512 : i32 to index
          %get3A_516 = tpu.vector_load %arg5[%get3A_514, %get3A_515] {strides = array<i32>} : memref<64x256xf32, #tpu.memory_space<vmem>>, vector<16xf32>,
          %add3A_517 = arith.constant 48 : i32
          %add3A_518 = vector.broadcast %add3A_517 : i32 to vector<16xi32>
          %add3A_519 = arith.addi %add3A_79, %add3A_518 : vector<16xi32>
          tpu.vector_store_idx %arg7[%add3A_519], %get3A_516 : memref<16384xf32, #tpu.memory_space<vmem>>[vector<16xi32>], vector<16xf32>,
          %mul3A_520 = arith.constant 16 : i32
          %mul3A_521 = arith.muli %mul3A_520, %scan3A_75 : i32
          %get3A_522 = arith.constant 49 : i32
          %get3A_523 = arith.index_cast %get3A_522 : i32 to index
          %get3A_524 = arith.index_cast %mul3A_521 : i32 to index
          %get3A_525 = tpu.vector_load %arg5[%get3A_523, %get3A_524] {strides = array<i32>} : memref<64x256xf32, #tpu.memory_space<vmem>>, vector<16xf32>,
          %add3A_526 = arith.constant 49 : i32
          %add3A_527 = vector.broadcast %add3A_526 : i32 to vector<16xi32>
          %add3A_528 = arith.addi %add3A_79, %add3A_527 : vector<16xi32>
          tpu.vector_store_idx %arg7[%add3A_528], %get3A_525 : memref<16384xf32, #tpu.memory_space<vmem>>[vector<16xi32>], vector<16xf32>,
          %mul3A_529 = arith.constant 16 : i32
          %mul3A_530 = arith.muli %mul3A_529, %scan3A_75 : i32
          %get3A_531 = arith.constant 50 : i32
          %get3A_532 = arith.index_cast %get3A_531 : i32 to index
          %get3A_533 = arith.index_cast %mul3A_530 : i32 to index
          %get3A_534 = tpu.vector_load %arg5[%get3A_532, %get3A_533] {strides = array<i32>} : memref<64x256xf32, #tpu.memory_space<vmem>>, vector<16xf32>,
          %add3A_535 = arith.constant 50 : i32
          %add3A_536 = vector.broadcast %add3A_535 : i32 to vector<16xi32>
          %add3A_537 = arith.addi %add3A_79, %add3A_536 : vector<16xi32>
          tpu.vector_store_idx %arg7[%add3A_537], %get3A_534 : memref<16384xf32, #tpu.memory_space<vmem>>[vector<16xi32>], vector<16xf32>,
          %mul3A_538 = arith.constant 16 : i32
          %mul3A_539 = arith.muli %mul3A_538, %scan3A_75 : i32
          %get3A_540 = arith.constant 51 : i32
          %get3A_541 = arith.index_cast %get3A_540 : i32 to index
          %get3A_542 = arith.index_cast %mul3A_539 : i32 to index
          %get3A_543 = tpu.vector_load %arg5[%get3A_541, %get3A_542] {strides = array<i32>} : memref<64x256xf32, #tpu.memory_space<vmem>>, vector<16xf32>,
          %add3A_544 = arith.constant 51 : i32
          %add3A_545 = vector.broadcast %add3A_544 : i32 to vector<16xi32>
          %add3A_546 = arith.addi %add3A_79, %add3A_545 : vector<16xi32>
          tpu.vector_store_idx %arg7[%add3A_546], %get3A_543 : memref<16384xf32, #tpu.memory_space<vmem>>[vector<16xi32>], vector<16xf32>,
          %mul3A_547 = arith.constant 16 : i32
          %mul3A_548 = arith.muli %mul3A_547, %scan3A_75 : i32
          %get3A_549 = arith.constant 52 : i32
          %get3A_550 = arith.index_cast %get3A_549 : i32 to index
          %get3A_551 = arith.index_cast %mul3A_548 : i32 to index
          %get3A_552 = tpu.vector_load %arg5[%get3A_550, %get3A_551] {strides = array<i32>} : memref<64x256xf32, #tpu.memory_space<vmem>>, vector<16xf32>,
          %add3A_553 = arith.constant 52 : i32
          %add3A_554 = vector.broadcast %add3A_553 : i32 to vector<16xi32>
          %add3A_555 = arith.addi %add3A_79, %add3A_554 : vector<16xi32>
          tpu.vector_store_idx %arg7[%add3A_555], %get3A_552 : memref<16384xf32, #tpu.memory_space<vmem>>[vector<16xi32>], vector<16xf32>,
          %mul3A_556 = arith.constant 16 : i32
          %mul3A_557 = arith.muli %mul3A_556, %scan3A_75 : i32
          %get3A_558 = arith.constant 53 : i32
          %get3A_559 = arith.index_cast %get3A_558 : i32 to index
          %get3A_560 = arith.index_cast %mul3A_557 : i32 to index
          %get3A_561 = tpu.vector_load %arg5[%get3A_559, %get3A_560] {strides = array<i32>} : memref<64x256xf32, #tpu.memory_space<vmem>>, vector<16xf32>,
          %add3A_562 = arith.constant 53 : i32
          %add3A_563 = vector.broadcast %add3A_562 : i32 to vector<16xi32>
          %add3A_564 = arith.addi %add3A_79, %add3A_563 : vector<16xi32>
          tpu.vector_store_idx %arg7[%add3A_564], %get3A_561 : memref<16384xf32, #tpu.memory_space<vmem>>[vector<16xi32>], vector<16xf32>,
          %mul3A_565 = arith.constant 16 : i32
          %mul3A_566 = arith.muli %mul3A_565, %scan3A_75 : i32
          %get3A_567 = arith.constant 54 : i32
          %get3A_568 = arith.index_cast %get3A_567 : i32 to index
          %get3A_569 = arith.index_cast %mul3A_566 : i32 to index
          %get3A_570 = tpu.vector_load %arg5[%get3A_568, %get3A_569] {strides = array<i32>} : memref<64x256xf32, #tpu.memory_space<vmem>>, vector<16xf32>,
          %add3A_571 = arith.constant 54 : i32
          %add3A_572 = vector.broadcast %add3A_571 : i32 to vector<16xi32>
          %add3A_573 = arith.addi %add3A_79, %add3A_572 : vector<16xi32>
          tpu.vector_store_idx %arg7[%add3A_573], %get3A_570 : memref<16384xf32, #tpu.memory_space<vmem>>[vector<16xi32>], vector<16xf32>,
          %mul3A_574 = arith.constant 16 : i32
          %mul3A_575 = arith.muli %mul3A_574, %scan3A_75 : i32
          %get3A_576 = arith.constant 55 : i32
          %get3A_577 = arith.index_cast %get3A_576 : i32 to index
          %get3A_578 = arith.index_cast %mul3A_575 : i32 to index
          %get3A_579 = tpu.vector_load %arg5[%get3A_577, %get3A_578] {strides = array<i32>} : memref<64x256xf32, #tpu.memory_space<vmem>>, vector<16xf32>,
          %add3A_580 = arith.constant 55 : i32
          %add3A_581 = vector.broadcast %add3A_580 : i32 to vector<16xi32>
          %add3A_582 = arith.addi %add3A_79, %add3A_581 : vector<16xi32>
          tpu.vector_store_idx %arg7[%add3A_582], %get3A_579 : memref<16384xf32, #tpu.memory_space<vmem>>[vector<16xi32>], vector<16xf32>,
          %mul3A_583 = arith.constant 16 : i32
          %mul3A_584 = arith.muli %mul3A_583, %scan3A_75 : i32
          %get3A_585 = arith.constant 56 : i32
          %get3A_586 = arith.index_cast %get3A_585 : i32 to index
          %get3A_587 = arith.index_cast %mul3A_584 : i32 to index
          %get3A_588 = tpu.vector_load %arg5[%get3A_586, %get3A_587] {strides = array<i32>} : memref<64x256xf32, #tpu.memory_space<vmem>>, vector<16xf32>,
          %add3A_589 = arith.constant 56 : i32
          %add3A_590 = vector.broadcast %add3A_589 : i32 to vector<16xi32>
          %add3A_591 = arith.addi %add3A_79, %add3A_590 : vector<16xi32>
          tpu.vector_store_idx %arg7[%add3A_591], %get3A_588 : memref<16384xf32, #tpu.memory_space<vmem>>[vector<16xi32>], vector<16xf32>,
          %mul3A_592 = arith.constant 16 : i32
          %mul3A_593 = arith.muli %mul3A_592, %scan3A_75 : i32
          %get3A_594 = arith.constant 57 : i32
          %get3A_595 = arith.index_cast %get3A_594 : i32 to index
          %get3A_596 = arith.index_cast %mul3A_593 : i32 to index
          %get3A_597 = tpu.vector_load %arg5[%get3A_595, %get3A_596] {strides = array<i32>} : memref<64x256xf32, #tpu.memory_space<vmem>>, vector<16xf32>,
          %add3A_598 = arith.constant 57 : i32
          %add3A_599 = vector.broadcast %add3A_598 : i32 to vector<16xi32>
          %add3A_600 = arith.addi %add3A_79, %add3A_599 : vector<16xi32>
          tpu.vector_store_idx %arg7[%add3A_600], %get3A_597 : memref<16384xf32, #tpu.memory_space<vmem>>[vector<16xi32>], vector<16xf32>,
          %mul3A_601 = arith.constant 16 : i32
          %mul3A_602 = arith.muli %mul3A_601, %scan3A_75 : i32
          %get3A_603 = arith.constant 58 : i32
          %get3A_604 = arith.index_cast %get3A_603 : i32 to index
          %get3A_605 = arith.index_cast %mul3A_602 : i32 to index
          %get3A_606 = tpu.vector_load %arg5[%get3A_604, %get3A_605] {strides = array<i32>} : memref<64x256xf32, #tpu.memory_space<vmem>>, vector<16xf32>,
          %add3A_607 = arith.constant 58 : i32
          %add3A_608 = vector.broadcast %add3A_607 : i32 to vector<16xi32>
          %add3A_609 = arith.addi %add3A_79, %add3A_608 : vector<16xi32>
          tpu.vector_store_idx %arg7[%add3A_609], %get3A_606 : memref<16384xf32, #tpu.memory_space<vmem>>[vector<16xi32>], vector<16xf32>,
          %mul3A_610 = arith.constant 16 : i32
          %mul3A_611 = arith.muli %mul3A_610, %scan3A_75 : i32
          %get3A_612 = arith.constant 59 : i32
          %get3A_613 = arith.index_cast %get3A_612 : i32 to index
          %get3A_614 = arith.index_cast %mul3A_611 : i32 to index
          %get3A_615 = tpu.vector_load %arg5[%get3A_613, %get3A_614] {strides = array<i32>} : memref<64x256xf32, #tpu.memory_space<vmem>>, vector<16xf32>,
          %add3A_616 = arith.constant 59 : i32
          %add3A_617 = vector.broadcast %add3A_616 : i32 to vector<16xi32>
          %add3A_618 = arith.addi %add3A_79, %add3A_617 : vector<16xi32>
          tpu.vector_store_idx %arg7[%add3A_618], %get3A_615 : memref<16384xf32, #tpu.memory_space<vmem>>[vector<16xi32>], vector<16xf32>,
          %mul3A_619 = arith.constant 16 : i32
          %mul3A_620 = arith.muli %mul3A_619, %scan3A_75 : i32
          %get3A_621 = arith.constant 60 : i32
          %get3A_622 = arith.index_cast %get3A_621 : i32 to index
          %get3A_623 = arith.index_cast %mul3A_620 : i32 to index
          %get3A_624 = tpu.vector_load %arg5[%get3A_622, %get3A_623] {strides = array<i32>} : memref<64x256xf32, #tpu.memory_space<vmem>>, vector<16xf32>,
          %add3A_625 = arith.constant 60 : i32
          %add3A_626 = vector.broadcast %add3A_625 : i32 to vector<16xi32>
          %add3A_627 = arith.addi %add3A_79, %add3A_626 : vector<16xi32>
          tpu.vector_store_idx %arg7[%add3A_627], %get3A_624 : memref<16384xf32, #tpu.memory_space<vmem>>[vector<16xi32>], vector<16xf32>,
          %mul3A_628 = arith.constant 16 : i32
          %mul3A_629 = arith.muli %mul3A_628, %scan3A_75 : i32
          %get3A_630 = arith.constant 61 : i32
          %get3A_631 = arith.index_cast %get3A_630 : i32 to index
          %get3A_632 = arith.index_cast %mul3A_629 : i32 to index
          %get3A_633 = tpu.vector_load %arg5[%get3A_631, %get3A_632] {strides = array<i32>} : memref<64x256xf32, #tpu.memory_space<vmem>>, vector<16xf32>,
          %add3A_634 = arith.constant 61 : i32
          %add3A_635 = vector.broadcast %add3A_634 : i32 to vector<16xi32>
          %add3A_636 = arith.addi %add3A_79, %add3A_635 : vector<16xi32>
          tpu.vector_store_idx %arg7[%add3A_636], %get3A_633 : memref<16384xf32, #tpu.memory_space<vmem>>[vector<16xi32>], vector<16xf32>,
          %mul3A_637 = arith.constant 16 : i32
          %mul3A_638 = arith.muli %mul3A_637, %scan3A_75 : i32
          %get3A_639 = arith.constant 62 : i32
          %get3A_640 = arith.index_cast %get3A_639 : i32 to index
          %get3A_641 = arith.index_cast %mul3A_638 : i32 to index
          %get3A_642 = tpu.vector_load %arg5[%get3A_640, %get3A_641] {strides = array<i32>} : memref<64x256xf32, #tpu.memory_space<vmem>>, vector<16xf32>,
          %add3A_643 = arith.constant 62 : i32
          %add3A_644 = vector.broadcast %add3A_643 : i32 to vector<16xi32>
          %add3A_645 = arith.addi %add3A_79, %add3A_644 : vector<16xi32>
          tpu.vector_store_idx %arg7[%add3A_645], %get3A_642 : memref<16384xf32, #tpu.memory_space<vmem>>[vector<16xi32>], vector<16xf32>,
          %mul3A_646 = arith.constant 16 : i32
          %mul3A_647 = arith.muli %mul3A_646, %scan3A_75 : i32
          %get3A_648 = arith.constant 63 : i32
          %get3A_649 = arith.index_cast %get3A_648 : i32 to index
          %get3A_650 = arith.index_cast %mul3A_647 : i32 to index
          %get3A_651 = tpu.vector_load %arg5[%get3A_649, %get3A_650] {strides = array<i32>} : memref<64x256xf32, #tpu.memory_space<vmem>>, vector<16xf32>,
          %add3A_652 = arith.constant 63 : i32
          %add3A_653 = vector.broadcast %add3A_652 : i32 to vector<16xi32>
          %add3A_654 = arith.addi %add3A_79, %add3A_653 : vector<16xi32>
          tpu.vector_store_idx %arg7[%add3A_654], %get3A_651 : memref<16384xf32, #tpu.memory_space<vmem>>[vector<16xi32>], vector<16xf32>,
        }
        %scan3A_67 = arith.constant 16 : i32
        %mul3A_68 = arith.constant 32 : i32
        %mul3A_69 = arith.muli %mul3A_68, %add3A_33 : i32
        %add3A_70 = arith.addi %add3A, %mul3A_69 : i32
        %mul3A_71 = arith.constant 16384 : i32
        %mul3A_72 = arith.muli %add3A_70, %mul3A_71 : i32
        %dma_start3A_73 = tpu.memref_slice %arg4[%mul3A_72] : memref<64000000xf32, #tpu.memory_space<hbm>> -> memref<16384xf32, #tpu.memory_space<hbm>>
        %dma_start3A_74 = tpu.memref_slice %arg4[%mul3A_72] : memref<64000000xf32, #tpu.memory_space<hbm>> -> memref<16384xf32, #tpu.memory_space<hbm>>
        tpu.enqueue_dma source(%arg7 : memref<16384xf32, #tpu.memory_space<vmem>>) target(%dma_start3A_74 : memref<16384xf32, #tpu.memory_space<hbm>>) target_semaphore(%arg11 : memref<!tpu.dma_semaphore, #tpu.memory_space<semaphore_mem>>)
      } else {
      }
      %mul3A_38 = arith.constant 2 : i32
      %mul3A_39 = arith.muli %mul3A_38, %scan3A_29 : i32
      %add3A_40 = arith.constant 1 : i32
      %add3A_41 = arith.addi %mul3A_39, %add3A_40 : i32
      %lt3A_42 = arith.cmpi slt, %add3A_41, %add3A_3 : i32
      %convert_element_type3A_43 = arith.extui %lt3A_42 : i1 to i32
      %cond3A_44 = arith.constant 0 : i32
      %cond3A_45 = arith.cmpi ne, %convert_element_type3A_43, %cond3A_44 : i32
      scf.if %cond3A_45 {
        %dma_wait3A_46 = arith.constant 0 : i32
        %dma_wait3A_47 = arith.constant 0 : i32
        %dma_wait3A_48 = tpu.memref_slice %arg2[%dma_wait3A_46, %dma_wait3A_47] : memref<64x1000000xf32, #tpu.memory_space<hbm>> -> memref<64x256xf32, #tpu.memory_space<hbm>>
        %dma_wait3A_49 = arith.constant 0 : i32
        %dma_wait3A_50 = arith.constant 0 : i32
        %dma_wait3A_51 = tpu.memref_slice %arg2[%dma_wait3A_49, %dma_wait3A_50] : memref<64x1000000xf32, #tpu.memory_space<hbm>> -> memref<64x256xf32, #tpu.memory_space<hbm>>
        tpu.wait_dma2 semaphore(%arg10 : memref<!tpu.dma_semaphore, #tpu.memory_space<semaphore_mem>>) src(%dma_wait3A_51 : memref<64x256xf32, #tpu.memory_space<hbm>>) dst(%arg6 : memref<64x256xf32, #tpu.memory_space<vmem>>)
        %add3A_52 = arith.constant 1 : i32
        %add3A_53 = arith.addi %add3A_41, %add3A_52 : i32
        %lt3A_54 = arith.cmpi slt, %add3A_53, %add3A_3 : i32
        %convert_element_type3A_55 = arith.extui %lt3A_54 : i1 to i32
        %cond3A_56 = arith.constant 0 : i32
        %cond3A_57 = arith.cmpi ne, %convert_element_type3A_55, %cond3A_56 : i32
        scf.if %cond3A_57 {
          %add3A_75 = arith.constant 1 : i32
          %add3A_76 = arith.addi %add3A_41, %add3A_75 : i32
          %mul3A_77 = arith.constant 32 : i32
          %mul3A_78 = arith.muli %mul3A_77, %add3A_76 : i32
          %add3A_79 = arith.addi %add3A, %mul3A_78 : i32
          %mul3A_80 = arith.constant 256 : i32
          %mul3A_81 = arith.muli %add3A_79, %mul3A_80 : i32
          %dma_start3A_82 = arith.constant 0 : i32
          %dma_start3A_83 = tpu.memref_slice %arg2[%dma_start3A_82, %mul3A_81] : memref<64x1000000xf32, #tpu.memory_space<hbm>> -> memref<64x256xf32, #tpu.memory_space<hbm>>
          %dma_start3A_84 = arith.constant 0 : i32
          %dma_start3A_85 = tpu.memref_slice %arg2[%dma_start3A_84, %mul3A_81] : memref<64x1000000xf32, #tpu.memory_space<hbm>> -> memref<64x256xf32, #tpu.memory_space<hbm>>
          tpu.enqueue_dma source(%dma_start3A_85 : memref<64x256xf32, #tpu.memory_space<hbm>>) target(%arg5 : memref<64x256xf32, #tpu.memory_space<vmem>>) target_semaphore(%arg9 : memref<!tpu.dma_semaphore, #tpu.memory_space<semaphore_mem>>)
        } else {
        }
        %ge3A = arith.constant 2 : i32
        %ge3A_58 = arith.cmpi sge, %add3A_41, %ge3A : i32
        %convert_element_type3A_59 = arith.extui %ge3A_58 : i1 to i32
        %cond3A_60 = arith.constant 0 : i32
        %cond3A_61 = arith.cmpi ne, %convert_element_type3A_59, %cond3A_60 : i32
        scf.if %cond3A_61 {
          %dma_wait3A_75 = arith.constant 0 : i32
          %dma_wait3A_76 = tpu.memref_slice %arg4[%dma_wait3A_75] : memref<64000000xf32, #tpu.memory_space<hbm>> -> memref<16384xf32, #tpu.memory_space<hbm>>
          %dma_wait3A_77 = arith.constant 0 : i32
          %dma_wait3A_78 = tpu.memref_slice %arg4[%dma_wait3A_77] : memref<64000000xf32, #tpu.memory_space<hbm>> -> memref<16384xf32, #tpu.memory_space<hbm>>
          tpu.wait_dma2 semaphore(%arg12 : memref<!tpu.dma_semaphore, #tpu.memory_space<semaphore_mem>>) src(%arg8 : memref<16384xf32, #tpu.memory_space<vmem>>) dst(%dma_wait3A_78 : memref<16384xf32, #tpu.memory_space<hbm>>)
        } else {
        }
        %scan3A_62 = arith.constant 0 : i32
        %scan3A_63 = arith.constant 0 : i32
        %scan3A_64 = arith.constant 16 : i32
        %scan3A_65 = arith.addi %scan3A_63, %scan3A_64 : i32
        %scan3A_66 = arith.constant 1 : i32
        scf.for %scan3A_75 = %scan3A_63 to %scan3A_65 step %scan3A_66  : i32 {
          %mul3A_76 = arith.constant 1024 : i32
          %mul3A_77 = arith.muli %mul3A_76, %scan3A_75 : i32
          %add3A_78 = vector.broadcast %mul3A_77 : i32 to vector<16xi32>
          %add3A_79 = arith.addi %mul3A_6, %add3A_78 : vector<16xi32>
          %mul3A_80 = arith.constant 16 : i32
          %mul3A_81 = arith.muli %mul3A_80, %scan3A_75 : i32
          %get3A = arith.constant 0 : i32
          %get3A_82 = arith.index_cast %get3A : i32 to index
          %get3A_83 = arith.index_cast %mul3A_81 : i32 to index
          %get3A_84 = tpu.vector_load %arg6[%get3A_82, %get3A_83] {strides = array<i32>} : memref<64x256xf32, #tpu.memory_space<vmem>>, vector<16xf32>,
          %add3A_85 = arith.constant 0 : i32
          %add3A_86 = vector.broadcast %add3A_85 : i32 to vector<16xi32>
          %add3A_87 = arith.addi %add3A_79, %add3A_86 : vector<16xi32>
          tpu.vector_store_idx %arg8[%add3A_87], %get3A_84 : memref<16384xf32, #tpu.memory_space<vmem>>[vector<16xi32>], vector<16xf32>,
          %mul3A_88 = arith.constant 16 : i32
          %mul3A_89 = arith.muli %mul3A_88, %scan3A_75 : i32
          %get3A_90 = arith.constant 1 : i32
          %get3A_91 = arith.index_cast %get3A_90 : i32 to index
          %get3A_92 = arith.index_cast %mul3A_89 : i32 to index
          %get3A_93 = tpu.vector_load %arg6[%get3A_91, %get3A_92] {strides = array<i32>} : memref<64x256xf32, #tpu.memory_space<vmem>>, vector<16xf32>,
          %add3A_94 = arith.constant 1 : i32
          %add3A_95 = vector.broadcast %add3A_94 : i32 to vector<16xi32>
          %add3A_96 = arith.addi %add3A_79, %add3A_95 : vector<16xi32>
          tpu.vector_store_idx %arg8[%add3A_96], %get3A_93 : memref<16384xf32, #tpu.memory_space<vmem>>[vector<16xi32>], vector<16xf32>,
          %mul3A_97 = arith.constant 16 : i32
          %mul3A_98 = arith.muli %mul3A_97, %scan3A_75 : i32
          %get3A_99 = arith.constant 2 : i32
          %get3A_100 = arith.index_cast %get3A_99 : i32 to index
          %get3A_101 = arith.index_cast %mul3A_98 : i32 to index
          %get3A_102 = tpu.vector_load %arg6[%get3A_100, %get3A_101] {strides = array<i32>} : memref<64x256xf32, #tpu.memory_space<vmem>>, vector<16xf32>,
          %add3A_103 = arith.constant 2 : i32
          %add3A_104 = vector.broadcast %add3A_103 : i32 to vector<16xi32>
          %add3A_105 = arith.addi %add3A_79, %add3A_104 : vector<16xi32>
          tpu.vector_store_idx %arg8[%add3A_105], %get3A_102 : memref<16384xf32, #tpu.memory_space<vmem>>[vector<16xi32>], vector<16xf32>,
          %mul3A_106 = arith.constant 16 : i32
          %mul3A_107 = arith.muli %mul3A_106, %scan3A_75 : i32
          %get3A_108 = arith.constant 3 : i32
          %get3A_109 = arith.index_cast %get3A_108 : i32 to index
          %get3A_110 = arith.index_cast %mul3A_107 : i32 to index
          %get3A_111 = tpu.vector_load %arg6[%get3A_109, %get3A_110] {strides = array<i32>} : memref<64x256xf32, #tpu.memory_space<vmem>>, vector<16xf32>,
          %add3A_112 = arith.constant 3 : i32
          %add3A_113 = vector.broadcast %add3A_112 : i32 to vector<16xi32>
          %add3A_114 = arith.addi %add3A_79, %add3A_113 : vector<16xi32>
          tpu.vector_store_idx %arg8[%add3A_114], %get3A_111 : memref<16384xf32, #tpu.memory_space<vmem>>[vector<16xi32>], vector<16xf32>,
          %mul3A_115 = arith.constant 16 : i32
          %mul3A_116 = arith.muli %mul3A_115, %scan3A_75 : i32
          %get3A_117 = arith.constant 4 : i32
          %get3A_118 = arith.index_cast %get3A_117 : i32 to index
          %get3A_119 = arith.index_cast %mul3A_116 : i32 to index
          %get3A_120 = tpu.vector_load %arg6[%get3A_118, %get3A_119] {strides = array<i32>} : memref<64x256xf32, #tpu.memory_space<vmem>>, vector<16xf32>,
          %add3A_121 = arith.constant 4 : i32
          %add3A_122 = vector.broadcast %add3A_121 : i32 to vector<16xi32>
          %add3A_123 = arith.addi %add3A_79, %add3A_122 : vector<16xi32>
          tpu.vector_store_idx %arg8[%add3A_123], %get3A_120 : memref<16384xf32, #tpu.memory_space<vmem>>[vector<16xi32>], vector<16xf32>,
          %mul3A_124 = arith.constant 16 : i32
          %mul3A_125 = arith.muli %mul3A_124, %scan3A_75 : i32
          %get3A_126 = arith.constant 5 : i32
          %get3A_127 = arith.index_cast %get3A_126 : i32 to index
          %get3A_128 = arith.index_cast %mul3A_125 : i32 to index
          %get3A_129 = tpu.vector_load %arg6[%get3A_127, %get3A_128] {strides = array<i32>} : memref<64x256xf32, #tpu.memory_space<vmem>>, vector<16xf32>,
          %add3A_130 = arith.constant 5 : i32
          %add3A_131 = vector.broadcast %add3A_130 : i32 to vector<16xi32>
          %add3A_132 = arith.addi %add3A_79, %add3A_131 : vector<16xi32>
          tpu.vector_store_idx %arg8[%add3A_132], %get3A_129 : memref<16384xf32, #tpu.memory_space<vmem>>[vector<16xi32>], vector<16xf32>,
          %mul3A_133 = arith.constant 16 : i32
          %mul3A_134 = arith.muli %mul3A_133, %scan3A_75 : i32
          %get3A_135 = arith.constant 6 : i32
          %get3A_136 = arith.index_cast %get3A_135 : i32 to index
          %get3A_137 = arith.index_cast %mul3A_134 : i32 to index
          %get3A_138 = tpu.vector_load %arg6[%get3A_136, %get3A_137] {strides = array<i32>} : memref<64x256xf32, #tpu.memory_space<vmem>>, vector<16xf32>,
          %add3A_139 = arith.constant 6 : i32
          %add3A_140 = vector.broadcast %add3A_139 : i32 to vector<16xi32>
          %add3A_141 = arith.addi %add3A_79, %add3A_140 : vector<16xi32>
          tpu.vector_store_idx %arg8[%add3A_141], %get3A_138 : memref<16384xf32, #tpu.memory_space<vmem>>[vector<16xi32>], vector<16xf32>,
          %mul3A_142 = arith.constant 16 : i32
          %mul3A_143 = arith.muli %mul3A_142, %scan3A_75 : i32
          %get3A_144 = arith.constant 7 : i32
          %get3A_145 = arith.index_cast %get3A_144 : i32 to index
          %get3A_146 = arith.index_cast %mul3A_143 : i32 to index
          %get3A_147 = tpu.vector_load %arg6[%get3A_145, %get3A_146] {strides = array<i32>} : memref<64x256xf32, #tpu.memory_space<vmem>>, vector<16xf32>,
          %add3A_148 = arith.constant 7 : i32
          %add3A_149 = vector.broadcast %add3A_148 : i32 to vector<16xi32>
          %add3A_150 = arith.addi %add3A_79, %add3A_149 : vector<16xi32>
          tpu.vector_store_idx %arg8[%add3A_150], %get3A_147 : memref<16384xf32, #tpu.memory_space<vmem>>[vector<16xi32>], vector<16xf32>,
          %mul3A_151 = arith.constant 16 : i32
          %mul3A_152 = arith.muli %mul3A_151, %scan3A_75 : i32
          %get3A_153 = arith.constant 8 : i32
          %get3A_154 = arith.index_cast %get3A_153 : i32 to index
          %get3A_155 = arith.index_cast %mul3A_152 : i32 to index
          %get3A_156 = tpu.vector_load %arg6[%get3A_154, %get3A_155] {strides = array<i32>} : memref<64x256xf32, #tpu.memory_space<vmem>>, vector<16xf32>,
          %add3A_157 = arith.constant 8 : i32
          %add3A_158 = vector.broadcast %add3A_157 : i32 to vector<16xi32>
          %add3A_159 = arith.addi %add3A_79, %add3A_158 : vector<16xi32>
          tpu.vector_store_idx %arg8[%add3A_159], %get3A_156 : memref<16384xf32, #tpu.memory_space<vmem>>[vector<16xi32>], vector<16xf32>,
          %mul3A_160 = arith.constant 16 : i32
          %mul3A_161 = arith.muli %mul3A_160, %scan3A_75 : i32
          %get3A_162 = arith.constant 9 : i32
          %get3A_163 = arith.index_cast %get3A_162 : i32 to index
          %get3A_164 = arith.index_cast %mul3A_161 : i32 to index
          %get3A_165 = tpu.vector_load %arg6[%get3A_163, %get3A_164] {strides = array<i32>} : memref<64x256xf32, #tpu.memory_space<vmem>>, vector<16xf32>,
          %add3A_166 = arith.constant 9 : i32
          %add3A_167 = vector.broadcast %add3A_166 : i32 to vector<16xi32>
          %add3A_168 = arith.addi %add3A_79, %add3A_167 : vector<16xi32>
          tpu.vector_store_idx %arg8[%add3A_168], %get3A_165 : memref<16384xf32, #tpu.memory_space<vmem>>[vector<16xi32>], vector<16xf32>,
          %mul3A_169 = arith.constant 16 : i32
          %mul3A_170 = arith.muli %mul3A_169, %scan3A_75 : i32
          %get3A_171 = arith.constant 10 : i32
          %get3A_172 = arith.index_cast %get3A_171 : i32 to index
          %get3A_173 = arith.index_cast %mul3A_170 : i32 to index
          %get3A_174 = tpu.vector_load %arg6[%get3A_172, %get3A_173] {strides = array<i32>} : memref<64x256xf32, #tpu.memory_space<vmem>>, vector<16xf32>,
          %add3A_175 = arith.constant 10 : i32
          %add3A_176 = vector.broadcast %add3A_175 : i32 to vector<16xi32>
          %add3A_177 = arith.addi %add3A_79, %add3A_176 : vector<16xi32>
          tpu.vector_store_idx %arg8[%add3A_177], %get3A_174 : memref<16384xf32, #tpu.memory_space<vmem>>[vector<16xi32>], vector<16xf32>,
          %mul3A_178 = arith.constant 16 : i32
          %mul3A_179 = arith.muli %mul3A_178, %scan3A_75 : i32
          %get3A_180 = arith.constant 11 : i32
          %get3A_181 = arith.index_cast %get3A_180 : i32 to index
          %get3A_182 = arith.index_cast %mul3A_179 : i32 to index
          %get3A_183 = tpu.vector_load %arg6[%get3A_181, %get3A_182] {strides = array<i32>} : memref<64x256xf32, #tpu.memory_space<vmem>>, vector<16xf32>,
          %add3A_184 = arith.constant 11 : i32
          %add3A_185 = vector.broadcast %add3A_184 : i32 to vector<16xi32>
          %add3A_186 = arith.addi %add3A_79, %add3A_185 : vector<16xi32>
          tpu.vector_store_idx %arg8[%add3A_186], %get3A_183 : memref<16384xf32, #tpu.memory_space<vmem>>[vector<16xi32>], vector<16xf32>,
          %mul3A_187 = arith.constant 16 : i32
          %mul3A_188 = arith.muli %mul3A_187, %scan3A_75 : i32
          %get3A_189 = arith.constant 12 : i32
          %get3A_190 = arith.index_cast %get3A_189 : i32 to index
          %get3A_191 = arith.index_cast %mul3A_188 : i32 to index
          %get3A_192 = tpu.vector_load %arg6[%get3A_190, %get3A_191] {strides = array<i32>} : memref<64x256xf32, #tpu.memory_space<vmem>>, vector<16xf32>,
          %add3A_193 = arith.constant 12 : i32
          %add3A_194 = vector.broadcast %add3A_193 : i32 to vector<16xi32>
          %add3A_195 = arith.addi %add3A_79, %add3A_194 : vector<16xi32>
          tpu.vector_store_idx %arg8[%add3A_195], %get3A_192 : memref<16384xf32, #tpu.memory_space<vmem>>[vector<16xi32>], vector<16xf32>,
          %mul3A_196 = arith.constant 16 : i32
          %mul3A_197 = arith.muli %mul3A_196, %scan3A_75 : i32
          %get3A_198 = arith.constant 13 : i32
          %get3A_199 = arith.index_cast %get3A_198 : i32 to index
          %get3A_200 = arith.index_cast %mul3A_197 : i32 to index
          %get3A_201 = tpu.vector_load %arg6[%get3A_199, %get3A_200] {strides = array<i32>} : memref<64x256xf32, #tpu.memory_space<vmem>>, vector<16xf32>,
          %add3A_202 = arith.constant 13 : i32
          %add3A_203 = vector.broadcast %add3A_202 : i32 to vector<16xi32>
          %add3A_204 = arith.addi %add3A_79, %add3A_203 : vector<16xi32>
          tpu.vector_store_idx %arg8[%add3A_204], %get3A_201 : memref<16384xf32, #tpu.memory_space<vmem>>[vector<16xi32>], vector<16xf32>,
          %mul3A_205 = arith.constant 16 : i32
          %mul3A_206 = arith.muli %mul3A_205, %scan3A_75 : i32
          %get3A_207 = arith.constant 14 : i32
          %get3A_208 = arith.index_cast %get3A_207 : i32 to index
          %get3A_209 = arith.index_cast %mul3A_206 : i32 to index
          %get3A_210 = tpu.vector_load %arg6[%get3A_208, %get3A_209] {strides = array<i32>} : memref<64x256xf32, #tpu.memory_space<vmem>>, vector<16xf32>,
          %add3A_211 = arith.constant 14 : i32
          %add3A_212 = vector.broadcast %add3A_211 : i32 to vector<16xi32>
          %add3A_213 = arith.addi %add3A_79, %add3A_212 : vector<16xi32>
          tpu.vector_store_idx %arg8[%add3A_213], %get3A_210 : memref<16384xf32, #tpu.memory_space<vmem>>[vector<16xi32>], vector<16xf32>,
          %mul3A_214 = arith.constant 16 : i32
          %mul3A_215 = arith.muli %mul3A_214, %scan3A_75 : i32
          %get3A_216 = arith.constant 15 : i32
          %get3A_217 = arith.index_cast %get3A_216 : i32 to index
          %get3A_218 = arith.index_cast %mul3A_215 : i32 to index
          %get3A_219 = tpu.vector_load %arg6[%get3A_217, %get3A_218] {strides = array<i32>} : memref<64x256xf32, #tpu.memory_space<vmem>>, vector<16xf32>,
          %add3A_220 = arith.constant 15 : i32
          %add3A_221 = vector.broadcast %add3A_220 : i32 to vector<16xi32>
          %add3A_222 = arith.addi %add3A_79, %add3A_221 : vector<16xi32>
          tpu.vector_store_idx %arg8[%add3A_222], %get3A_219 : memref<16384xf32, #tpu.memory_space<vmem>>[vector<16xi32>], vector<16xf32>,
          %mul3A_223 = arith.constant 16 : i32
          %mul3A_224 = arith.muli %mul3A_223, %scan3A_75 : i32
          %get3A_225 = arith.constant 16 : i32
          %get3A_226 = arith.index_cast %get3A_225 : i32 to index
          %get3A_227 = arith.index_cast %mul3A_224 : i32 to index
          %get3A_228 = tpu.vector_load %arg6[%get3A_226, %get3A_227] {strides = array<i32>} : memref<64x256xf32, #tpu.memory_space<vmem>>, vector<16xf32>,
          %add3A_229 = arith.constant 16 : i32
          %add3A_230 = vector.broadcast %add3A_229 : i32 to vector<16xi32>
          %add3A_231 = arith.addi %add3A_79, %add3A_230 : vector<16xi32>
          tpu.vector_store_idx %arg8[%add3A_231], %get3A_228 : memref<16384xf32, #tpu.memory_space<vmem>>[vector<16xi32>], vector<16xf32>,
          %mul3A_232 = arith.constant 16 : i32
          %mul3A_233 = arith.muli %mul3A_232, %scan3A_75 : i32
          %get3A_234 = arith.constant 17 : i32
          %get3A_235 = arith.index_cast %get3A_234 : i32 to index
          %get3A_236 = arith.index_cast %mul3A_233 : i32 to index
          %get3A_237 = tpu.vector_load %arg6[%get3A_235, %get3A_236] {strides = array<i32>} : memref<64x256xf32, #tpu.memory_space<vmem>>, vector<16xf32>,
          %add3A_238 = arith.constant 17 : i32
          %add3A_239 = vector.broadcast %add3A_238 : i32 to vector<16xi32>
          %add3A_240 = arith.addi %add3A_79, %add3A_239 : vector<16xi32>
          tpu.vector_store_idx %arg8[%add3A_240], %get3A_237 : memref<16384xf32, #tpu.memory_space<vmem>>[vector<16xi32>], vector<16xf32>,
          %mul3A_241 = arith.constant 16 : i32
          %mul3A_242 = arith.muli %mul3A_241, %scan3A_75 : i32
          %get3A_243 = arith.constant 18 : i32
          %get3A_244 = arith.index_cast %get3A_243 : i32 to index
          %get3A_245 = arith.index_cast %mul3A_242 : i32 to index
          %get3A_246 = tpu.vector_load %arg6[%get3A_244, %get3A_245] {strides = array<i32>} : memref<64x256xf32, #tpu.memory_space<vmem>>, vector<16xf32>,
          %add3A_247 = arith.constant 18 : i32
          %add3A_248 = vector.broadcast %add3A_247 : i32 to vector<16xi32>
          %add3A_249 = arith.addi %add3A_79, %add3A_248 : vector<16xi32>
          tpu.vector_store_idx %arg8[%add3A_249], %get3A_246 : memref<16384xf32, #tpu.memory_space<vmem>>[vector<16xi32>], vector<16xf32>,
          %mul3A_250 = arith.constant 16 : i32
          %mul3A_251 = arith.muli %mul3A_250, %scan3A_75 : i32
          %get3A_252 = arith.constant 19 : i32
          %get3A_253 = arith.index_cast %get3A_252 : i32 to index
          %get3A_254 = arith.index_cast %mul3A_251 : i32 to index
          %get3A_255 = tpu.vector_load %arg6[%get3A_253, %get3A_254] {strides = array<i32>} : memref<64x256xf32, #tpu.memory_space<vmem>>, vector<16xf32>,
          %add3A_256 = arith.constant 19 : i32
          %add3A_257 = vector.broadcast %add3A_256 : i32 to vector<16xi32>
          %add3A_258 = arith.addi %add3A_79, %add3A_257 : vector<16xi32>
          tpu.vector_store_idx %arg8[%add3A_258], %get3A_255 : memref<16384xf32, #tpu.memory_space<vmem>>[vector<16xi32>], vector<16xf32>,
          %mul3A_259 = arith.constant 16 : i32
          %mul3A_260 = arith.muli %mul3A_259, %scan3A_75 : i32
          %get3A_261 = arith.constant 20 : i32
          %get3A_262 = arith.index_cast %get3A_261 : i32 to index
          %get3A_263 = arith.index_cast %mul3A_260 : i32 to index
          %get3A_264 = tpu.vector_load %arg6[%get3A_262, %get3A_263] {strides = array<i32>} : memref<64x256xf32, #tpu.memory_space<vmem>>, vector<16xf32>,
          %add3A_265 = arith.constant 20 : i32
          %add3A_266 = vector.broadcast %add3A_265 : i32 to vector<16xi32>
          %add3A_267 = arith.addi %add3A_79, %add3A_266 : vector<16xi32>
          tpu.vector_store_idx %arg8[%add3A_267], %get3A_264 : memref<16384xf32, #tpu.memory_space<vmem>>[vector<16xi32>], vector<16xf32>,
          %mul3A_268 = arith.constant 16 : i32
          %mul3A_269 = arith.muli %mul3A_268, %scan3A_75 : i32
          %get3A_270 = arith.constant 21 : i32
          %get3A_271 = arith.index_cast %get3A_270 : i32 to index
          %get3A_272 = arith.index_cast %mul3A_269 : i32 to index
          %get3A_273 = tpu.vector_load %arg6[%get3A_271, %get3A_272] {strides = array<i32>} : memref<64x256xf32, #tpu.memory_space<vmem>>, vector<16xf32>,
          %add3A_274 = arith.constant 21 : i32
          %add3A_275 = vector.broadcast %add3A_274 : i32 to vector<16xi32>
          %add3A_276 = arith.addi %add3A_79, %add3A_275 : vector<16xi32>
          tpu.vector_store_idx %arg8[%add3A_276], %get3A_273 : memref<16384xf32, #tpu.memory_space<vmem>>[vector<16xi32>], vector<16xf32>,
          %mul3A_277 = arith.constant 16 : i32
          %mul3A_278 = arith.muli %mul3A_277, %scan3A_75 : i32
          %get3A_279 = arith.constant 22 : i32
          %get3A_280 = arith.index_cast %get3A_279 : i32 to index
          %get3A_281 = arith.index_cast %mul3A_278 : i32 to index
          %get3A_282 = tpu.vector_load %arg6[%get3A_280, %get3A_281] {strides = array<i32>} : memref<64x256xf32, #tpu.memory_space<vmem>>, vector<16xf32>,
          %add3A_283 = arith.constant 22 : i32
          %add3A_284 = vector.broadcast %add3A_283 : i32 to vector<16xi32>
          %add3A_285 = arith.addi %add3A_79, %add3A_284 : vector<16xi32>
          tpu.vector_store_idx %arg8[%add3A_285], %get3A_282 : memref<16384xf32, #tpu.memory_space<vmem>>[vector<16xi32>], vector<16xf32>,
          %mul3A_286 = arith.constant 16 : i32
          %mul3A_287 = arith.muli %mul3A_286, %scan3A_75 : i32
          %get3A_288 = arith.constant 23 : i32
          %get3A_289 = arith.index_cast %get3A_288 : i32 to index
          %get3A_290 = arith.index_cast %mul3A_287 : i32 to index
          %get3A_291 = tpu.vector_load %arg6[%get3A_289, %get3A_290] {strides = array<i32>} : memref<64x256xf32, #tpu.memory_space<vmem>>, vector<16xf32>,
          %add3A_292 = arith.constant 23 : i32
          %add3A_293 = vector.broadcast %add3A_292 : i32 to vector<16xi32>
          %add3A_294 = arith.addi %add3A_79, %add3A_293 : vector<16xi32>
          tpu.vector_store_idx %arg8[%add3A_294], %get3A_291 : memref<16384xf32, #tpu.memory_space<vmem>>[vector<16xi32>], vector<16xf32>,
          %mul3A_295 = arith.constant 16 : i32
          %mul3A_296 = arith.muli %mul3A_295, %scan3A_75 : i32
          %get3A_297 = arith.constant 24 : i32
          %get3A_298 = arith.index_cast %get3A_297 : i32 to index
          %get3A_299 = arith.index_cast %mul3A_296 : i32 to index
          %get3A_300 = tpu.vector_load %arg6[%get3A_298, %get3A_299] {strides = array<i32>} : memref<64x256xf32, #tpu.memory_space<vmem>>, vector<16xf32>,
          %add3A_301 = arith.constant 24 : i32
          %add3A_302 = vector.broadcast %add3A_301 : i32 to vector<16xi32>
          %add3A_303 = arith.addi %add3A_79, %add3A_302 : vector<16xi32>
          tpu.vector_store_idx %arg8[%add3A_303], %get3A_300 : memref<16384xf32, #tpu.memory_space<vmem>>[vector<16xi32>], vector<16xf32>,
          %mul3A_304 = arith.constant 16 : i32
          %mul3A_305 = arith.muli %mul3A_304, %scan3A_75 : i32
          %get3A_306 = arith.constant 25 : i32
          %get3A_307 = arith.index_cast %get3A_306 : i32 to index
          %get3A_308 = arith.index_cast %mul3A_305 : i32 to index
          %get3A_309 = tpu.vector_load %arg6[%get3A_307, %get3A_308] {strides = array<i32>} : memref<64x256xf32, #tpu.memory_space<vmem>>, vector<16xf32>,
          %add3A_310 = arith.constant 25 : i32
          %add3A_311 = vector.broadcast %add3A_310 : i32 to vector<16xi32>
          %add3A_312 = arith.addi %add3A_79, %add3A_311 : vector<16xi32>
          tpu.vector_store_idx %arg8[%add3A_312], %get3A_309 : memref<16384xf32, #tpu.memory_space<vmem>>[vector<16xi32>], vector<16xf32>,
          %mul3A_313 = arith.constant 16 : i32
          %mul3A_314 = arith.muli %mul3A_313, %scan3A_75 : i32
          %get3A_315 = arith.constant 26 : i32
          %get3A_316 = arith.index_cast %get3A_315 : i32 to index
          %get3A_317 = arith.index_cast %mul3A_314 : i32 to index
          %get3A_318 = tpu.vector_load %arg6[%get3A_316, %get3A_317] {strides = array<i32>} : memref<64x256xf32, #tpu.memory_space<vmem>>, vector<16xf32>,
          %add3A_319 = arith.constant 26 : i32
          %add3A_320 = vector.broadcast %add3A_319 : i32 to vector<16xi32>
          %add3A_321 = arith.addi %add3A_79, %add3A_320 : vector<16xi32>
          tpu.vector_store_idx %arg8[%add3A_321], %get3A_318 : memref<16384xf32, #tpu.memory_space<vmem>>[vector<16xi32>], vector<16xf32>,
          %mul3A_322 = arith.constant 16 : i32
          %mul3A_323 = arith.muli %mul3A_322, %scan3A_75 : i32
          %get3A_324 = arith.constant 27 : i32
          %get3A_325 = arith.index_cast %get3A_324 : i32 to index
          %get3A_326 = arith.index_cast %mul3A_323 : i32 to index
          %get3A_327 = tpu.vector_load %arg6[%get3A_325, %get3A_326] {strides = array<i32>} : memref<64x256xf32, #tpu.memory_space<vmem>>, vector<16xf32>,
          %add3A_328 = arith.constant 27 : i32
          %add3A_329 = vector.broadcast %add3A_328 : i32 to vector<16xi32>
          %add3A_330 = arith.addi %add3A_79, %add3A_329 : vector<16xi32>
          tpu.vector_store_idx %arg8[%add3A_330], %get3A_327 : memref<16384xf32, #tpu.memory_space<vmem>>[vector<16xi32>], vector<16xf32>,
          %mul3A_331 = arith.constant 16 : i32
          %mul3A_332 = arith.muli %mul3A_331, %scan3A_75 : i32
          %get3A_333 = arith.constant 28 : i32
          %get3A_334 = arith.index_cast %get3A_333 : i32 to index
          %get3A_335 = arith.index_cast %mul3A_332 : i32 to index
          %get3A_336 = tpu.vector_load %arg6[%get3A_334, %get3A_335] {strides = array<i32>} : memref<64x256xf32, #tpu.memory_space<vmem>>, vector<16xf32>,
          %add3A_337 = arith.constant 28 : i32
          %add3A_338 = vector.broadcast %add3A_337 : i32 to vector<16xi32>
          %add3A_339 = arith.addi %add3A_79, %add3A_338 : vector<16xi32>
          tpu.vector_store_idx %arg8[%add3A_339], %get3A_336 : memref<16384xf32, #tpu.memory_space<vmem>>[vector<16xi32>], vector<16xf32>,
          %mul3A_340 = arith.constant 16 : i32
          %mul3A_341 = arith.muli %mul3A_340, %scan3A_75 : i32
          %get3A_342 = arith.constant 29 : i32
          %get3A_343 = arith.index_cast %get3A_342 : i32 to index
          %get3A_344 = arith.index_cast %mul3A_341 : i32 to index
          %get3A_345 = tpu.vector_load %arg6[%get3A_343, %get3A_344] {strides = array<i32>} : memref<64x256xf32, #tpu.memory_space<vmem>>, vector<16xf32>,
          %add3A_346 = arith.constant 29 : i32
          %add3A_347 = vector.broadcast %add3A_346 : i32 to vector<16xi32>
          %add3A_348 = arith.addi %add3A_79, %add3A_347 : vector<16xi32>
          tpu.vector_store_idx %arg8[%add3A_348], %get3A_345 : memref<16384xf32, #tpu.memory_space<vmem>>[vector<16xi32>], vector<16xf32>,
          %mul3A_349 = arith.constant 16 : i32
          %mul3A_350 = arith.muli %mul3A_349, %scan3A_75 : i32
          %get3A_351 = arith.constant 30 : i32
          %get3A_352 = arith.index_cast %get3A_351 : i32 to index
          %get3A_353 = arith.index_cast %mul3A_350 : i32 to index
          %get3A_354 = tpu.vector_load %arg6[%get3A_352, %get3A_353] {strides = array<i32>} : memref<64x256xf32, #tpu.memory_space<vmem>>, vector<16xf32>,
          %add3A_355 = arith.constant 30 : i32
          %add3A_356 = vector.broadcast %add3A_355 : i32 to vector<16xi32>
          %add3A_357 = arith.addi %add3A_79, %add3A_356 : vector<16xi32>
          tpu.vector_store_idx %arg8[%add3A_357], %get3A_354 : memref<16384xf32, #tpu.memory_space<vmem>>[vector<16xi32>], vector<16xf32>,
          %mul3A_358 = arith.constant 16 : i32
          %mul3A_359 = arith.muli %mul3A_358, %scan3A_75 : i32
          %get3A_360 = arith.constant 31 : i32
          %get3A_361 = arith.index_cast %get3A_360 : i32 to index
          %get3A_362 = arith.index_cast %mul3A_359 : i32 to index
          %get3A_363 = tpu.vector_load %arg6[%get3A_361, %get3A_362] {strides = array<i32>} : memref<64x256xf32, #tpu.memory_space<vmem>>, vector<16xf32>,
          %add3A_364 = arith.constant 31 : i32
          %add3A_365 = vector.broadcast %add3A_364 : i32 to vector<16xi32>
          %add3A_366 = arith.addi %add3A_79, %add3A_365 : vector<16xi32>
          tpu.vector_store_idx %arg8[%add3A_366], %get3A_363 : memref<16384xf32, #tpu.memory_space<vmem>>[vector<16xi32>], vector<16xf32>,
          %mul3A_367 = arith.constant 16 : i32
          %mul3A_368 = arith.muli %mul3A_367, %scan3A_75 : i32
          %get3A_369 = arith.constant 32 : i32
          %get3A_370 = arith.index_cast %get3A_369 : i32 to index
          %get3A_371 = arith.index_cast %mul3A_368 : i32 to index
          %get3A_372 = tpu.vector_load %arg6[%get3A_370, %get3A_371] {strides = array<i32>} : memref<64x256xf32, #tpu.memory_space<vmem>>, vector<16xf32>,
          %add3A_373 = arith.constant 32 : i32
          %add3A_374 = vector.broadcast %add3A_373 : i32 to vector<16xi32>
          %add3A_375 = arith.addi %add3A_79, %add3A_374 : vector<16xi32>
          tpu.vector_store_idx %arg8[%add3A_375], %get3A_372 : memref<16384xf32, #tpu.memory_space<vmem>>[vector<16xi32>], vector<16xf32>,
          %mul3A_376 = arith.constant 16 : i32
          %mul3A_377 = arith.muli %mul3A_376, %scan3A_75 : i32
          %get3A_378 = arith.constant 33 : i32
          %get3A_379 = arith.index_cast %get3A_378 : i32 to index
          %get3A_380 = arith.index_cast %mul3A_377 : i32 to index
          %get3A_381 = tpu.vector_load %arg6[%get3A_379, %get3A_380] {strides = array<i32>} : memref<64x256xf32, #tpu.memory_space<vmem>>, vector<16xf32>,
          %add3A_382 = arith.constant 33 : i32
          %add3A_383 = vector.broadcast %add3A_382 : i32 to vector<16xi32>
          %add3A_384 = arith.addi %add3A_79, %add3A_383 : vector<16xi32>
          tpu.vector_store_idx %arg8[%add3A_384], %get3A_381 : memref<16384xf32, #tpu.memory_space<vmem>>[vector<16xi32>], vector<16xf32>,
          %mul3A_385 = arith.constant 16 : i32
          %mul3A_386 = arith.muli %mul3A_385, %scan3A_75 : i32
          %get3A_387 = arith.constant 34 : i32
          %get3A_388 = arith.index_cast %get3A_387 : i32 to index
          %get3A_389 = arith.index_cast %mul3A_386 : i32 to index
          %get3A_390 = tpu.vector_load %arg6[%get3A_388, %get3A_389] {strides = array<i32>} : memref<64x256xf32, #tpu.memory_space<vmem>>, vector<16xf32>,
          %add3A_391 = arith.constant 34 : i32
          %add3A_392 = vector.broadcast %add3A_391 : i32 to vector<16xi32>
          %add3A_393 = arith.addi %add3A_79, %add3A_392 : vector<16xi32>
          tpu.vector_store_idx %arg8[%add3A_393], %get3A_390 : memref<16384xf32, #tpu.memory_space<vmem>>[vector<16xi32>], vector<16xf32>,
          %mul3A_394 = arith.constant 16 : i32
          %mul3A_395 = arith.muli %mul3A_394, %scan3A_75 : i32
          %get3A_396 = arith.constant 35 : i32
          %get3A_397 = arith.index_cast %get3A_396 : i32 to index
          %get3A_398 = arith.index_cast %mul3A_395 : i32 to index
          %get3A_399 = tpu.vector_load %arg6[%get3A_397, %get3A_398] {strides = array<i32>} : memref<64x256xf32, #tpu.memory_space<vmem>>, vector<16xf32>,
          %add3A_400 = arith.constant 35 : i32
          %add3A_401 = vector.broadcast %add3A_400 : i32 to vector<16xi32>
          %add3A_402 = arith.addi %add3A_79, %add3A_401 : vector<16xi32>
          tpu.vector_store_idx %arg8[%add3A_402], %get3A_399 : memref<16384xf32, #tpu.memory_space<vmem>>[vector<16xi32>], vector<16xf32>,
          %mul3A_403 = arith.constant 16 : i32
          %mul3A_404 = arith.muli %mul3A_403, %scan3A_75 : i32
          %get3A_405 = arith.constant 36 : i32
          %get3A_406 = arith.index_cast %get3A_405 : i32 to index
          %get3A_407 = arith.index_cast %mul3A_404 : i32 to index
          %get3A_408 = tpu.vector_load %arg6[%get3A_406, %get3A_407] {strides = array<i32>} : memref<64x256xf32, #tpu.memory_space<vmem>>, vector<16xf32>,
          %add3A_409 = arith.constant 36 : i32
          %add3A_410 = vector.broadcast %add3A_409 : i32 to vector<16xi32>
          %add3A_411 = arith.addi %add3A_79, %add3A_410 : vector<16xi32>
          tpu.vector_store_idx %arg8[%add3A_411], %get3A_408 : memref<16384xf32, #tpu.memory_space<vmem>>[vector<16xi32>], vector<16xf32>,
          %mul3A_412 = arith.constant 16 : i32
          %mul3A_413 = arith.muli %mul3A_412, %scan3A_75 : i32
          %get3A_414 = arith.constant 37 : i32
          %get3A_415 = arith.index_cast %get3A_414 : i32 to index
          %get3A_416 = arith.index_cast %mul3A_413 : i32 to index
          %get3A_417 = tpu.vector_load %arg6[%get3A_415, %get3A_416] {strides = array<i32>} : memref<64x256xf32, #tpu.memory_space<vmem>>, vector<16xf32>,
          %add3A_418 = arith.constant 37 : i32
          %add3A_419 = vector.broadcast %add3A_418 : i32 to vector<16xi32>
          %add3A_420 = arith.addi %add3A_79, %add3A_419 : vector<16xi32>
          tpu.vector_store_idx %arg8[%add3A_420], %get3A_417 : memref<16384xf32, #tpu.memory_space<vmem>>[vector<16xi32>], vector<16xf32>,
          %mul3A_421 = arith.constant 16 : i32
          %mul3A_422 = arith.muli %mul3A_421, %scan3A_75 : i32
          %get3A_423 = arith.constant 38 : i32
          %get3A_424 = arith.index_cast %get3A_423 : i32 to index
          %get3A_425 = arith.index_cast %mul3A_422 : i32 to index
          %get3A_426 = tpu.vector_load %arg6[%get3A_424, %get3A_425] {strides = array<i32>} : memref<64x256xf32, #tpu.memory_space<vmem>>, vector<16xf32>,
          %add3A_427 = arith.constant 38 : i32
          %add3A_428 = vector.broadcast %add3A_427 : i32 to vector<16xi32>
          %add3A_429 = arith.addi %add3A_79, %add3A_428 : vector<16xi32>
          tpu.vector_store_idx %arg8[%add3A_429], %get3A_426 : memref<16384xf32, #tpu.memory_space<vmem>>[vector<16xi32>], vector<16xf32>,
          %mul3A_430 = arith.constant 16 : i32
          %mul3A_431 = arith.muli %mul3A_430, %scan3A_75 : i32
          %get3A_432 = arith.constant 39 : i32
          %get3A_433 = arith.index_cast %get3A_432 : i32 to index
          %get3A_434 = arith.index_cast %mul3A_431 : i32 to index
          %get3A_435 = tpu.vector_load %arg6[%get3A_433, %get3A_434] {strides = array<i32>} : memref<64x256xf32, #tpu.memory_space<vmem>>, vector<16xf32>,
          %add3A_436 = arith.constant 39 : i32
          %add3A_437 = vector.broadcast %add3A_436 : i32 to vector<16xi32>
          %add3A_438 = arith.addi %add3A_79, %add3A_437 : vector<16xi32>
          tpu.vector_store_idx %arg8[%add3A_438], %get3A_435 : memref<16384xf32, #tpu.memory_space<vmem>>[vector<16xi32>], vector<16xf32>,
          %mul3A_439 = arith.constant 16 : i32
          %mul3A_440 = arith.muli %mul3A_439, %scan3A_75 : i32
          %get3A_441 = arith.constant 40 : i32
          %get3A_442 = arith.index_cast %get3A_441 : i32 to index
          %get3A_443 = arith.index_cast %mul3A_440 : i32 to index
          %get3A_444 = tpu.vector_load %arg6[%get3A_442, %get3A_443] {strides = array<i32>} : memref<64x256xf32, #tpu.memory_space<vmem>>, vector<16xf32>,
          %add3A_445 = arith.constant 40 : i32
          %add3A_446 = vector.broadcast %add3A_445 : i32 to vector<16xi32>
          %add3A_447 = arith.addi %add3A_79, %add3A_446 : vector<16xi32>
          tpu.vector_store_idx %arg8[%add3A_447], %get3A_444 : memref<16384xf32, #tpu.memory_space<vmem>>[vector<16xi32>], vector<16xf32>,
          %mul3A_448 = arith.constant 16 : i32
          %mul3A_449 = arith.muli %mul3A_448, %scan3A_75 : i32
          %get3A_450 = arith.constant 41 : i32
          %get3A_451 = arith.index_cast %get3A_450 : i32 to index
          %get3A_452 = arith.index_cast %mul3A_449 : i32 to index
          %get3A_453 = tpu.vector_load %arg6[%get3A_451, %get3A_452] {strides = array<i32>} : memref<64x256xf32, #tpu.memory_space<vmem>>, vector<16xf32>,
          %add3A_454 = arith.constant 41 : i32
          %add3A_455 = vector.broadcast %add3A_454 : i32 to vector<16xi32>
          %add3A_456 = arith.addi %add3A_79, %add3A_455 : vector<16xi32>
          tpu.vector_store_idx %arg8[%add3A_456], %get3A_453 : memref<16384xf32, #tpu.memory_space<vmem>>[vector<16xi32>], vector<16xf32>,
          %mul3A_457 = arith.constant 16 : i32
          %mul3A_458 = arith.muli %mul3A_457, %scan3A_75 : i32
          %get3A_459 = arith.constant 42 : i32
          %get3A_460 = arith.index_cast %get3A_459 : i32 to index
          %get3A_461 = arith.index_cast %mul3A_458 : i32 to index
          %get3A_462 = tpu.vector_load %arg6[%get3A_460, %get3A_461] {strides = array<i32>} : memref<64x256xf32, #tpu.memory_space<vmem>>, vector<16xf32>,
          %add3A_463 = arith.constant 42 : i32
          %add3A_464 = vector.broadcast %add3A_463 : i32 to vector<16xi32>
          %add3A_465 = arith.addi %add3A_79, %add3A_464 : vector<16xi32>
          tpu.vector_store_idx %arg8[%add3A_465], %get3A_462 : memref<16384xf32, #tpu.memory_space<vmem>>[vector<16xi32>], vector<16xf32>,
          %mul3A_466 = arith.constant 16 : i32
          %mul3A_467 = arith.muli %mul3A_466, %scan3A_75 : i32
          %get3A_468 = arith.constant 43 : i32
          %get3A_469 = arith.index_cast %get3A_468 : i32 to index
          %get3A_470 = arith.index_cast %mul3A_467 : i32 to index
          %get3A_471 = tpu.vector_load %arg6[%get3A_469, %get3A_470] {strides = array<i32>} : memref<64x256xf32, #tpu.memory_space<vmem>>, vector<16xf32>,
          %add3A_472 = arith.constant 43 : i32
          %add3A_473 = vector.broadcast %add3A_472 : i32 to vector<16xi32>
          %add3A_474 = arith.addi %add3A_79, %add3A_473 : vector<16xi32>
          tpu.vector_store_idx %arg8[%add3A_474], %get3A_471 : memref<16384xf32, #tpu.memory_space<vmem>>[vector<16xi32>], vector<16xf32>,
          %mul3A_475 = arith.constant 16 : i32
          %mul3A_476 = arith.muli %mul3A_475, %scan3A_75 : i32
          %get3A_477 = arith.constant 44 : i32
          %get3A_478 = arith.index_cast %get3A_477 : i32 to index
          %get3A_479 = arith.index_cast %mul3A_476 : i32 to index
          %get3A_480 = tpu.vector_load %arg6[%get3A_478, %get3A_479] {strides = array<i32>} : memref<64x256xf32, #tpu.memory_space<vmem>>, vector<16xf32>,
          %add3A_481 = arith.constant 44 : i32
          %add3A_482 = vector.broadcast %add3A_481 : i32 to vector<16xi32>
          %add3A_483 = arith.addi %add3A_79, %add3A_482 : vector<16xi32>
          tpu.vector_store_idx %arg8[%add3A_483], %get3A_480 : memref<16384xf32, #tpu.memory_space<vmem>>[vector<16xi32>], vector<16xf32>,
          %mul3A_484 = arith.constant 16 : i32
          %mul3A_485 = arith.muli %mul3A_484, %scan3A_75 : i32
          %get3A_486 = arith.constant 45 : i32
          %get3A_487 = arith.index_cast %get3A_486 : i32 to index
          %get3A_488 = arith.index_cast %mul3A_485 : i32 to index
          %get3A_489 = tpu.vector_load %arg6[%get3A_487, %get3A_488] {strides = array<i32>} : memref<64x256xf32, #tpu.memory_space<vmem>>, vector<16xf32>,
          %add3A_490 = arith.constant 45 : i32
          %add3A_491 = vector.broadcast %add3A_490 : i32 to vector<16xi32>
          %add3A_492 = arith.addi %add3A_79, %add3A_491 : vector<16xi32>
          tpu.vector_store_idx %arg8[%add3A_492], %get3A_489 : memref<16384xf32, #tpu.memory_space<vmem>>[vector<16xi32>], vector<16xf32>,
          %mul3A_493 = arith.constant 16 : i32
          %mul3A_494 = arith.muli %mul3A_493, %scan3A_75 : i32
          %get3A_495 = arith.constant 46 : i32
          %get3A_496 = arith.index_cast %get3A_495 : i32 to index
          %get3A_497 = arith.index_cast %mul3A_494 : i32 to index
          %get3A_498 = tpu.vector_load %arg6[%get3A_496, %get3A_497] {strides = array<i32>} : memref<64x256xf32, #tpu.memory_space<vmem>>, vector<16xf32>,
          %add3A_499 = arith.constant 46 : i32
          %add3A_500 = vector.broadcast %add3A_499 : i32 to vector<16xi32>
          %add3A_501 = arith.addi %add3A_79, %add3A_500 : vector<16xi32>
          tpu.vector_store_idx %arg8[%add3A_501], %get3A_498 : memref<16384xf32, #tpu.memory_space<vmem>>[vector<16xi32>], vector<16xf32>,
          %mul3A_502 = arith.constant 16 : i32
          %mul3A_503 = arith.muli %mul3A_502, %scan3A_75 : i32
          %get3A_504 = arith.constant 47 : i32
          %get3A_505 = arith.index_cast %get3A_504 : i32 to index
          %get3A_506 = arith.index_cast %mul3A_503 : i32 to index
          %get3A_507 = tpu.vector_load %arg6[%get3A_505, %get3A_506] {strides = array<i32>} : memref<64x256xf32, #tpu.memory_space<vmem>>, vector<16xf32>,
          %add3A_508 = arith.constant 47 : i32
          %add3A_509 = vector.broadcast %add3A_508 : i32 to vector<16xi32>
          %add3A_510 = arith.addi %add3A_79, %add3A_509 : vector<16xi32>
          tpu.vector_store_idx %arg8[%add3A_510], %get3A_507 : memref<16384xf32, #tpu.memory_space<vmem>>[vector<16xi32>], vector<16xf32>,
          %mul3A_511 = arith.constant 16 : i32
          %mul3A_512 = arith.muli %mul3A_511, %scan3A_75 : i32
          %get3A_513 = arith.constant 48 : i32
          %get3A_514 = arith.index_cast %get3A_513 : i32 to index
          %get3A_515 = arith.index_cast %mul3A_512 : i32 to index
          %get3A_516 = tpu.vector_load %arg6[%get3A_514, %get3A_515] {strides = array<i32>} : memref<64x256xf32, #tpu.memory_space<vmem>>, vector<16xf32>,
          %add3A_517 = arith.constant 48 : i32
          %add3A_518 = vector.broadcast %add3A_517 : i32 to vector<16xi32>
          %add3A_519 = arith.addi %add3A_79, %add3A_518 : vector<16xi32>
          tpu.vector_store_idx %arg8[%add3A_519], %get3A_516 : memref<16384xf32, #tpu.memory_space<vmem>>[vector<16xi32>], vector<16xf32>,
          %mul3A_520 = arith.constant 16 : i32
          %mul3A_521 = arith.muli %mul3A_520, %scan3A_75 : i32
          %get3A_522 = arith.constant 49 : i32
          %get3A_523 = arith.index_cast %get3A_522 : i32 to index
          %get3A_524 = arith.index_cast %mul3A_521 : i32 to index
          %get3A_525 = tpu.vector_load %arg6[%get3A_523, %get3A_524] {strides = array<i32>} : memref<64x256xf32, #tpu.memory_space<vmem>>, vector<16xf32>,
          %add3A_526 = arith.constant 49 : i32
          %add3A_527 = vector.broadcast %add3A_526 : i32 to vector<16xi32>
          %add3A_528 = arith.addi %add3A_79, %add3A_527 : vector<16xi32>
          tpu.vector_store_idx %arg8[%add3A_528], %get3A_525 : memref<16384xf32, #tpu.memory_space<vmem>>[vector<16xi32>], vector<16xf32>,
          %mul3A_529 = arith.constant 16 : i32
          %mul3A_530 = arith.muli %mul3A_529, %scan3A_75 : i32
          %get3A_531 = arith.constant 50 : i32
          %get3A_532 = arith.index_cast %get3A_531 : i32 to index
          %get3A_533 = arith.index_cast %mul3A_530 : i32 to index
          %get3A_534 = tpu.vector_load %arg6[%get3A_532, %get3A_533] {strides = array<i32>} : memref<64x256xf32, #tpu.memory_space<vmem>>, vector<16xf32>,
          %add3A_535 = arith.constant 50 : i32
          %add3A_536 = vector.broadcast %add3A_535 : i32 to vector<16xi32>
          %add3A_537 = arith.addi %add3A_79, %add3A_536 : vector<16xi32>
          tpu.vector_store_idx %arg8[%add3A_537], %get3A_534 : memref<16384xf32, #tpu.memory_space<vmem>>[vector<16xi32>], vector<16xf32>,
          %mul3A_538 = arith.constant 16 : i32
          %mul3A_539 = arith.muli %mul3A_538, %scan3A_75 : i32
          %get3A_540 = arith.constant 51 : i32
          %get3A_541 = arith.index_cast %get3A_540 : i32 to index
          %get3A_542 = arith.index_cast %mul3A_539 : i32 to index
          %get3A_543 = tpu.vector_load %arg6[%get3A_541, %get3A_542] {strides = array<i32>} : memref<64x256xf32, #tpu.memory_space<vmem>>, vector<16xf32>,
          %add3A_544 = arith.constant 51 : i32
          %add3A_545 = vector.broadcast %add3A_544 : i32 to vector<16xi32>
          %add3A_546 = arith.addi %add3A_79, %add3A_545 : vector<16xi32>
          tpu.vector_store_idx %arg8[%add3A_546], %get3A_543 : memref<16384xf32, #tpu.memory_space<vmem>>[vector<16xi32>], vector<16xf32>,
          %mul3A_547 = arith.constant 16 : i32
          %mul3A_548 = arith.muli %mul3A_547, %scan3A_75 : i32
          %get3A_549 = arith.constant 52 : i32
          %get3A_550 = arith.index_cast %get3A_549 : i32 to index
          %get3A_551 = arith.index_cast %mul3A_548 : i32 to index
          %get3A_552 = tpu.vector_load %arg6[%get3A_550, %get3A_551] {strides = array<i32>} : memref<64x256xf32, #tpu.memory_space<vmem>>, vector<16xf32>,
          %add3A_553 = arith.constant 52 : i32
          %add3A_554 = vector.broadcast %add3A_553 : i32 to vector<16xi32>
          %add3A_555 = arith.addi %add3A_79, %add3A_554 : vector<16xi32>
          tpu.vector_store_idx %arg8[%add3A_555], %get3A_552 : memref<16384xf32, #tpu.memory_space<vmem>>[vector<16xi32>], vector<16xf32>,
          %mul3A_556 = arith.constant 16 : i32
          %mul3A_557 = arith.muli %mul3A_556, %scan3A_75 : i32
          %get3A_558 = arith.constant 53 : i32
          %get3A_559 = arith.index_cast %get3A_558 : i32 to index
          %get3A_560 = arith.index_cast %mul3A_557 : i32 to index
          %get3A_561 = tpu.vector_load %arg6[%get3A_559, %get3A_560] {strides = array<i32>} : memref<64x256xf32, #tpu.memory_space<vmem>>, vector<16xf32>,
          %add3A_562 = arith.constant 53 : i32
          %add3A_563 = vector.broadcast %add3A_562 : i32 to vector<16xi32>
          %add3A_564 = arith.addi %add3A_79, %add3A_563 : vector<16xi32>
          tpu.vector_store_idx %arg8[%add3A_564], %get3A_561 : memref<16384xf32, #tpu.memory_space<vmem>>[vector<16xi32>], vector<16xf32>,
          %mul3A_565 = arith.constant 16 : i32
          %mul3A_566 = arith.muli %mul3A_565, %scan3A_75 : i32
          %get3A_567 = arith.constant 54 : i32
          %get3A_568 = arith.index_cast %get3A_567 : i32 to index
          %get3A_569 = arith.index_cast %mul3A_566 : i32 to index
          %get3A_570 = tpu.vector_load %arg6[%get3A_568, %get3A_569] {strides = array<i32>} : memref<64x256xf32, #tpu.memory_space<vmem>>, vector<16xf32>,
          %add3A_571 = arith.constant 54 : i32
          %add3A_572 = vector.broadcast %add3A_571 : i32 to vector<16xi32>
          %add3A_573 = arith.addi %add3A_79, %add3A_572 : vector<16xi32>
          tpu.vector_store_idx %arg8[%add3A_573], %get3A_570 : memref<16384xf32, #tpu.memory_space<vmem>>[vector<16xi32>], vector<16xf32>,
          %mul3A_574 = arith.constant 16 : i32
          %mul3A_575 = arith.muli %mul3A_574, %scan3A_75 : i32
          %get3A_576 = arith.constant 55 : i32
          %get3A_577 = arith.index_cast %get3A_576 : i32 to index
          %get3A_578 = arith.index_cast %mul3A_575 : i32 to index
          %get3A_579 = tpu.vector_load %arg6[%get3A_577, %get3A_578] {strides = array<i32>} : memref<64x256xf32, #tpu.memory_space<vmem>>, vector<16xf32>,
          %add3A_580 = arith.constant 55 : i32
          %add3A_581 = vector.broadcast %add3A_580 : i32 to vector<16xi32>
          %add3A_582 = arith.addi %add3A_79, %add3A_581 : vector<16xi32>
          tpu.vector_store_idx %arg8[%add3A_582], %get3A_579 : memref<16384xf32, #tpu.memory_space<vmem>>[vector<16xi32>], vector<16xf32>,
          %mul3A_583 = arith.constant 16 : i32
          %mul3A_584 = arith.muli %mul3A_583, %scan3A_75 : i32
          %get3A_585 = arith.constant 56 : i32
          %get3A_586 = arith.index_cast %get3A_585 : i32 to index
          %get3A_587 = arith.index_cast %mul3A_584 : i32 to index
          %get3A_588 = tpu.vector_load %arg6[%get3A_586, %get3A_587] {strides = array<i32>} : memref<64x256xf32, #tpu.memory_space<vmem>>, vector<16xf32>,
          %add3A_589 = arith.constant 56 : i32
          %add3A_590 = vector.broadcast %add3A_589 : i32 to vector<16xi32>
          %add3A_591 = arith.addi %add3A_79, %add3A_590 : vector<16xi32>
          tpu.vector_store_idx %arg8[%add3A_591], %get3A_588 : memref<16384xf32, #tpu.memory_space<vmem>>[vector<16xi32>], vector<16xf32>,
          %mul3A_592 = arith.constant 16 : i32
          %mul3A_593 = arith.muli %mul3A_592, %scan3A_75 : i32
          %get3A_594 = arith.constant 57 : i32
          %get3A_595 = arith.index_cast %get3A_594 : i32 to index
          %get3A_596 = arith.index_cast %mul3A_593 : i32 to index
          %get3A_597 = tpu.vector_load %arg6[%get3A_595, %get3A_596] {strides = array<i32>} : memref<64x256xf32, #tpu.memory_space<vmem>>, vector<16xf32>,
          %add3A_598 = arith.constant 57 : i32
          %add3A_599 = vector.broadcast %add3A_598 : i32 to vector<16xi32>
          %add3A_600 = arith.addi %add3A_79, %add3A_599 : vector<16xi32>
          tpu.vector_store_idx %arg8[%add3A_600], %get3A_597 : memref<16384xf32, #tpu.memory_space<vmem>>[vector<16xi32>], vector<16xf32>,
          %mul3A_601 = arith.constant 16 : i32
          %mul3A_602 = arith.muli %mul3A_601, %scan3A_75 : i32
          %get3A_603 = arith.constant 58 : i32
          %get3A_604 = arith.index_cast %get3A_603 : i32 to index
          %get3A_605 = arith.index_cast %mul3A_602 : i32 to index
          %get3A_606 = tpu.vector_load %arg6[%get3A_604, %get3A_605] {strides = array<i32>} : memref<64x256xf32, #tpu.memory_space<vmem>>, vector<16xf32>,
          %add3A_607 = arith.constant 58 : i32
          %add3A_608 = vector.broadcast %add3A_607 : i32 to vector<16xi32>
          %add3A_609 = arith.addi %add3A_79, %add3A_608 : vector<16xi32>
          tpu.vector_store_idx %arg8[%add3A_609], %get3A_606 : memref<16384xf32, #tpu.memory_space<vmem>>[vector<16xi32>], vector<16xf32>,
          %mul3A_610 = arith.constant 16 : i32
          %mul3A_611 = arith.muli %mul3A_610, %scan3A_75 : i32
          %get3A_612 = arith.constant 59 : i32
          %get3A_613 = arith.index_cast %get3A_612 : i32 to index
          %get3A_614 = arith.index_cast %mul3A_611 : i32 to index
          %get3A_615 = tpu.vector_load %arg6[%get3A_613, %get3A_614] {strides = array<i32>} : memref<64x256xf32, #tpu.memory_space<vmem>>, vector<16xf32>,
          %add3A_616 = arith.constant 59 : i32
          %add3A_617 = vector.broadcast %add3A_616 : i32 to vector<16xi32>
          %add3A_618 = arith.addi %add3A_79, %add3A_617 : vector<16xi32>
          tpu.vector_store_idx %arg8[%add3A_618], %get3A_615 : memref<16384xf32, #tpu.memory_space<vmem>>[vector<16xi32>], vector<16xf32>,
          %mul3A_619 = arith.constant 16 : i32
          %mul3A_620 = arith.muli %mul3A_619, %scan3A_75 : i32
          %get3A_621 = arith.constant 60 : i32
          %get3A_622 = arith.index_cast %get3A_621 : i32 to index
          %get3A_623 = arith.index_cast %mul3A_620 : i32 to index
          %get3A_624 = tpu.vector_load %arg6[%get3A_622, %get3A_623] {strides = array<i32>} : memref<64x256xf32, #tpu.memory_space<vmem>>, vector<16xf32>,
          %add3A_625 = arith.constant 60 : i32
          %add3A_626 = vector.broadcast %add3A_625 : i32 to vector<16xi32>
          %add3A_627 = arith.addi %add3A_79, %add3A_626 : vector<16xi32>
          tpu.vector_store_idx %arg8[%add3A_627], %get3A_624 : memref<16384xf32, #tpu.memory_space<vmem>>[vector<16xi32>], vector<16xf32>,
          %mul3A_628 = arith.constant 16 : i32
          %mul3A_629 = arith.muli %mul3A_628, %scan3A_75 : i32
          %get3A_630 = arith.constant 61 : i32
          %get3A_631 = arith.index_cast %get3A_630 : i32 to index
          %get3A_632 = arith.index_cast %mul3A_629 : i32 to index
          %get3A_633 = tpu.vector_load %arg6[%get3A_631, %get3A_632] {strides = array<i32>} : memref<64x256xf32, #tpu.memory_space<vmem>>, vector<16xf32>,
          %add3A_634 = arith.constant 61 : i32
          %add3A_635 = vector.broadcast %add3A_634 : i32 to vector<16xi32>
          %add3A_636 = arith.addi %add3A_79, %add3A_635 : vector<16xi32>
          tpu.vector_store_idx %arg8[%add3A_636], %get3A_633 : memref<16384xf32, #tpu.memory_space<vmem>>[vector<16xi32>], vector<16xf32>,
          %mul3A_637 = arith.constant 16 : i32
          %mul3A_638 = arith.muli %mul3A_637, %scan3A_75 : i32
          %get3A_639 = arith.constant 62 : i32
          %get3A_640 = arith.index_cast %get3A_639 : i32 to index
          %get3A_641 = arith.index_cast %mul3A_638 : i32 to index
          %get3A_642 = tpu.vector_load %arg6[%get3A_640, %get3A_641] {strides = array<i32>} : memref<64x256xf32, #tpu.memory_space<vmem>>, vector<16xf32>,
          %add3A_643 = arith.constant 62 : i32
          %add3A_644 = vector.broadcast %add3A_643 : i32 to vector<16xi32>
          %add3A_645 = arith.addi %add3A_79, %add3A_644 : vector<16xi32>
          tpu.vector_store_idx %arg8[%add3A_645], %get3A_642 : memref<16384xf32, #tpu.memory_space<vmem>>[vector<16xi32>], vector<16xf32>,
          %mul3A_646 = arith.constant 16 : i32
          %mul3A_647 = arith.muli %mul3A_646, %scan3A_75 : i32
          %get3A_648 = arith.constant 63 : i32
          %get3A_649 = arith.index_cast %get3A_648 : i32 to index
          %get3A_650 = arith.index_cast %mul3A_647 : i32 to index
          %get3A_651 = tpu.vector_load %arg6[%get3A_649, %get3A_650] {strides = array<i32>} : memref<64x256xf32, #tpu.memory_space<vmem>>, vector<16xf32>,
          %add3A_652 = arith.constant 63 : i32
          %add3A_653 = vector.broadcast %add3A_652 : i32 to vector<16xi32>
          %add3A_654 = arith.addi %add3A_79, %add3A_653 : vector<16xi32>
          tpu.vector_store_idx %arg8[%add3A_654], %get3A_651 : memref<16384xf32, #tpu.memory_space<vmem>>[vector<16xi32>], vector<16xf32>,
        }
        %scan3A_67 = arith.constant 16 : i32
        %mul3A_68 = arith.constant 32 : i32
        %mul3A_69 = arith.muli %mul3A_68, %add3A_41 : i32
        %add3A_70 = arith.addi %add3A, %mul3A_69 : i32
        %mul3A_71 = arith.constant 16384 : i32
        %mul3A_72 = arith.muli %add3A_70, %mul3A_71 : i32
        %dma_start3A_73 = tpu.memref_slice %arg4[%mul3A_72] : memref<64000000xf32, #tpu.memory_space<hbm>> -> memref<16384xf32, #tpu.memory_space<hbm>>
        %dma_start3A_74 = tpu.memref_slice %arg4[%mul3A_72] : memref<64000000xf32, #tpu.memory_space<hbm>> -> memref<16384xf32, #tpu.memory_space<hbm>>
        tpu.enqueue_dma source(%arg8 : memref<16384xf32, #tpu.memory_space<vmem>>) target(%dma_start3A_74 : memref<16384xf32, #tpu.memory_space<hbm>>) target_semaphore(%arg12 : memref<!tpu.dma_semaphore, #tpu.memory_space<semaphore_mem>>)
      } else {
      }
    }
    %scan3A_18 = arith.constant 62 : i32
    %dma_wait3A = arith.constant 0 : i32
    %dma_wait3A_19 = tpu.memref_slice %arg4[%dma_wait3A] : memref<64000000xf32, #tpu.memory_space<hbm>> -> memref<16384xf32, #tpu.memory_space<hbm>>
    %dma_wait3A_20 = arith.constant 0 : i32
    %dma_wait3A_21 = tpu.memref_slice %arg4[%dma_wait3A_20] : memref<64000000xf32, #tpu.memory_space<hbm>> -> memref<16384xf32, #tpu.memory_space<hbm>>
    tpu.wait_dma2 semaphore(%arg11 : memref<!tpu.dma_semaphore, #tpu.memory_space<semaphore_mem>>) src(%arg7 : memref<16384xf32, #tpu.memory_space<vmem>>) dst(%dma_wait3A_21 : memref<16384xf32, #tpu.memory_space<hbm>>)
    %dma_wait3A_22 = arith.constant 0 : i32
    %dma_wait3A_23 = tpu.memref_slice %arg4[%dma_wait3A_22] : memref<64000000xf32, #tpu.memory_space<hbm>> -> memref<16384xf32, #tpu.memory_space<hbm>>
    %dma_wait3A_24 = arith.constant 0 : i32
    %dma_wait3A_25 = tpu.memref_slice %arg4[%dma_wait3A_24] : memref<64000000xf32, #tpu.memory_space<hbm>> -> memref<16384xf32, #tpu.memory_space<hbm>>
    tpu.wait_dma2 semaphore(%arg12 : memref<!tpu.dma_semaphore, #tpu.memory_space<semaphore_mem>>) src(%arg8 : memref<16384xf32, #tpu.memory_space<vmem>>) dst(%dma_wait3A_25 : memref<16384xf32, #tpu.memory_space<hbm>>)
    %eq3A = arith.constant 31 : i32
    %eq3A_26 = arith.cmpi eq, %add3A, %eq3A : i32
    %convert_element_type3A_27 = arith.extui %eq3A_26 : i1 to i32
    %cond3A = arith.constant 0 : i32
    %cond3A_28 = arith.cmpi ne, %convert_element_type3A_27, %cond3A : i32
    scf.if %cond3A_28 {
      "tpu.region"() ({
        %run_scoped3A = tpu.sem_alloc : memref<!tpu.dma_semaphore, #tpu.memory_space<semaphore_mem>>
        %dma_start3A_35 = arith.constant 0 : i32
        %dma_start3A_36 = arith.constant 0 : i32
        %dma_start3A_37 = tpu.memref_slice %arg5[%dma_start3A_35, %dma_start3A_36] : memref<64x256xf32, #tpu.memory_space<vmem>> -> memref<64x128xf32, #tpu.memory_space<vmem>>
        %dma_start3A_38 = arith.constant 0 : i32
        %dma_start3A_39 = arith.constant 0 : i32
        %dma_start3A_40 = tpu.memref_slice %arg5[%dma_start3A_38, %dma_start3A_39] : memref<64x256xf32, #tpu.memory_space<vmem>> -> memref<64x128xf32, #tpu.memory_space<vmem>>
        tpu.enqueue_dma source(%arg3 : memref<64x128xf32, #tpu.memory_space<hbm>>) target(%dma_start3A_40 : memref<64x128xf32, #tpu.memory_space<vmem>>) target_semaphore(%run_scoped3A : memref<!tpu.dma_semaphore, #tpu.memory_space<semaphore_mem>>)
        %dma_wait3A_41 = arith.constant 0 : i32
        %dma_wait3A_42 = arith.constant 0 : i32
        %dma_wait3A_43 = tpu.memref_slice %arg5[%dma_wait3A_41, %dma_wait3A_42] : memref<64x256xf32, #tpu.memory_space<vmem>> -> memref<64x128xf32, #tpu.memory_space<vmem>>
        %dma_wait3A_44 = arith.constant 0 : i32
        %dma_wait3A_45 = arith.constant 0 : i32
        %dma_wait3A_46 = tpu.memref_slice %arg5[%dma_wait3A_44, %dma_wait3A_45] : memref<64x256xf32, #tpu.memory_space<vmem>> -> memref<64x128xf32, #tpu.memory_space<vmem>>
        tpu.wait_dma2 semaphore(%run_scoped3A : memref<!tpu.dma_semaphore, #tpu.memory_space<semaphore_mem>>) src(%arg3 : memref<64x128xf32, #tpu.memory_space<hbm>>) dst(%dma_wait3A_46 : memref<64x128xf32, #tpu.memory_space<vmem>>)
        tpu.yield
      }) : () -> ()
      %scan3A_29 = arith.constant 0 : i32
      %scan3A_30 = arith.constant 0 : i32
      %scan3A_31 = arith.constant 8 : i32
      %scan3A_32 = arith.addi %scan3A_30, %scan3A_31 : i32
      %scan3A_33 = arith.constant 1 : i32
      scf.for %scan3A_35 = %scan3A_30 to %scan3A_32 step %scan3A_33  : i32 {
        %mul3A_36 = arith.constant 1024 : i32
        %mul3A_37 = arith.muli %mul3A_36, %scan3A_35 : i32
        %add3A_38 = vector.broadcast %mul3A_37 : i32 to vector<16xi32>
        %add3A_39 = arith.addi %mul3A_6, %add3A_38 : vector<16xi32>
        %mul3A_40 = arith.constant 16 : i32
        %mul3A_41 = arith.muli %mul3A_40, %scan3A_35 : i32
        %get3A = arith.constant 0 : i32
        %get3A_42 = arith.index_cast %get3A : i32 to index
        %get3A_43 = arith.index_cast %mul3A_41 : i32 to index
        %get3A_44 = tpu.vector_load %arg5[%get3A_42, %get3A_43] {strides = array<i32>} : memref<64x256xf32, #tpu.memory_space<vmem>>, vector<16xf32>,
        %add3A_45 = arith.constant 0 : i32
        %add3A_46 = vector.broadcast %add3A_45 : i32 to vector<16xi32>
        %add3A_47 = arith.addi %add3A_39, %add3A_46 : vector<16xi32>
        tpu.vector_store_idx %arg7[%add3A_47], %get3A_44 : memref<16384xf32, #tpu.memory_space<vmem>>[vector<16xi32>], vector<16xf32>,
        %mul3A_48 = arith.constant 16 : i32
        %mul3A_49 = arith.muli %mul3A_48, %scan3A_35 : i32
        %get3A_50 = arith.constant 1 : i32
        %get3A_51 = arith.index_cast %get3A_50 : i32 to index
        %get3A_52 = arith.index_cast %mul3A_49 : i32 to index
        %get3A_53 = tpu.vector_load %arg5[%get3A_51, %get3A_52] {strides = array<i32>} : memref<64x256xf32, #tpu.memory_space<vmem>>, vector<16xf32>,
        %add3A_54 = arith.constant 1 : i32
        %add3A_55 = vector.broadcast %add3A_54 : i32 to vector<16xi32>
        %add3A_56 = arith.addi %add3A_39, %add3A_55 : vector<16xi32>
        tpu.vector_store_idx %arg7[%add3A_56], %get3A_53 : memref<16384xf32, #tpu.memory_space<vmem>>[vector<16xi32>], vector<16xf32>,
        %mul3A_57 = arith.constant 16 : i32
        %mul3A_58 = arith.muli %mul3A_57, %scan3A_35 : i32
        %get3A_59 = arith.constant 2 : i32
        %get3A_60 = arith.index_cast %get3A_59 : i32 to index
        %get3A_61 = arith.index_cast %mul3A_58 : i32 to index
        %get3A_62 = tpu.vector_load %arg5[%get3A_60, %get3A_61] {strides = array<i32>} : memref<64x256xf32, #tpu.memory_space<vmem>>, vector<16xf32>,
        %add3A_63 = arith.constant 2 : i32
        %add3A_64 = vector.broadcast %add3A_63 : i32 to vector<16xi32>
        %add3A_65 = arith.addi %add3A_39, %add3A_64 : vector<16xi32>
        tpu.vector_store_idx %arg7[%add3A_65], %get3A_62 : memref<16384xf32, #tpu.memory_space<vmem>>[vector<16xi32>], vector<16xf32>,
        %mul3A_66 = arith.constant 16 : i32
        %mul3A_67 = arith.muli %mul3A_66, %scan3A_35 : i32
        %get3A_68 = arith.constant 3 : i32
        %get3A_69 = arith.index_cast %get3A_68 : i32 to index
        %get3A_70 = arith.index_cast %mul3A_67 : i32 to index
        %get3A_71 = tpu.vector_load %arg5[%get3A_69, %get3A_70] {strides = array<i32>} : memref<64x256xf32, #tpu.memory_space<vmem>>, vector<16xf32>,
        %add3A_72 = arith.constant 3 : i32
        %add3A_73 = vector.broadcast %add3A_72 : i32 to vector<16xi32>
        %add3A_74 = arith.addi %add3A_39, %add3A_73 : vector<16xi32>
        tpu.vector_store_idx %arg7[%add3A_74], %get3A_71 : memref<16384xf32, #tpu.memory_space<vmem>>[vector<16xi32>], vector<16xf32>,
        %mul3A_75 = arith.constant 16 : i32
        %mul3A_76 = arith.muli %mul3A_75, %scan3A_35 : i32
        %get3A_77 = arith.constant 4 : i32
        %get3A_78 = arith.index_cast %get3A_77 : i32 to index
        %get3A_79 = arith.index_cast %mul3A_76 : i32 to index
        %get3A_80 = tpu.vector_load %arg5[%get3A_78, %get3A_79] {strides = array<i32>} : memref<64x256xf32, #tpu.memory_space<vmem>>, vector<16xf32>,
        %add3A_81 = arith.constant 4 : i32
        %add3A_82 = vector.broadcast %add3A_81 : i32 to vector<16xi32>
        %add3A_83 = arith.addi %add3A_39, %add3A_82 : vector<16xi32>
        tpu.vector_store_idx %arg7[%add3A_83], %get3A_80 : memref<16384xf32, #tpu.memory_space<vmem>>[vector<16xi32>], vector<16xf32>,
        %mul3A_84 = arith.constant 16 : i32
        %mul3A_85 = arith.muli %mul3A_84, %scan3A_35 : i32
        %get3A_86 = arith.constant 5 : i32
        %get3A_87 = arith.index_cast %get3A_86 : i32 to index
        %get3A_88 = arith.index_cast %mul3A_85 : i32 to index
        %get3A_89 = tpu.vector_load %arg5[%get3A_87, %get3A_88] {strides = array<i32>} : memref<64x256xf32, #tpu.memory_space<vmem>>, vector<16xf32>,
        %add3A_90 = arith.constant 5 : i32
        %add3A_91 = vector.broadcast %add3A_90 : i32 to vector<16xi32>
        %add3A_92 = arith.addi %add3A_39, %add3A_91 : vector<16xi32>
        tpu.vector_store_idx %arg7[%add3A_92], %get3A_89 : memref<16384xf32, #tpu.memory_space<vmem>>[vector<16xi32>], vector<16xf32>,
        %mul3A_93 = arith.constant 16 : i32
        %mul3A_94 = arith.muli %mul3A_93, %scan3A_35 : i32
        %get3A_95 = arith.constant 6 : i32
        %get3A_96 = arith.index_cast %get3A_95 : i32 to index
        %get3A_97 = arith.index_cast %mul3A_94 : i32 to index
        %get3A_98 = tpu.vector_load %arg5[%get3A_96, %get3A_97] {strides = array<i32>} : memref<64x256xf32, #tpu.memory_space<vmem>>, vector<16xf32>,
        %add3A_99 = arith.constant 6 : i32
        %add3A_100 = vector.broadcast %add3A_99 : i32 to vector<16xi32>
        %add3A_101 = arith.addi %add3A_39, %add3A_100 : vector<16xi32>
        tpu.vector_store_idx %arg7[%add3A_101], %get3A_98 : memref<16384xf32, #tpu.memory_space<vmem>>[vector<16xi32>], vector<16xf32>,
        %mul3A_102 = arith.constant 16 : i32
        %mul3A_103 = arith.muli %mul3A_102, %scan3A_35 : i32
        %get3A_104 = arith.constant 7 : i32
        %get3A_105 = arith.index_cast %get3A_104 : i32 to index
        %get3A_106 = arith.index_cast %mul3A_103 : i32 to index
        %get3A_107 = tpu.vector_load %arg5[%get3A_105, %get3A_106] {strides = array<i32>} : memref<64x256xf32, #tpu.memory_space<vmem>>, vector<16xf32>,
        %add3A_108 = arith.constant 7 : i32
        %add3A_109 = vector.broadcast %add3A_108 : i32 to vector<16xi32>
        %add3A_110 = arith.addi %add3A_39, %add3A_109 : vector<16xi32>
        tpu.vector_store_idx %arg7[%add3A_110], %get3A_107 : memref<16384xf32, #tpu.memory_space<vmem>>[vector<16xi32>], vector<16xf32>,
        %mul3A_111 = arith.constant 16 : i32
        %mul3A_112 = arith.muli %mul3A_111, %scan3A_35 : i32
        %get3A_113 = arith.constant 8 : i32
        %get3A_114 = arith.index_cast %get3A_113 : i32 to index
        %get3A_115 = arith.index_cast %mul3A_112 : i32 to index
        %get3A_116 = tpu.vector_load %arg5[%get3A_114, %get3A_115] {strides = array<i32>} : memref<64x256xf32, #tpu.memory_space<vmem>>, vector<16xf32>,
        %add3A_117 = arith.constant 8 : i32
        %add3A_118 = vector.broadcast %add3A_117 : i32 to vector<16xi32>
        %add3A_119 = arith.addi %add3A_39, %add3A_118 : vector<16xi32>
        tpu.vector_store_idx %arg7[%add3A_119], %get3A_116 : memref<16384xf32, #tpu.memory_space<vmem>>[vector<16xi32>], vector<16xf32>,
        %mul3A_120 = arith.constant 16 : i32
        %mul3A_121 = arith.muli %mul3A_120, %scan3A_35 : i32
        %get3A_122 = arith.constant 9 : i32
        %get3A_123 = arith.index_cast %get3A_122 : i32 to index
        %get3A_124 = arith.index_cast %mul3A_121 : i32 to index
        %get3A_125 = tpu.vector_load %arg5[%get3A_123, %get3A_124] {strides = array<i32>} : memref<64x256xf32, #tpu.memory_space<vmem>>, vector<16xf32>,
        %add3A_126 = arith.constant 9 : i32
        %add3A_127 = vector.broadcast %add3A_126 : i32 to vector<16xi32>
        %add3A_128 = arith.addi %add3A_39, %add3A_127 : vector<16xi32>
        tpu.vector_store_idx %arg7[%add3A_128], %get3A_125 : memref<16384xf32, #tpu.memory_space<vmem>>[vector<16xi32>], vector<16xf32>,
        %mul3A_129 = arith.constant 16 : i32
        %mul3A_130 = arith.muli %mul3A_129, %scan3A_35 : i32
        %get3A_131 = arith.constant 10 : i32
        %get3A_132 = arith.index_cast %get3A_131 : i32 to index
        %get3A_133 = arith.index_cast %mul3A_130 : i32 to index
        %get3A_134 = tpu.vector_load %arg5[%get3A_132, %get3A_133] {strides = array<i32>} : memref<64x256xf32, #tpu.memory_space<vmem>>, vector<16xf32>,
        %add3A_135 = arith.constant 10 : i32
        %add3A_136 = vector.broadcast %add3A_135 : i32 to vector<16xi32>
        %add3A_137 = arith.addi %add3A_39, %add3A_136 : vector<16xi32>
        tpu.vector_store_idx %arg7[%add3A_137], %get3A_134 : memref<16384xf32, #tpu.memory_space<vmem>>[vector<16xi32>], vector<16xf32>,
        %mul3A_138 = arith.constant 16 : i32
        %mul3A_139 = arith.muli %mul3A_138, %scan3A_35 : i32
        %get3A_140 = arith.constant 11 : i32
        %get3A_141 = arith.index_cast %get3A_140 : i32 to index
        %get3A_142 = arith.index_cast %mul3A_139 : i32 to index
        %get3A_143 = tpu.vector_load %arg5[%get3A_141, %get3A_142] {strides = array<i32>} : memref<64x256xf32, #tpu.memory_space<vmem>>, vector<16xf32>,
        %add3A_144 = arith.constant 11 : i32
        %add3A_145 = vector.broadcast %add3A_144 : i32 to vector<16xi32>
        %add3A_146 = arith.addi %add3A_39, %add3A_145 : vector<16xi32>
        tpu.vector_store_idx %arg7[%add3A_146], %get3A_143 : memref<16384xf32, #tpu.memory_space<vmem>>[vector<16xi32>], vector<16xf32>,
        %mul3A_147 = arith.constant 16 : i32
        %mul3A_148 = arith.muli %mul3A_147, %scan3A_35 : i32
        %get3A_149 = arith.constant 12 : i32
        %get3A_150 = arith.index_cast %get3A_149 : i32 to index
        %get3A_151 = arith.index_cast %mul3A_148 : i32 to index
        %get3A_152 = tpu.vector_load %arg5[%get3A_150, %get3A_151] {strides = array<i32>} : memref<64x256xf32, #tpu.memory_space<vmem>>, vector<16xf32>,
        %add3A_153 = arith.constant 12 : i32
        %add3A_154 = vector.broadcast %add3A_153 : i32 to vector<16xi32>
        %add3A_155 = arith.addi %add3A_39, %add3A_154 : vector<16xi32>
        tpu.vector_store_idx %arg7[%add3A_155], %get3A_152 : memref<16384xf32, #tpu.memory_space<vmem>>[vector<16xi32>], vector<16xf32>,
        %mul3A_156 = arith.constant 16 : i32
        %mul3A_157 = arith.muli %mul3A_156, %scan3A_35 : i32
        %get3A_158 = arith.constant 13 : i32
        %get3A_159 = arith.index_cast %get3A_158 : i32 to index
        %get3A_160 = arith.index_cast %mul3A_157 : i32 to index
        %get3A_161 = tpu.vector_load %arg5[%get3A_159, %get3A_160] {strides = array<i32>} : memref<64x256xf32, #tpu.memory_space<vmem>>, vector<16xf32>,
        %add3A_162 = arith.constant 13 : i32
        %add3A_163 = vector.broadcast %add3A_162 : i32 to vector<16xi32>
        %add3A_164 = arith.addi %add3A_39, %add3A_163 : vector<16xi32>
        tpu.vector_store_idx %arg7[%add3A_164], %get3A_161 : memref<16384xf32, #tpu.memory_space<vmem>>[vector<16xi32>], vector<16xf32>,
        %mul3A_165 = arith.constant 16 : i32
        %mul3A_166 = arith.muli %mul3A_165, %scan3A_35 : i32
        %get3A_167 = arith.constant 14 : i32
        %get3A_168 = arith.index_cast %get3A_167 : i32 to index
        %get3A_169 = arith.index_cast %mul3A_166 : i32 to index
        %get3A_170 = tpu.vector_load %arg5[%get3A_168, %get3A_169] {strides = array<i32>} : memref<64x256xf32, #tpu.memory_space<vmem>>, vector<16xf32>,
        %add3A_171 = arith.constant 14 : i32
        %add3A_172 = vector.broadcast %add3A_171 : i32 to vector<16xi32>
        %add3A_173 = arith.addi %add3A_39, %add3A_172 : vector<16xi32>
        tpu.vector_store_idx %arg7[%add3A_173], %get3A_170 : memref<16384xf32, #tpu.memory_space<vmem>>[vector<16xi32>], vector<16xf32>,
        %mul3A_174 = arith.constant 16 : i32
        %mul3A_175 = arith.muli %mul3A_174, %scan3A_35 : i32
        %get3A_176 = arith.constant 15 : i32
        %get3A_177 = arith.index_cast %get3A_176 : i32 to index
        %get3A_178 = arith.index_cast %mul3A_175 : i32 to index
        %get3A_179 = tpu.vector_load %arg5[%get3A_177, %get3A_178] {strides = array<i32>} : memref<64x256xf32, #tpu.memory_space<vmem>>, vector<16xf32>,
        %add3A_180 = arith.constant 15 : i32
        %add3A_181 = vector.broadcast %add3A_180 : i32 to vector<16xi32>
        %add3A_182 = arith.addi %add3A_39, %add3A_181 : vector<16xi32>
        tpu.vector_store_idx %arg7[%add3A_182], %get3A_179 : memref<16384xf32, #tpu.memory_space<vmem>>[vector<16xi32>], vector<16xf32>,
        %mul3A_183 = arith.constant 16 : i32
        %mul3A_184 = arith.muli %mul3A_183, %scan3A_35 : i32
        %get3A_185 = arith.constant 16 : i32
        %get3A_186 = arith.index_cast %get3A_185 : i32 to index
        %get3A_187 = arith.index_cast %mul3A_184 : i32 to index
        %get3A_188 = tpu.vector_load %arg5[%get3A_186, %get3A_187] {strides = array<i32>} : memref<64x256xf32, #tpu.memory_space<vmem>>, vector<16xf32>,
        %add3A_189 = arith.constant 16 : i32
        %add3A_190 = vector.broadcast %add3A_189 : i32 to vector<16xi32>
        %add3A_191 = arith.addi %add3A_39, %add3A_190 : vector<16xi32>
        tpu.vector_store_idx %arg7[%add3A_191], %get3A_188 : memref<16384xf32, #tpu.memory_space<vmem>>[vector<16xi32>], vector<16xf32>,
        %mul3A_192 = arith.constant 16 : i32
        %mul3A_193 = arith.muli %mul3A_192, %scan3A_35 : i32
        %get3A_194 = arith.constant 17 : i32
        %get3A_195 = arith.index_cast %get3A_194 : i32 to index
        %get3A_196 = arith.index_cast %mul3A_193 : i32 to index
        %get3A_197 = tpu.vector_load %arg5[%get3A_195, %get3A_196] {strides = array<i32>} : memref<64x256xf32, #tpu.memory_space<vmem>>, vector<16xf32>,
        %add3A_198 = arith.constant 17 : i32
        %add3A_199 = vector.broadcast %add3A_198 : i32 to vector<16xi32>
        %add3A_200 = arith.addi %add3A_39, %add3A_199 : vector<16xi32>
        tpu.vector_store_idx %arg7[%add3A_200], %get3A_197 : memref<16384xf32, #tpu.memory_space<vmem>>[vector<16xi32>], vector<16xf32>,
        %mul3A_201 = arith.constant 16 : i32
        %mul3A_202 = arith.muli %mul3A_201, %scan3A_35 : i32
        %get3A_203 = arith.constant 18 : i32
        %get3A_204 = arith.index_cast %get3A_203 : i32 to index
        %get3A_205 = arith.index_cast %mul3A_202 : i32 to index
        %get3A_206 = tpu.vector_load %arg5[%get3A_204, %get3A_205] {strides = array<i32>} : memref<64x256xf32, #tpu.memory_space<vmem>>, vector<16xf32>,
        %add3A_207 = arith.constant 18 : i32
        %add3A_208 = vector.broadcast %add3A_207 : i32 to vector<16xi32>
        %add3A_209 = arith.addi %add3A_39, %add3A_208 : vector<16xi32>
        tpu.vector_store_idx %arg7[%add3A_209], %get3A_206 : memref<16384xf32, #tpu.memory_space<vmem>>[vector<16xi32>], vector<16xf32>,
        %mul3A_210 = arith.constant 16 : i32
        %mul3A_211 = arith.muli %mul3A_210, %scan3A_35 : i32
        %get3A_212 = arith.constant 19 : i32
        %get3A_213 = arith.index_cast %get3A_212 : i32 to index
        %get3A_214 = arith.index_cast %mul3A_211 : i32 to index
        %get3A_215 = tpu.vector_load %arg5[%get3A_213, %get3A_214] {strides = array<i32>} : memref<64x256xf32, #tpu.memory_space<vmem>>, vector<16xf32>,
        %add3A_216 = arith.constant 19 : i32
        %add3A_217 = vector.broadcast %add3A_216 : i32 to vector<16xi32>
        %add3A_218 = arith.addi %add3A_39, %add3A_217 : vector<16xi32>
        tpu.vector_store_idx %arg7[%add3A_218], %get3A_215 : memref<16384xf32, #tpu.memory_space<vmem>>[vector<16xi32>], vector<16xf32>,
        %mul3A_219 = arith.constant 16 : i32
        %mul3A_220 = arith.muli %mul3A_219, %scan3A_35 : i32
        %get3A_221 = arith.constant 20 : i32
        %get3A_222 = arith.index_cast %get3A_221 : i32 to index
        %get3A_223 = arith.index_cast %mul3A_220 : i32 to index
        %get3A_224 = tpu.vector_load %arg5[%get3A_222, %get3A_223] {strides = array<i32>} : memref<64x256xf32, #tpu.memory_space<vmem>>, vector<16xf32>,
        %add3A_225 = arith.constant 20 : i32
        %add3A_226 = vector.broadcast %add3A_225 : i32 to vector<16xi32>
        %add3A_227 = arith.addi %add3A_39, %add3A_226 : vector<16xi32>
        tpu.vector_store_idx %arg7[%add3A_227], %get3A_224 : memref<16384xf32, #tpu.memory_space<vmem>>[vector<16xi32>], vector<16xf32>,
        %mul3A_228 = arith.constant 16 : i32
        %mul3A_229 = arith.muli %mul3A_228, %scan3A_35 : i32
        %get3A_230 = arith.constant 21 : i32
        %get3A_231 = arith.index_cast %get3A_230 : i32 to index
        %get3A_232 = arith.index_cast %mul3A_229 : i32 to index
        %get3A_233 = tpu.vector_load %arg5[%get3A_231, %get3A_232] {strides = array<i32>} : memref<64x256xf32, #tpu.memory_space<vmem>>, vector<16xf32>,
        %add3A_234 = arith.constant 21 : i32
        %add3A_235 = vector.broadcast %add3A_234 : i32 to vector<16xi32>
        %add3A_236 = arith.addi %add3A_39, %add3A_235 : vector<16xi32>
        tpu.vector_store_idx %arg7[%add3A_236], %get3A_233 : memref<16384xf32, #tpu.memory_space<vmem>>[vector<16xi32>], vector<16xf32>,
        %mul3A_237 = arith.constant 16 : i32
        %mul3A_238 = arith.muli %mul3A_237, %scan3A_35 : i32
        %get3A_239 = arith.constant 22 : i32
        %get3A_240 = arith.index_cast %get3A_239 : i32 to index
        %get3A_241 = arith.index_cast %mul3A_238 : i32 to index
        %get3A_242 = tpu.vector_load %arg5[%get3A_240, %get3A_241] {strides = array<i32>} : memref<64x256xf32, #tpu.memory_space<vmem>>, vector<16xf32>,
        %add3A_243 = arith.constant 22 : i32
        %add3A_244 = vector.broadcast %add3A_243 : i32 to vector<16xi32>
        %add3A_245 = arith.addi %add3A_39, %add3A_244 : vector<16xi32>
        tpu.vector_store_idx %arg7[%add3A_245], %get3A_242 : memref<16384xf32, #tpu.memory_space<vmem>>[vector<16xi32>], vector<16xf32>,
        %mul3A_246 = arith.constant 16 : i32
        %mul3A_247 = arith.muli %mul3A_246, %scan3A_35 : i32
        %get3A_248 = arith.constant 23 : i32
        %get3A_249 = arith.index_cast %get3A_248 : i32 to index
        %get3A_250 = arith.index_cast %mul3A_247 : i32 to index
        %get3A_251 = tpu.vector_load %arg5[%get3A_249, %get3A_250] {strides = array<i32>} : memref<64x256xf32, #tpu.memory_space<vmem>>, vector<16xf32>,
        %add3A_252 = arith.constant 23 : i32
        %add3A_253 = vector.broadcast %add3A_252 : i32 to vector<16xi32>
        %add3A_254 = arith.addi %add3A_39, %add3A_253 : vector<16xi32>
        tpu.vector_store_idx %arg7[%add3A_254], %get3A_251 : memref<16384xf32, #tpu.memory_space<vmem>>[vector<16xi32>], vector<16xf32>,
        %mul3A_255 = arith.constant 16 : i32
        %mul3A_256 = arith.muli %mul3A_255, %scan3A_35 : i32
        %get3A_257 = arith.constant 24 : i32
        %get3A_258 = arith.index_cast %get3A_257 : i32 to index
        %get3A_259 = arith.index_cast %mul3A_256 : i32 to index
        %get3A_260 = tpu.vector_load %arg5[%get3A_258, %get3A_259] {strides = array<i32>} : memref<64x256xf32, #tpu.memory_space<vmem>>, vector<16xf32>,
        %add3A_261 = arith.constant 24 : i32
        %add3A_262 = vector.broadcast %add3A_261 : i32 to vector<16xi32>
        %add3A_263 = arith.addi %add3A_39, %add3A_262 : vector<16xi32>
        tpu.vector_store_idx %arg7[%add3A_263], %get3A_260 : memref<16384xf32, #tpu.memory_space<vmem>>[vector<16xi32>], vector<16xf32>,
        %mul3A_264 = arith.constant 16 : i32
        %mul3A_265 = arith.muli %mul3A_264, %scan3A_35 : i32
        %get3A_266 = arith.constant 25 : i32
        %get3A_267 = arith.index_cast %get3A_266 : i32 to index
        %get3A_268 = arith.index_cast %mul3A_265 : i32 to index
        %get3A_269 = tpu.vector_load %arg5[%get3A_267, %get3A_268] {strides = array<i32>} : memref<64x256xf32, #tpu.memory_space<vmem>>, vector<16xf32>,
        %add3A_270 = arith.constant 25 : i32
        %add3A_271 = vector.broadcast %add3A_270 : i32 to vector<16xi32>
        %add3A_272 = arith.addi %add3A_39, %add3A_271 : vector<16xi32>
        tpu.vector_store_idx %arg7[%add3A_272], %get3A_269 : memref<16384xf32, #tpu.memory_space<vmem>>[vector<16xi32>], vector<16xf32>,
        %mul3A_273 = arith.constant 16 : i32
        %mul3A_274 = arith.muli %mul3A_273, %scan3A_35 : i32
        %get3A_275 = arith.constant 26 : i32
        %get3A_276 = arith.index_cast %get3A_275 : i32 to index
        %get3A_277 = arith.index_cast %mul3A_274 : i32 to index
        %get3A_278 = tpu.vector_load %arg5[%get3A_276, %get3A_277] {strides = array<i32>} : memref<64x256xf32, #tpu.memory_space<vmem>>, vector<16xf32>,
        %add3A_279 = arith.constant 26 : i32
        %add3A_280 = vector.broadcast %add3A_279 : i32 to vector<16xi32>
        %add3A_281 = arith.addi %add3A_39, %add3A_280 : vector<16xi32>
        tpu.vector_store_idx %arg7[%add3A_281], %get3A_278 : memref<16384xf32, #tpu.memory_space<vmem>>[vector<16xi32>], vector<16xf32>,
        %mul3A_282 = arith.constant 16 : i32
        %mul3A_283 = arith.muli %mul3A_282, %scan3A_35 : i32
        %get3A_284 = arith.constant 27 : i32
        %get3A_285 = arith.index_cast %get3A_284 : i32 to index
        %get3A_286 = arith.index_cast %mul3A_283 : i32 to index
        %get3A_287 = tpu.vector_load %arg5[%get3A_285, %get3A_286] {strides = array<i32>} : memref<64x256xf32, #tpu.memory_space<vmem>>, vector<16xf32>,
        %add3A_288 = arith.constant 27 : i32
        %add3A_289 = vector.broadcast %add3A_288 : i32 to vector<16xi32>
        %add3A_290 = arith.addi %add3A_39, %add3A_289 : vector<16xi32>
        tpu.vector_store_idx %arg7[%add3A_290], %get3A_287 : memref<16384xf32, #tpu.memory_space<vmem>>[vector<16xi32>], vector<16xf32>,
        %mul3A_291 = arith.constant 16 : i32
        %mul3A_292 = arith.muli %mul3A_291, %scan3A_35 : i32
        %get3A_293 = arith.constant 28 : i32
        %get3A_294 = arith.index_cast %get3A_293 : i32 to index
        %get3A_295 = arith.index_cast %mul3A_292 : i32 to index
        %get3A_296 = tpu.vector_load %arg5[%get3A_294, %get3A_295] {strides = array<i32>} : memref<64x256xf32, #tpu.memory_space<vmem>>, vector<16xf32>,
        %add3A_297 = arith.constant 28 : i32
        %add3A_298 = vector.broadcast %add3A_297 : i32 to vector<16xi32>
        %add3A_299 = arith.addi %add3A_39, %add3A_298 : vector<16xi32>
        tpu.vector_store_idx %arg7[%add3A_299], %get3A_296 : memref<16384xf32, #tpu.memory_space<vmem>>[vector<16xi32>], vector<16xf32>,
        %mul3A_300 = arith.constant 16 : i32
        %mul3A_301 = arith.muli %mul3A_300, %scan3A_35 : i32
        %get3A_302 = arith.constant 29 : i32
        %get3A_303 = arith.index_cast %get3A_302 : i32 to index
        %get3A_304 = arith.index_cast %mul3A_301 : i32 to index
        %get3A_305 = tpu.vector_load %arg5[%get3A_303, %get3A_304] {strides = array<i32>} : memref<64x256xf32, #tpu.memory_space<vmem>>, vector<16xf32>,
        %add3A_306 = arith.constant 29 : i32
        %add3A_307 = vector.broadcast %add3A_306 : i32 to vector<16xi32>
        %add3A_308 = arith.addi %add3A_39, %add3A_307 : vector<16xi32>
        tpu.vector_store_idx %arg7[%add3A_308], %get3A_305 : memref<16384xf32, #tpu.memory_space<vmem>>[vector<16xi32>], vector<16xf32>,
        %mul3A_309 = arith.constant 16 : i32
        %mul3A_310 = arith.muli %mul3A_309, %scan3A_35 : i32
        %get3A_311 = arith.constant 30 : i32
        %get3A_312 = arith.index_cast %get3A_311 : i32 to index
        %get3A_313 = arith.index_cast %mul3A_310 : i32 to index
        %get3A_314 = tpu.vector_load %arg5[%get3A_312, %get3A_313] {strides = array<i32>} : memref<64x256xf32, #tpu.memory_space<vmem>>, vector<16xf32>,
        %add3A_315 = arith.constant 30 : i32
        %add3A_316 = vector.broadcast %add3A_315 : i32 to vector<16xi32>
        %add3A_317 = arith.addi %add3A_39, %add3A_316 : vector<16xi32>
        tpu.vector_store_idx %arg7[%add3A_317], %get3A_314 : memref<16384xf32, #tpu.memory_space<vmem>>[vector<16xi32>], vector<16xf32>,
        %mul3A_318 = arith.constant 16 : i32
        %mul3A_319 = arith.muli %mul3A_318, %scan3A_35 : i32
        %get3A_320 = arith.constant 31 : i32
        %get3A_321 = arith.index_cast %get3A_320 : i32 to index
        %get3A_322 = arith.index_cast %mul3A_319 : i32 to index
        %get3A_323 = tpu.vector_load %arg5[%get3A_321, %get3A_322] {strides = array<i32>} : memref<64x256xf32, #tpu.memory_space<vmem>>, vector<16xf32>,
        %add3A_324 = arith.constant 31 : i32
        %add3A_325 = vector.broadcast %add3A_324 : i32 to vector<16xi32>
        %add3A_326 = arith.addi %add3A_39, %add3A_325 : vector<16xi32>
        tpu.vector_store_idx %arg7[%add3A_326], %get3A_323 : memref<16384xf32, #tpu.memory_space<vmem>>[vector<16xi32>], vector<16xf32>,
        %mul3A_327 = arith.constant 16 : i32
        %mul3A_328 = arith.muli %mul3A_327, %scan3A_35 : i32
        %get3A_329 = arith.constant 32 : i32
        %get3A_330 = arith.index_cast %get3A_329 : i32 to index
        %get3A_331 = arith.index_cast %mul3A_328 : i32 to index
        %get3A_332 = tpu.vector_load %arg5[%get3A_330, %get3A_331] {strides = array<i32>} : memref<64x256xf32, #tpu.memory_space<vmem>>, vector<16xf32>,
        %add3A_333 = arith.constant 32 : i32
        %add3A_334 = vector.broadcast %add3A_333 : i32 to vector<16xi32>
        %add3A_335 = arith.addi %add3A_39, %add3A_334 : vector<16xi32>
        tpu.vector_store_idx %arg7[%add3A_335], %get3A_332 : memref<16384xf32, #tpu.memory_space<vmem>>[vector<16xi32>], vector<16xf32>,
        %mul3A_336 = arith.constant 16 : i32
        %mul3A_337 = arith.muli %mul3A_336, %scan3A_35 : i32
        %get3A_338 = arith.constant 33 : i32
        %get3A_339 = arith.index_cast %get3A_338 : i32 to index
        %get3A_340 = arith.index_cast %mul3A_337 : i32 to index
        %get3A_341 = tpu.vector_load %arg5[%get3A_339, %get3A_340] {strides = array<i32>} : memref<64x256xf32, #tpu.memory_space<vmem>>, vector<16xf32>,
        %add3A_342 = arith.constant 33 : i32
        %add3A_343 = vector.broadcast %add3A_342 : i32 to vector<16xi32>
        %add3A_344 = arith.addi %add3A_39, %add3A_343 : vector<16xi32>
        tpu.vector_store_idx %arg7[%add3A_344], %get3A_341 : memref<16384xf32, #tpu.memory_space<vmem>>[vector<16xi32>], vector<16xf32>,
        %mul3A_345 = arith.constant 16 : i32
        %mul3A_346 = arith.muli %mul3A_345, %scan3A_35 : i32
        %get3A_347 = arith.constant 34 : i32
        %get3A_348 = arith.index_cast %get3A_347 : i32 to index
        %get3A_349 = arith.index_cast %mul3A_346 : i32 to index
        %get3A_350 = tpu.vector_load %arg5[%get3A_348, %get3A_349] {strides = array<i32>} : memref<64x256xf32, #tpu.memory_space<vmem>>, vector<16xf32>,
        %add3A_351 = arith.constant 34 : i32
        %add3A_352 = vector.broadcast %add3A_351 : i32 to vector<16xi32>
        %add3A_353 = arith.addi %add3A_39, %add3A_352 : vector<16xi32>
        tpu.vector_store_idx %arg7[%add3A_353], %get3A_350 : memref<16384xf32, #tpu.memory_space<vmem>>[vector<16xi32>], vector<16xf32>,
        %mul3A_354 = arith.constant 16 : i32
        %mul3A_355 = arith.muli %mul3A_354, %scan3A_35 : i32
        %get3A_356 = arith.constant 35 : i32
        %get3A_357 = arith.index_cast %get3A_356 : i32 to index
        %get3A_358 = arith.index_cast %mul3A_355 : i32 to index
        %get3A_359 = tpu.vector_load %arg5[%get3A_357, %get3A_358] {strides = array<i32>} : memref<64x256xf32, #tpu.memory_space<vmem>>, vector<16xf32>,
        %add3A_360 = arith.constant 35 : i32
        %add3A_361 = vector.broadcast %add3A_360 : i32 to vector<16xi32>
        %add3A_362 = arith.addi %add3A_39, %add3A_361 : vector<16xi32>
        tpu.vector_store_idx %arg7[%add3A_362], %get3A_359 : memref<16384xf32, #tpu.memory_space<vmem>>[vector<16xi32>], vector<16xf32>,
        %mul3A_363 = arith.constant 16 : i32
        %mul3A_364 = arith.muli %mul3A_363, %scan3A_35 : i32
        %get3A_365 = arith.constant 36 : i32
        %get3A_366 = arith.index_cast %get3A_365 : i32 to index
        %get3A_367 = arith.index_cast %mul3A_364 : i32 to index
        %get3A_368 = tpu.vector_load %arg5[%get3A_366, %get3A_367] {strides = array<i32>} : memref<64x256xf32, #tpu.memory_space<vmem>>, vector<16xf32>,
        %add3A_369 = arith.constant 36 : i32
        %add3A_370 = vector.broadcast %add3A_369 : i32 to vector<16xi32>
        %add3A_371 = arith.addi %add3A_39, %add3A_370 : vector<16xi32>
        tpu.vector_store_idx %arg7[%add3A_371], %get3A_368 : memref<16384xf32, #tpu.memory_space<vmem>>[vector<16xi32>], vector<16xf32>,
        %mul3A_372 = arith.constant 16 : i32
        %mul3A_373 = arith.muli %mul3A_372, %scan3A_35 : i32
        %get3A_374 = arith.constant 37 : i32
        %get3A_375 = arith.index_cast %get3A_374 : i32 to index
        %get3A_376 = arith.index_cast %mul3A_373 : i32 to index
        %get3A_377 = tpu.vector_load %arg5[%get3A_375, %get3A_376] {strides = array<i32>} : memref<64x256xf32, #tpu.memory_space<vmem>>, vector<16xf32>,
        %add3A_378 = arith.constant 37 : i32
        %add3A_379 = vector.broadcast %add3A_378 : i32 to vector<16xi32>
        %add3A_380 = arith.addi %add3A_39, %add3A_379 : vector<16xi32>
        tpu.vector_store_idx %arg7[%add3A_380], %get3A_377 : memref<16384xf32, #tpu.memory_space<vmem>>[vector<16xi32>], vector<16xf32>,
        %mul3A_381 = arith.constant 16 : i32
        %mul3A_382 = arith.muli %mul3A_381, %scan3A_35 : i32
        %get3A_383 = arith.constant 38 : i32
        %get3A_384 = arith.index_cast %get3A_383 : i32 to index
        %get3A_385 = arith.index_cast %mul3A_382 : i32 to index
        %get3A_386 = tpu.vector_load %arg5[%get3A_384, %get3A_385] {strides = array<i32>} : memref<64x256xf32, #tpu.memory_space<vmem>>, vector<16xf32>,
        %add3A_387 = arith.constant 38 : i32
        %add3A_388 = vector.broadcast %add3A_387 : i32 to vector<16xi32>
        %add3A_389 = arith.addi %add3A_39, %add3A_388 : vector<16xi32>
        tpu.vector_store_idx %arg7[%add3A_389], %get3A_386 : memref<16384xf32, #tpu.memory_space<vmem>>[vector<16xi32>], vector<16xf32>,
        %mul3A_390 = arith.constant 16 : i32
        %mul3A_391 = arith.muli %mul3A_390, %scan3A_35 : i32
        %get3A_392 = arith.constant 39 : i32
        %get3A_393 = arith.index_cast %get3A_392 : i32 to index
        %get3A_394 = arith.index_cast %mul3A_391 : i32 to index
        %get3A_395 = tpu.vector_load %arg5[%get3A_393, %get3A_394] {strides = array<i32>} : memref<64x256xf32, #tpu.memory_space<vmem>>, vector<16xf32>,
        %add3A_396 = arith.constant 39 : i32
        %add3A_397 = vector.broadcast %add3A_396 : i32 to vector<16xi32>
        %add3A_398 = arith.addi %add3A_39, %add3A_397 : vector<16xi32>
        tpu.vector_store_idx %arg7[%add3A_398], %get3A_395 : memref<16384xf32, #tpu.memory_space<vmem>>[vector<16xi32>], vector<16xf32>,
        %mul3A_399 = arith.constant 16 : i32
        %mul3A_400 = arith.muli %mul3A_399, %scan3A_35 : i32
        %get3A_401 = arith.constant 40 : i32
        %get3A_402 = arith.index_cast %get3A_401 : i32 to index
        %get3A_403 = arith.index_cast %mul3A_400 : i32 to index
        %get3A_404 = tpu.vector_load %arg5[%get3A_402, %get3A_403] {strides = array<i32>} : memref<64x256xf32, #tpu.memory_space<vmem>>, vector<16xf32>,
        %add3A_405 = arith.constant 40 : i32
        %add3A_406 = vector.broadcast %add3A_405 : i32 to vector<16xi32>
        %add3A_407 = arith.addi %add3A_39, %add3A_406 : vector<16xi32>
        tpu.vector_store_idx %arg7[%add3A_407], %get3A_404 : memref<16384xf32, #tpu.memory_space<vmem>>[vector<16xi32>], vector<16xf32>,
        %mul3A_408 = arith.constant 16 : i32
        %mul3A_409 = arith.muli %mul3A_408, %scan3A_35 : i32
        %get3A_410 = arith.constant 41 : i32
        %get3A_411 = arith.index_cast %get3A_410 : i32 to index
        %get3A_412 = arith.index_cast %mul3A_409 : i32 to index
        %get3A_413 = tpu.vector_load %arg5[%get3A_411, %get3A_412] {strides = array<i32>} : memref<64x256xf32, #tpu.memory_space<vmem>>, vector<16xf32>,
        %add3A_414 = arith.constant 41 : i32
        %add3A_415 = vector.broadcast %add3A_414 : i32 to vector<16xi32>
        %add3A_416 = arith.addi %add3A_39, %add3A_415 : vector<16xi32>
        tpu.vector_store_idx %arg7[%add3A_416], %get3A_413 : memref<16384xf32, #tpu.memory_space<vmem>>[vector<16xi32>], vector<16xf32>,
        %mul3A_417 = arith.constant 16 : i32
        %mul3A_418 = arith.muli %mul3A_417, %scan3A_35 : i32
        %get3A_419 = arith.constant 42 : i32
        %get3A_420 = arith.index_cast %get3A_419 : i32 to index
        %get3A_421 = arith.index_cast %mul3A_418 : i32 to index
        %get3A_422 = tpu.vector_load %arg5[%get3A_420, %get3A_421] {strides = array<i32>} : memref<64x256xf32, #tpu.memory_space<vmem>>, vector<16xf32>,
        %add3A_423 = arith.constant 42 : i32
        %add3A_424 = vector.broadcast %add3A_423 : i32 to vector<16xi32>
        %add3A_425 = arith.addi %add3A_39, %add3A_424 : vector<16xi32>
        tpu.vector_store_idx %arg7[%add3A_425], %get3A_422 : memref<16384xf32, #tpu.memory_space<vmem>>[vector<16xi32>], vector<16xf32>,
        %mul3A_426 = arith.constant 16 : i32
        %mul3A_427 = arith.muli %mul3A_426, %scan3A_35 : i32
        %get3A_428 = arith.constant 43 : i32
        %get3A_429 = arith.index_cast %get3A_428 : i32 to index
        %get3A_430 = arith.index_cast %mul3A_427 : i32 to index
        %get3A_431 = tpu.vector_load %arg5[%get3A_429, %get3A_430] {strides = array<i32>} : memref<64x256xf32, #tpu.memory_space<vmem>>, vector<16xf32>,
        %add3A_432 = arith.constant 43 : i32
        %add3A_433 = vector.broadcast %add3A_432 : i32 to vector<16xi32>
        %add3A_434 = arith.addi %add3A_39, %add3A_433 : vector<16xi32>
        tpu.vector_store_idx %arg7[%add3A_434], %get3A_431 : memref<16384xf32, #tpu.memory_space<vmem>>[vector<16xi32>], vector<16xf32>,
        %mul3A_435 = arith.constant 16 : i32
        %mul3A_436 = arith.muli %mul3A_435, %scan3A_35 : i32
        %get3A_437 = arith.constant 44 : i32
        %get3A_438 = arith.index_cast %get3A_437 : i32 to index
        %get3A_439 = arith.index_cast %mul3A_436 : i32 to index
        %get3A_440 = tpu.vector_load %arg5[%get3A_438, %get3A_439] {strides = array<i32>} : memref<64x256xf32, #tpu.memory_space<vmem>>, vector<16xf32>,
        %add3A_441 = arith.constant 44 : i32
        %add3A_442 = vector.broadcast %add3A_441 : i32 to vector<16xi32>
        %add3A_443 = arith.addi %add3A_39, %add3A_442 : vector<16xi32>
        tpu.vector_store_idx %arg7[%add3A_443], %get3A_440 : memref<16384xf32, #tpu.memory_space<vmem>>[vector<16xi32>], vector<16xf32>,
        %mul3A_444 = arith.constant 16 : i32
        %mul3A_445 = arith.muli %mul3A_444, %scan3A_35 : i32
        %get3A_446 = arith.constant 45 : i32
        %get3A_447 = arith.index_cast %get3A_446 : i32 to index
        %get3A_448 = arith.index_cast %mul3A_445 : i32 to index
        %get3A_449 = tpu.vector_load %arg5[%get3A_447, %get3A_448] {strides = array<i32>} : memref<64x256xf32, #tpu.memory_space<vmem>>, vector<16xf32>,
        %add3A_450 = arith.constant 45 : i32
        %add3A_451 = vector.broadcast %add3A_450 : i32 to vector<16xi32>
        %add3A_452 = arith.addi %add3A_39, %add3A_451 : vector<16xi32>
        tpu.vector_store_idx %arg7[%add3A_452], %get3A_449 : memref<16384xf32, #tpu.memory_space<vmem>>[vector<16xi32>], vector<16xf32>,
        %mul3A_453 = arith.constant 16 : i32
        %mul3A_454 = arith.muli %mul3A_453, %scan3A_35 : i32
        %get3A_455 = arith.constant 46 : i32
        %get3A_456 = arith.index_cast %get3A_455 : i32 to index
        %get3A_457 = arith.index_cast %mul3A_454 : i32 to index
        %get3A_458 = tpu.vector_load %arg5[%get3A_456, %get3A_457] {strides = array<i32>} : memref<64x256xf32, #tpu.memory_space<vmem>>, vector<16xf32>,
        %add3A_459 = arith.constant 46 : i32
        %add3A_460 = vector.broadcast %add3A_459 : i32 to vector<16xi32>
        %add3A_461 = arith.addi %add3A_39, %add3A_460 : vector<16xi32>
        tpu.vector_store_idx %arg7[%add3A_461], %get3A_458 : memref<16384xf32, #tpu.memory_space<vmem>>[vector<16xi32>], vector<16xf32>,
        %mul3A_462 = arith.constant 16 : i32
        %mul3A_463 = arith.muli %mul3A_462, %scan3A_35 : i32
        %get3A_464 = arith.constant 47 : i32
        %get3A_465 = arith.index_cast %get3A_464 : i32 to index
        %get3A_466 = arith.index_cast %mul3A_463 : i32 to index
        %get3A_467 = tpu.vector_load %arg5[%get3A_465, %get3A_466] {strides = array<i32>} : memref<64x256xf32, #tpu.memory_space<vmem>>, vector<16xf32>,
        %add3A_468 = arith.constant 47 : i32
        %add3A_469 = vector.broadcast %add3A_468 : i32 to vector<16xi32>
        %add3A_470 = arith.addi %add3A_39, %add3A_469 : vector<16xi32>
        tpu.vector_store_idx %arg7[%add3A_470], %get3A_467 : memref<16384xf32, #tpu.memory_space<vmem>>[vector<16xi32>], vector<16xf32>,
        %mul3A_471 = arith.constant 16 : i32
        %mul3A_472 = arith.muli %mul3A_471, %scan3A_35 : i32
        %get3A_473 = arith.constant 48 : i32
        %get3A_474 = arith.index_cast %get3A_473 : i32 to index
        %get3A_475 = arith.index_cast %mul3A_472 : i32 to index
        %get3A_476 = tpu.vector_load %arg5[%get3A_474, %get3A_475] {strides = array<i32>} : memref<64x256xf32, #tpu.memory_space<vmem>>, vector<16xf32>,
        %add3A_477 = arith.constant 48 : i32
        %add3A_478 = vector.broadcast %add3A_477 : i32 to vector<16xi32>
        %add3A_479 = arith.addi %add3A_39, %add3A_478 : vector<16xi32>
        tpu.vector_store_idx %arg7[%add3A_479], %get3A_476 : memref<16384xf32, #tpu.memory_space<vmem>>[vector<16xi32>], vector<16xf32>,
        %mul3A_480 = arith.constant 16 : i32
        %mul3A_481 = arith.muli %mul3A_480, %scan3A_35 : i32
        %get3A_482 = arith.constant 49 : i32
        %get3A_483 = arith.index_cast %get3A_482 : i32 to index
        %get3A_484 = arith.index_cast %mul3A_481 : i32 to index
        %get3A_485 = tpu.vector_load %arg5[%get3A_483, %get3A_484] {strides = array<i32>} : memref<64x256xf32, #tpu.memory_space<vmem>>, vector<16xf32>,
        %add3A_486 = arith.constant 49 : i32
        %add3A_487 = vector.broadcast %add3A_486 : i32 to vector<16xi32>
        %add3A_488 = arith.addi %add3A_39, %add3A_487 : vector<16xi32>
        tpu.vector_store_idx %arg7[%add3A_488], %get3A_485 : memref<16384xf32, #tpu.memory_space<vmem>>[vector<16xi32>], vector<16xf32>,
        %mul3A_489 = arith.constant 16 : i32
        %mul3A_490 = arith.muli %mul3A_489, %scan3A_35 : i32
        %get3A_491 = arith.constant 50 : i32
        %get3A_492 = arith.index_cast %get3A_491 : i32 to index
        %get3A_493 = arith.index_cast %mul3A_490 : i32 to index
        %get3A_494 = tpu.vector_load %arg5[%get3A_492, %get3A_493] {strides = array<i32>} : memref<64x256xf32, #tpu.memory_space<vmem>>, vector<16xf32>,
        %add3A_495 = arith.constant 50 : i32
        %add3A_496 = vector.broadcast %add3A_495 : i32 to vector<16xi32>
        %add3A_497 = arith.addi %add3A_39, %add3A_496 : vector<16xi32>
        tpu.vector_store_idx %arg7[%add3A_497], %get3A_494 : memref<16384xf32, #tpu.memory_space<vmem>>[vector<16xi32>], vector<16xf32>,
        %mul3A_498 = arith.constant 16 : i32
        %mul3A_499 = arith.muli %mul3A_498, %scan3A_35 : i32
        %get3A_500 = arith.constant 51 : i32
        %get3A_501 = arith.index_cast %get3A_500 : i32 to index
        %get3A_502 = arith.index_cast %mul3A_499 : i32 to index
        %get3A_503 = tpu.vector_load %arg5[%get3A_501, %get3A_502] {strides = array<i32>} : memref<64x256xf32, #tpu.memory_space<vmem>>, vector<16xf32>,
        %add3A_504 = arith.constant 51 : i32
        %add3A_505 = vector.broadcast %add3A_504 : i32 to vector<16xi32>
        %add3A_506 = arith.addi %add3A_39, %add3A_505 : vector<16xi32>
        tpu.vector_store_idx %arg7[%add3A_506], %get3A_503 : memref<16384xf32, #tpu.memory_space<vmem>>[vector<16xi32>], vector<16xf32>,
        %mul3A_507 = arith.constant 16 : i32
        %mul3A_508 = arith.muli %mul3A_507, %scan3A_35 : i32
        %get3A_509 = arith.constant 52 : i32
        %get3A_510 = arith.index_cast %get3A_509 : i32 to index
        %get3A_511 = arith.index_cast %mul3A_508 : i32 to index
        %get3A_512 = tpu.vector_load %arg5[%get3A_510, %get3A_511] {strides = array<i32>} : memref<64x256xf32, #tpu.memory_space<vmem>>, vector<16xf32>,
        %add3A_513 = arith.constant 52 : i32
        %add3A_514 = vector.broadcast %add3A_513 : i32 to vector<16xi32>
        %add3A_515 = arith.addi %add3A_39, %add3A_514 : vector<16xi32>
        tpu.vector_store_idx %arg7[%add3A_515], %get3A_512 : memref<16384xf32, #tpu.memory_space<vmem>>[vector<16xi32>], vector<16xf32>,
        %mul3A_516 = arith.constant 16 : i32
        %mul3A_517 = arith.muli %mul3A_516, %scan3A_35 : i32
        %get3A_518 = arith.constant 53 : i32
        %get3A_519 = arith.index_cast %get3A_518 : i32 to index
        %get3A_520 = arith.index_cast %mul3A_517 : i32 to index
        %get3A_521 = tpu.vector_load %arg5[%get3A_519, %get3A_520] {strides = array<i32>} : memref<64x256xf32, #tpu.memory_space<vmem>>, vector<16xf32>,
        %add3A_522 = arith.constant 53 : i32
        %add3A_523 = vector.broadcast %add3A_522 : i32 to vector<16xi32>
        %add3A_524 = arith.addi %add3A_39, %add3A_523 : vector<16xi32>
        tpu.vector_store_idx %arg7[%add3A_524], %get3A_521 : memref<16384xf32, #tpu.memory_space<vmem>>[vector<16xi32>], vector<16xf32>,
        %mul3A_525 = arith.constant 16 : i32
        %mul3A_526 = arith.muli %mul3A_525, %scan3A_35 : i32
        %get3A_527 = arith.constant 54 : i32
        %get3A_528 = arith.index_cast %get3A_527 : i32 to index
        %get3A_529 = arith.index_cast %mul3A_526 : i32 to index
        %get3A_530 = tpu.vector_load %arg5[%get3A_528, %get3A_529] {strides = array<i32>} : memref<64x256xf32, #tpu.memory_space<vmem>>, vector<16xf32>,
        %add3A_531 = arith.constant 54 : i32
        %add3A_532 = vector.broadcast %add3A_531 : i32 to vector<16xi32>
        %add3A_533 = arith.addi %add3A_39, %add3A_532 : vector<16xi32>
        tpu.vector_store_idx %arg7[%add3A_533], %get3A_530 : memref<16384xf32, #tpu.memory_space<vmem>>[vector<16xi32>], vector<16xf32>,
        %mul3A_534 = arith.constant 16 : i32
        %mul3A_535 = arith.muli %mul3A_534, %scan3A_35 : i32
        %get3A_536 = arith.constant 55 : i32
        %get3A_537 = arith.index_cast %get3A_536 : i32 to index
        %get3A_538 = arith.index_cast %mul3A_535 : i32 to index
        %get3A_539 = tpu.vector_load %arg5[%get3A_537, %get3A_538] {strides = array<i32>} : memref<64x256xf32, #tpu.memory_space<vmem>>, vector<16xf32>,
        %add3A_540 = arith.constant 55 : i32
        %add3A_541 = vector.broadcast %add3A_540 : i32 to vector<16xi32>
        %add3A_542 = arith.addi %add3A_39, %add3A_541 : vector<16xi32>
        tpu.vector_store_idx %arg7[%add3A_542], %get3A_539 : memref<16384xf32, #tpu.memory_space<vmem>>[vector<16xi32>], vector<16xf32>,
        %mul3A_543 = arith.constant 16 : i32
        %mul3A_544 = arith.muli %mul3A_543, %scan3A_35 : i32
        %get3A_545 = arith.constant 56 : i32
        %get3A_546 = arith.index_cast %get3A_545 : i32 to index
        %get3A_547 = arith.index_cast %mul3A_544 : i32 to index
        %get3A_548 = tpu.vector_load %arg5[%get3A_546, %get3A_547] {strides = array<i32>} : memref<64x256xf32, #tpu.memory_space<vmem>>, vector<16xf32>,
        %add3A_549 = arith.constant 56 : i32
        %add3A_550 = vector.broadcast %add3A_549 : i32 to vector<16xi32>
        %add3A_551 = arith.addi %add3A_39, %add3A_550 : vector<16xi32>
        tpu.vector_store_idx %arg7[%add3A_551], %get3A_548 : memref<16384xf32, #tpu.memory_space<vmem>>[vector<16xi32>], vector<16xf32>,
        %mul3A_552 = arith.constant 16 : i32
        %mul3A_553 = arith.muli %mul3A_552, %scan3A_35 : i32
        %get3A_554 = arith.constant 57 : i32
        %get3A_555 = arith.index_cast %get3A_554 : i32 to index
        %get3A_556 = arith.index_cast %mul3A_553 : i32 to index
        %get3A_557 = tpu.vector_load %arg5[%get3A_555, %get3A_556] {strides = array<i32>} : memref<64x256xf32, #tpu.memory_space<vmem>>, vector<16xf32>,
        %add3A_558 = arith.constant 57 : i32
        %add3A_559 = vector.broadcast %add3A_558 : i32 to vector<16xi32>
        %add3A_560 = arith.addi %add3A_39, %add3A_559 : vector<16xi32>
        tpu.vector_store_idx %arg7[%add3A_560], %get3A_557 : memref<16384xf32, #tpu.memory_space<vmem>>[vector<16xi32>], vector<16xf32>,
        %mul3A_561 = arith.constant 16 : i32
        %mul3A_562 = arith.muli %mul3A_561, %scan3A_35 : i32
        %get3A_563 = arith.constant 58 : i32
        %get3A_564 = arith.index_cast %get3A_563 : i32 to index
        %get3A_565 = arith.index_cast %mul3A_562 : i32 to index
        %get3A_566 = tpu.vector_load %arg5[%get3A_564, %get3A_565] {strides = array<i32>} : memref<64x256xf32, #tpu.memory_space<vmem>>, vector<16xf32>,
        %add3A_567 = arith.constant 58 : i32
        %add3A_568 = vector.broadcast %add3A_567 : i32 to vector<16xi32>
        %add3A_569 = arith.addi %add3A_39, %add3A_568 : vector<16xi32>
        tpu.vector_store_idx %arg7[%add3A_569], %get3A_566 : memref<16384xf32, #tpu.memory_space<vmem>>[vector<16xi32>], vector<16xf32>,
        %mul3A_570 = arith.constant 16 : i32
        %mul3A_571 = arith.muli %mul3A_570, %scan3A_35 : i32
        %get3A_572 = arith.constant 59 : i32
        %get3A_573 = arith.index_cast %get3A_572 : i32 to index
        %get3A_574 = arith.index_cast %mul3A_571 : i32 to index
        %get3A_575 = tpu.vector_load %arg5[%get3A_573, %get3A_574] {strides = array<i32>} : memref<64x256xf32, #tpu.memory_space<vmem>>, vector<16xf32>,
        %add3A_576 = arith.constant 59 : i32
        %add3A_577 = vector.broadcast %add3A_576 : i32 to vector<16xi32>
        %add3A_578 = arith.addi %add3A_39, %add3A_577 : vector<16xi32>
        tpu.vector_store_idx %arg7[%add3A_578], %get3A_575 : memref<16384xf32, #tpu.memory_space<vmem>>[vector<16xi32>], vector<16xf32>,
        %mul3A_579 = arith.constant 16 : i32
        %mul3A_580 = arith.muli %mul3A_579, %scan3A_35 : i32
        %get3A_581 = arith.constant 60 : i32
        %get3A_582 = arith.index_cast %get3A_581 : i32 to index
        %get3A_583 = arith.index_cast %mul3A_580 : i32 to index
        %get3A_584 = tpu.vector_load %arg5[%get3A_582, %get3A_583] {strides = array<i32>} : memref<64x256xf32, #tpu.memory_space<vmem>>, vector<16xf32>,
        %add3A_585 = arith.constant 60 : i32
        %add3A_586 = vector.broadcast %add3A_585 : i32 to vector<16xi32>
        %add3A_587 = arith.addi %add3A_39, %add3A_586 : vector<16xi32>
        tpu.vector_store_idx %arg7[%add3A_587], %get3A_584 : memref<16384xf32, #tpu.memory_space<vmem>>[vector<16xi32>], vector<16xf32>,
        %mul3A_588 = arith.constant 16 : i32
        %mul3A_589 = arith.muli %mul3A_588, %scan3A_35 : i32
        %get3A_590 = arith.constant 61 : i32
        %get3A_591 = arith.index_cast %get3A_590 : i32 to index
        %get3A_592 = arith.index_cast %mul3A_589 : i32 to index
        %get3A_593 = tpu.vector_load %arg5[%get3A_591, %get3A_592] {strides = array<i32>} : memref<64x256xf32, #tpu.memory_space<vmem>>, vector<16xf32>,
        %add3A_594 = arith.constant 61 : i32
        %add3A_595 = vector.broadcast %add3A_594 : i32 to vector<16xi32>
        %add3A_596 = arith.addi %add3A_39, %add3A_595 : vector<16xi32>
        tpu.vector_store_idx %arg7[%add3A_596], %get3A_593 : memref<16384xf32, #tpu.memory_space<vmem>>[vector<16xi32>], vector<16xf32>,
        %mul3A_597 = arith.constant 16 : i32
        %mul3A_598 = arith.muli %mul3A_597, %scan3A_35 : i32
        %get3A_599 = arith.constant 62 : i32
        %get3A_600 = arith.index_cast %get3A_599 : i32 to index
        %get3A_601 = arith.index_cast %mul3A_598 : i32 to index
        %get3A_602 = tpu.vector_load %arg5[%get3A_600, %get3A_601] {strides = array<i32>} : memref<64x256xf32, #tpu.memory_space<vmem>>, vector<16xf32>,
        %add3A_603 = arith.constant 62 : i32
        %add3A_604 = vector.broadcast %add3A_603 : i32 to vector<16xi32>
        %add3A_605 = arith.addi %add3A_39, %add3A_604 : vector<16xi32>
        tpu.vector_store_idx %arg7[%add3A_605], %get3A_602 : memref<16384xf32, #tpu.memory_space<vmem>>[vector<16xi32>], vector<16xf32>,
        %mul3A_606 = arith.constant 16 : i32
        %mul3A_607 = arith.muli %mul3A_606, %scan3A_35 : i32
        %get3A_608 = arith.constant 63 : i32
        %get3A_609 = arith.index_cast %get3A_608 : i32 to index
        %get3A_610 = arith.index_cast %mul3A_607 : i32 to index
        %get3A_611 = tpu.vector_load %arg5[%get3A_609, %get3A_610] {strides = array<i32>} : memref<64x256xf32, #tpu.memory_space<vmem>>, vector<16xf32>,
        %add3A_612 = arith.constant 63 : i32
        %add3A_613 = vector.broadcast %add3A_612 : i32 to vector<16xi32>
        %add3A_614 = arith.addi %add3A_39, %add3A_613 : vector<16xi32>
        tpu.vector_store_idx %arg7[%add3A_614], %get3A_611 : memref<16384xf32, #tpu.memory_space<vmem>>[vector<16xi32>], vector<16xf32>,
      }
      %scan3A_34 = arith.constant 8 : i32
      "tpu.region"() ({
        %run_scoped3A = tpu.sem_alloc : memref<!tpu.dma_semaphore, #tpu.memory_space<semaphore_mem>>
        %dma_start3A_35 = arith.constant 0 : i32
        %dma_start3A_36 = tpu.memref_slice %arg7[%dma_start3A_35] : memref<16384xf32, #tpu.memory_space<vmem>> -> memref<4096xf32, #tpu.memory_space<vmem>>
        %dma_start3A_37 = arith.constant 63995904 : i32
        %dma_start3A_38 = tpu.memref_slice %arg4[%dma_start3A_37] : memref<64000000xf32, #tpu.memory_space<hbm>> -> memref<4096xf32, #tpu.memory_space<hbm>>
        %dma_start3A_39 = arith.constant 63995904 : i32
        %dma_start3A_40 = tpu.memref_slice %arg4[%dma_start3A_39] : memref<64000000xf32, #tpu.memory_space<hbm>> -> memref<4096xf32, #tpu.memory_space<hbm>>
        %dma_start3A_41 = arith.constant 0 : i32
        %dma_start3A_42 = tpu.memref_slice %arg7[%dma_start3A_41] : memref<16384xf32, #tpu.memory_space<vmem>> -> memref<4096xf32, #tpu.memory_space<vmem>>
        tpu.enqueue_dma source(%dma_start3A_42 : memref<4096xf32, #tpu.memory_space<vmem>>) target(%dma_start3A_40 : memref<4096xf32, #tpu.memory_space<hbm>>) target_semaphore(%run_scoped3A : memref<!tpu.dma_semaphore, #tpu.memory_space<semaphore_mem>>)
        %dma_wait3A_43 = arith.constant 0 : i32
        %dma_wait3A_44 = tpu.memref_slice %arg7[%dma_wait3A_43] : memref<16384xf32, #tpu.memory_space<vmem>> -> memref<4096xf32, #tpu.memory_space<vmem>>
        %dma_wait3A_45 = arith.constant 63995904 : i32
        %dma_wait3A_46 = tpu.memref_slice %arg4[%dma_wait3A_45] : memref<64000000xf32, #tpu.memory_space<hbm>> -> memref<4096xf32, #tpu.memory_space<hbm>>
        %dma_wait3A_47 = arith.constant 63995904 : i32
        %dma_wait3A_48 = tpu.memref_slice %arg4[%dma_wait3A_47] : memref<64000000xf32, #tpu.memory_space<hbm>> -> memref<4096xf32, #tpu.memory_space<hbm>>
        %dma_wait3A_49 = arith.constant 0 : i32
        %dma_wait3A_50 = tpu.memref_slice %arg7[%dma_wait3A_49] : memref<16384xf32, #tpu.memory_space<vmem>> -> memref<4096xf32, #tpu.memory_space<vmem>>
        tpu.wait_dma2 semaphore(%run_scoped3A : memref<!tpu.dma_semaphore, #tpu.memory_space<semaphore_mem>>) src(%dma_wait3A_50 : memref<4096xf32, #tpu.memory_space<vmem>>) dst(%dma_wait3A_48 : memref<4096xf32, #tpu.memory_space<hbm>>)
        tpu.yield
      }) : () -> ()
    } else {
    }
    return
  }
}

</mosaic_0001>

<sc_bundles>
// kernel: kernel.4.cloned.1.call-start
scs
__scs_entry_jumppad:
0x0: {  	(pc) =	sbr.rel $0x88, $3  }
0x1: {  	(tag) =	ssettag $0x0;
	lr =	simm.s32 $0x1  }
0x2: {  	[smem:$0x3F9F] =	sst lr;
	_ =	strace $0xD0000000  }
0x3: {  	_ = 	snop  }
0x4: {  	_ = 	snop  }
0x5: {  	_ = 	snop  }
0x6: {  	_ = 	snop  }
0x7: {  	_ = 	snop  }
__scs_overlays_trampoline_lowered:
0x8: {  	[smem:$0x3FAE] =	sst s0  }
0x9: {  	[smem:$0x3FAF] =	sst s1  }
0xa: {  	[smem:$0x3FB0] =	sst s2  }
0xb: {  	[smem:$0x3FB1] =	sst s3  }
0xc: {  	[smem:$0x3FB2] =	sst s4  }
0xd: {  	[smem:$0x3FB3] =	sst s5  }
0xe: {  	[smem:$0x3FB4] =	sst s6  }
0xf: {  	[smem:$0x3FB5] =	sst s7  }
0x10: {  	[smem:$0x3FB6] =	sst s8  }
0x11: {  	[smem:$0x3FB7] =	sst s9;
	s0 =	simm.s32 @!p0 $0x0  }
0x12: {  	s1 =	sld [smem:$0x3F9D];
	s0 =	simm.s32 @p0 $0x1  }
0x13: {  	[smem:$0x3FB8] =	sst s0;
	s0 =	simm.s32 @!p1 $0x0  }
0x14: {  	s2 =	sld [smem:$0x3F9C];
	s0 =	simm.s32 @p1 $0x1  }
0x15: {  	[smem:$0x3FB9] =	sst s0;
	s0 =	simm.s32 @!p2 $0x0  }
0x16: {  	s3 =	sld [smem:$0x3FDB];
	s0 =	simm.s32 @p2 $0x1  }
0x17: {  	s4 =	simm.s32 $0x1BF5;
	[smem:$0x3FBB] =	sst s0  }
0x18: {  	s0 =	sld [smem:$0x3F9E];
	_ =	swait.ge [sflag:s4], $0x0  }
0x19: {  	s7 =	sld [smem:$0x3F9F]  }
0x1a: {  	s8 =	sadd.s32 $0xFFFFE003, lr  }
0x1b: {  	s9 =	sadd.s32 $0xFFFFFEF7, lr;
	s5 =	simm.s32 $0xFFFFFFFF;
	p2 =	slt.u32 s8, $0xFFFFF086  }
0x1c: {  	p1 =	slt.u32 s9, $0xF7A;
	s5 =	simm.s32 @!p2 $0x0  }
0x1d: {  	s5 =	simm.s32 @p1 $0x1;
	p0 =	seq.s32 s7, s2  }
0x1e: {  	s7 =	smul.u32 @!p0 $0xF7A, s2;
	p2 =	seq.s32 @!p0 s5, $0x0  }
0x1f: {  	s9 =	smul.u32 $0xF7A, s1;
	s8 =	simm.s32 @!p0 $0x1BF5;
	p2 =	por !p2, p0  }
0x20: {  	[sflag:s8] =	ssyncset.s32 @!p0 $0xFFFFF086;
	s6 =	sadd.s32 @!p0 s3, s7;
	s7 =	simm.s32 @!p0 $0x108  }
0x21: {  	s3 =	sadd.s32 s3, s9;
	s6 =	sadd.s32 @!p0 $0x88, s6;
	s7 =	simm.s32 @p2 $0x1082  }
0x22: {  	[simem:s7], [sflag:s8] =	dma.local @!p0 [hbm:s6], $0xF7A  }
0x23: {  	s9 =	sor.u32 $0xD0000000, s2;
	s6 =	simm.s32 $0x108;
	_ =	swait.ge @!p0 [sflag:s8], $0x0  }
0x24: {  	s3 =	sadd.s32 $0x88, s3;
	s6 =	simm.s32 @!p1 $0x1082;
	[sflag:s4] =	ssyncset.s32 $0xFFFFF086  }
0x25: {  	[simem:s6], [sflag:s4] =	dma.local [hbm:s3], $0xF7A  }
0x26: {  	[smem:$0x3F9F] =	sst s1;
	(tag) =	ssettag s2;
	_ =	strace s9  }
0x27: {  	s1 =	sld [smem:$0x3FAF]  }
0x28: {  	s2 =	sld [smem:$0x3FB0]  }
0x29: {  	s4 =	sld [smem:$0x3FB2]  }
0x2a: {  	p0 =	seq.s32 s5, $0x0;
	s5 =	sld [smem:$0x3FB3]  }
0x2b: {  	s6 =	sld [smem:$0x3FB4]  }
0x2c: {  	s7 =	sld [smem:$0x3FB5]  }
0x2d: {  	s3 =	simm.s32 $0x108;
	s8 =	sld [smem:$0x3FB6]  }
0x2e: {  	s3 =	simm.s32 @!p0 $0x1082;
	s9 =	sld [smem:$0x3FB7]  }
0x2f: {  	lr =	sadd.s32 s0, s3;
	s0 =	sld [smem:$0x3FAE]  }
0x30: {  	s3 =	sld [smem:$0x3FB1]  }
0x31: {  	[smem:$0x3FBA] =	sst s10  }
0x32: {  	s10 =	sld [smem:$0x3FB8];
	_ =	sdelay $0x3  }
0x33: {  	p0 =	seq.s32 s10, $0x1;
	s10 =	sld [smem:$0x3FBA];
	_ =	sdelay $0x3  }
0x34: {  	[smem:$0x3FBA] =	sst s10  }
0x35: {  	s10 =	sld [smem:$0x3FB9];
	_ =	sdelay $0x3  }
0x36: {  	p1 =	seq.s32 s10, $0x1;
	s10 =	sld [smem:$0x3FBA];
	_ =	sdelay $0x3  }
0x37: {  	[smem:$0x3FBA] =	sst s10  }
0x38: {  	s10 =	sld [smem:$0x3FBB]  }
0x39: {  	_ = 	snop;
	(pc) =	sbr.ind lr, $3  }
0x3a: {  	_ = 	snop  }
0x3b: {  	_ = 	snop  }
0x3c: {  	p2 =	seq.s32 s10, $0x1;
	s10 =	sld [smem:$0x3FBA]  }
0x3d: {  	_ =	shalt  }
0x3e: {  	_ =	shalt  }
0x3f: {  	_ =	shalt  }
0x40: {  	_ =	shalt  }
0x41: {  	_ =	shalt  }
0x42: {  	_ =	shalt  }
0x43: {  	_ =	shalt  }
0x44: {  	_ =	shalt  }
0x45: {  	_ =	shalt  }
0x46: {  	_ =	shalt  }
0x47: {  	_ =	shalt  }
0x48: {  	_ =	shalt  }
0x49: {  	_ =	shalt  }
0x4a: {  	_ =	shalt  }
0x4b: {  	_ =	shalt  }
0x4c: {  	_ =	shalt  }
0x4d: {  	_ =	shalt  }
0x4e: {  	_ =	shalt  }
0x4f: {  	_ =	shalt  }
0x50: {  	_ =	shalt  }
0x51: {  	_ =	shalt  }
0x52: {  	_ =	shalt  }
0x53: {  	_ =	shalt  }
0x54: {  	_ =	shalt  }
0x55: {  	_ =	shalt  }
0x56: {  	_ =	shalt  }
0x57: {  	_ =	shalt  }
0x58: {  	_ =	shalt  }
0x59: {  	_ =	shalt  }
0x5a: {  	_ =	shalt  }
0x5b: {  	_ =	shalt  }
0x5c: {  	_ =	shalt  }
0x5d: {  	_ =	shalt  }
0x5e: {  	_ =	shalt  }
0x5f: {  	_ =	shalt  }
0x60: {  	_ =	shalt  }
0x61: {  	_ =	shalt  }
0x62: {  	_ =	shalt  }
0x63: {  	_ =	shalt  }
0x64: {  	_ =	shalt  }
0x65: {  	_ =	shalt  }
0x66: {  	_ =	shalt  }
0x67: {  	_ =	shalt  }
0x68: {  	_ =	shalt  }
0x69: {  	_ =	shalt  }
0x6a: {  	_ =	shalt  }
0x6b: {  	_ =	shalt  }
0x6c: {  	_ =	shalt  }
0x6d: {  	_ =	shalt  }
0x6e: {  	_ =	shalt  }
0x6f: {  	_ =	shalt  }
0x70: {  	_ =	shalt  }
0x71: {  	_ =	shalt  }
0x72: {  	_ =	shalt  }
0x73: {  	_ =	shalt  }
0x74: {  	_ =	shalt  }
0x75: {  	_ =	shalt  }
0x76: {  	_ =	shalt  }
0x77: {  	_ =	shalt  }
0x78: {  	_ =	shalt  }
0x79: {  	_ =	shalt  }
0x7a: {  	_ =	shalt  }
0x7b: {  	_ =	shalt  }
0x7c: {  	_ =	shalt  }
0x7d: {  	_ =	shalt  }
0x7e: {  	_ =	shalt  }
0x7f: {  	_ =	shalt  }
0x80: {  	_ =	shalt  }
0x81: {  	_ =	shalt  }
0x82: {  	_ =	shalt  }
0x83: {  	_ =	shalt  }
0x84: {  	_ =	shalt  }
0x85: {  	_ =	shalt  }
0x86: {  	_ =	shalt  }
0x87: {  	_ =	shalt  }
.Lfunc_end0:
.L_simem_size_0:
called_computation.1_lowered:
.L_overlay_start_0:
0x88: {  	s2 =	sld [smem:$0x3FD9]  }
0x89: {  	s3 =	sld [smem:$0x3FFE];
	_ =	sdelay $0x1  }
0x8a: {  	s1 =	srdreg.scid  }
0x8b: {  	s0 =	sand.u32 $0x1, s1  }
0x8c: {  	s17 =	sshll.u32 s0, $0xA;
	s2 =	sadd.s32 s3, s2  }
0x8d: {  	s2 =	sadd.s32 s2, s17  }
0x8e: {  	[smem:$0x3FC6] =	sst s2  }
0x8f: {  	_ = 	snop  }
0x90: {  	s2 =	sld [smem:$0x3FC8];
	(tm) =	ssettm $0x1  }
0x91: {  	s18 =	sld [smem:$0x3FFB];
	_ =	sdelay $0x3  }
0x92: {  	_ =	strace s18  }
0x93: {  	s3 =	sld [smem:$0x3FFC];
	_ =	sdelay $0x3  }
0x94: {  	_ =	strace s3  }
0x95: {  	s3 =	sld [smem:$0x3FFD];
	_ =	sdelay $0x3  }
0x96: {  	_ =	strace s3  }
0x97: {  	_ =	strace $0x8FFFFFFF  }
0x98: {  	s19 =	sld [smem:$0x3FDB];
	_ =	sdelay $0x1  }
0x99: {  	s4 =	simm.s32 $_scs_section_size  }
0x9a: {  	s5 =	simm.s32 $_size__tile_overlayer_lowered;
	s6 =	simm.s32 $_tile_overlayer_lowered  }
0x9b: {  	s22 =	simm.s32 $0x1BFF;
	s21 =	sshll.u32 s6, $0x1;
	s3 =	sadd.s32 s4, s19  }
0x9c: {  	s7 =	simm.s32 $0x0;
	s20 =	sshll.u32 s5, $0x1;
	s5 =	sadd.s32 s21, s3  }
0x9d: {  	[timem:s7], [sflag:s22] =	dma.local [hbm:s5], s20  }
0x9e: {  	_ =	swait.ge [sflag:s22], s20  }
0x9f: {  	s4 =	ssub.s32 $0x0, s20;
	[sflag:s22] =	ssyncset.done $0x0  }
0xa0: {  	[sflag:s22] =	ssyncadd.s32 s4;
	_ =	sdelay $0x1  }
0xa1: {  	s23 =	simm.s32 $0x1B8B  }
0xa2: {  	_ =	swait.ge [sflag:s23], $0x1  }
0xa3: {  	[sflag:s23] =	ssyncset.done $0x0  }
0xa4: {  	s25 =	simm.s32 $0x1B8E;
	s24 =	sld [smem:$0x3FFE];
	[sflag:s23] =	ssyncadd.s32 $0xFFFFFFFF  }
0xa5: {  	s26 =	simm.s32 $execute0_lowered;
	[smem:$0x3FD2] =	sst s25  }
0xa6: {  	s5 =	sshll.u32 s26, $0x1;
	_ =	strace $0x80000046;
	[dreg:$0x1] =	wrdreg $0xFFFFFFFF  }
0xa7: {  	s28 =	simm.s32 $_size_execute0_lowered;
	s3 =	sadd.s32 s3, s5;
	[dreg:$0x0] =	wrdreg $0x0  }
0xa8: {  	s5 =	sshll.u32 s28, $0x1;
	[dreg:$0x2] =	wrdreg s3  }
0xa9: {  	[dreg:$0x3] =	wrdreg s5  }
0xaa: {  	[dreg:$0x4] =	wrdreg $0xC0  }
0xab: {  	_ =	task [dreg:s7], $0x5FFFF  }
0xac: {  	[dreg:$0x1] =	wrdreg $0xFFFFFFFF  }
0xad: {  	[dreg:$0x0] =	wrdreg $0x60  }
0xae: {  	[dreg:$0x2] =	wrdreg s2  }
0xaf: {  	[dreg:$0x3] =	wrdreg s24  }
0xb0: {  	[dreg:$0x4] =	wrdreg $0x9  }
0xb1: {  	_ =	task.clear_ibuf [dreg:s7], $0x5FFFF;
	_ =	strace $0x90000046  }
0xb2: {  	s29 =	simm.s32 $0x9;
	_ =	strace $0x80000048  }
0xb3: {  	_ =	swait.ge [sflag:s29], $0x1  }
0xb4: {  	[sflag:s29] =	ssyncadd.s32 $0xFFFFFFFF  }
0xb5: {  	_ =	strace $0x90000048  }
0xb6: {  	_ =	sfence  }
0xb7: {  	s30 =	sld [smem:$0x0];
	_ =	sdelay $0x2  }
0xb8: {  	s31 =	sshll.u32 s1, $0xD;
	s1 =	sshrl.u32 s1, $0x2  }
0xb9: {  	s3 =	sand.u32 $0x4000, s31;
	s1 =	sadd.s32 s1, s30  }
0xba: {  	s0 =	sor.u32 s3, s0;
	s1 =	sshll.u32 s1, $0x11  }
0xbb: {  	s0 =	sor.u32 s1, s0  }
0xbc: {  	s0 =	sadd.s32 $0x8F2B, s0  }
0xbd: {  	[sflag:s0] =	ssyncadd.remote.s32 $0x1  }
0xbe: {  	_ =	sfence.sel $0xFFFF  }
0xbf: {  	[dreg:$0x0] =	wrdreg $0xFFFFFFFF;
	(pc) =	sbr.abs _section_cstart, $3  }
0xc0: {  	[dreg:$0x1] =	wrdreg $0xFFFFFFFF  }
0xc1: {  	_ =	task.clear_ibuf [dreg:s7], $0x2FFFF;
	_ =	strace $0x9FFFFFFF  }
0xc2: {  	(tm) =	ssettm $0x7FFFFFFF  }
0xc3: {  	_ =	shalt  }
tec
execute0_lowered:
.L_overlay_start_1:
0x0: {  	(tag) =	ssettag $0x1  }
0x1: {  	v0 =	vlaneseq.u32  }
0x2: {  	v7 =	vmul.u32 $0x40, v0;
	_ =	sdelay $0x1  }
0x3: {  	s1 =	rddreg [dreg:$0x0];
	s2 =	simm.s32 $0x0;
	v1 =	vand.u32 $0x1, v0;
	v0 =	vor.u32 $0x2, v7  }
0x4: {  	[smem:$0x7FF] =	sst s2;
	v1 =	vmul.u32 $0x40, v1;
	[tilespmem:$0x1FE20] =	vst v0;
	v0 =	vor.u32 $0x1B, v7  }
0x5: {  	s0 =	rddreg [dreg:$0x1];
	v63 =	vor.u32 $0x3D, v7;
	_ =	strace $0x80000047;
	[tilespmem:$0x1FE30] =	vst v0  }
0x6: {  	v4 =	vor.u32 $0xFFFFFF80, v1;
	v1 =	vor.u32 $0x3B, v7;
	[tilespmem:$0x1FF90] =	vst v63  }
0x7: {  	[tilespmem:$0x1FFA0] =	vst v1  }
0x8: {  	v61 =	vor.u32 $0x1, v7;
	[tilespmem:$0x1FFB0] =	vst v7  }
0x9: {  	v37 =	vor.u32 $0x4, v7;
	[tilespmem:$0x1FFC0] =	vst v61  }
0xa: {  	v8 =	vor.u32 $0x3, v7;
	[tilespmem:$0x1FFD0] =	vst v37  }
0xb: {  	v57 =	vor.u32 $0x5, v7;
	[tilespmem:$0x1FFE0] =	vst v8  }
0xc: {  	v0 =	vor.u32 $0x1E, v7;
	[tilespmem:$0x1FFF0] =	vst v57  }
0xd: {  	[tilespmem:$0x1FE40] =	vst v0;
	v0 =	vor.u32 $0x20, v7  }
0xe: {  	[tilespmem:$0x1FE50] =	vst v0;
	v0 =	vor.u32 $0x21, v7  }
0xf: {  	[tilespmem:$0x1FE60] =	vst v0;
	v0 =	vor.u32 $0x23, v7  }
0x10: {  	[tilespmem:$0x1FE70] =	vst v0;
	v0 =	vor.u32 $0x24, v7  }
0x11: {  	[tilespmem:$0x1FE80] =	vst v0;
	v0 =	vor.u32 $0x26, v7  }
0x12: {  	v14 =	vor.u32 $0x6, v7;
	[tilespmem:$0x1FE90] =	vst v0;
	v0 =	vor.u32 $0x27, v7  }
0x13: {  	v12 =	vor.u32 $0x7, v7;
	v13 =	vor.u32 $0x8, v7;
	[tilespmem:$0x1FEA0] =	vst v0;
	v0 =	vor.u32 $0x29, v7  }
0x14: {  	v17 =	vor.u32 $0x9, v7;
	v15 =	vor.u32 $0xA, v7;
	[tilespmem:$0x1FEB0] =	vst v0;
	v0 =	vor.u32 $0x2A, v7  }
0x15: {  	s3 =	srdreg.scid;
	s7 =	stileid.u32;
	v16 =	vor.u32 $0xB, v7;
	v20 =	vor.u32 $0xC, v7;
	[tilespmem:$0x1FEC0] =	vst v0;
	v0 =	vor.u32 $0x2C, v7  }
0x16: {  	s16 =	simm.s32 $0x800;
	s18 =	simm.s32 $0x1;
	s19 =	simm.s32 $0x8000;
	v18 =	vor.u32 $0xD, v7;
	v19 =	vor.u32 $0xE, v7;
	[tilespmem:$0x1FED0] =	vst v0;
	v0 =	vor.u32 $0x2D, v7  }
0x17: {  	s20 =	simm.s32 $0x2;
	s21 =	simm.s32 $0xC000;
	s22 =	simm.s32 $0x3;
	v23 =	vor.u32 $0xF, v7;
	v21 =	vor.u32 $0x10, v7;
	[tilespmem:$0x1FEE0] =	vst v0;
	v0 =	vor.u32 $0x2F, v7  }
0x18: {  	s4 =	sshll.u32 s7, $0x1;
	p0 =	seq.s32 s7, $0x0;
	s7 =	sadd.s32 $0x7A2200, s0;
	v22 =	vor.u32 $0x11, v7;
	v26 =	vor.u32 $0x12, v7;
	[tilespmem:$0x1FEF0] =	vst v0;
	v0 =	vor.u32 $0x30, v7  }
0x19: {  	s23 =	simm.s32 $0x4;
	s5 =	sadd.s32 $0xE00, s0;
	s9 =	sadd.s32 $0xE80, s0;
	v24 =	vor.u32 $0x13, v7;
	v25 =	vor.u32 $0x14, v7;
	[tilespmem:$0x1FF00] =	vst v0;
	v0 =	vor.u32 $0x32, v7  }
0x1a: {  	s30 =	simm.s32 $0x5;
	s10 =	sadd.s32 $0xF00, s0;
	s11 =	sadd.s32 $0xF80, s0;
	v29 =	vor.u32 $0x15, v7;
	v27 =	vor.u32 $0x16, v7;
	[tilespmem:$0x1FF10] =	vst v0;
	v0 =	vor.u32 $0x33, v7  }
0x1b: {  	s31 =	simm.s32 $0x0;
	s12 =	sadd.s32 $0x1000, s0;
	s13 =	sadd.s32 $0x1080, s0;
	v28 =	vor.u32 $0x17, v7;
	v32 =	vor.u32 $0x18, v7;
	[tilespmem:$0x1FF20] =	vst v0;
	v0 =	vor.u32 $0x34, v7  }
0x1c: {  	s3 =	sand.u32 $0x1, s3;
	s14 =	sadd.s32 $0x1100, s0;
	s15 =	sadd.s32 $0x1180, s0;
	v30 =	vor.u32 $0x19, v7;
	v31 =	vor.u32 $0x1A, v7;
	[tilespmem:$0x1FF30] =	vst v0;
	v0 =	vor.u32 $0x37, v7  }
.Ltmp0:
0x1d: {  	s17 =	sor.u32 s3, s4;
	s3 =	ssub.s32 $0x2, s3;
	v33 =	vor.u32 $0x1C, v7;
	v34 =	vor.u32 $0x1D, v7;
	[tilespmem:$0x1FF40] =	vst v0;
	v0 =	vor.u32 $0x38, v7;
	(pc) =	sbr.rel .LBB2_1-.Ltmp0, $4  }
0x1e: {  	s4 =	sshll.u32 s17, $0xB;
	s28 =	sshrl.u32 s3, $0x1;
	v36 =	vor.u32 $0x1F, v7;
	s29 =	sshll.u32 s17, $0x8;
	v39 =	vor.u32 $0x22, v7;
	[tilespmem:$0x1FF50] =	vst v0;
	v0 =	vor.u32 $0x39, v7  }
0x1f: {  	v42 =	vor.u32 $0x25, v7;
	v45 =	vor.u32 $0x28, v7;
	s6 =	sadd.s32 s4, s0;
	s4 =	simm.s32 $0x7B;
	s3 =	ssub.s32 s3, s28;
	[tilespmem:$0x1FF60] =	vst v0;
	v0 =	vor.u32 $0x3A, v7  }
0x20: {  	v48 =	vor.u32 $0x2B, v7;
	v51 =	vor.u32 $0x2E, v7;
	[dreg:$0x3] =	wrdreg s5;
	s4 =	simm.s32 @!p0 $0x7A;
	s5 =	sadd.s32 s1, s29;
	[tilespmem:$0x1FF70] =	vst v0;
	v0 =	vor.u32 $0x3C, v7  }
0x21: {  	v54 =	vor.u32 $0x31, v7;
	v6 =	vor.u32 $0x35, v7;
	v9 =	vor.u32 $0x36, v7;
	s6 =	sadd.s32 $0x1200, s6;
	s8 =	smax.u32 s3, $0x1;
	p0 =	sne.s32 s17, $0x1F;
	v5 =	vmovc v4;
	[tilespmem:$0x1FF80] =	vst v0  }
.LBB2_15:
0x22: {  	s31 =	sadd.s32 $0x1, s31  }
0x23: {  	p1 =	sne.s32 s31, s8  }
.Ltmp1:
0x24: {  	_ = 	snop;
	(pc) =	sbr.rel @!p1 .LBB2_16-.Ltmp1, $1  }
0x25: {  	_ =	sdelay $0x3  }
.LBB2_1:
.Ltmp2:
0x26: {  	(pc) =	sbr.rel .LBB2_2-.Ltmp2, $4  }
0x27: {  	_ = 	snop  }
0x28: {  	s0 =	simm.s32 $0x7A1400  }
0x29: {  	[tilespmem:s2], [sflag:$0x1] =	stream.strided.gather [hbm4b:s5+s16], $0x4000, s0, s16, $0x38;
	[tilespmem:$0x10000] =	vst v63  }
0x2a: {  	s0 =	simm.s32 $0x0  }
.LBB2_10:
0x2b: {  	s0 =	sadd.s32 $0x1, s0  }
0x2c: {  	p1 =	sne.s32 s0, $0x3E  }
.Ltmp3:
0x2d: {  	_ = 	snop;
	(pc) =	sbr.rel @!p1 .LBB2_11-.Ltmp3, $1  }
0x2e: {  	_ =	sdelay $0x3  }
.LBB2_2:
0x2f: {  	s24 =	sshll.u32 s0, $0x1  }
0x30: {  	p1 =	slt.u32 s24, s4  }
.Ltmp4:
0x31: {  	_ = 	snop;
	(pc) =	sbr.rel @!p1 .LBB2_6-.Ltmp4, $2  }
0x32: {  	_ =	sdelay $0x2  }
0x33: {  	s1 =	sor.u32 $0x1, s24  }
0x34: {  	s1 =	sor.u32 $0x1, s24;
	_ =	swait.ge [sflag:s18], $0x4000  }
0x35: {  	p1 =	sge.u32 s1, s4;
	[sflag:s18] =	ssyncset.done $0x0  }
0x36: {  	s3 =	sshll.u32 @!p1 s1, $0xD;
	[sflag:s18] =	ssyncadd.s32 $0xFFFFC000;
	s17 =	simm.s32 @!p1 $0x800  }
0x37: {  	s25 =	simm.s32 @!p1 $0x7A1400;
	s26 =	simm.s32 @!p1 $0x4000;
	s3 =	sadd.s32 @!p1 s3, s5  }
0x38: {  	[tilespmem:s26], [sflag:$0x2] =	stream.strided.gather @!p1 [hbm4b:s3+s17], $0x4000, s25, s17, $0x38;
	[tilespmem:$0x10000] =	vst v63  }
0x39: {  	p1 =	seq.s32 s0, $0x0  }
0x3a: {  	s3 =	simm.s32 @!p1 $0x3  }
0x3b: {  	s17 =	simm.s32 $0x0;
	_ =	swait.ge @!p1 [sflag:s3], $0x4000  }
0x3c: {  	s25 =	sand.u32 $0x70, s17;
	s26 =	sand.u32 $0x400, s17;
	[sflag:s3] =	ssyncset.done @!p1 $0x0  }
0x3d: {  	v1 =	vor.u32 s17, v7;
	s29 =	sor.u32 s25, s26;
	[sflag:s3] =	ssyncadd.s32 @!p1 $0xFFFFC000  }
0x3e: {  	v1 =	vand.u32 v4, v1;
	v2 =	vld [tilespmem:s29+$0x0];
	_ =	sdelay $0x4  }
0x3f: {  	[tilespmem:v1+s19+$0x0] =	vst.idx.msk $0xffff, v2  }
0x40: {  	v2 =	vor.u32 s17, v61;
	v1 =	vld [tilespmem:s29+$0x80]  }
0x41: {  	v59 =	vld [tilespmem:$0x1FE20];
	_ =	sdelay $0x3  }
0x42: {  	[tilespmem:v2+s19+$0x0] =	vst.idx.msk $0xffff, v1  }
0x43: {  	v2 =	vor.u32 s17, v59;
	v1 =	vld [tilespmem:s29+$0x100];
	_ =	sdelay $0x4  }
0x44: {  	[tilespmem:v2+s19+$0x0] =	vst.idx.msk $0xffff, v1  }
0x45: {  	v2 =	vor.u32 s17, v8;
	v1 =	vld [tilespmem:s29+$0x180];
	_ =	sdelay $0x4  }
0x46: {  	[tilespmem:v2+s19+$0x0] =	vst.idx.msk $0xffff, v1  }
0x47: {  	v2 =	vor.u32 s17, v37;
	v1 =	vld [tilespmem:s29+$0x200];
	_ =	sdelay $0x4  }
0x48: {  	[tilespmem:v2+s19+$0x0] =	vst.idx.msk $0xffff, v1  }
0x49: {  	v2 =	vor.u32 s17, v57;
	v1 =	vld [tilespmem:s29+$0x280];
	_ =	sdelay $0x4  }
0x4a: {  	[tilespmem:v2+s19+$0x0] =	vst.idx.msk $0xffff, v1  }
0x4b: {  	v2 =	vor.u32 s17, v14;
	v1 =	vld [tilespmem:s29+$0x300];
	_ =	sdelay $0x3  }
0x4c: {  	s26 =	sor.u32 s17, s17  }
0x4d: {  	s3 =	sor.u32 $0x380, s26;
	[tilespmem:v2+s19+$0x0] =	vst.idx.msk $0xffff, v1  }
0x4e: {  	v2 =	vor.u32 s17, v12;
	v1 =	vld [tilespmem:s3+$0x0];
	_ =	sdelay $0x4  }
0x4f: {  	[tilespmem:v2+s19+$0x0] =	vst.idx.msk $0xffff, v1  }
0x50: {  	v2 =	vor.u32 s17, v13;
	v1 =	vld [tilespmem:s29+$0x800];
	_ =	sdelay $0x4  }
0x51: {  	[tilespmem:v2+s19+$0x0] =	vst.idx.msk $0xffff, v1  }
0x52: {  	v2 =	vor.u32 s17, v17;
	v1 =	vld [tilespmem:s29+$0x880];
	_ =	sdelay $0x4  }
0x53: {  	[tilespmem:v2+s19+$0x0] =	vst.idx.msk $0xffff, v1  }
0x54: {  	v2 =	vor.u32 s17, v15;
	v1 =	vld [tilespmem:s29+$0x900];
	_ =	sdelay $0x4  }
0x55: {  	[tilespmem:v2+s19+$0x0] =	vst.idx.msk $0xffff, v1  }
0x56: {  	v2 =	vor.u32 s17, v16;
	v1 =	vld [tilespmem:s29+$0x980];
	_ =	sdelay $0x4  }
0x57: {  	[tilespmem:v2+s19+$0x0] =	vst.idx.msk $0xffff, v1  }
0x58: {  	v2 =	vor.u32 s17, v20;
	v1 =	vld [tilespmem:s29+$0xA00];
	_ =	sdelay $0x4  }
0x59: {  	[tilespmem:v2+s19+$0x0] =	vst.idx.msk $0xffff, v1  }
0x5a: {  	v2 =	vor.u32 s17, v18;
	v1 =	vld [tilespmem:s29+$0xA80];
	_ =	sdelay $0x4  }
0x5b: {  	[tilespmem:v2+s19+$0x0] =	vst.idx.msk $0xffff, v1  }
0x5c: {  	v2 =	vor.u32 s17, v19;
	v1 =	vld [tilespmem:s29+$0xB00];
	_ =	sdelay $0x4  }
0x5d: {  	[tilespmem:v2+s19+$0x0] =	vst.idx.msk $0xffff, v1  }
0x5e: {  	v2 =	vor.u32 s17, v23;
	v1 =	vld [tilespmem:s29+$0xB80];
	_ =	sdelay $0x4  }
0x5f: {  	[tilespmem:v2+s19+$0x0] =	vst.idx.msk $0xffff, v1  }
0x60: {  	v2 =	vor.u32 s17, v21;
	v1 =	vld [tilespmem:s29+$0x1000];
	_ =	sdelay $0x4  }
0x61: {  	[tilespmem:v2+s19+$0x0] =	vst.idx.msk $0xffff, v1  }
0x62: {  	v2 =	vor.u32 s17, v22;
	v1 =	vld [tilespmem:s29+$0x1080];
	_ =	sdelay $0x4  }
0x63: {  	[tilespmem:v2+s19+$0x0] =	vst.idx.msk $0xffff, v1  }
0x64: {  	v2 =	vor.u32 s17, v26;
	v1 =	vld [tilespmem:s29+$0x1100];
	_ =	sdelay $0x4  }
0x65: {  	[tilespmem:v2+s19+$0x0] =	vst.idx.msk $0xffff, v1  }
0x66: {  	v2 =	vor.u32 s17, v24;
	v1 =	vld [tilespmem:s29+$0x1180];
	_ =	sdelay $0x4  }
0x67: {  	[tilespmem:v2+s19+$0x0] =	vst.idx.msk $0xffff, v1  }
0x68: {  	v2 =	vor.u32 s17, v25;
	v1 =	vld [tilespmem:s29+$0x1200];
	_ =	sdelay $0x4  }
0x69: {  	[tilespmem:v2+s19+$0x0] =	vst.idx.msk $0xffff, v1  }
0x6a: {  	v2 =	vor.u32 s17, v29;
	v1 =	vld [tilespmem:s29+$0x1280];
	_ =	sdelay $0x4  }
0x6b: {  	[tilespmem:v2+s19+$0x0] =	vst.idx.msk $0xffff, v1  }
0x6c: {  	v2 =	vor.u32 s17, v27;
	v1 =	vld [tilespmem:s29+$0x1300];
	_ =	sdelay $0x4  }
0x6d: {  	[tilespmem:v2+s19+$0x0] =	vst.idx.msk $0xffff, v1  }
0x6e: {  	v2 =	vor.u32 s17, v28;
	v1 =	vld [tilespmem:s29+$0x1380];
	_ =	sdelay $0x4  }
0x6f: {  	[tilespmem:v2+s19+$0x0] =	vst.idx.msk $0xffff, v1  }
0x70: {  	v2 =	vor.u32 s17, v32;
	v1 =	vld [tilespmem:s29+$0x1800];
	_ =	sdelay $0x4  }
0x71: {  	[tilespmem:v2+s19+$0x0] =	vst.idx.msk $0xffff, v1  }
0x72: {  	v2 =	vor.u32 s17, v30;
	v1 =	vld [tilespmem:s29+$0x1880];
	_ =	sdelay $0x4  }
0x73: {  	[tilespmem:v2+s19+$0x0] =	vst.idx.msk $0xffff, v1  }
0x74: {  	v11 =	vmov v14;
	v14 =	vmov v17;
	v2 =	vor.u32 s17, v31;
	v1 =	vld [tilespmem:s29+$0x1900]  }
0x75: {  	v17 =	vmovc v20;
	v20 =	vmovc v23;
	v23 =	vmov v26;
	v26 =	vmov v29;
	v29 =	vmov v32;
	v32 =	vld [tilespmem:$0x1FE30];
	_ =	sdelay $0x3  }
0x76: {  	[tilespmem:v2+s19+$0x0] =	vst.idx.msk $0xffff, v1  }
0x77: {  	v2 =	vor.u32 s17, v32;
	v1 =	vld [tilespmem:s29+$0x1980];
	_ =	sdelay $0x4  }
0x78: {  	[tilespmem:v2+s19+$0x0] =	vst.idx.msk $0xffff, v1  }
0x79: {  	v2 =	vor.u32 s17, v33;
	v1 =	vld [tilespmem:s29+$0x1A00];
	_ =	sdelay $0x4  }
0x7a: {  	[tilespmem:v2+s19+$0x0] =	vst.idx.msk $0xffff, v1  }
0x7b: {  	v2 =	vor.u32 s17, v34;
	v1 =	vld [tilespmem:s29+$0x1A80]  }
0x7c: {  	v35 =	vld [tilespmem:$0x1FE40];
	_ =	sdelay $0x3  }
0x7d: {  	[tilespmem:v2+s19+$0x0] =	vst.idx.msk $0xffff, v1  }
0x7e: {  	v2 =	vor.u32 s17, v35;
	v1 =	vld [tilespmem:s29+$0x1B00];
	_ =	sdelay $0x4  }
0x7f: {  	[tilespmem:v2+s19+$0x0] =	vst.idx.msk $0xffff, v1  }
0x80: {  	v2 =	vor.u32 s17, v36;
	v1 =	vld [tilespmem:s29+$0x1B80]  }
0x81: {  	v37 =	vld [tilespmem:$0x1FE50];
	_ =	sdelay $0x3  }
0x82: {  	[tilespmem:v2+s19+$0x0] =	vst.idx.msk $0xffff, v1  }
0x83: {  	v2 =	vor.u32 s17, v37;
	v1 =	vld [tilespmem:s29+$0x2000]  }
0x84: {  	v38 =	vld [tilespmem:$0x1FE60];
	_ =	sdelay $0x3  }
0x85: {  	[tilespmem:v2+s19+$0x0] =	vst.idx.msk $0xffff, v1  }
0x86: {  	v2 =	vor.u32 s17, v38;
	v1 =	vld [tilespmem:s29+$0x2080];
	_ =	sdelay $0x4  }
0x87: {  	[tilespmem:v2+s19+$0x0] =	vst.idx.msk $0xffff, v1  }
0x88: {  	v2 =	vor.u32 s17, v39;
	v1 =	vld [tilespmem:s29+$0x2100]  }
0x89: {  	v40 =	vld [tilespmem:$0x1FE70];
	_ =	sdelay $0x3  }
0x8a: {  	[tilespmem:v2+s19+$0x0] =	vst.idx.msk $0xffff, v1  }
0x8b: {  	v2 =	vor.u32 s17, v40;
	v1 =	vld [tilespmem:s29+$0x2180]  }
0x8c: {  	v41 =	vld [tilespmem:$0x1FE80];
	_ =	sdelay $0x3  }
0x8d: {  	[tilespmem:v2+s19+$0x0] =	vst.idx.msk $0xffff, v1  }
0x8e: {  	v2 =	vor.u32 s17, v41;
	v1 =	vld [tilespmem:s29+$0x2200];
	_ =	sdelay $0x4  }
0x8f: {  	[tilespmem:v2+s19+$0x0] =	vst.idx.msk $0xffff, v1  }
0x90: {  	v2 =	vor.u32 s17, v42;
	v1 =	vld [tilespmem:s29+$0x2280]  }
0x91: {  	v43 =	vld [tilespmem:$0x1FE90];
	_ =	sdelay $0x3  }
0x92: {  	[tilespmem:v2+s19+$0x0] =	vst.idx.msk $0xffff, v1  }
0x93: {  	v2 =	vor.u32 s17, v43;
	v1 =	vld [tilespmem:s29+$0x2300]  }
0x94: {  	v44 =	vld [tilespmem:$0x1FEA0];
	_ =	sdelay $0x3  }
0x95: {  	[tilespmem:v2+s19+$0x0] =	vst.idx.msk $0xffff, v1  }
0x96: {  	v2 =	vor.u32 s17, v44;
	v1 =	vld [tilespmem:s29+$0x2380];
	_ =	sdelay $0x4  }
0x97: {  	[tilespmem:v2+s19+$0x0] =	vst.idx.msk $0xffff, v1  }
0x98: {  	v2 =	vor.u32 s17, v45;
	v1 =	vld [tilespmem:s29+$0x2800]  }
0x99: {  	v46 =	vld [tilespmem:$0x1FEB0];
	_ =	sdelay $0x3  }
0x9a: {  	[tilespmem:v2+s19+$0x0] =	vst.idx.msk $0xffff, v1  }
0x9b: {  	v2 =	vor.u32 s17, v46;
	v1 =	vld [tilespmem:s29+$0x2880]  }
0x9c: {  	v47 =	vld [tilespmem:$0x1FEC0];
	_ =	sdelay $0x3  }
0x9d: {  	[tilespmem:v2+s19+$0x0] =	vst.idx.msk $0xffff, v1  }
0x9e: {  	v2 =	vor.u32 s17, v47;
	v1 =	vld [tilespmem:s29+$0x2900];
	_ =	sdelay $0x4  }
0x9f: {  	[tilespmem:v2+s19+$0x0] =	vst.idx.msk $0xffff, v1  }
0xa0: {  	v2 =	vor.u32 s17, v48;
	v1 =	vld [tilespmem:s29+$0x2980]  }
0xa1: {  	v49 =	vld [tilespmem:$0x1FED0];
	_ =	sdelay $0x3  }
0xa2: {  	[tilespmem:v2+s19+$0x0] =	vst.idx.msk $0xffff, v1  }
0xa3: {  	v2 =	vor.u32 s17, v49;
	v1 =	vld [tilespmem:s29+$0x2A00]  }
0xa4: {  	v50 =	vld [tilespmem:$0x1FEE0];
	_ =	sdelay $0x3  }
0xa5: {  	[tilespmem:v2+s19+$0x0] =	vst.idx.msk $0xffff, v1  }
0xa6: {  	v2 =	vor.u32 s17, v50;
	v1 =	vld [tilespmem:s29+$0x2A80];
	_ =	sdelay $0x4  }
0xa7: {  	[tilespmem:v2+s19+$0x0] =	vst.idx.msk $0xffff, v1  }
0xa8: {  	v2 =	vor.u32 s17, v51;
	v1 =	vld [tilespmem:s29+$0x2B00]  }
0xa9: {  	v52 =	vld [tilespmem:$0x1FEF0];
	_ =	sdelay $0x3  }
0xaa: {  	[tilespmem:v2+s19+$0x0] =	vst.idx.msk $0xffff, v1  }
0xab: {  	v2 =	vor.u32 s17, v52;
	v1 =	vld [tilespmem:s29+$0x2B80]  }
0xac: {  	v53 =	vld [tilespmem:$0x1FF00];
	_ =	sdelay $0x3  }
0xad: {  	[tilespmem:v2+s19+$0x0] =	vst.idx.msk $0xffff, v1  }
0xae: {  	v2 =	vor.u32 s17, v53;
	v1 =	vld [tilespmem:s29+$0x3000];
	_ =	sdelay $0x4  }
0xaf: {  	[tilespmem:v2+s19+$0x0] =	vst.idx.msk $0xffff, v1  }
0xb0: {  	v2 =	vor.u32 s17, v54;
	v1 =	vld [tilespmem:s29+$0x3080]  }
0xb1: {  	v55 =	vld [tilespmem:$0x1FF10];
	_ =	sdelay $0x3  }
0xb2: {  	[tilespmem:v2+s19+$0x0] =	vst.idx.msk $0xffff, v1  }
0xb3: {  	v2 =	vor.u32 s17, v55;
	v1 =	vld [tilespmem:s29+$0x3100]  }
0xb4: {  	v3 =	vld [tilespmem:$0x1FF20];
	_ =	sdelay $0x3  }
0xb5: {  	[tilespmem:v2+s19+$0x0] =	vst.idx.msk $0xffff, v1  }
0xb6: {  	v2 =	vor.u32 s17, v3;
	v1 =	vld [tilespmem:s29+$0x3180]  }
0xb7: {  	v56 =	vld [tilespmem:$0x1FF30];
	_ =	sdelay $0x3  }
0xb8: {  	[tilespmem:v2+s19+$0x0] =	vst.idx.msk $0xffff, v1  }
0xb9: {  	v2 =	vor.u32 s17, v56;
	v1 =	vld [tilespmem:s29+$0x3200];
	_ =	sdelay $0x4  }
0xba: {  	[tilespmem:v2+s19+$0x0] =	vst.idx.msk $0xffff, v1  }
0xbb: {  	v2 =	vor.u32 s17, v6;
	v1 =	vld [tilespmem:s29+$0x3280];
	_ =	sdelay $0x4  }
0xbc: {  	[tilespmem:v2+s19+$0x0] =	vst.idx.msk $0xffff, v1  }
0xbd: {  	v2 =	vor.u32 s17, v9;
	v1 =	vld [tilespmem:s29+$0x3300]  }
0xbe: {  	v62 =	vld [tilespmem:$0x1FF40];
	_ =	sdelay $0x3  }
0xbf: {  	[tilespmem:v2+s19+$0x0] =	vst.idx.msk $0xffff, v1  }
0xc0: {  	v2 =	vor.u32 s17, v62;
	v1 =	vld [tilespmem:s29+$0x3380]  }
0xc1: {  	v10 =	vld [tilespmem:$0x1FF50];
	_ =	sdelay $0x3  }
0xc2: {  	[tilespmem:v2+s19+$0x0] =	vst.idx.msk $0xffff, v1  }
0xc3: {  	v2 =	vor.u32 s17, v10;
	v1 =	vld [tilespmem:s29+$0x3800]  }
0xc4: {  	v60 =	vmov v8;
	v8 =	vld [tilespmem:$0x1FF60];
	_ =	sdelay $0x3  }
0xc5: {  	[tilespmem:v2+s19+$0x0] =	vst.idx.msk $0xffff, v1  }
0xc6: {  	v2 =	vor.u32 s17, v8;
	v1 =	vld [tilespmem:s29+$0x3880]  }
0xc7: {  	v58 =	vmov v6;
	v6 =	vld [tilespmem:$0x1FF70];
	_ =	sdelay $0x3  }
0xc8: {  	[tilespmem:v2+s19+$0x0] =	vst.idx.msk $0xffff, v1  }
0xc9: {  	v2 =	vor.u32 s17, v6;
	v1 =	vld [tilespmem:s29+$0x3900]  }
0xca: {  	v57 =	vld [tilespmem:$0x1FFA0];
	_ =	sdelay $0x3  }
0xcb: {  	[tilespmem:v2+s19+$0x0] =	vst.idx.msk $0xffff, v1  }
0xcc: {  	v2 =	vor.u32 s17, v57;
	v1 =	vld [tilespmem:s29+$0x3980]  }
0xcd: {  	v0 =	vld [tilespmem:$0x1FF80];
	_ =	sdelay $0x3  }
0xce: {  	[tilespmem:v2+s19+$0x0] =	vst.idx.msk $0xffff, v1  }
0xcf: {  	v2 =	vor.u32 s17, v0;
	v1 =	vld [tilespmem:s29+$0x3A00];
	_ =	sdelay $0x4  }
0xd0: {  	[tilespmem:v2+s19+$0x0] =	vst.idx.msk $0xffff, v1  }
0xd1: {  	v2 =	vor.u32 s17, v63;
	v1 =	vld [tilespmem:s29+$0x3A80];
	_ =	sdelay $0x4  }
0xd2: {  	[tilespmem:v2+s19+$0x0] =	vst.idx.msk $0xffff, v1;
	v2 =	vor.u32 $0x3E, v7  }
0xd3: {  	v1 =	vld [tilespmem:s29+$0x3B00];
	[tilespmem:$0x1FE10] =	vst v2;
	v2 =	vor.u32 s17, v2;
	_ =	sdelay $0x4  }
0xd4: {  	v4 =	vor.u32 $0x3F, v7;
	[tilespmem:v2+s19+$0x0] =	vst.idx.msk $0xffff, v1;
	v1 =	vmovc v9;
	v9 =	vmov v7;
	v7 =	vmov v10  }
0xd5: {  	v57 =	vmov v62;
	v62 =	vld [tilespmem:$0x1FFD0]  }
0xd6: {  	s28 =	simm.s32 $0x10;
	s25 =	simm.s32 $0x400;
	s26 =	simm.s32 $0x80;
	v0 =	vmov v3;
	v10 =	vld [tilespmem:$0x1FFF0]  }
0xd7: {  	s3 =	sand.u32 $0x400, s26;
	v3 =	vor.u32 s17, v4;
	v63 =	vmovc v56;
	v56 =	vmovc v58;
	s17 =	sand.u32 $0x70, s28;
	v2 =	vld [tilespmem:s29+$0x3B80];
	v58 =	vmov v7;
	s29 =	simm.s32 $0x800;
	v7 =	vmov v4  }
.LBB2_4:
0xd8: {  	_ =	sdelay $0x3  }
0xd9: {  	v4 =	vor.u32 s25, v9;
	s17 =	sor.u32 s17, s3;
	[tilespmem:v3+s19+$0x0] =	vst.idx.msk $0xffff, v2  }
0xda: {  	v3 =	vand.u32 v5, v4;
	v2 =	vld [tilespmem:s17+$0x0];
	_ =	sdelay $0x4  }
0xdb: {  	[tilespmem:v3+s19+$0x0] =	vst.idx.msk $0xffff, v2  }
0xdc: {  	v3 =	vor.u32 s25, v61;
	v2 =	vld [tilespmem:s17+$0x80];
	_ =	sdelay $0x4  }
0xdd: {  	[tilespmem:v3+s19+$0x0] =	vst.idx.msk $0xffff, v2  }
0xde: {  	v3 =	vor.u32 s25, v59;
	v2 =	vld [tilespmem:s17+$0x100];
	_ =	sdelay $0x4  }
0xdf: {  	[tilespmem:v3+s19+$0x0] =	vst.idx.msk $0xffff, v2  }
0xe0: {  	v3 =	vor.u32 s25, v60;
	v2 =	vld [tilespmem:s17+$0x180];
	_ =	sdelay $0x4  }
0xe1: {  	[tilespmem:v3+s19+$0x0] =	vst.idx.msk $0xffff, v2  }
0xe2: {  	v3 =	vor.u32 s25, v62;
	v2 =	vld [tilespmem:s17+$0x200];
	_ =	sdelay $0x4  }
0xe3: {  	[tilespmem:v3+s19+$0x0] =	vst.idx.msk $0xffff, v2  }
0xe4: {  	v3 =	vor.u32 s25, v10;
	v2 =	vld [tilespmem:s17+$0x280];
	_ =	sdelay $0x4  }
0xe5: {  	[tilespmem:v3+s19+$0x0] =	vst.idx.msk $0xffff, v2  }
0xe6: {  	v3 =	vor.u32 s25, v11;
	v2 =	vld [tilespmem:s17+$0x300];
	_ =	sdelay $0x3  }
0xe7: {  	s3 =	sor.u32 s26, s28  }
0xe8: {  	s3 =	sor.u32 $0x380, s3;
	[tilespmem:v3+s19+$0x0] =	vst.idx.msk $0xffff, v2  }
0xe9: {  	v3 =	vor.u32 s25, v12;
	v2 =	vld [tilespmem:s3+$0x0];
	_ =	sdelay $0x4  }
0xea: {  	[tilespmem:v3+s19+$0x0] =	vst.idx.msk $0xffff, v2  }
0xeb: {  	v3 =	vor.u32 s25, v13;
	v2 =	vld [tilespmem:s17+$0x800];
	_ =	sdelay $0x4  }
0xec: {  	[tilespmem:v3+s19+$0x0] =	vst.idx.msk $0xffff, v2  }
0xed: {  	v3 =	vor.u32 s25, v14;
	v2 =	vld [tilespmem:s17+$0x880];
	_ =	sdelay $0x4  }
0xee: {  	[tilespmem:v3+s19+$0x0] =	vst.idx.msk $0xffff, v2  }
0xef: {  	v3 =	vor.u32 s25, v15;
	v2 =	vld [tilespmem:s17+$0x900];
	_ =	sdelay $0x4  }
0xf0: {  	[tilespmem:v3+s19+$0x0] =	vst.idx.msk $0xffff, v2  }
0xf1: {  	v3 =	vor.u32 s25, v16;
	v2 =	vld [tilespmem:s17+$0x980];
	_ =	sdelay $0x4  }
0xf2: {  	[tilespmem:v3+s19+$0x0] =	vst.idx.msk $0xffff, v2  }
0xf3: {  	v3 =	vor.u32 s25, v17;
	v2 =	vld [tilespmem:s17+$0xA00];
	_ =	sdelay $0x4  }
0xf4: {  	[tilespmem:v3+s19+$0x0] =	vst.idx.msk $0xffff, v2  }
0xf5: {  	v3 =	vor.u32 s25, v18;
	v2 =	vld [tilespmem:s17+$0xA80];
	_ =	sdelay $0x4  }
0xf6: {  	[tilespmem:v3+s19+$0x0] =	vst.idx.msk $0xffff, v2  }
0xf7: {  	v3 =	vor.u32 s25, v19;
	v2 =	vld [tilespmem:s17+$0xB00];
	_ =	sdelay $0x4  }
0xf8: {  	[tilespmem:v3+s19+$0x0] =	vst.idx.msk $0xffff, v2  }
0xf9: {  	v3 =	vor.u32 s25, v20;
	v2 =	vld [tilespmem:s17+$0xB80];
	_ =	sdelay $0x4  }
0xfa: {  	[tilespmem:v3+s19+$0x0] =	vst.idx.msk $0xffff, v2  }
0xfb: {  	v3 =	vor.u32 s25, v21;
	v2 =	vld [tilespmem:s17+$0x1000];
	_ =	sdelay $0x4  }
0xfc: {  	[tilespmem:v3+s19+$0x0] =	vst.idx.msk $0xffff, v2  }
0xfd: {  	v3 =	vor.u32 s25, v22;
	v2 =	vld [tilespmem:s17+$0x1080];
	_ =	sdelay $0x4  }
0xfe: {  	[tilespmem:v3+s19+$0x0] =	vst.idx.msk $0xffff, v2  }
0xff: {  	v3 =	vor.u32 s25, v23;
	v2 =	vld [tilespmem:s17+$0x1100];
	_ =	sdelay $0x4  }
0x100: {  	[tilespmem:v3+s19+$0x0] =	vst.idx.msk $0xffff, v2  }
0x101: {  	v3 =	vor.u32 s25, v24;
	v2 =	vld [tilespmem:s17+$0x1180];
	_ =	sdelay $0x4  }
0x102: {  	[tilespmem:v3+s19+$0x0] =	vst.idx.msk $0xffff, v2  }
0x103: {  	v3 =	vor.u32 s25, v25;
	v2 =	vld [tilespmem:s17+$0x1200];
	_ =	sdelay $0x4  }
0x104: {  	[tilespmem:v3+s19+$0x0] =	vst.idx.msk $0xffff, v2  }
0x105: {  	v3 =	vor.u32 s25, v26;
	v2 =	vld [tilespmem:s17+$0x1280];
	_ =	sdelay $0x4  }
0x106: {  	[tilespmem:v3+s19+$0x0] =	vst.idx.msk $0xffff, v2  }
0x107: {  	v3 =	vor.u32 s25, v27;
	v2 =	vld [tilespmem:s17+$0x1300];
	_ =	sdelay $0x4  }
0x108: {  	[tilespmem:v3+s19+$0x0] =	vst.idx.msk $0xffff, v2  }
0x109: {  	v3 =	vor.u32 s25, v28;
	v2 =	vld [tilespmem:s17+$0x1380];
	_ =	sdelay $0x4  }
0x10a: {  	[tilespmem:v3+s19+$0x0] =	vst.idx.msk $0xffff, v2  }
0x10b: {  	v3 =	vor.u32 s25, v29;
	v2 =	vld [tilespmem:s17+$0x1800];
	_ =	sdelay $0x4  }
0x10c: {  	[tilespmem:v3+s19+$0x0] =	vst.idx.msk $0xffff, v2  }
0x10d: {  	v3 =	vor.u32 s25, v30;
	v2 =	vld [tilespmem:s17+$0x1880];
	_ =	sdelay $0x4  }
0x10e: {  	[tilespmem:v3+s19+$0x0] =	vst.idx.msk $0xffff, v2  }
0x10f: {  	v3 =	vor.u32 s25, v31;
	v2 =	vld [tilespmem:s17+$0x1900];
	_ =	sdelay $0x4  }
0x110: {  	[tilespmem:v3+s19+$0x0] =	vst.idx.msk $0xffff, v2  }
0x111: {  	v3 =	vor.u32 s25, v32;
	v2 =	vld [tilespmem:s17+$0x1980];
	_ =	sdelay $0x4  }
0x112: {  	[tilespmem:v3+s19+$0x0] =	vst.idx.msk $0xffff, v2  }
0x113: {  	v3 =	vor.u32 s25, v33;
	v2 =	vld [tilespmem:s17+$0x1A00];
	_ =	sdelay $0x4  }
0x114: {  	[tilespmem:v3+s19+$0x0] =	vst.idx.msk $0xffff, v2  }
0x115: {  	v3 =	vor.u32 s25, v34;
	v2 =	vld [tilespmem:s17+$0x1A80];
	_ =	sdelay $0x4  }
0x116: {  	[tilespmem:v3+s19+$0x0] =	vst.idx.msk $0xffff, v2  }
0x117: {  	v3 =	vor.u32 s25, v35;
	v2 =	vld [tilespmem:s17+$0x1B00];
	_ =	sdelay $0x4  }
0x118: {  	[tilespmem:v3+s19+$0x0] =	vst.idx.msk $0xffff, v2  }
0x119: {  	v3 =	vor.u32 s25, v36;
	v2 =	vld [tilespmem:s17+$0x1B80];
	_ =	sdelay $0x4  }
0x11a: {  	[tilespmem:v3+s19+$0x0] =	vst.idx.msk $0xffff, v2  }
0x11b: {  	v3 =	vor.u32 s25, v37;
	v2 =	vld [tilespmem:s17+$0x2000];
	_ =	sdelay $0x4  }
0x11c: {  	[tilespmem:v3+s19+$0x0] =	vst.idx.msk $0xffff, v2  }
0x11d: {  	v3 =	vor.u32 s25, v38;
	v2 =	vld [tilespmem:s17+$0x2080];
	_ =	sdelay $0x4  }
0x11e: {  	[tilespmem:v3+s19+$0x0] =	vst.idx.msk $0xffff, v2  }
0x11f: {  	v3 =	vor.u32 s25, v39;
	v2 =	vld [tilespmem:s17+$0x2100];
	_ =	sdelay $0x4  }
0x120: {  	[tilespmem:v3+s19+$0x0] =	vst.idx.msk $0xffff, v2  }
0x121: {  	v3 =	vor.u32 s25, v40;
	v2 =	vld [tilespmem:s17+$0x2180];
	_ =	sdelay $0x4  }
0x122: {  	[tilespmem:v3+s19+$0x0] =	vst.idx.msk $0xffff, v2  }
0x123: {  	v3 =	vor.u32 s25, v41;
	v2 =	vld [tilespmem:s17+$0x2200];
	_ =	sdelay $0x4  }
0x124: {  	[tilespmem:v3+s19+$0x0] =	vst.idx.msk $0xffff, v2  }
0x125: {  	v3 =	vor.u32 s25, v42;
	v2 =	vld [tilespmem:s17+$0x2280];
	_ =	sdelay $0x4  }
0x126: {  	[tilespmem:v3+s19+$0x0] =	vst.idx.msk $0xffff, v2  }
0x127: {  	v3 =	vor.u32 s25, v43;
	v2 =	vld [tilespmem:s17+$0x2300];
	_ =	sdelay $0x4  }
0x128: {  	[tilespmem:v3+s19+$0x0] =	vst.idx.msk $0xffff, v2  }
0x129: {  	v3 =	vor.u32 s25, v44;
	v2 =	vld [tilespmem:s17+$0x2380];
	_ =	sdelay $0x4  }
0x12a: {  	[tilespmem:v3+s19+$0x0] =	vst.idx.msk $0xffff, v2  }
0x12b: {  	v3 =	vor.u32 s25, v45;
	v2 =	vld [tilespmem:s17+$0x2800];
	_ =	sdelay $0x4  }
0x12c: {  	[tilespmem:v3+s19+$0x0] =	vst.idx.msk $0xffff, v2  }
0x12d: {  	v3 =	vor.u32 s25, v46;
	v2 =	vld [tilespmem:s17+$0x2880];
	_ =	sdelay $0x4  }
0x12e: {  	[tilespmem:v3+s19+$0x0] =	vst.idx.msk $0xffff, v2  }
0x12f: {  	v3 =	vor.u32 s25, v47;
	v2 =	vld [tilespmem:s17+$0x2900];
	_ =	sdelay $0x4  }
0x130: {  	[tilespmem:v3+s19+$0x0] =	vst.idx.msk $0xffff, v2  }
0x131: {  	v3 =	vor.u32 s25, v48;
	v2 =	vld [tilespmem:s17+$0x2980];
	_ =	sdelay $0x4  }
0x132: {  	[tilespmem:v3+s19+$0x0] =	vst.idx.msk $0xffff, v2  }
0x133: {  	v3 =	vor.u32 s25, v49;
	v2 =	vld [tilespmem:s17+$0x2A00];
	_ =	sdelay $0x4  }
0x134: {  	[tilespmem:v3+s19+$0x0] =	vst.idx.msk $0xffff, v2  }
0x135: {  	v3 =	vor.u32 s25, v50;
	v2 =	vld [tilespmem:s17+$0x2A80];
	_ =	sdelay $0x4  }
0x136: {  	[tilespmem:v3+s19+$0x0] =	vst.idx.msk $0xffff, v2  }
0x137: {  	v3 =	vor.u32 s25, v51;
	v2 =	vld [tilespmem:s17+$0x2B00];
	_ =	sdelay $0x4  }
0x138: {  	[tilespmem:v3+s19+$0x0] =	vst.idx.msk $0xffff, v2  }
0x139: {  	v3 =	vor.u32 s25, v52;
	v2 =	vld [tilespmem:s17+$0x2B80];
	_ =	sdelay $0x4  }
0x13a: {  	[tilespmem:v3+s19+$0x0] =	vst.idx.msk $0xffff, v2  }
0x13b: {  	v3 =	vor.u32 s25, v53;
	v2 =	vld [tilespmem:s17+$0x3000];
	_ =	sdelay $0x4  }
0x13c: {  	[tilespmem:v3+s19+$0x0] =	vst.idx.msk $0xffff, v2  }
0x13d: {  	v3 =	vor.u32 s25, v54;
	v2 =	vld [tilespmem:s17+$0x3080];
	_ =	sdelay $0x4  }
0x13e: {  	[tilespmem:v3+s19+$0x0] =	vst.idx.msk $0xffff, v2  }
0x13f: {  	v3 =	vor.u32 s25, v55;
	v2 =	vld [tilespmem:s17+$0x3100];
	_ =	sdelay $0x4  }
0x140: {  	[tilespmem:v3+s19+$0x0] =	vst.idx.msk $0xffff, v2  }
0x141: {  	v3 =	vor.u32 s25, v0;
	v2 =	vld [tilespmem:s17+$0x3180];
	_ =	sdelay $0x4  }
0x142: {  	[tilespmem:v3+s19+$0x0] =	vst.idx.msk $0xffff, v2  }
0x143: {  	v3 =	vor.u32 s25, v63;
	v2 =	vld [tilespmem:s17+$0x3200];
	_ =	sdelay $0x4  }
0x144: {  	[tilespmem:v3+s19+$0x0] =	vst.idx.msk $0xffff, v2  }
0x145: {  	v3 =	vor.u32 s25, v56;
	v2 =	vld [tilespmem:s17+$0x3280];
	_ =	sdelay $0x4  }
0x146: {  	[tilespmem:v3+s19+$0x0] =	vst.idx.msk $0xffff, v2  }
0x147: {  	v3 =	vor.u32 s25, v1;
	v2 =	vld [tilespmem:s17+$0x3300];
	_ =	sdelay $0x4  }
0x148: {  	[tilespmem:v3+s19+$0x0] =	vst.idx.msk $0xffff, v2  }
0x149: {  	v3 =	vor.u32 s25, v57;
	v2 =	vld [tilespmem:s17+$0x3380];
	_ =	sdelay $0x4  }
0x14a: {  	[tilespmem:v3+s19+$0x0] =	vst.idx.msk $0xffff, v2  }
0x14b: {  	v3 =	vor.u32 s25, v58;
	v2 =	vld [tilespmem:s17+$0x3800];
	_ =	sdelay $0x4  }
0x14c: {  	[tilespmem:v3+s19+$0x0] =	vst.idx.msk $0xffff, v2  }
0x14d: {  	v3 =	vor.u32 s25, v8;
	v2 =	vld [tilespmem:s17+$0x3880];
	_ =	sdelay $0x4  }
0x14e: {  	[tilespmem:v3+s19+$0x0] =	vst.idx.msk $0xffff, v2  }
0x14f: {  	v3 =	vor.u32 s25, v6;
	v2 =	vld [tilespmem:s17+$0x3900];
	_ =	sdelay $0x4  }
0x150: {  	[tilespmem:v3+s19+$0x0] =	vst.idx.msk $0xffff, v2;
	v3 =	vld [tilespmem:$0x1FFA0];
	_ =	sdelay $0x4  }
0x151: {  	v2 =	vld [tilespmem:s17+$0x3980];
	v3 =	vor.u32 s25, v3;
	_ =	sdelay $0x4  }
0x152: {  	[tilespmem:v3+s19+$0x0] =	vst.idx.msk $0xffff, v2;
	v3 =	vld [tilespmem:$0x1FF80];
	_ =	sdelay $0x4  }
0x153: {  	v2 =	vld [tilespmem:s17+$0x3A00];
	v3 =	vor.u32 s25, v3;
	_ =	sdelay $0x4  }
0x154: {  	[tilespmem:v3+s19+$0x0] =	vst.idx.msk $0xffff, v2;
	v3 =	vld [tilespmem:$0x1FF90];
	_ =	sdelay $0x4  }
0x155: {  	v2 =	vld [tilespmem:s17+$0x3A80];
	v3 =	vor.u32 s25, v3;
	_ =	sdelay $0x4  }
0x156: {  	[tilespmem:v3+s19+$0x0] =	vst.idx.msk $0xffff, v2;
	v3 =	vld [tilespmem:$0x1FE10];
	_ =	sdelay $0x4  }
0x157: {  	v2 =	vld [tilespmem:s17+$0x3B00];
	v3 =	vor.u32 s25, v3  }
0x158: {  	p1 =	sne.s32 s29, $0x3C00  }
.Ltmp5:
0x159: {  	_ = 	snop;
	(pc) =	sbr.rel @p1 .LBB2_4-.Ltmp5, $4  }
0x15a: {  	_ = 	snop  }
0x15b: {  	s26 =	sadd.s32 $0x80, s26  }
0x15c: {  	s28 =	sadd.s32 $0x10, s28;
	s3 =	sand.u32 $0x400, s26;
	[tilespmem:v3+s19+$0x0] =	vst.idx.msk $0xffff, v2  }
0x15d: {  	v3 =	vor.u32 s25, v7;
	s25 =	smov.u32 s29;
	s29 =	sadd.s32 $0x400, s29;
	v2 =	vld [tilespmem:s17+$0x3B80];
	s17 =	sand.u32 $0x70, s28  }
0x15e: {  	_ =	sdelay $0x3  }
0x15f: {  	s17 =	sor.u32 s17, s3;
	[tilespmem:v3+s19+$0x0] =	vst.idx.msk $0xffff, v2;
	v2 =	vor.u32 s25, v9  }
0x160: {  	v3 =	vld [tilespmem:s17+$0x0];
	v2 =	vand.u32 v5, v2;
	_ =	sdelay $0x4  }
0x161: {  	[tilespmem:v2+s19+$0x0] =	vst.idx.msk $0xffff, v3  }
0x162: {  	v3 =	vor.u32 s25, v61;
	v2 =	vld [tilespmem:s17+$0x80];
	_ =	sdelay $0x4  }
0x163: {  	[tilespmem:v3+s19+$0x0] =	vst.idx.msk $0xffff, v2  }
0x164: {  	v3 =	vor.u32 s25, v59;
	v2 =	vld [tilespmem:s17+$0x100];
	_ =	sdelay $0x4  }
0x165: {  	[tilespmem:v3+s19+$0x0] =	vst.idx.msk $0xffff, v2  }
0x166: {  	v3 =	vor.u32 s25, v60;
	v2 =	vld [tilespmem:s17+$0x180];
	_ =	sdelay $0x4  }
0x167: {  	[tilespmem:v3+s19+$0x0] =	vst.idx.msk $0xffff, v2  }
0x168: {  	v3 =	vor.u32 s25, v62;
	v2 =	vld [tilespmem:s17+$0x200];
	_ =	sdelay $0x4  }
0x169: {  	[tilespmem:v3+s19+$0x0] =	vst.idx.msk $0xffff, v2  }
0x16a: {  	v3 =	vor.u32 s25, v10;
	v2 =	vld [tilespmem:s17+$0x280];
	_ =	sdelay $0x4  }
0x16b: {  	[tilespmem:v3+s19+$0x0] =	vst.idx.msk $0xffff, v2  }
0x16c: {  	v3 =	vor.u32 s25, v11;
	v2 =	vld [tilespmem:s17+$0x300];
	_ =	sdelay $0x3  }
0x16d: {  	s28 =	sor.u32 s26, s28  }
0x16e: {  	s3 =	sor.u32 $0x380, s28;
	[tilespmem:v3+s19+$0x0] =	vst.idx.msk $0xffff, v2  }
0x16f: {  	v3 =	vor.u32 s25, v12;
	v2 =	vld [tilespmem:s3+$0x0];
	_ =	sdelay $0x4  }
0x170: {  	[tilespmem:v3+s19+$0x0] =	vst.idx.msk $0xffff, v2  }
0x171: {  	v3 =	vor.u32 s25, v13;
	v2 =	vld [tilespmem:s17+$0x800];
	_ =	sdelay $0x4  }
0x172: {  	[tilespmem:v3+s19+$0x0] =	vst.idx.msk $0xffff, v2  }
0x173: {  	v3 =	vor.u32 s25, v14;
	v2 =	vld [tilespmem:s17+$0x880];
	_ =	sdelay $0x4  }
0x174: {  	[tilespmem:v3+s19+$0x0] =	vst.idx.msk $0xffff, v2  }
0x175: {  	v3 =	vor.u32 s25, v15;
	v2 =	vld [tilespmem:s17+$0x900];
	_ =	sdelay $0x4  }
0x176: {  	[tilespmem:v3+s19+$0x0] =	vst.idx.msk $0xffff, v2  }
0x177: {  	v3 =	vor.u32 s25, v16;
	v2 =	vld [tilespmem:s17+$0x980];
	_ =	sdelay $0x4  }
0x178: {  	[tilespmem:v3+s19+$0x0] =	vst.idx.msk $0xffff, v2  }
0x179: {  	v3 =	vor.u32 s25, v17;
	v2 =	vld [tilespmem:s17+$0xA00];
	_ =	sdelay $0x4  }
0x17a: {  	[tilespmem:v3+s19+$0x0] =	vst.idx.msk $0xffff, v2  }
0x17b: {  	v3 =	vor.u32 s25, v18;
	v2 =	vld [tilespmem:s17+$0xA80];
	_ =	sdelay $0x4  }
0x17c: {  	[tilespmem:v3+s19+$0x0] =	vst.idx.msk $0xffff, v2  }
0x17d: {  	v3 =	vor.u32 s25, v19;
	v2 =	vld [tilespmem:s17+$0xB00];
	_ =	sdelay $0x4  }
0x17e: {  	[tilespmem:v3+s19+$0x0] =	vst.idx.msk $0xffff, v2  }
0x17f: {  	v3 =	vor.u32 s25, v20;
	v2 =	vld [tilespmem:s17+$0xB80];
	_ =	sdelay $0x4  }
0x180: {  	[tilespmem:v3+s19+$0x0] =	vst.idx.msk $0xffff, v2  }
0x181: {  	v3 =	vor.u32 s25, v21;
	v2 =	vld [tilespmem:s17+$0x1000];
	_ =	sdelay $0x4  }
0x182: {  	[tilespmem:v3+s19+$0x0] =	vst.idx.msk $0xffff, v2  }
0x183: {  	v3 =	vor.u32 s25, v22;
	v2 =	vld [tilespmem:s17+$0x1080];
	_ =	sdelay $0x4  }
0x184: {  	[tilespmem:v3+s19+$0x0] =	vst.idx.msk $0xffff, v2  }
0x185: {  	v3 =	vor.u32 s25, v23;
	v2 =	vld [tilespmem:s17+$0x1100];
	_ =	sdelay $0x4  }
0x186: {  	[tilespmem:v3+s19+$0x0] =	vst.idx.msk $0xffff, v2  }
0x187: {  	v3 =	vor.u32 s25, v24;
	v2 =	vld [tilespmem:s17+$0x1180];
	_ =	sdelay $0x4  }
0x188: {  	[tilespmem:v3+s19+$0x0] =	vst.idx.msk $0xffff, v2  }
0x189: {  	v3 =	vor.u32 s25, v25;
	v2 =	vld [tilespmem:s17+$0x1200];
	_ =	sdelay $0x4  }
0x18a: {  	[tilespmem:v3+s19+$0x0] =	vst.idx.msk $0xffff, v2  }
0x18b: {  	v3 =	vor.u32 s25, v26;
	v2 =	vld [tilespmem:s17+$0x1280];
	_ =	sdelay $0x4  }
0x18c: {  	[tilespmem:v3+s19+$0x0] =	vst.idx.msk $0xffff, v2  }
0x18d: {  	v3 =	vor.u32 s25, v27;
	v2 =	vld [tilespmem:s17+$0x1300];
	_ =	sdelay $0x4  }
0x18e: {  	[tilespmem:v3+s19+$0x0] =	vst.idx.msk $0xffff, v2  }
0x18f: {  	v3 =	vor.u32 s25, v28;
	v2 =	vld [tilespmem:s17+$0x1380];
	_ =	sdelay $0x4  }
0x190: {  	[tilespmem:v3+s19+$0x0] =	vst.idx.msk $0xffff, v2  }
0x191: {  	v3 =	vor.u32 s25, v29;
	v2 =	vld [tilespmem:s17+$0x1800];
	_ =	sdelay $0x4  }
0x192: {  	[tilespmem:v3+s19+$0x0] =	vst.idx.msk $0xffff, v2  }
0x193: {  	v3 =	vor.u32 s25, v30;
	v2 =	vld [tilespmem:s17+$0x1880];
	_ =	sdelay $0x4  }
0x194: {  	[tilespmem:v3+s19+$0x0] =	vst.idx.msk $0xffff, v2  }
0x195: {  	v3 =	vor.u32 s25, v31;
	v2 =	vld [tilespmem:s17+$0x1900];
	_ =	sdelay $0x4  }
0x196: {  	[tilespmem:v3+s19+$0x0] =	vst.idx.msk $0xffff, v2  }
0x197: {  	v3 =	vor.u32 s25, v32;
	v2 =	vld [tilespmem:s17+$0x1980];
	_ =	sdelay $0x4  }
0x198: {  	[tilespmem:v3+s19+$0x0] =	vst.idx.msk $0xffff, v2  }
0x199: {  	v3 =	vor.u32 s25, v33;
	v2 =	vld [tilespmem:s17+$0x1A00];
	_ =	sdelay $0x4  }
0x19a: {  	[tilespmem:v3+s19+$0x0] =	vst.idx.msk $0xffff, v2  }
0x19b: {  	v3 =	vor.u32 s25, v34;
	v2 =	vld [tilespmem:s17+$0x1A80];
	_ =	sdelay $0x4  }
0x19c: {  	[tilespmem:v3+s19+$0x0] =	vst.idx.msk $0xffff, v2  }
0x19d: {  	v3 =	vor.u32 s25, v35;
	v2 =	vld [tilespmem:s17+$0x1B00];
	_ =	sdelay $0x4  }
0x19e: {  	[tilespmem:v3+s19+$0x0] =	vst.idx.msk $0xffff, v2  }
0x19f: {  	v3 =	vor.u32 s25, v36;
	v2 =	vld [tilespmem:s17+$0x1B80];
	_ =	sdelay $0x4  }
0x1a0: {  	[tilespmem:v3+s19+$0x0] =	vst.idx.msk $0xffff, v2  }
0x1a1: {  	v3 =	vor.u32 s25, v37;
	v2 =	vld [tilespmem:s17+$0x2000];
	_ =	sdelay $0x4  }
0x1a2: {  	[tilespmem:v3+s19+$0x0] =	vst.idx.msk $0xffff, v2  }
0x1a3: {  	v3 =	vor.u32 s25, v38;
	v2 =	vld [tilespmem:s17+$0x2080];
	_ =	sdelay $0x4  }
0x1a4: {  	[tilespmem:v3+s19+$0x0] =	vst.idx.msk $0xffff, v2  }
0x1a5: {  	v3 =	vor.u32 s25, v39;
	v2 =	vld [tilespmem:s17+$0x2100];
	_ =	sdelay $0x4  }
0x1a6: {  	[tilespmem:v3+s19+$0x0] =	vst.idx.msk $0xffff, v2  }
0x1a7: {  	v3 =	vor.u32 s25, v40;
	v2 =	vld [tilespmem:s17+$0x2180];
	_ =	sdelay $0x4  }
0x1a8: {  	[tilespmem:v3+s19+$0x0] =	vst.idx.msk $0xffff, v2  }
0x1a9: {  	v3 =	vor.u32 s25, v41;
	v2 =	vld [tilespmem:s17+$0x2200];
	_ =	sdelay $0x4  }
0x1aa: {  	[tilespmem:v3+s19+$0x0] =	vst.idx.msk $0xffff, v2  }
0x1ab: {  	v3 =	vor.u32 s25, v42;
	v2 =	vld [tilespmem:s17+$0x2280];
	_ =	sdelay $0x4  }
0x1ac: {  	[tilespmem:v3+s19+$0x0] =	vst.idx.msk $0xffff, v2  }
0x1ad: {  	v3 =	vor.u32 s25, v43;
	v2 =	vld [tilespmem:s17+$0x2300];
	_ =	sdelay $0x4  }
0x1ae: {  	[tilespmem:v3+s19+$0x0] =	vst.idx.msk $0xffff, v2  }
0x1af: {  	v3 =	vor.u32 s25, v44;
	v2 =	vld [tilespmem:s17+$0x2380];
	_ =	sdelay $0x4  }
0x1b0: {  	[tilespmem:v3+s19+$0x0] =	vst.idx.msk $0xffff, v2  }
0x1b1: {  	v3 =	vor.u32 s25, v45;
	v2 =	vld [tilespmem:s17+$0x2800];
	_ =	sdelay $0x4  }
0x1b2: {  	[tilespmem:v3+s19+$0x0] =	vst.idx.msk $0xffff, v2  }
0x1b3: {  	v3 =	vor.u32 s25, v46;
	v2 =	vld [tilespmem:s17+$0x2880];
	_ =	sdelay $0x4  }
0x1b4: {  	[tilespmem:v3+s19+$0x0] =	vst.idx.msk $0xffff, v2  }
0x1b5: {  	v3 =	vor.u32 s25, v47;
	v2 =	vld [tilespmem:s17+$0x2900];
	_ =	sdelay $0x4  }
0x1b6: {  	[tilespmem:v3+s19+$0x0] =	vst.idx.msk $0xffff, v2  }
0x1b7: {  	v3 =	vor.u32 s25, v48;
	v2 =	vld [tilespmem:s17+$0x2980];
	_ =	sdelay $0x4  }
0x1b8: {  	[tilespmem:v3+s19+$0x0] =	vst.idx.msk $0xffff, v2  }
0x1b9: {  	v3 =	vor.u32 s25, v49;
	v2 =	vld [tilespmem:s17+$0x2A00];
	_ =	sdelay $0x4  }
0x1ba: {  	[tilespmem:v3+s19+$0x0] =	vst.idx.msk $0xffff, v2  }
0x1bb: {  	v3 =	vor.u32 s25, v50;
	v2 =	vld [tilespmem:s17+$0x2A80];
	_ =	sdelay $0x4  }
0x1bc: {  	[tilespmem:v3+s19+$0x0] =	vst.idx.msk $0xffff, v2  }
0x1bd: {  	v3 =	vor.u32 s25, v51;
	v2 =	vld [tilespmem:s17+$0x2B00];
	_ =	sdelay $0x4  }
0x1be: {  	[tilespmem:v3+s19+$0x0] =	vst.idx.msk $0xffff, v2  }
0x1bf: {  	v3 =	vor.u32 s25, v52;
	v2 =	vld [tilespmem:s17+$0x2B80];
	_ =	sdelay $0x4  }
0x1c0: {  	[tilespmem:v3+s19+$0x0] =	vst.idx.msk $0xffff, v2  }
0x1c1: {  	v3 =	vor.u32 s25, v53;
	v2 =	vld [tilespmem:s17+$0x3000];
	_ =	sdelay $0x4  }
0x1c2: {  	[tilespmem:v3+s19+$0x0] =	vst.idx.msk $0xffff, v2  }
0x1c3: {  	v3 =	vor.u32 s25, v54;
	v2 =	vld [tilespmem:s17+$0x3080];
	_ =	sdelay $0x4  }
0x1c4: {  	[tilespmem:v3+s19+$0x0] =	vst.idx.msk $0xffff, v2  }
0x1c5: {  	v3 =	vor.u32 s25, v55;
	v2 =	vld [tilespmem:s17+$0x3100];
	_ =	sdelay $0x4  }
0x1c6: {  	[tilespmem:v3+s19+$0x0] =	vst.idx.msk $0xffff, v2  }
0x1c7: {  	v3 =	vor.u32 s25, v0;
	v2 =	vld [tilespmem:s17+$0x3180];
	_ =	sdelay $0x4  }
0x1c8: {  	[tilespmem:v3+s19+$0x0] =	vst.idx.msk $0xffff, v2  }
0x1c9: {  	v3 =	vor.u32 s25, v63;
	v2 =	vld [tilespmem:s17+$0x3200];
	_ =	sdelay $0x4  }
0x1ca: {  	[tilespmem:v3+s19+$0x0] =	vst.idx.msk $0xffff, v2  }
0x1cb: {  	v3 =	vor.u32 s25, v56;
	v2 =	vld [tilespmem:s17+$0x3280];
	_ =	sdelay $0x4  }
0x1cc: {  	[tilespmem:v3+s19+$0x0] =	vst.idx.msk $0xffff, v2  }
0x1cd: {  	v3 =	vor.u32 s25, v1;
	v2 =	vld [tilespmem:s17+$0x3300];
	_ =	sdelay $0x4  }
0x1ce: {  	[tilespmem:v3+s19+$0x0] =	vst.idx.msk $0xffff, v2  }
0x1cf: {  	v3 =	vor.u32 s25, v57;
	v2 =	vld [tilespmem:s17+$0x3380];
	_ =	sdelay $0x4  }
0x1d0: {  	[tilespmem:v3+s19+$0x0] =	vst.idx.msk $0xffff, v2  }
0x1d1: {  	v3 =	vor.u32 s25, v58;
	v2 =	vld [tilespmem:s17+$0x3800];
	_ =	sdelay $0x4  }
0x1d2: {  	[tilespmem:v3+s19+$0x0] =	vst.idx.msk $0xffff, v2  }
0x1d3: {  	v3 =	vor.u32 s25, v8;
	v2 =	vld [tilespmem:s17+$0x3880];
	_ =	sdelay $0x4  }
0x1d4: {  	[tilespmem:v3+s19+$0x0] =	vst.idx.msk $0xffff, v2  }
0x1d5: {  	v3 =	vor.u32 s25, v6;
	v2 =	vld [tilespmem:s17+$0x3900]  }
0x1d6: {  	v0 =	vld [tilespmem:$0x1FFA0];
	_ =	sdelay $0x3  }
0x1d7: {  	[tilespmem:v3+s19+$0x0] =	vst.idx.msk $0xffff, v2  }
0x1d8: {  	v3 =	vor.u32 s25, v0;
	v2 =	vld [tilespmem:s17+$0x3980]  }
0x1d9: {  	v9 =	vmov v1;
	v1 =	vld [tilespmem:$0x1FF80];
	_ =	sdelay $0x3  }
0x1da: {  	[tilespmem:v3+s19+$0x0] =	vst.idx.msk $0xffff, v2  }
0x1db: {  	v3 =	vor.u32 s25, v1;
	v2 =	vld [tilespmem:s17+$0x3A00]  }
0x1dc: {  	v63 =	vld [tilespmem:$0x1FF90];
	_ =	sdelay $0x3  }
0x1dd: {  	[tilespmem:v3+s19+$0x0] =	vst.idx.msk $0xffff, v2  }
0x1de: {  	v3 =	vor.u32 s25, v63;
	v2 =	vld [tilespmem:s17+$0x3A80];
	_ =	sdelay $0x4  }
0x1df: {  	[tilespmem:v3+s19+$0x0] =	vst.idx.msk $0xffff, v2;
	v3 =	vld [tilespmem:$0x1FE10];
	_ =	sdelay $0x4  }
0x1e0: {  	v2 =	vld [tilespmem:s17+$0x3B00];
	v3 =	vor.u32 s25, v3;
	_ =	sdelay $0x4  }
0x1e1: {  	[tilespmem:v3+s19+$0x0] =	vst.idx.msk $0xffff, v2  }
0x1e2: {  	v3 =	vor.u32 s25, v7;
	v2 =	vld [tilespmem:s17+$0x3B80];
	_ =	sdelay $0x4  }
0x1e3: {  	[tilespmem:v3+s19+$0x0] =	vst.idx.msk $0xffff, v2;
	v2 =	vmov v14;
	_ =	sdelay $0x2  }
0x1e4: {  	v61 =	vmov v17;
	v17 =	vmov v2;
	v2 =	vmov v20;
	_ =	sdelay $0x1  }
0x1e5: {  	v4 =	vmovc v5;
	s29 =	sshll.u32 s0, $0x11;
	v59 =	vmovc v60;
	v32 =	vmov v29;
	v37 =	vmov v62;
	v62 =	vmov v23  }
0x1e6: {  	s3 =	sadd.s32 s29, s6;
	v57 =	vmovc v10;
	v8 =	vmovc v59;
	v6 =	vmov v56;
	v7 =	vld [tilespmem:$0x1FFB0];
	v23 =	vmov v2;
	v2 =	vmov v26  }
0x1e7: {  	v1 =	vmovc v0;
	v14 =	vmovc v11;
	[hbm4b:s3+s2] =	stream.linear.scatter [tilespmem:s19], [sflag:$0x3], $0x4000, $0x38;
	v20 =	vmov v61;
	v61 =	vld [tilespmem:$0x1FFC0];
	v26 =	vmov v62;
	v29 =	vmov v2  }
.LBB2_6:
0x1e8: {  	p1 =	sge.u32 s1, s4  }
.Ltmp6:
0x1e9: {  	_ = 	snop;
	(pc) =	sbr.rel @p1 .LBB2_10-.Ltmp6, $1  }
0x1ea: {  	_ =	sdelay $0x3  }
0x1eb: {  	s3 =	sadd.s32 $0x2, s24;
	_ =	swait.ge [sflag:s20], $0x4000  }
0x1ec: {  	p1 =	sge.u32 s3, s4;
	[sflag:s20] =	ssyncset.done $0x0  }
0x1ed: {  	s3 =	sshll.u32 @!p1 s3, $0xD;
	[sflag:s20] =	ssyncadd.s32 $0xFFFFC000;
	s17 =	simm.s32 @!p1 $0x800  }
0x1ee: {  	s24 =	simm.s32 @!p1 $0x7A1400;
	s25 =	simm.s32 @!p1 $0x0;
	s3 =	sadd.s32 @!p1 s3, s5  }
0x1ef: {  	[tilespmem:s25], [sflag:$0x1] =	stream.strided.gather @!p1 [hbm4b:s3+s17], $0x4000, s24, s17, $0x38;
	[tilespmem:$0x10000] =	vst v63  }
0x1f0: {  	p1 =	seq.s32 s0, $0x0  }
0x1f1: {  	s3 =	simm.s32 @!p1 $0x4  }
0x1f2: {  	s17 =	simm.s32 $0x0;
	_ =	swait.ge @!p1 [sflag:s3], $0x4000  }
0x1f3: {  	s25 =	sand.u32 $0x70, s17;
	s26 =	sand.u32 $0x400, s17;
	[sflag:s3] =	ssyncset.done @!p1 $0x0  }
0x1f4: {  	v58 =	vmov v1;
	v1 =	vor.u32 s17, v7;
	s28 =	sor.u32 s25, s26;
	[sflag:s3] =	ssyncadd.s32 @!p1 $0xFFFFC000  }
0x1f5: {  	v1 =	vand.u32 v4, v1;
	v2 =	vld [tilespmem:s28+$0x4000];
	_ =	sdelay $0x4  }
0x1f6: {  	[tilespmem:v1+s21+$0x0] =	vst.idx.msk $0xffff, v2  }
0x1f7: {  	v2 =	vor.u32 s17, v61;
	v1 =	vld [tilespmem:s28+$0x4080]  }
0x1f8: {  	v0 =	vld [tilespmem:$0x1FE20];
	_ =	sdelay $0x3  }
0x1f9: {  	[tilespmem:v2+s21+$0x0] =	vst.idx.msk $0xffff, v1  }
0x1fa: {  	v2 =	vor.u32 s17, v0;
	v1 =	vld [tilespmem:s28+$0x4100];
	_ =	sdelay $0x4  }
0x1fb: {  	[tilespmem:v2+s21+$0x0] =	vst.idx.msk $0xffff, v1  }
0x1fc: {  	v2 =	vor.u32 s17, v8;
	v1 =	vld [tilespmem:s28+$0x4180];
	_ =	sdelay $0x4  }
0x1fd: {  	[tilespmem:v2+s21+$0x0] =	vst.idx.msk $0xffff, v1  }
0x1fe: {  	v2 =	vor.u32 s17, v37;
	v1 =	vld [tilespmem:s28+$0x4200];
	_ =	sdelay $0x4  }
0x1ff: {  	[tilespmem:v2+s21+$0x0] =	vst.idx.msk $0xffff, v1  }
0x200: {  	v2 =	vor.u32 s17, v57;
	v1 =	vld [tilespmem:s28+$0x4280];
	_ =	sdelay $0x4  }
0x201: {  	[tilespmem:v2+s21+$0x0] =	vst.idx.msk $0xffff, v1  }
0x202: {  	v2 =	vor.u32 s17, v14;
	v1 =	vld [tilespmem:s28+$0x4300];
	_ =	sdelay $0x3  }
0x203: {  	s29 =	sor.u32 s17, s17  }
0x204: {  	s3 =	sor.u32 $0x380, s29;
	[tilespmem:v2+s21+$0x0] =	vst.idx.msk $0xffff, v1  }
0x205: {  	v2 =	vor.u32 s17, v12;
	v1 =	vld [tilespmem:s3+$0x4000];
	_ =	sdelay $0x4  }
0x206: {  	[tilespmem:v2+s21+$0x0] =	vst.idx.msk $0xffff, v1  }
0x207: {  	v2 =	vor.u32 s17, v13;
	v1 =	vld [tilespmem:s28+$0x4800];
	_ =	sdelay $0x4  }
0x208: {  	[tilespmem:v2+s21+$0x0] =	vst.idx.msk $0xffff, v1  }
0x209: {  	v2 =	vor.u32 s17, v17;
	v1 =	vld [tilespmem:s28+$0x4880];
	_ =	sdelay $0x4  }
0x20a: {  	[tilespmem:v2+s21+$0x0] =	vst.idx.msk $0xffff, v1  }
0x20b: {  	v2 =	vor.u32 s17, v15;
	v1 =	vld [tilespmem:s28+$0x4900];
	_ =	sdelay $0x4  }
0x20c: {  	[tilespmem:v2+s21+$0x0] =	vst.idx.msk $0xffff, v1  }
0x20d: {  	v2 =	vor.u32 s17, v16;
	v1 =	vld [tilespmem:s28+$0x4980];
	_ =	sdelay $0x4  }
0x20e: {  	[tilespmem:v2+s21+$0x0] =	vst.idx.msk $0xffff, v1  }
0x20f: {  	v2 =	vor.u32 s17, v20;
	v1 =	vld [tilespmem:s28+$0x4A00];
	_ =	sdelay $0x4  }
0x210: {  	[tilespmem:v2+s21+$0x0] =	vst.idx.msk $0xffff, v1  }
0x211: {  	v2 =	vor.u32 s17, v18;
	v1 =	vld [tilespmem:s28+$0x4A80];
	_ =	sdelay $0x4  }
0x212: {  	[tilespmem:v2+s21+$0x0] =	vst.idx.msk $0xffff, v1  }
0x213: {  	v2 =	vor.u32 s17, v19;
	v1 =	vld [tilespmem:s28+$0x4B00];
	_ =	sdelay $0x4  }
0x214: {  	[tilespmem:v2+s21+$0x0] =	vst.idx.msk $0xffff, v1  }
0x215: {  	v2 =	vor.u32 s17, v23;
	v1 =	vld [tilespmem:s28+$0x4B80];
	_ =	sdelay $0x4  }
0x216: {  	[tilespmem:v2+s21+$0x0] =	vst.idx.msk $0xffff, v1  }
0x217: {  	v2 =	vor.u32 s17, v21;
	v1 =	vld [tilespmem:s28+$0x5000];
	_ =	sdelay $0x4  }
0x218: {  	[tilespmem:v2+s21+$0x0] =	vst.idx.msk $0xffff, v1  }
0x219: {  	v2 =	vor.u32 s17, v22;
	v1 =	vld [tilespmem:s28+$0x5080];
	_ =	sdelay $0x4  }
0x21a: {  	[tilespmem:v2+s21+$0x0] =	vst.idx.msk $0xffff, v1  }
0x21b: {  	v2 =	vor.u32 s17, v26;
	v1 =	vld [tilespmem:s28+$0x5100];
	_ =	sdelay $0x4  }
0x21c: {  	[tilespmem:v2+s21+$0x0] =	vst.idx.msk $0xffff, v1  }
0x21d: {  	v2 =	vor.u32 s17, v24;
	v1 =	vld [tilespmem:s28+$0x5180];
	_ =	sdelay $0x4  }
0x21e: {  	[tilespmem:v2+s21+$0x0] =	vst.idx.msk $0xffff, v1  }
0x21f: {  	v2 =	vor.u32 s17, v25;
	v1 =	vld [tilespmem:s28+$0x5200];
	_ =	sdelay $0x4  }
0x220: {  	[tilespmem:v2+s21+$0x0] =	vst.idx.msk $0xffff, v1  }
0x221: {  	v2 =	vor.u32 s17, v29;
	v1 =	vld [tilespmem:s28+$0x5280];
	_ =	sdelay $0x4  }
0x222: {  	[tilespmem:v2+s21+$0x0] =	vst.idx.msk $0xffff, v1  }
0x223: {  	v2 =	vor.u32 s17, v27;
	v1 =	vld [tilespmem:s28+$0x5300];
	_ =	sdelay $0x4  }
0x224: {  	[tilespmem:v2+s21+$0x0] =	vst.idx.msk $0xffff, v1  }
0x225: {  	v2 =	vor.u32 s17, v28;
	v1 =	vld [tilespmem:s28+$0x5380];
	_ =	sdelay $0x4  }
0x226: {  	[tilespmem:v2+s21+$0x0] =	vst.idx.msk $0xffff, v1  }
0x227: {  	v2 =	vor.u32 s17, v32;
	v1 =	vld [tilespmem:s28+$0x5800];
	_ =	sdelay $0x4  }
0x228: {  	[tilespmem:v2+s21+$0x0] =	vst.idx.msk $0xffff, v1  }
0x229: {  	v2 =	vor.u32 s17, v30;
	v1 =	vld [tilespmem:s28+$0x5880];
	_ =	sdelay $0x4  }
0x22a: {  	[tilespmem:v2+s21+$0x0] =	vst.idx.msk $0xffff, v1  }
0x22b: {  	v11 =	vmov v14;
	v14 =	vmov v17;
	v2 =	vor.u32 s17, v31;
	v1 =	vld [tilespmem:s28+$0x5900]  }
0x22c: {  	v17 =	vmovc v20;
	v20 =	vmovc v23;
	v23 =	vmov v26;
	v26 =	vmov v29;
	v29 =	vmov v32;
	v32 =	vld [tilespmem:$0x1FE30];
	_ =	sdelay $0x3  }
0x22d: {  	[tilespmem:v2+s21+$0x0] =	vst.idx.msk $0xffff, v1  }
0x22e: {  	v2 =	vor.u32 s17, v32;
	v1 =	vld [tilespmem:s28+$0x5980];
	_ =	sdelay $0x4  }
0x22f: {  	[tilespmem:v2+s21+$0x0] =	vst.idx.msk $0xffff, v1  }
0x230: {  	v2 =	vor.u32 s17, v33;
	v1 =	vld [tilespmem:s28+$0x5A00];
	_ =	sdelay $0x4  }
0x231: {  	[tilespmem:v2+s21+$0x0] =	vst.idx.msk $0xffff, v1  }
0x232: {  	v2 =	vor.u32 s17, v34;
	v1 =	vld [tilespmem:s28+$0x5A80]  }
0x233: {  	v35 =	vld [tilespmem:$0x1FE40];
	_ =	sdelay $0x3  }
0x234: {  	[tilespmem:v2+s21+$0x0] =	vst.idx.msk $0xffff, v1  }
0x235: {  	v2 =	vor.u32 s17, v35;
	v1 =	vld [tilespmem:s28+$0x5B00];
	_ =	sdelay $0x4  }
0x236: {  	[tilespmem:v2+s21+$0x0] =	vst.idx.msk $0xffff, v1  }
0x237: {  	v2 =	vor.u32 s17, v36;
	v1 =	vld [tilespmem:s28+$0x5B80]  }
0x238: {  	v37 =	vld [tilespmem:$0x1FE50];
	_ =	sdelay $0x3  }
0x239: {  	[tilespmem:v2+s21+$0x0] =	vst.idx.msk $0xffff, v1  }
0x23a: {  	v2 =	vor.u32 s17, v37;
	v1 =	vld [tilespmem:s28+$0x6000]  }
0x23b: {  	v38 =	vld [tilespmem:$0x1FE60];
	_ =	sdelay $0x3  }
0x23c: {  	[tilespmem:v2+s21+$0x0] =	vst.idx.msk $0xffff, v1  }
0x23d: {  	v2 =	vor.u32 s17, v38;
	v1 =	vld [tilespmem:s28+$0x6080];
	_ =	sdelay $0x4  }
0x23e: {  	[tilespmem:v2+s21+$0x0] =	vst.idx.msk $0xffff, v1  }
0x23f: {  	v2 =	vor.u32 s17, v39;
	v1 =	vld [tilespmem:s28+$0x6100]  }
0x240: {  	v40 =	vld [tilespmem:$0x1FE70];
	_ =	sdelay $0x3  }
0x241: {  	[tilespmem:v2+s21+$0x0] =	vst.idx.msk $0xffff, v1  }
0x242: {  	v2 =	vor.u32 s17, v40;
	v1 =	vld [tilespmem:s28+$0x6180]  }
0x243: {  	v41 =	vld [tilespmem:$0x1FE80];
	_ =	sdelay $0x3  }
0x244: {  	[tilespmem:v2+s21+$0x0] =	vst.idx.msk $0xffff, v1  }
0x245: {  	v2 =	vor.u32 s17, v41;
	v1 =	vld [tilespmem:s28+$0x6200];
	_ =	sdelay $0x4  }
0x246: {  	[tilespmem:v2+s21+$0x0] =	vst.idx.msk $0xffff, v1  }
0x247: {  	v2 =	vor.u32 s17, v42;
	v1 =	vld [tilespmem:s28+$0x6280]  }
0x248: {  	v43 =	vld [tilespmem:$0x1FE90];
	_ =	sdelay $0x3  }
0x249: {  	[tilespmem:v2+s21+$0x0] =	vst.idx.msk $0xffff, v1  }
0x24a: {  	v2 =	vor.u32 s17, v43;
	v1 =	vld [tilespmem:s28+$0x6300]  }
0x24b: {  	v44 =	vld [tilespmem:$0x1FEA0];
	_ =	sdelay $0x3  }
0x24c: {  	[tilespmem:v2+s21+$0x0] =	vst.idx.msk $0xffff, v1  }
0x24d: {  	v2 =	vor.u32 s17, v44;
	v1 =	vld [tilespmem:s28+$0x6380];
	_ =	sdelay $0x4  }
0x24e: {  	[tilespmem:v2+s21+$0x0] =	vst.idx.msk $0xffff, v1  }
0x24f: {  	v2 =	vor.u32 s17, v45;
	v1 =	vld [tilespmem:s28+$0x6800]  }
0x250: {  	v46 =	vld [tilespmem:$0x1FEB0];
	_ =	sdelay $0x3  }
0x251: {  	[tilespmem:v2+s21+$0x0] =	vst.idx.msk $0xffff, v1  }
0x252: {  	v2 =	vor.u32 s17, v46;
	v1 =	vld [tilespmem:s28+$0x6880]  }
0x253: {  	v47 =	vld [tilespmem:$0x1FEC0];
	_ =	sdelay $0x3  }
0x254: {  	[tilespmem:v2+s21+$0x0] =	vst.idx.msk $0xffff, v1  }
0x255: {  	v2 =	vor.u32 s17, v47;
	v1 =	vld [tilespmem:s28+$0x6900];
	_ =	sdelay $0x4  }
0x256: {  	[tilespmem:v2+s21+$0x0] =	vst.idx.msk $0xffff, v1  }
0x257: {  	v2 =	vor.u32 s17, v48;
	v1 =	vld [tilespmem:s28+$0x6980]  }
0x258: {  	v49 =	vld [tilespmem:$0x1FED0];
	_ =	sdelay $0x3  }
0x259: {  	[tilespmem:v2+s21+$0x0] =	vst.idx.msk $0xffff, v1  }
0x25a: {  	v2 =	vor.u32 s17, v49;
	v1 =	vld [tilespmem:s28+$0x6A00]  }
0x25b: {  	v50 =	vld [tilespmem:$0x1FEE0];
	_ =	sdelay $0x3  }
0x25c: {  	[tilespmem:v2+s21+$0x0] =	vst.idx.msk $0xffff, v1  }
0x25d: {  	v2 =	vor.u32 s17, v50;
	v1 =	vld [tilespmem:s28+$0x6A80];
	_ =	sdelay $0x4  }
0x25e: {  	[tilespmem:v2+s21+$0x0] =	vst.idx.msk $0xffff, v1  }
0x25f: {  	v2 =	vor.u32 s17, v51;
	v1 =	vld [tilespmem:s28+$0x6B00]  }
0x260: {  	v52 =	vld [tilespmem:$0x1FEF0];
	_ =	sdelay $0x3  }
0x261: {  	[tilespmem:v2+s21+$0x0] =	vst.idx.msk $0xffff, v1  }
0x262: {  	v2 =	vor.u32 s17, v52;
	v1 =	vld [tilespmem:s28+$0x6B80]  }
0x263: {  	v53 =	vld [tilespmem:$0x1FF00];
	_ =	sdelay $0x3  }
0x264: {  	[tilespmem:v2+s21+$0x0] =	vst.idx.msk $0xffff, v1  }
0x265: {  	v2 =	vor.u32 s17, v53;
	v1 =	vld [tilespmem:s28+$0x7000];
	_ =	sdelay $0x4  }
0x266: {  	[tilespmem:v2+s21+$0x0] =	vst.idx.msk $0xffff, v1  }
0x267: {  	v2 =	vor.u32 s17, v54;
	v1 =	vld [tilespmem:s28+$0x7080]  }
0x268: {  	v55 =	vld [tilespmem:$0x1FF10];
	_ =	sdelay $0x3  }
0x269: {  	[tilespmem:v2+s21+$0x0] =	vst.idx.msk $0xffff, v1  }
0x26a: {  	v2 =	vor.u32 s17, v55;
	v1 =	vld [tilespmem:s28+$0x7100]  }
0x26b: {  	v0 =	vld [tilespmem:$0x1FF20];
	_ =	sdelay $0x3  }
0x26c: {  	[tilespmem:v2+s21+$0x0] =	vst.idx.msk $0xffff, v1  }
0x26d: {  	v2 =	vor.u32 s17, v0;
	v1 =	vld [tilespmem:s28+$0x7180]  }
0x26e: {  	v59 =	vmov v61;
	v61 =	vld [tilespmem:$0x1FF30];
	_ =	sdelay $0x3  }
0x26f: {  	[tilespmem:v2+s21+$0x0] =	vst.idx.msk $0xffff, v1  }
0x270: {  	v2 =	vor.u32 s17, v61;
	v1 =	vld [tilespmem:s28+$0x7200];
	_ =	sdelay $0x4  }
0x271: {  	[tilespmem:v2+s21+$0x0] =	vst.idx.msk $0xffff, v1  }
0x272: {  	v2 =	vor.u32 s17, v6;
	v1 =	vld [tilespmem:s28+$0x7280];
	_ =	sdelay $0x4  }
0x273: {  	[tilespmem:v2+s21+$0x0] =	vst.idx.msk $0xffff, v1  }
0x274: {  	v2 =	vor.u32 s17, v9;
	v1 =	vld [tilespmem:s28+$0x7300]  }
0x275: {  	v62 =	vld [tilespmem:$0x1FF40];
	_ =	sdelay $0x3  }
0x276: {  	[tilespmem:v2+s21+$0x0] =	vst.idx.msk $0xffff, v1  }
0x277: {  	v2 =	vor.u32 s17, v62;
	v1 =	vld [tilespmem:s28+$0x7380]  }
0x278: {  	v60 =	vld [tilespmem:$0x1FF50];
	_ =	sdelay $0x3  }
0x279: {  	[tilespmem:v2+s21+$0x0] =	vst.idx.msk $0xffff, v1  }
0x27a: {  	v2 =	vor.u32 s17, v60;
	v1 =	vld [tilespmem:s28+$0x7800]  }
0x27b: {  	v8 =	vld [tilespmem:$0x1FF60];
	_ =	sdelay $0x3  }
0x27c: {  	[tilespmem:v2+s21+$0x0] =	vst.idx.msk $0xffff, v1  }
0x27d: {  	v2 =	vor.u32 s17, v8;
	v1 =	vld [tilespmem:s28+$0x7880]  }
0x27e: {  	v56 =	vmov v7;
	v7 =	vld [tilespmem:$0x1FF70];
	_ =	sdelay $0x3  }
0x27f: {  	[tilespmem:v2+s21+$0x0] =	vst.idx.msk $0xffff, v1  }
0x280: {  	v2 =	vor.u32 s17, v7;
	v1 =	vld [tilespmem:s28+$0x7900];
	_ =	sdelay $0x4  }
0x281: {  	[tilespmem:v2+s21+$0x0] =	vst.idx.msk $0xffff, v1  }
0x282: {  	v2 =	vor.u32 s17, v58;
	v1 =	vld [tilespmem:s28+$0x7980]  }
0x283: {  	v10 =	vld [tilespmem:$0x1FF80];
	_ =	sdelay $0x3  }
0x284: {  	[tilespmem:v2+s21+$0x0] =	vst.idx.msk $0xffff, v1  }
0x285: {  	v2 =	vor.u32 s17, v10;
	v1 =	vld [tilespmem:s28+$0x7A00];
	_ =	sdelay $0x4  }
0x286: {  	[tilespmem:v2+s21+$0x0] =	vst.idx.msk $0xffff, v1  }
0x287: {  	v2 =	vor.u32 s17, v63;
	v1 =	vld [tilespmem:s28+$0x7A80];
	_ =	sdelay $0x4  }
0x288: {  	[tilespmem:v2+s21+$0x0] =	vst.idx.msk $0xffff, v1;
	v2 =	vor.u32 $0x3E, v56  }
0x289: {  	v1 =	vld [tilespmem:s28+$0x7B00];
	[tilespmem:$0x1FE00] =	vst v2;
	v2 =	vor.u32 s17, v2;
	_ =	sdelay $0x2  }
0x28a: {  	v10 =	vmov v57;
	v57 =	vld [tilespmem:$0x1FFD0]  }
0x28b: {  	v3 =	vmov v9;
	v63 =	vld [tilespmem:$0x1FFE0]  }
0x28c: {  	s24 =	simm.s32 $0x400;
	v4 =	vor.u32 $0x3F, v56;
	s25 =	simm.s32 $0x80;
	s26 =	simm.s32 $0x10;
	v9 =	vmov v56;
	v58 =	vmov v3;
	v56 =	vld [tilespmem:$0x1FE20];
	[tilespmem:v2+s21+$0x0] =	vst.idx.msk $0xffff, v1  }
0x28d: {  	s3 =	sand.u32 $0x400, s25;
	v3 =	vor.u32 s17, v4;
	s17 =	sand.u32 $0x70, s26;
	v1 =	vmovc v60;
	v60 =	vmovc v6;
	v6 =	vmov v7;
	v7 =	vmov v4;
	v2 =	vld [tilespmem:s28+$0x7B80];
	s28 =	simm.s32 $0x800  }
.LBB2_8:
0x28e: {  	_ =	sdelay $0x3  }
0x28f: {  	v4 =	vor.u32 s24, v9;
	s17 =	sor.u32 s17, s3;
	[tilespmem:v3+s21+$0x0] =	vst.idx.msk $0xffff, v2  }
0x290: {  	v3 =	vand.u32 v5, v4;
	v2 =	vld [tilespmem:s17+$0x4000];
	_ =	sdelay $0x4  }
0x291: {  	[tilespmem:v3+s21+$0x0] =	vst.idx.msk $0xffff, v2  }
0x292: {  	v3 =	vor.u32 s24, v59;
	v2 =	vld [tilespmem:s17+$0x4080];
	_ =	sdelay $0x4  }
0x293: {  	[tilespmem:v3+s21+$0x0] =	vst.idx.msk $0xffff, v2  }
0x294: {  	v3 =	vor.u32 s24, v56;
	v2 =	vld [tilespmem:s17+$0x4100];
	_ =	sdelay $0x4  }
0x295: {  	[tilespmem:v3+s21+$0x0] =	vst.idx.msk $0xffff, v2  }
0x296: {  	v3 =	vor.u32 s24, v63;
	v2 =	vld [tilespmem:s17+$0x4180];
	_ =	sdelay $0x4  }
0x297: {  	[tilespmem:v3+s21+$0x0] =	vst.idx.msk $0xffff, v2  }
0x298: {  	v3 =	vor.u32 s24, v57;
	v2 =	vld [tilespmem:s17+$0x4200];
	_ =	sdelay $0x4  }
0x299: {  	[tilespmem:v3+s21+$0x0] =	vst.idx.msk $0xffff, v2  }
0x29a: {  	v3 =	vor.u32 s24, v10;
	v2 =	vld [tilespmem:s17+$0x4280];
	_ =	sdelay $0x4  }
0x29b: {  	[tilespmem:v3+s21+$0x0] =	vst.idx.msk $0xffff, v2  }
0x29c: {  	v3 =	vor.u32 s24, v11;
	v2 =	vld [tilespmem:s17+$0x4300];
	_ =	sdelay $0x3  }
0x29d: {  	s29 =	sor.u32 s25, s26  }
0x29e: {  	s3 =	sor.u32 $0x380, s29;
	[tilespmem:v3+s21+$0x0] =	vst.idx.msk $0xffff, v2  }
0x29f: {  	v3 =	vor.u32 s24, v12;
	v2 =	vld [tilespmem:s3+$0x4000];
	_ =	sdelay $0x4  }
0x2a0: {  	[tilespmem:v3+s21+$0x0] =	vst.idx.msk $0xffff, v2  }
0x2a1: {  	v3 =	vor.u32 s24, v13;
	v2 =	vld [tilespmem:s17+$0x4800];
	_ =	sdelay $0x4  }
0x2a2: {  	[tilespmem:v3+s21+$0x0] =	vst.idx.msk $0xffff, v2  }
0x2a3: {  	v3 =	vor.u32 s24, v14;
	v2 =	vld [tilespmem:s17+$0x4880];
	_ =	sdelay $0x4  }
0x2a4: {  	[tilespmem:v3+s21+$0x0] =	vst.idx.msk $0xffff, v2  }
0x2a5: {  	v3 =	vor.u32 s24, v15;
	v2 =	vld [tilespmem:s17+$0x4900];
	_ =	sdelay $0x4  }
0x2a6: {  	[tilespmem:v3+s21+$0x0] =	vst.idx.msk $0xffff, v2  }
0x2a7: {  	v3 =	vor.u32 s24, v16;
	v2 =	vld [tilespmem:s17+$0x4980];
	_ =	sdelay $0x4  }
0x2a8: {  	[tilespmem:v3+s21+$0x0] =	vst.idx.msk $0xffff, v2  }
0x2a9: {  	v3 =	vor.u32 s24, v17;
	v2 =	vld [tilespmem:s17+$0x4A00];
	_ =	sdelay $0x4  }
0x2aa: {  	[tilespmem:v3+s21+$0x0] =	vst.idx.msk $0xffff, v2  }
0x2ab: {  	v3 =	vor.u32 s24, v18;
	v2 =	vld [tilespmem:s17+$0x4A80];
	_ =	sdelay $0x4  }
0x2ac: {  	[tilespmem:v3+s21+$0x0] =	vst.idx.msk $0xffff, v2  }
0x2ad: {  	v3 =	vor.u32 s24, v19;
	v2 =	vld [tilespmem:s17+$0x4B00];
	_ =	sdelay $0x4  }
0x2ae: {  	[tilespmem:v3+s21+$0x0] =	vst.idx.msk $0xffff, v2  }
0x2af: {  	v3 =	vor.u32 s24, v20;
	v2 =	vld [tilespmem:s17+$0x4B80];
	_ =	sdelay $0x4  }
0x2b0: {  	[tilespmem:v3+s21+$0x0] =	vst.idx.msk $0xffff, v2  }
0x2b1: {  	v3 =	vor.u32 s24, v21;
	v2 =	vld [tilespmem:s17+$0x5000];
	_ =	sdelay $0x4  }
0x2b2: {  	[tilespmem:v3+s21+$0x0] =	vst.idx.msk $0xffff, v2  }
0x2b3: {  	v3 =	vor.u32 s24, v22;
	v2 =	vld [tilespmem:s17+$0x5080];
	_ =	sdelay $0x4  }
0x2b4: {  	[tilespmem:v3+s21+$0x0] =	vst.idx.msk $0xffff, v2  }
0x2b5: {  	v3 =	vor.u32 s24, v23;
	v2 =	vld [tilespmem:s17+$0x5100];
	_ =	sdelay $0x4  }
0x2b6: {  	[tilespmem:v3+s21+$0x0] =	vst.idx.msk $0xffff, v2  }
0x2b7: {  	v3 =	vor.u32 s24, v24;
	v2 =	vld [tilespmem:s17+$0x5180];
	_ =	sdelay $0x4  }
0x2b8: {  	[tilespmem:v3+s21+$0x0] =	vst.idx.msk $0xffff, v2  }
0x2b9: {  	v3 =	vor.u32 s24, v25;
	v2 =	vld [tilespmem:s17+$0x5200];
	_ =	sdelay $0x4  }
0x2ba: {  	[tilespmem:v3+s21+$0x0] =	vst.idx.msk $0xffff, v2  }
0x2bb: {  	v3 =	vor.u32 s24, v26;
	v2 =	vld [tilespmem:s17+$0x5280];
	_ =	sdelay $0x4  }
0x2bc: {  	[tilespmem:v3+s21+$0x0] =	vst.idx.msk $0xffff, v2  }
0x2bd: {  	v3 =	vor.u32 s24, v27;
	v2 =	vld [tilespmem:s17+$0x5300];
	_ =	sdelay $0x4  }
0x2be: {  	[tilespmem:v3+s21+$0x0] =	vst.idx.msk $0xffff, v2  }
0x2bf: {  	v3 =	vor.u32 s24, v28;
	v2 =	vld [tilespmem:s17+$0x5380];
	_ =	sdelay $0x4  }
0x2c0: {  	[tilespmem:v3+s21+$0x0] =	vst.idx.msk $0xffff, v2  }
0x2c1: {  	v3 =	vor.u32 s24, v29;
	v2 =	vld [tilespmem:s17+$0x5800];
	_ =	sdelay $0x4  }
0x2c2: {  	[tilespmem:v3+s21+$0x0] =	vst.idx.msk $0xffff, v2  }
0x2c3: {  	v3 =	vor.u32 s24, v30;
	v2 =	vld [tilespmem:s17+$0x5880];
	_ =	sdelay $0x4  }
0x2c4: {  	[tilespmem:v3+s21+$0x0] =	vst.idx.msk $0xffff, v2  }
0x2c5: {  	v3 =	vor.u32 s24, v31;
	v2 =	vld [tilespmem:s17+$0x5900];
	_ =	sdelay $0x4  }
0x2c6: {  	[tilespmem:v3+s21+$0x0] =	vst.idx.msk $0xffff, v2  }
0x2c7: {  	v3 =	vor.u32 s24, v32;
	v2 =	vld [tilespmem:s17+$0x5980];
	_ =	sdelay $0x4  }
0x2c8: {  	[tilespmem:v3+s21+$0x0] =	vst.idx.msk $0xffff, v2  }
0x2c9: {  	v3 =	vor.u32 s24, v33;
	v2 =	vld [tilespmem:s17+$0x5A00];
	_ =	sdelay $0x4  }
0x2ca: {  	[tilespmem:v3+s21+$0x0] =	vst.idx.msk $0xffff, v2  }
0x2cb: {  	v3 =	vor.u32 s24, v34;
	v2 =	vld [tilespmem:s17+$0x5A80];
	_ =	sdelay $0x4  }
0x2cc: {  	[tilespmem:v3+s21+$0x0] =	vst.idx.msk $0xffff, v2  }
0x2cd: {  	v3 =	vor.u32 s24, v35;
	v2 =	vld [tilespmem:s17+$0x5B00];
	_ =	sdelay $0x4  }
0x2ce: {  	[tilespmem:v3+s21+$0x0] =	vst.idx.msk $0xffff, v2  }
0x2cf: {  	v3 =	vor.u32 s24, v36;
	v2 =	vld [tilespmem:s17+$0x5B80];
	_ =	sdelay $0x4  }
0x2d0: {  	[tilespmem:v3+s21+$0x0] =	vst.idx.msk $0xffff, v2  }
0x2d1: {  	v3 =	vor.u32 s24, v37;
	v2 =	vld [tilespmem:s17+$0x6000];
	_ =	sdelay $0x4  }
0x2d2: {  	[tilespmem:v3+s21+$0x0] =	vst.idx.msk $0xffff, v2  }
0x2d3: {  	v3 =	vor.u32 s24, v38;
	v2 =	vld [tilespmem:s17+$0x6080];
	_ =	sdelay $0x4  }
0x2d4: {  	[tilespmem:v3+s21+$0x0] =	vst.idx.msk $0xffff, v2  }
0x2d5: {  	v3 =	vor.u32 s24, v39;
	v2 =	vld [tilespmem:s17+$0x6100];
	_ =	sdelay $0x4  }
0x2d6: {  	[tilespmem:v3+s21+$0x0] =	vst.idx.msk $0xffff, v2  }
0x2d7: {  	v3 =	vor.u32 s24, v40;
	v2 =	vld [tilespmem:s17+$0x6180];
	_ =	sdelay $0x4  }
0x2d8: {  	[tilespmem:v3+s21+$0x0] =	vst.idx.msk $0xffff, v2  }
0x2d9: {  	v3 =	vor.u32 s24, v41;
	v2 =	vld [tilespmem:s17+$0x6200];
	_ =	sdelay $0x4  }
0x2da: {  	[tilespmem:v3+s21+$0x0] =	vst.idx.msk $0xffff, v2  }
0x2db: {  	v3 =	vor.u32 s24, v42;
	v2 =	vld [tilespmem:s17+$0x6280];
	_ =	sdelay $0x4  }
0x2dc: {  	[tilespmem:v3+s21+$0x0] =	vst.idx.msk $0xffff, v2  }
0x2dd: {  	v3 =	vor.u32 s24, v43;
	v2 =	vld [tilespmem:s17+$0x6300];
	_ =	sdelay $0x4  }
0x2de: {  	[tilespmem:v3+s21+$0x0] =	vst.idx.msk $0xffff, v2  }
0x2df: {  	v3 =	vor.u32 s24, v44;
	v2 =	vld [tilespmem:s17+$0x6380];
	_ =	sdelay $0x4  }
0x2e0: {  	[tilespmem:v3+s21+$0x0] =	vst.idx.msk $0xffff, v2  }
0x2e1: {  	v3 =	vor.u32 s24, v45;
	v2 =	vld [tilespmem:s17+$0x6800];
	_ =	sdelay $0x4  }
0x2e2: {  	[tilespmem:v3+s21+$0x0] =	vst.idx.msk $0xffff, v2  }
0x2e3: {  	v3 =	vor.u32 s24, v46;
	v2 =	vld [tilespmem:s17+$0x6880];
	_ =	sdelay $0x4  }
0x2e4: {  	[tilespmem:v3+s21+$0x0] =	vst.idx.msk $0xffff, v2  }
0x2e5: {  	v3 =	vor.u32 s24, v47;
	v2 =	vld [tilespmem:s17+$0x6900];
	_ =	sdelay $0x4  }
0x2e6: {  	[tilespmem:v3+s21+$0x0] =	vst.idx.msk $0xffff, v2  }
0x2e7: {  	v3 =	vor.u32 s24, v48;
	v2 =	vld [tilespmem:s17+$0x6980];
	_ =	sdelay $0x4  }
0x2e8: {  	[tilespmem:v3+s21+$0x0] =	vst.idx.msk $0xffff, v2  }
0x2e9: {  	v3 =	vor.u32 s24, v49;
	v2 =	vld [tilespmem:s17+$0x6A00];
	_ =	sdelay $0x4  }
0x2ea: {  	[tilespmem:v3+s21+$0x0] =	vst.idx.msk $0xffff, v2  }
0x2eb: {  	v3 =	vor.u32 s24, v50;
	v2 =	vld [tilespmem:s17+$0x6A80];
	_ =	sdelay $0x4  }
0x2ec: {  	[tilespmem:v3+s21+$0x0] =	vst.idx.msk $0xffff, v2  }
0x2ed: {  	v3 =	vor.u32 s24, v51;
	v2 =	vld [tilespmem:s17+$0x6B00];
	_ =	sdelay $0x4  }
0x2ee: {  	[tilespmem:v3+s21+$0x0] =	vst.idx.msk $0xffff, v2  }
0x2ef: {  	v3 =	vor.u32 s24, v52;
	v2 =	vld [tilespmem:s17+$0x6B80];
	_ =	sdelay $0x4  }
0x2f0: {  	[tilespmem:v3+s21+$0x0] =	vst.idx.msk $0xffff, v2  }
0x2f1: {  	v3 =	vor.u32 s24, v53;
	v2 =	vld [tilespmem:s17+$0x7000];
	_ =	sdelay $0x4  }
0x2f2: {  	[tilespmem:v3+s21+$0x0] =	vst.idx.msk $0xffff, v2  }
0x2f3: {  	v3 =	vor.u32 s24, v54;
	v2 =	vld [tilespmem:s17+$0x7080];
	_ =	sdelay $0x4  }
0x2f4: {  	[tilespmem:v3+s21+$0x0] =	vst.idx.msk $0xffff, v2  }
0x2f5: {  	v3 =	vor.u32 s24, v55;
	v2 =	vld [tilespmem:s17+$0x7100];
	_ =	sdelay $0x4  }
0x2f6: {  	[tilespmem:v3+s21+$0x0] =	vst.idx.msk $0xffff, v2  }
0x2f7: {  	v3 =	vor.u32 s24, v0;
	v2 =	vld [tilespmem:s17+$0x7180];
	_ =	sdelay $0x4  }
0x2f8: {  	[tilespmem:v3+s21+$0x0] =	vst.idx.msk $0xffff, v2  }
0x2f9: {  	v3 =	vor.u32 s24, v61;
	v2 =	vld [tilespmem:s17+$0x7200];
	_ =	sdelay $0x4  }
0x2fa: {  	[tilespmem:v3+s21+$0x0] =	vst.idx.msk $0xffff, v2  }
0x2fb: {  	v3 =	vor.u32 s24, v60;
	v2 =	vld [tilespmem:s17+$0x7280];
	_ =	sdelay $0x4  }
0x2fc: {  	[tilespmem:v3+s21+$0x0] =	vst.idx.msk $0xffff, v2  }
0x2fd: {  	v3 =	vor.u32 s24, v58;
	v2 =	vld [tilespmem:s17+$0x7300];
	_ =	sdelay $0x4  }
0x2fe: {  	[tilespmem:v3+s21+$0x0] =	vst.idx.msk $0xffff, v2  }
0x2ff: {  	v3 =	vor.u32 s24, v62;
	v2 =	vld [tilespmem:s17+$0x7380];
	_ =	sdelay $0x4  }
0x300: {  	[tilespmem:v3+s21+$0x0] =	vst.idx.msk $0xffff, v2  }
0x301: {  	v3 =	vor.u32 s24, v1;
	v2 =	vld [tilespmem:s17+$0x7800];
	_ =	sdelay $0x4  }
0x302: {  	[tilespmem:v3+s21+$0x0] =	vst.idx.msk $0xffff, v2  }
0x303: {  	v3 =	vor.u32 s24, v8;
	v2 =	vld [tilespmem:s17+$0x7880];
	_ =	sdelay $0x4  }
0x304: {  	[tilespmem:v3+s21+$0x0] =	vst.idx.msk $0xffff, v2  }
0x305: {  	v3 =	vor.u32 s24, v6;
	v2 =	vld [tilespmem:s17+$0x7900];
	_ =	sdelay $0x4  }
0x306: {  	[tilespmem:v3+s21+$0x0] =	vst.idx.msk $0xffff, v2;
	v3 =	vld [tilespmem:$0x1FFA0];
	_ =	sdelay $0x4  }
0x307: {  	v2 =	vld [tilespmem:s17+$0x7980];
	v3 =	vor.u32 s24, v3;
	_ =	sdelay $0x4  }
0x308: {  	[tilespmem:v3+s21+$0x0] =	vst.idx.msk $0xffff, v2;
	v3 =	vld [tilespmem:$0x1FF80];
	_ =	sdelay $0x4  }
0x309: {  	v2 =	vld [tilespmem:s17+$0x7A00];
	v3 =	vor.u32 s24, v3;
	_ =	sdelay $0x4  }
0x30a: {  	[tilespmem:v3+s21+$0x0] =	vst.idx.msk $0xffff, v2;
	v3 =	vld [tilespmem:$0x1FF90];
	_ =	sdelay $0x4  }
0x30b: {  	v2 =	vld [tilespmem:s17+$0x7A80];
	v3 =	vor.u32 s24, v3;
	_ =	sdelay $0x4  }
0x30c: {  	[tilespmem:v3+s21+$0x0] =	vst.idx.msk $0xffff, v2;
	v3 =	vld [tilespmem:$0x1FE00];
	_ =	sdelay $0x4  }
0x30d: {  	v2 =	vld [tilespmem:s17+$0x7B00];
	v3 =	vor.u32 s24, v3  }
0x30e: {  	p1 =	sne.s32 s28, $0x3C00  }
.Ltmp7:
0x30f: {  	_ = 	snop;
	(pc) =	sbr.rel @p1 .LBB2_8-.Ltmp7, $4  }
0x310: {  	_ = 	snop  }
0x311: {  	s25 =	sadd.s32 $0x80, s25  }
0x312: {  	s26 =	sadd.s32 $0x10, s26;
	s3 =	sand.u32 $0x400, s25;
	[tilespmem:v3+s21+$0x0] =	vst.idx.msk $0xffff, v2  }
0x313: {  	v3 =	vor.u32 s24, v7;
	s24 =	smov.u32 s28;
	s28 =	sadd.s32 $0x400, s28;
	v2 =	vld [tilespmem:s17+$0x7B80];
	s17 =	sand.u32 $0x70, s26  }
0x314: {  	_ =	sdelay $0x3  }
0x315: {  	s17 =	sor.u32 s17, s3;
	[tilespmem:v3+s21+$0x0] =	vst.idx.msk $0xffff, v2;
	v2 =	vor.u32 s24, v9  }
0x316: {  	v3 =	vld [tilespmem:s17+$0x4000];
	v2 =	vand.u32 v5, v2;
	_ =	sdelay $0x4  }
0x317: {  	[tilespmem:v2+s21+$0x0] =	vst.idx.msk $0xffff, v3  }
0x318: {  	v3 =	vor.u32 s24, v59;
	v2 =	vld [tilespmem:s17+$0x4080];
	_ =	sdelay $0x4  }
0x319: {  	[tilespmem:v3+s21+$0x0] =	vst.idx.msk $0xffff, v2  }
0x31a: {  	v3 =	vor.u32 s24, v56;
	v2 =	vld [tilespmem:s17+$0x4100];
	_ =	sdelay $0x4  }
0x31b: {  	[tilespmem:v3+s21+$0x0] =	vst.idx.msk $0xffff, v2  }
0x31c: {  	v3 =	vor.u32 s24, v63;
	v2 =	vld [tilespmem:s17+$0x4180];
	_ =	sdelay $0x4  }
0x31d: {  	[tilespmem:v3+s21+$0x0] =	vst.idx.msk $0xffff, v2  }
0x31e: {  	v3 =	vor.u32 s24, v57;
	v2 =	vld [tilespmem:s17+$0x4200];
	_ =	sdelay $0x4  }
0x31f: {  	[tilespmem:v3+s21+$0x0] =	vst.idx.msk $0xffff, v2  }
0x320: {  	v3 =	vor.u32 s24, v10;
	v2 =	vld [tilespmem:s17+$0x4280];
	_ =	sdelay $0x4  }
0x321: {  	[tilespmem:v3+s21+$0x0] =	vst.idx.msk $0xffff, v2  }
0x322: {  	v3 =	vor.u32 s24, v11;
	v2 =	vld [tilespmem:s17+$0x4300];
	_ =	sdelay $0x3  }
0x323: {  	s29 =	sor.u32 s25, s26  }
0x324: {  	s3 =	sor.u32 $0x380, s29;
	[tilespmem:v3+s21+$0x0] =	vst.idx.msk $0xffff, v2  }
0x325: {  	v3 =	vor.u32 s24, v12;
	v2 =	vld [tilespmem:s3+$0x4000];
	_ =	sdelay $0x4  }
0x326: {  	[tilespmem:v3+s21+$0x0] =	vst.idx.msk $0xffff, v2  }
0x327: {  	v3 =	vor.u32 s24, v13;
	v2 =	vld [tilespmem:s17+$0x4800];
	_ =	sdelay $0x4  }
0x328: {  	[tilespmem:v3+s21+$0x0] =	vst.idx.msk $0xffff, v2  }
0x329: {  	v3 =	vor.u32 s24, v14;
	v2 =	vld [tilespmem:s17+$0x4880];
	_ =	sdelay $0x4  }
0x32a: {  	[tilespmem:v3+s21+$0x0] =	vst.idx.msk $0xffff, v2  }
0x32b: {  	v3 =	vor.u32 s24, v15;
	v2 =	vld [tilespmem:s17+$0x4900];
	_ =	sdelay $0x4  }
0x32c: {  	[tilespmem:v3+s21+$0x0] =	vst.idx.msk $0xffff, v2  }
0x32d: {  	v3 =	vor.u32 s24, v16;
	v2 =	vld [tilespmem:s17+$0x4980];
	_ =	sdelay $0x4  }
0x32e: {  	[tilespmem:v3+s21+$0x0] =	vst.idx.msk $0xffff, v2  }
0x32f: {  	v3 =	vor.u32 s24, v17;
	v2 =	vld [tilespmem:s17+$0x4A00];
	_ =	sdelay $0x4  }
0x330: {  	[tilespmem:v3+s21+$0x0] =	vst.idx.msk $0xffff, v2  }
0x331: {  	v3 =	vor.u32 s24, v18;
	v2 =	vld [tilespmem:s17+$0x4A80];
	_ =	sdelay $0x4  }
0x332: {  	[tilespmem:v3+s21+$0x0] =	vst.idx.msk $0xffff, v2  }
0x333: {  	v3 =	vor.u32 s24, v19;
	v2 =	vld [tilespmem:s17+$0x4B00];
	_ =	sdelay $0x4  }
0x334: {  	[tilespmem:v3+s21+$0x0] =	vst.idx.msk $0xffff, v2  }
0x335: {  	v3 =	vor.u32 s24, v20;
	v2 =	vld [tilespmem:s17+$0x4B80];
	_ =	sdelay $0x4  }
0x336: {  	[tilespmem:v3+s21+$0x0] =	vst.idx.msk $0xffff, v2  }
0x337: {  	v3 =	vor.u32 s24, v21;
	v2 =	vld [tilespmem:s17+$0x5000];
	_ =	sdelay $0x4  }
0x338: {  	[tilespmem:v3+s21+$0x0] =	vst.idx.msk $0xffff, v2  }
0x339: {  	v3 =	vor.u32 s24, v22;
	v2 =	vld [tilespmem:s17+$0x5080];
	_ =	sdelay $0x4  }
0x33a: {  	[tilespmem:v3+s21+$0x0] =	vst.idx.msk $0xffff, v2  }
0x33b: {  	v3 =	vor.u32 s24, v23;
	v2 =	vld [tilespmem:s17+$0x5100];
	_ =	sdelay $0x4  }
0x33c: {  	[tilespmem:v3+s21+$0x0] =	vst.idx.msk $0xffff, v2  }
0x33d: {  	v3 =	vor.u32 s24, v24;
	v2 =	vld [tilespmem:s17+$0x5180];
	_ =	sdelay $0x4  }
0x33e: {  	[tilespmem:v3+s21+$0x0] =	vst.idx.msk $0xffff, v2  }
0x33f: {  	v3 =	vor.u32 s24, v25;
	v2 =	vld [tilespmem:s17+$0x5200];
	_ =	sdelay $0x4  }
0x340: {  	[tilespmem:v3+s21+$0x0] =	vst.idx.msk $0xffff, v2  }
0x341: {  	v3 =	vor.u32 s24, v26;
	v2 =	vld [tilespmem:s17+$0x5280];
	_ =	sdelay $0x4  }
0x342: {  	[tilespmem:v3+s21+$0x0] =	vst.idx.msk $0xffff, v2  }
0x343: {  	v3 =	vor.u32 s24, v27;
	v2 =	vld [tilespmem:s17+$0x5300];
	_ =	sdelay $0x4  }
0x344: {  	[tilespmem:v3+s21+$0x0] =	vst.idx.msk $0xffff, v2  }
0x345: {  	v3 =	vor.u32 s24, v28;
	v2 =	vld [tilespmem:s17+$0x5380];
	_ =	sdelay $0x4  }
0x346: {  	[tilespmem:v3+s21+$0x0] =	vst.idx.msk $0xffff, v2  }
0x347: {  	v3 =	vor.u32 s24, v29;
	v2 =	vld [tilespmem:s17+$0x5800];
	_ =	sdelay $0x4  }
0x348: {  	[tilespmem:v3+s21+$0x0] =	vst.idx.msk $0xffff, v2  }
0x349: {  	v3 =	vor.u32 s24, v30;
	v2 =	vld [tilespmem:s17+$0x5880];
	_ =	sdelay $0x4  }
0x34a: {  	[tilespmem:v3+s21+$0x0] =	vst.idx.msk $0xffff, v2  }
0x34b: {  	v3 =	vor.u32 s24, v31;
	v2 =	vld [tilespmem:s17+$0x5900];
	_ =	sdelay $0x4  }
0x34c: {  	[tilespmem:v3+s21+$0x0] =	vst.idx.msk $0xffff, v2  }
0x34d: {  	v3 =	vor.u32 s24, v32;
	v2 =	vld [tilespmem:s17+$0x5980];
	_ =	sdelay $0x4  }
0x34e: {  	[tilespmem:v3+s21+$0x0] =	vst.idx.msk $0xffff, v2  }
0x34f: {  	v3 =	vor.u32 s24, v33;
	v2 =	vld [tilespmem:s17+$0x5A00];
	_ =	sdelay $0x4  }
0x350: {  	[tilespmem:v3+s21+$0x0] =	vst.idx.msk $0xffff, v2  }
0x351: {  	v3 =	vor.u32 s24, v34;
	v2 =	vld [tilespmem:s17+$0x5A80];
	_ =	sdelay $0x4  }
0x352: {  	[tilespmem:v3+s21+$0x0] =	vst.idx.msk $0xffff, v2  }
0x353: {  	v3 =	vor.u32 s24, v35;
	v2 =	vld [tilespmem:s17+$0x5B00];
	_ =	sdelay $0x4  }
0x354: {  	[tilespmem:v3+s21+$0x0] =	vst.idx.msk $0xffff, v2  }
0x355: {  	v3 =	vor.u32 s24, v36;
	v2 =	vld [tilespmem:s17+$0x5B80];
	_ =	sdelay $0x4  }
0x356: {  	[tilespmem:v3+s21+$0x0] =	vst.idx.msk $0xffff, v2  }
0x357: {  	v3 =	vor.u32 s24, v37;
	v2 =	vld [tilespmem:s17+$0x6000];
	_ =	sdelay $0x4  }
0x358: {  	[tilespmem:v3+s21+$0x0] =	vst.idx.msk $0xffff, v2  }
0x359: {  	v3 =	vor.u32 s24, v38;
	v2 =	vld [tilespmem:s17+$0x6080];
	_ =	sdelay $0x4  }
0x35a: {  	[tilespmem:v3+s21+$0x0] =	vst.idx.msk $0xffff, v2  }
0x35b: {  	v3 =	vor.u32 s24, v39;
	v2 =	vld [tilespmem:s17+$0x6100];
	_ =	sdelay $0x4  }
0x35c: {  	[tilespmem:v3+s21+$0x0] =	vst.idx.msk $0xffff, v2  }
0x35d: {  	v3 =	vor.u32 s24, v40;
	v2 =	vld [tilespmem:s17+$0x6180];
	_ =	sdelay $0x4  }
0x35e: {  	[tilespmem:v3+s21+$0x0] =	vst.idx.msk $0xffff, v2  }
0x35f: {  	v3 =	vor.u32 s24, v41;
	v2 =	vld [tilespmem:s17+$0x6200];
	_ =	sdelay $0x4  }
0x360: {  	[tilespmem:v3+s21+$0x0] =	vst.idx.msk $0xffff, v2  }
0x361: {  	v3 =	vor.u32 s24, v42;
	v2 =	vld [tilespmem:s17+$0x6280];
	_ =	sdelay $0x4  }
0x362: {  	[tilespmem:v3+s21+$0x0] =	vst.idx.msk $0xffff, v2  }
0x363: {  	v3 =	vor.u32 s24, v43;
	v2 =	vld [tilespmem:s17+$0x6300];
	_ =	sdelay $0x4  }
0x364: {  	[tilespmem:v3+s21+$0x0] =	vst.idx.msk $0xffff, v2  }
0x365: {  	v3 =	vor.u32 s24, v44;
	v2 =	vld [tilespmem:s17+$0x6380];
	_ =	sdelay $0x4  }
0x366: {  	[tilespmem:v3+s21+$0x0] =	vst.idx.msk $0xffff, v2  }
0x367: {  	v3 =	vor.u32 s24, v45;
	v2 =	vld [tilespmem:s17+$0x6800];
	_ =	sdelay $0x4  }
0x368: {  	[tilespmem:v3+s21+$0x0] =	vst.idx.msk $0xffff, v2  }
0x369: {  	v3 =	vor.u32 s24, v46;
	v2 =	vld [tilespmem:s17+$0x6880];
	_ =	sdelay $0x4  }
0x36a: {  	[tilespmem:v3+s21+$0x0] =	vst.idx.msk $0xffff, v2  }
0x36b: {  	v3 =	vor.u32 s24, v47;
	v2 =	vld [tilespmem:s17+$0x6900];
	_ =	sdelay $0x4  }
0x36c: {  	[tilespmem:v3+s21+$0x0] =	vst.idx.msk $0xffff, v2  }
0x36d: {  	v3 =	vor.u32 s24, v48;
	v2 =	vld [tilespmem:s17+$0x6980];
	_ =	sdelay $0x4  }
0x36e: {  	[tilespmem:v3+s21+$0x0] =	vst.idx.msk $0xffff, v2  }
0x36f: {  	v3 =	vor.u32 s24, v49;
	v2 =	vld [tilespmem:s17+$0x6A00];
	_ =	sdelay $0x4  }
0x370: {  	[tilespmem:v3+s21+$0x0] =	vst.idx.msk $0xffff, v2  }
0x371: {  	v3 =	vor.u32 s24, v50;
	v2 =	vld [tilespmem:s17+$0x6A80];
	_ =	sdelay $0x4  }
0x372: {  	[tilespmem:v3+s21+$0x0] =	vst.idx.msk $0xffff, v2  }
0x373: {  	v3 =	vor.u32 s24, v51;
	v2 =	vld [tilespmem:s17+$0x6B00];
	_ =	sdelay $0x4  }
0x374: {  	[tilespmem:v3+s21+$0x0] =	vst.idx.msk $0xffff, v2  }
0x375: {  	v3 =	vor.u32 s24, v52;
	v2 =	vld [tilespmem:s17+$0x6B80];
	_ =	sdelay $0x4  }
0x376: {  	[tilespmem:v3+s21+$0x0] =	vst.idx.msk $0xffff, v2  }
0x377: {  	v3 =	vor.u32 s24, v53;
	v2 =	vld [tilespmem:s17+$0x7000];
	_ =	sdelay $0x4  }
0x378: {  	[tilespmem:v3+s21+$0x0] =	vst.idx.msk $0xffff, v2  }
0x379: {  	v3 =	vor.u32 s24, v54;
	v2 =	vld [tilespmem:s17+$0x7080];
	_ =	sdelay $0x4  }
0x37a: {  	[tilespmem:v3+s21+$0x0] =	vst.idx.msk $0xffff, v2  }
0x37b: {  	v3 =	vor.u32 s24, v55;
	v2 =	vld [tilespmem:s17+$0x7100];
	_ =	sdelay $0x4  }
0x37c: {  	[tilespmem:v3+s21+$0x0] =	vst.idx.msk $0xffff, v2  }
0x37d: {  	v3 =	vor.u32 s24, v0;
	v2 =	vld [tilespmem:s17+$0x7180];
	_ =	sdelay $0x4  }
0x37e: {  	[tilespmem:v3+s21+$0x0] =	vst.idx.msk $0xffff, v2  }
0x37f: {  	v3 =	vor.u32 s24, v61;
	v2 =	vld [tilespmem:s17+$0x7200];
	_ =	sdelay $0x4  }
0x380: {  	[tilespmem:v3+s21+$0x0] =	vst.idx.msk $0xffff, v2  }
0x381: {  	v3 =	vor.u32 s24, v60;
	v2 =	vld [tilespmem:s17+$0x7280];
	_ =	sdelay $0x4  }
0x382: {  	[tilespmem:v3+s21+$0x0] =	vst.idx.msk $0xffff, v2  }
0x383: {  	v3 =	vor.u32 s24, v58;
	v2 =	vld [tilespmem:s17+$0x7300];
	_ =	sdelay $0x4  }
0x384: {  	[tilespmem:v3+s21+$0x0] =	vst.idx.msk $0xffff, v2  }
0x385: {  	v3 =	vor.u32 s24, v62;
	v2 =	vld [tilespmem:s17+$0x7380];
	_ =	sdelay $0x4  }
0x386: {  	[tilespmem:v3+s21+$0x0] =	vst.idx.msk $0xffff, v2  }
0x387: {  	v3 =	vor.u32 s24, v1;
	v2 =	vld [tilespmem:s17+$0x7800];
	_ =	sdelay $0x4  }
0x388: {  	[tilespmem:v3+s21+$0x0] =	vst.idx.msk $0xffff, v2  }
0x389: {  	v3 =	vor.u32 s24, v8;
	v2 =	vld [tilespmem:s17+$0x7880];
	_ =	sdelay $0x4  }
0x38a: {  	[tilespmem:v3+s21+$0x0] =	vst.idx.msk $0xffff, v2  }
0x38b: {  	v3 =	vor.u32 s24, v6;
	v2 =	vld [tilespmem:s17+$0x7900]  }
0x38c: {  	v0 =	vld [tilespmem:$0x1FFA0];
	_ =	sdelay $0x3  }
0x38d: {  	[tilespmem:v3+s21+$0x0] =	vst.idx.msk $0xffff, v2  }
0x38e: {  	v3 =	vor.u32 s24, v0;
	v2 =	vld [tilespmem:s17+$0x7980]  }
0x38f: {  	v1 =	vld [tilespmem:$0x1FF80];
	_ =	sdelay $0x3  }
0x390: {  	[tilespmem:v3+s21+$0x0] =	vst.idx.msk $0xffff, v2  }
0x391: {  	v3 =	vor.u32 s24, v1;
	v2 =	vld [tilespmem:s17+$0x7A00]  }
0x392: {  	v9 =	vld [tilespmem:$0x1FF90];
	_ =	sdelay $0x3  }
0x393: {  	[tilespmem:v3+s21+$0x0] =	vst.idx.msk $0xffff, v2  }
0x394: {  	v3 =	vor.u32 s24, v9;
	v2 =	vld [tilespmem:s17+$0x7A80];
	_ =	sdelay $0x4  }
0x395: {  	[tilespmem:v3+s21+$0x0] =	vst.idx.msk $0xffff, v2;
	v3 =	vld [tilespmem:$0x1FE00];
	_ =	sdelay $0x4  }
0x396: {  	v2 =	vld [tilespmem:s17+$0x7B00];
	v3 =	vor.u32 s24, v3;
	_ =	sdelay $0x4  }
0x397: {  	[tilespmem:v3+s21+$0x0] =	vst.idx.msk $0xffff, v2  }
0x398: {  	v3 =	vor.u32 s24, v7;
	v2 =	vld [tilespmem:s17+$0x7B80];
	_ =	sdelay $0x4  }
0x399: {  	[tilespmem:v3+s21+$0x0] =	vst.idx.msk $0xffff, v2;
	v2 =	vmov v14;
	_ =	sdelay $0x2  }
.Ltmp8:
0x39a: {  	v62 =	vmov v17;
	v17 =	vmov v2;
	v2 =	vmov v20;
	(pc) =	sbr.rel .LBB2_10-.Ltmp8, $4  }
0x39b: {  	v59 =	vmov v57;
	v8 =	vmov v63;
	v63 =	vmov v23  }
0x39c: {  	v4 =	vmovc v5;
	s1 =	sshll.u32 s1, $0x10;
	v57 =	vmov v10;
	v32 =	vmov v29;
	v37 =	vmov v59  }
0x39d: {  	s1 =	sadd.s32 s1, s6;
	v61 =	vld [tilespmem:$0x1FFC0];
	v6 =	vmovc v60;
	v1 =	vmovc v0;
	v14 =	vmov v11;
	v23 =	vmov v2;
	v2 =	vmov v26  }
0x39e: {  	v7 =	vld [tilespmem:$0x1FFB0];
	[hbm4b:s1+s2] =	stream.linear.scatter [tilespmem:s21], [sflag:$0x4], $0x4000, $0x38;
	v20 =	vmovc v62;
	v26 =	vmovc v63;
	v63 =	vmov v9;
	v9 =	vmov v58;
	v29 =	vmov v2  }
.LBB2_11:
0x39f: {  	_ =	swait.ge [sflag:s22], $0x4000  }
.Ltmp9:
0x3a0: {  	[sflag:s22] =	ssyncset.done $0x0;
	(pc) =	sbr.rel @p0 .LBB2_15-.Ltmp9, $4  }
0x3a1: {  	[sflag:s22] =	ssyncadd.s32 $0xFFFFC000  }
0x3a2: {  	_ =	swait.ge [sflag:s23], $0x4000  }
0x3a3: {  	[sflag:s23] =	ssyncset.done $0x0  }
0x3a4: {  	[sflag:s23] =	ssyncadd.s32 $0xFFFFC000  }
0x3a5: {  	s0 =	simm.s32 $0x0;
	s1 =	rddreg [dreg:$0x3]  }
0x3a6: {  	[tilespmem:s0], [sflag:$0x5] =	stream.linear.gather [hbm4b:s1+s0], $0x400, $0x38;
	[tilespmem:$0x10000] =	vst v63  }
0x3a7: {  	_ = 	snop  }
0x3a8: {  	[tilespmem:s16], [sflag:$0x5] =	stream.linear.gather [hbm4b:s9+s0], $0x400, $0x38;
	[tilespmem:$0x10000] =	vst v63  }
0x3a9: {  	s25 =	simm.s32 $0x1000  }
0x3aa: {  	[tilespmem:s25], [sflag:$0x5] =	stream.linear.gather [hbm4b:s10+s0], $0x400, $0x38;
	[tilespmem:$0x10000] =	vst v63  }
0x3ab: {  	s26 =	simm.s32 $0x1800  }
0x3ac: {  	[tilespmem:s26], [sflag:$0x5] =	stream.linear.gather [hbm4b:s11+s0], $0x400, $0x38;
	[tilespmem:$0x10000] =	vst v63  }
0x3ad: {  	s1 =	simm.s32 $0x2000  }
0x3ae: {  	[tilespmem:s1], [sflag:$0x5] =	stream.linear.gather [hbm4b:s12+s0], $0x400, $0x38;
	[tilespmem:$0x10000] =	vst v63  }
0x3af: {  	s3 =	simm.s32 $0x2800  }
0x3b0: {  	[tilespmem:s3], [sflag:$0x5] =	stream.linear.gather [hbm4b:s13+s0], $0x400, $0x38;
	[tilespmem:$0x10000] =	vst v63  }
0x3b1: {  	s28 =	simm.s32 $0x3000  }
0x3b2: {  	[tilespmem:s28], [sflag:$0x5] =	stream.linear.gather [hbm4b:s14+s0], $0x400, $0x38;
	[tilespmem:$0x10000] =	vst v63  }
0x3b3: {  	s29 =	simm.s32 $0x3800  }
0x3b4: {  	[tilespmem:s29], [sflag:$0x5] =	stream.linear.gather [hbm4b:s15+s0], $0x400, $0x38;
	[tilespmem:$0x10000] =	vst v63  }
0x3b5: {  	_ =	swait.ge [sflag:s30], $0x2000  }
0x3b6: {  	v11 =	vld [tilespmem:$0x1FE20]  }
0x3b7: {  	v35 =	vld [tilespmem:$0x1FE30]  }
0x3b8: {  	v38 =	vld [tilespmem:$0x1FE40]  }
0x3b9: {  	v40 =	vld [tilespmem:$0x1FE50]  }
0x3ba: {  	v41 =	vld [tilespmem:$0x1FE60]  }
0x3bb: {  	v43 =	vld [tilespmem:$0x1FE70]  }
0x3bc: {  	v44 =	vld [tilespmem:$0x1FE80]  }
0x3bd: {  	v46 =	vld [tilespmem:$0x1FE90]  }
0x3be: {  	v47 =	vld [tilespmem:$0x1FEA0]  }
0x3bf: {  	v49 =	vld [tilespmem:$0x1FEB0]  }
0x3c0: {  	v58 =	vmovc v54;
	v54 =	vmovc v51;
	v51 =	vmov v48;
	v48 =	vmov v45;
	v45 =	vmov v42;
	v50 =	vld [tilespmem:$0x1FEC0]  }
0x3c1: {  	v42 =	vmovc v39;
	v39 =	vmovc v36;
	v36 =	vmov v33;
	v33 =	vmov v30;
	v30 =	vmov v27;
	v52 =	vld [tilespmem:$0x1FED0]  }
0x3c2: {  	v27 =	vmovc v24;
	v24 =	vmovc v21;
	v21 =	vmov v18;
	v18 =	vmov v15;
	v15 =	vmov v12;
	v53 =	vld [tilespmem:$0x1FEE0]  }
0x3c3: {  	v12 =	vmovc v37;
	v37 =	vmovc v34;
	v34 =	vmov v31;
	v31 =	vmov v28;
	v28 =	vmov v25;
	v55 =	vld [tilespmem:$0x1FEF0]  }
0x3c4: {  	v25 =	vmovc v22;
	v22 =	vmovc v19;
	v19 =	vmov v16;
	v16 =	vmov v13;
	v13 =	vmov v57;
	v57 =	vld [tilespmem:$0x1FF00]  }
0x3c5: {  	v60 =	vld [tilespmem:$0x1FF10]  }
0x3c6: {  	v10 =	vmov v61;
	v61 =	vld [tilespmem:$0x1FF20]  }
0x3c7: {  	v59 =	vld [tilespmem:$0x1FF30]  }
0x3c8: {  	v56 =	vmov v7;
	v2 =	vor.u32 s0, v7;
	v7 =	vld [tilespmem:$0x1FF40]  }
0x3c9: {  	v62 =	vmov v6;
	[sflag:s30] =	ssyncset.done $0x0;
	v6 =	vld [tilespmem:$0x1FF50]  }
0x3ca: {  	s24 =	simm.s32 $0x400;
	v0 =	vmov v8;
	v8 =	vld [tilespmem:$0x1FF60];
	[sflag:s30] =	ssyncadd.s32 $0xFFFFE000  }
.LBB2_13:
0x3cb: {  	v1 =	vld [tilespmem:s1+$0xFFFFE000];
	v2 =	vand.u32 v4, v2;
	_ =	sdelay $0x4  }
0x3cc: {  	[tilespmem:v2+s19+$0x0] =	vst.idx.msk $0xffff, v1  }
0x3cd: {  	v2 =	vor.u32 s0, v10;
	v1 =	vld [tilespmem:s1+$0xFFFFE080];
	_ =	sdelay $0x4  }
0x3ce: {  	[tilespmem:v2+s19+$0x0] =	vst.idx.msk $0xffff, v1  }
0x3cf: {  	v2 =	vor.u32 s0, v11;
	v1 =	vld [tilespmem:s1+$0xFFFFE100];
	_ =	sdelay $0x4  }
0x3d0: {  	[tilespmem:v2+s19+$0x0] =	vst.idx.msk $0xffff, v1  }
0x3d1: {  	v2 =	vor.u32 s0, v0;
	v1 =	vld [tilespmem:s1+$0xFFFFE180];
	_ =	sdelay $0x4  }
0x3d2: {  	[tilespmem:v2+s19+$0x0] =	vst.idx.msk $0xffff, v1  }
0x3d3: {  	v2 =	vor.u32 s0, v12;
	v1 =	vld [tilespmem:s1+$0xFFFFE200];
	_ =	sdelay $0x4  }
0x3d4: {  	[tilespmem:v2+s19+$0x0] =	vst.idx.msk $0xffff, v1  }
0x3d5: {  	v2 =	vor.u32 s0, v13;
	v1 =	vld [tilespmem:s1+$0xFFFFE280];
	_ =	sdelay $0x4  }
0x3d6: {  	[tilespmem:v2+s19+$0x0] =	vst.idx.msk $0xffff, v1  }
0x3d7: {  	v2 =	vor.u32 s0, v14;
	v1 =	vld [tilespmem:s1+$0xFFFFE300];
	_ =	sdelay $0x4  }
0x3d8: {  	[tilespmem:v2+s19+$0x0] =	vst.idx.msk $0xffff, v1  }
0x3d9: {  	v2 =	vor.u32 s0, v15;
	v1 =	vld [tilespmem:s1+$0xFFFFE380];
	_ =	sdelay $0x4  }
0x3da: {  	[tilespmem:v2+s19+$0x0] =	vst.idx.msk $0xffff, v1  }
0x3db: {  	v2 =	vor.u32 s0, v16;
	v1 =	vld [tilespmem:s1+$0xFFFFE800];
	_ =	sdelay $0x4  }
0x3dc: {  	[tilespmem:v2+s19+$0x0] =	vst.idx.msk $0xffff, v1  }
0x3dd: {  	v2 =	vor.u32 s0, v17;
	v1 =	vld [tilespmem:s1+$0xFFFFE880];
	_ =	sdelay $0x4  }
0x3de: {  	[tilespmem:v2+s19+$0x0] =	vst.idx.msk $0xffff, v1  }
0x3df: {  	v2 =	vor.u32 s0, v18;
	v1 =	vld [tilespmem:s1+$0xFFFFE900];
	_ =	sdelay $0x4  }
0x3e0: {  	[tilespmem:v2+s19+$0x0] =	vst.idx.msk $0xffff, v1  }
0x3e1: {  	v2 =	vor.u32 s0, v19;
	v1 =	vld [tilespmem:s1+$0xFFFFE980];
	_ =	sdelay $0x4  }
0x3e2: {  	[tilespmem:v2+s19+$0x0] =	vst.idx.msk $0xffff, v1  }
0x3e3: {  	v2 =	vor.u32 s0, v20;
	v1 =	vld [tilespmem:s1+$0xFFFFEA00];
	_ =	sdelay $0x4  }
0x3e4: {  	[tilespmem:v2+s19+$0x0] =	vst.idx.msk $0xffff, v1  }
0x3e5: {  	v2 =	vor.u32 s0, v21;
	v1 =	vld [tilespmem:s1+$0xFFFFEA80];
	_ =	sdelay $0x4  }
0x3e6: {  	[tilespmem:v2+s19+$0x0] =	vst.idx.msk $0xffff, v1  }
0x3e7: {  	v2 =	vor.u32 s0, v22;
	v1 =	vld [tilespmem:s1+$0xFFFFEB00];
	_ =	sdelay $0x4  }
0x3e8: {  	[tilespmem:v2+s19+$0x0] =	vst.idx.msk $0xffff, v1  }
0x3e9: {  	v2 =	vor.u32 s0, v23;
	v1 =	vld [tilespmem:s1+$0xFFFFEB80];
	_ =	sdelay $0x4  }
0x3ea: {  	[tilespmem:v2+s19+$0x0] =	vst.idx.msk $0xffff, v1  }
0x3eb: {  	v2 =	vor.u32 s0, v24;
	v1 =	vld [tilespmem:s1+$0xFFFFF000];
	_ =	sdelay $0x4  }
0x3ec: {  	[tilespmem:v2+s19+$0x0] =	vst.idx.msk $0xffff, v1  }
0x3ed: {  	v2 =	vor.u32 s0, v25;
	v1 =	vld [tilespmem:s1+$0xFFFFF080];
	_ =	sdelay $0x4  }
0x3ee: {  	[tilespmem:v2+s19+$0x0] =	vst.idx.msk $0xffff, v1  }
0x3ef: {  	v2 =	vor.u32 s0, v26;
	v1 =	vld [tilespmem:s1+$0xFFFFF100];
	_ =	sdelay $0x4  }
0x3f0: {  	[tilespmem:v2+s19+$0x0] =	vst.idx.msk $0xffff, v1  }
0x3f1: {  	v2 =	vor.u32 s0, v27;
	v1 =	vld [tilespmem:s1+$0xFFFFF180];
	_ =	sdelay $0x4  }
0x3f2: {  	[tilespmem:v2+s19+$0x0] =	vst.idx.msk $0xffff, v1  }
0x3f3: {  	v2 =	vor.u32 s0, v28;
	v1 =	vld [tilespmem:s1+$0xFFFFF200];
	_ =	sdelay $0x4  }
0x3f4: {  	[tilespmem:v2+s19+$0x0] =	vst.idx.msk $0xffff, v1  }
0x3f5: {  	v2 =	vor.u32 s0, v29;
	v1 =	vld [tilespmem:s1+$0xFFFFF280];
	_ =	sdelay $0x4  }
0x3f6: {  	[tilespmem:v2+s19+$0x0] =	vst.idx.msk $0xffff, v1  }
0x3f7: {  	v2 =	vor.u32 s0, v30;
	v1 =	vld [tilespmem:s1+$0xFFFFF300];
	_ =	sdelay $0x4  }
0x3f8: {  	[tilespmem:v2+s19+$0x0] =	vst.idx.msk $0xffff, v1  }
0x3f9: {  	v2 =	vor.u32 s0, v31;
	v1 =	vld [tilespmem:s1+$0xFFFFF380];
	_ =	sdelay $0x4  }
0x3fa: {  	[tilespmem:v2+s19+$0x0] =	vst.idx.msk $0xffff, v1  }
0x3fb: {  	v2 =	vor.u32 s0, v32;
	v1 =	vld [tilespmem:s1+$0xFFFFF800];
	_ =	sdelay $0x4  }
0x3fc: {  	[tilespmem:v2+s19+$0x0] =	vst.idx.msk $0xffff, v1  }
0x3fd: {  	v2 =	vor.u32 s0, v33;
	v1 =	vld [tilespmem:s1+$0xFFFFF880];
	_ =	sdelay $0x4  }
0x3fe: {  	[tilespmem:v2+s19+$0x0] =	vst.idx.msk $0xffff, v1  }
0x3ff: {  	v2 =	vor.u32 s0, v34;
	v1 =	vld [tilespmem:s1+$0xFFFFF900];
	_ =	sdelay $0x4  }
0x400: {  	[tilespmem:v2+s19+$0x0] =	vst.idx.msk $0xffff, v1  }
0x401: {  	v2 =	vor.u32 s0, v35;
	v1 =	vld [tilespmem:s1+$0xFFFFF980];
	_ =	sdelay $0x4  }
0x402: {  	[tilespmem:v2+s19+$0x0] =	vst.idx.msk $0xffff, v1  }
0x403: {  	v2 =	vor.u32 s0, v36;
	v1 =	vld [tilespmem:s1+$0xFFFFFA00];
	_ =	sdelay $0x4  }
0x404: {  	[tilespmem:v2+s19+$0x0] =	vst.idx.msk $0xffff, v1  }
0x405: {  	v2 =	vor.u32 s0, v37;
	v1 =	vld [tilespmem:s1+$0xFFFFFA80];
	_ =	sdelay $0x4  }
0x406: {  	[tilespmem:v2+s19+$0x0] =	vst.idx.msk $0xffff, v1  }
0x407: {  	v2 =	vor.u32 s0, v38;
	v1 =	vld [tilespmem:s1+$0xFFFFFB00];
	_ =	sdelay $0x4  }
0x408: {  	[tilespmem:v2+s19+$0x0] =	vst.idx.msk $0xffff, v1  }
0x409: {  	v2 =	vor.u32 s0, v39;
	v1 =	vld [tilespmem:s1+$0xFFFFFB80];
	_ =	sdelay $0x4  }
0x40a: {  	[tilespmem:v2+s19+$0x0] =	vst.idx.msk $0xffff, v1  }
0x40b: {  	v2 =	vor.u32 s0, v40;
	v1 =	vld [tilespmem:s1+$0x0];
	_ =	sdelay $0x4  }
0x40c: {  	[tilespmem:v2+s19+$0x0] =	vst.idx.msk $0xffff, v1  }
0x40d: {  	v2 =	vor.u32 s0, v41;
	v1 =	vld [tilespmem:s1+$0x80];
	_ =	sdelay $0x4  }
0x40e: {  	[tilespmem:v2+s19+$0x0] =	vst.idx.msk $0xffff, v1  }
0x40f: {  	v2 =	vor.u32 s0, v42;
	v1 =	vld [tilespmem:s1+$0x100];
	_ =	sdelay $0x4  }
0x410: {  	[tilespmem:v2+s19+$0x0] =	vst.idx.msk $0xffff, v1  }
0x411: {  	v2 =	vor.u32 s0, v43;
	v1 =	vld [tilespmem:s1+$0x180];
	_ =	sdelay $0x4  }
0x412: {  	[tilespmem:v2+s19+$0x0] =	vst.idx.msk $0xffff, v1  }
0x413: {  	v2 =	vor.u32 s0, v44;
	v1 =	vld [tilespmem:s1+$0x200];
	_ =	sdelay $0x4  }
0x414: {  	[tilespmem:v2+s19+$0x0] =	vst.idx.msk $0xffff, v1  }
0x415: {  	v2 =	vor.u32 s0, v45;
	v1 =	vld [tilespmem:s1+$0x280];
	_ =	sdelay $0x4  }
0x416: {  	[tilespmem:v2+s19+$0x0] =	vst.idx.msk $0xffff, v1  }
0x417: {  	v2 =	vor.u32 s0, v46;
	v1 =	vld [tilespmem:s1+$0x300];
	_ =	sdelay $0x4  }
0x418: {  	[tilespmem:v2+s19+$0x0] =	vst.idx.msk $0xffff, v1  }
0x419: {  	v2 =	vor.u32 s0, v47;
	v1 =	vld [tilespmem:s1+$0x380];
	_ =	sdelay $0x4  }
0x41a: {  	[tilespmem:v2+s19+$0x0] =	vst.idx.msk $0xffff, v1  }
0x41b: {  	v2 =	vor.u32 s0, v48;
	v1 =	vld [tilespmem:s1+$0x800];
	_ =	sdelay $0x4  }
0x41c: {  	[tilespmem:v2+s19+$0x0] =	vst.idx.msk $0xffff, v1  }
0x41d: {  	v2 =	vor.u32 s0, v49;
	v1 =	vld [tilespmem:s1+$0x880];
	_ =	sdelay $0x4  }
0x41e: {  	[tilespmem:v2+s19+$0x0] =	vst.idx.msk $0xffff, v1  }
0x41f: {  	v2 =	vor.u32 s0, v50;
	v1 =	vld [tilespmem:s1+$0x900];
	_ =	sdelay $0x4  }
0x420: {  	[tilespmem:v2+s19+$0x0] =	vst.idx.msk $0xffff, v1  }
0x421: {  	v2 =	vor.u32 s0, v51;
	v1 =	vld [tilespmem:s1+$0x980];
	_ =	sdelay $0x4  }
0x422: {  	[tilespmem:v2+s19+$0x0] =	vst.idx.msk $0xffff, v1  }
0x423: {  	v2 =	vor.u32 s0, v52;
	v1 =	vld [tilespmem:s1+$0xA00];
	_ =	sdelay $0x4  }
0x424: {  	[tilespmem:v2+s19+$0x0] =	vst.idx.msk $0xffff, v1  }
0x425: {  	v2 =	vor.u32 s0, v53;
	v1 =	vld [tilespmem:s1+$0xA80];
	_ =	sdelay $0x4  }
0x426: {  	[tilespmem:v2+s19+$0x0] =	vst.idx.msk $0xffff, v1  }
0x427: {  	v2 =	vor.u32 s0, v54;
	v1 =	vld [tilespmem:s1+$0xB00];
	_ =	sdelay $0x4  }
0x428: {  	[tilespmem:v2+s19+$0x0] =	vst.idx.msk $0xffff, v1  }
0x429: {  	v2 =	vor.u32 s0, v55;
	v1 =	vld [tilespmem:s1+$0xB80];
	_ =	sdelay $0x4  }
0x42a: {  	[tilespmem:v2+s19+$0x0] =	vst.idx.msk $0xffff, v1  }
0x42b: {  	v2 =	vor.u32 s0, v57;
	v1 =	vld [tilespmem:s1+$0x1000];
	_ =	sdelay $0x4  }
0x42c: {  	[tilespmem:v2+s19+$0x0] =	vst.idx.msk $0xffff, v1  }
0x42d: {  	v2 =	vor.u32 s0, v58;
	v1 =	vld [tilespmem:s1+$0x1080];
	_ =	sdelay $0x4  }
0x42e: {  	[tilespmem:v2+s19+$0x0] =	vst.idx.msk $0xffff, v1  }
0x42f: {  	v2 =	vor.u32 s0, v60;
	v1 =	vld [tilespmem:s1+$0x1100];
	_ =	sdelay $0x4  }
0x430: {  	[tilespmem:v2+s19+$0x0] =	vst.idx.msk $0xffff, v1  }
0x431: {  	v2 =	vor.u32 s0, v61;
	v1 =	vld [tilespmem:s1+$0x1180];
	_ =	sdelay $0x4  }
0x432: {  	[tilespmem:v2+s19+$0x0] =	vst.idx.msk $0xffff, v1  }
0x433: {  	v2 =	vor.u32 s0, v59;
	v1 =	vld [tilespmem:s1+$0x1200];
	_ =	sdelay $0x4  }
0x434: {  	[tilespmem:v2+s19+$0x0] =	vst.idx.msk $0xffff, v1  }
0x435: {  	v2 =	vor.u32 s0, v62;
	v1 =	vld [tilespmem:s1+$0x1280];
	_ =	sdelay $0x4  }
0x436: {  	[tilespmem:v2+s19+$0x0] =	vst.idx.msk $0xffff, v1  }
0x437: {  	v2 =	vor.u32 s0, v9;
	v1 =	vld [tilespmem:s1+$0x1300];
	_ =	sdelay $0x4  }
0x438: {  	[tilespmem:v2+s19+$0x0] =	vst.idx.msk $0xffff, v1  }
0x439: {  	v2 =	vor.u32 s0, v7;
	v1 =	vld [tilespmem:s1+$0x1380];
	_ =	sdelay $0x4  }
0x43a: {  	[tilespmem:v2+s19+$0x0] =	vst.idx.msk $0xffff, v1  }
0x43b: {  	v2 =	vor.u32 s0, v6;
	v1 =	vld [tilespmem:s1+$0x1800];
	_ =	sdelay $0x4  }
0x43c: {  	[tilespmem:v2+s19+$0x0] =	vst.idx.msk $0xffff, v1  }
0x43d: {  	v2 =	vor.u32 s0, v8;
	v1 =	vld [tilespmem:s1+$0x1880];
	_ =	sdelay $0x4  }
0x43e: {  	[tilespmem:v2+s19+$0x0] =	vst.idx.msk $0xffff, v1;
	v2 =	vld [tilespmem:$0x1FF70];
	_ =	sdelay $0x4  }
0x43f: {  	v1 =	vld [tilespmem:s1+$0x1900];
	v2 =	vor.u32 s0, v2;
	_ =	sdelay $0x4  }
0x440: {  	[tilespmem:v2+s19+$0x0] =	vst.idx.msk $0xffff, v1;
	v2 =	vld [tilespmem:$0x1FFA0];
	_ =	sdelay $0x4  }
0x441: {  	v1 =	vld [tilespmem:s1+$0x1980];
	v2 =	vor.u32 s0, v2;
	_ =	sdelay $0x4  }
0x442: {  	[tilespmem:v2+s19+$0x0] =	vst.idx.msk $0xffff, v1;
	v2 =	vld [tilespmem:$0x1FF80];
	_ =	sdelay $0x4  }
0x443: {  	v1 =	vld [tilespmem:s1+$0x1A00];
	v2 =	vor.u32 s0, v2;
	_ =	sdelay $0x4  }
0x444: {  	[tilespmem:v2+s19+$0x0] =	vst.idx.msk $0xffff, v1;
	v2 =	vld [tilespmem:$0x1FF90];
	_ =	sdelay $0x4  }
0x445: {  	v1 =	vld [tilespmem:s1+$0x1A80];
	v2 =	vor.u32 s0, v2;
	_ =	sdelay $0x4  }
0x446: {  	[tilespmem:v2+s19+$0x0] =	vst.idx.msk $0xffff, v1;
	v1 =	vor.u32 $0x3E, v56  }
0x447: {  	v2 =	vld [tilespmem:s1+$0x1B00];
	v3 =	vor.u32 s0, v1;
	_ =	sdelay $0x4  }
0x448: {  	v63 =	vor.u32 $0x3F, v56;
	[tilespmem:v3+s19+$0x0] =	vst.idx.msk $0xffff, v2  }
0x449: {  	p1 =	sne.s32 s24, $0x1C00;
	v4 =	vor.u32 s0, v63;
	v3 =	vld [tilespmem:s1+$0x1B80]  }
.Ltmp10:
0x44a: {  	_ = 	snop;
	(pc) =	sbr.rel @p1 .LBB2_13-.Ltmp10, $3  }
0x44b: {  	_ =	sdelay $0x1  }
0x44c: {  	s0 =	smov.u32 s24  }
0x44d: {  	s24 =	sadd.s32 $0x400, s24;
	v2 =	vor.u32 s0, v56;
	s1 =	sadd.s32 $0x10, s1;
	[tilespmem:v4+s19+$0x0] =	vst.idx.msk $0xffff, v3;
	v4 =	vmov v5  }
0x44e: {  	v3 =	vld [tilespmem:s1+$0xFFFFE000];
	v2 =	vand.u32 v4, v2;
	_ =	sdelay $0x4  }
0x44f: {  	[tilespmem:v2+s19+$0x0] =	vst.idx.msk $0xffff, v3  }
0x450: {  	v3 =	vor.u32 s0, v10;
	v2 =	vld [tilespmem:s1+$0xFFFFE080];
	_ =	sdelay $0x4  }
0x451: {  	[tilespmem:v3+s19+$0x0] =	vst.idx.msk $0xffff, v2  }
0x452: {  	v3 =	vor.u32 s0, v11;
	v2 =	vld [tilespmem:s1+$0xFFFFE100];
	_ =	sdelay $0x4  }
0x453: {  	[tilespmem:v3+s19+$0x0] =	vst.idx.msk $0xffff, v2  }
0x454: {  	v3 =	vor.u32 s0, v0;
	v2 =	vld [tilespmem:s1+$0xFFFFE180];
	_ =	sdelay $0x4  }
0x455: {  	[tilespmem:v3+s19+$0x0] =	vst.idx.msk $0xffff, v2  }
0x456: {  	v3 =	vor.u32 s0, v12;
	v2 =	vld [tilespmem:s1+$0xFFFFE200];
	_ =	sdelay $0x4  }
0x457: {  	[tilespmem:v3+s19+$0x0] =	vst.idx.msk $0xffff, v2  }
0x458: {  	v3 =	vor.u32 s0, v13;
	v2 =	vld [tilespmem:s1+$0xFFFFE280];
	_ =	sdelay $0x4  }
0x459: {  	[tilespmem:v3+s19+$0x0] =	vst.idx.msk $0xffff, v2  }
0x45a: {  	v3 =	vor.u32 s0, v14;
	v2 =	vld [tilespmem:s1+$0xFFFFE300];
	_ =	sdelay $0x4  }
0x45b: {  	[tilespmem:v3+s19+$0x0] =	vst.idx.msk $0xffff, v2  }
0x45c: {  	v3 =	vor.u32 s0, v15;
	v2 =	vld [tilespmem:s1+$0xFFFFE380];
	_ =	sdelay $0x4  }
0x45d: {  	[tilespmem:v3+s19+$0x0] =	vst.idx.msk $0xffff, v2  }
0x45e: {  	v3 =	vor.u32 s0, v16;
	v2 =	vld [tilespmem:s1+$0xFFFFE800];
	_ =	sdelay $0x4  }
0x45f: {  	[tilespmem:v3+s19+$0x0] =	vst.idx.msk $0xffff, v2  }
0x460: {  	v3 =	vor.u32 s0, v17;
	v2 =	vld [tilespmem:s1+$0xFFFFE880];
	_ =	sdelay $0x4  }
0x461: {  	[tilespmem:v3+s19+$0x0] =	vst.idx.msk $0xffff, v2  }
0x462: {  	v3 =	vor.u32 s0, v18;
	v2 =	vld [tilespmem:s1+$0xFFFFE900];
	_ =	sdelay $0x4  }
0x463: {  	[tilespmem:v3+s19+$0x0] =	vst.idx.msk $0xffff, v2  }
0x464: {  	v3 =	vor.u32 s0, v19;
	v2 =	vld [tilespmem:s1+$0xFFFFE980];
	_ =	sdelay $0x4  }
0x465: {  	[tilespmem:v3+s19+$0x0] =	vst.idx.msk $0xffff, v2  }
0x466: {  	v3 =	vor.u32 s0, v20;
	v2 =	vld [tilespmem:s1+$0xFFFFEA00];
	_ =	sdelay $0x4  }
0x467: {  	[tilespmem:v3+s19+$0x0] =	vst.idx.msk $0xffff, v2  }
0x468: {  	v3 =	vor.u32 s0, v21;
	v2 =	vld [tilespmem:s1+$0xFFFFEA80];
	_ =	sdelay $0x4  }
0x469: {  	[tilespmem:v3+s19+$0x0] =	vst.idx.msk $0xffff, v2  }
0x46a: {  	v3 =	vor.u32 s0, v22;
	v2 =	vld [tilespmem:s1+$0xFFFFEB00];
	_ =	sdelay $0x4  }
0x46b: {  	[tilespmem:v3+s19+$0x0] =	vst.idx.msk $0xffff, v2  }
0x46c: {  	v3 =	vor.u32 s0, v23;
	v2 =	vld [tilespmem:s1+$0xFFFFEB80];
	_ =	sdelay $0x4  }
0x46d: {  	[tilespmem:v3+s19+$0x0] =	vst.idx.msk $0xffff, v2  }
0x46e: {  	v3 =	vor.u32 s0, v24;
	v2 =	vld [tilespmem:s1+$0xFFFFF000];
	_ =	sdelay $0x4  }
0x46f: {  	[tilespmem:v3+s19+$0x0] =	vst.idx.msk $0xffff, v2  }
0x470: {  	v3 =	vor.u32 s0, v25;
	v2 =	vld [tilespmem:s1+$0xFFFFF080];
	_ =	sdelay $0x4  }
0x471: {  	[tilespmem:v3+s19+$0x0] =	vst.idx.msk $0xffff, v2  }
0x472: {  	v3 =	vor.u32 s0, v26;
	v2 =	vld [tilespmem:s1+$0xFFFFF100];
	_ =	sdelay $0x4  }
0x473: {  	[tilespmem:v3+s19+$0x0] =	vst.idx.msk $0xffff, v2  }
0x474: {  	v3 =	vor.u32 s0, v27;
	v2 =	vld [tilespmem:s1+$0xFFFFF180];
	_ =	sdelay $0x4  }
0x475: {  	[tilespmem:v3+s19+$0x0] =	vst.idx.msk $0xffff, v2  }
0x476: {  	v3 =	vor.u32 s0, v28;
	v2 =	vld [tilespmem:s1+$0xFFFFF200];
	_ =	sdelay $0x4  }
0x477: {  	[tilespmem:v3+s19+$0x0] =	vst.idx.msk $0xffff, v2  }
0x478: {  	v3 =	vor.u32 s0, v29;
	v2 =	vld [tilespmem:s1+$0xFFFFF280];
	_ =	sdelay $0x4  }
0x479: {  	[tilespmem:v3+s19+$0x0] =	vst.idx.msk $0xffff, v2  }
0x47a: {  	v3 =	vor.u32 s0, v30;
	v2 =	vld [tilespmem:s1+$0xFFFFF300];
	_ =	sdelay $0x4  }
0x47b: {  	[tilespmem:v3+s19+$0x0] =	vst.idx.msk $0xffff, v2  }
0x47c: {  	v3 =	vor.u32 s0, v31;
	v2 =	vld [tilespmem:s1+$0xFFFFF380];
	_ =	sdelay $0x4  }
0x47d: {  	[tilespmem:v3+s19+$0x0] =	vst.idx.msk $0xffff, v2  }
0x47e: {  	v3 =	vor.u32 s0, v32;
	v2 =	vld [tilespmem:s1+$0xFFFFF800];
	_ =	sdelay $0x4  }
0x47f: {  	[tilespmem:v3+s19+$0x0] =	vst.idx.msk $0xffff, v2  }
0x480: {  	v3 =	vor.u32 s0, v33;
	v2 =	vld [tilespmem:s1+$0xFFFFF880];
	_ =	sdelay $0x4  }
0x481: {  	[tilespmem:v3+s19+$0x0] =	vst.idx.msk $0xffff, v2  }
0x482: {  	v3 =	vor.u32 s0, v34;
	v2 =	vld [tilespmem:s1+$0xFFFFF900];
	_ =	sdelay $0x4  }
0x483: {  	[tilespmem:v3+s19+$0x0] =	vst.idx.msk $0xffff, v2  }
0x484: {  	v3 =	vor.u32 s0, v35;
	v2 =	vld [tilespmem:s1+$0xFFFFF980];
	_ =	sdelay $0x4  }
0x485: {  	[tilespmem:v3+s19+$0x0] =	vst.idx.msk $0xffff, v2  }
0x486: {  	v3 =	vor.u32 s0, v36;
	v2 =	vld [tilespmem:s1+$0xFFFFFA00];
	_ =	sdelay $0x4  }
0x487: {  	[tilespmem:v3+s19+$0x0] =	vst.idx.msk $0xffff, v2  }
0x488: {  	v3 =	vor.u32 s0, v37;
	v2 =	vld [tilespmem:s1+$0xFFFFFA80];
	_ =	sdelay $0x4  }
0x489: {  	[tilespmem:v3+s19+$0x0] =	vst.idx.msk $0xffff, v2  }
0x48a: {  	v3 =	vor.u32 s0, v38;
	v2 =	vld [tilespmem:s1+$0xFFFFFB00];
	_ =	sdelay $0x4  }
0x48b: {  	[tilespmem:v3+s19+$0x0] =	vst.idx.msk $0xffff, v2  }
0x48c: {  	v3 =	vor.u32 s0, v39;
	v2 =	vld [tilespmem:s1+$0xFFFFFB80];
	_ =	sdelay $0x4  }
0x48d: {  	[tilespmem:v3+s19+$0x0] =	vst.idx.msk $0xffff, v2  }
0x48e: {  	v3 =	vor.u32 s0, v40;
	v2 =	vld [tilespmem:s1+$0x0];
	_ =	sdelay $0x4  }
0x48f: {  	[tilespmem:v3+s19+$0x0] =	vst.idx.msk $0xffff, v2  }
0x490: {  	v3 =	vor.u32 s0, v41;
	v2 =	vld [tilespmem:s1+$0x80];
	_ =	sdelay $0x4  }
0x491: {  	[tilespmem:v3+s19+$0x0] =	vst.idx.msk $0xffff, v2  }
0x492: {  	v3 =	vor.u32 s0, v42;
	v2 =	vld [tilespmem:s1+$0x100];
	_ =	sdelay $0x4  }
0x493: {  	[tilespmem:v3+s19+$0x0] =	vst.idx.msk $0xffff, v2  }
0x494: {  	v3 =	vor.u32 s0, v43;
	v2 =	vld [tilespmem:s1+$0x180];
	_ =	sdelay $0x4  }
0x495: {  	[tilespmem:v3+s19+$0x0] =	vst.idx.msk $0xffff, v2  }
0x496: {  	v3 =	vor.u32 s0, v44;
	v2 =	vld [tilespmem:s1+$0x200];
	_ =	sdelay $0x4  }
0x497: {  	[tilespmem:v3+s19+$0x0] =	vst.idx.msk $0xffff, v2  }
0x498: {  	v3 =	vor.u32 s0, v45;
	v2 =	vld [tilespmem:s1+$0x280];
	_ =	sdelay $0x4  }
0x499: {  	[tilespmem:v3+s19+$0x0] =	vst.idx.msk $0xffff, v2  }
0x49a: {  	v3 =	vor.u32 s0, v46;
	v2 =	vld [tilespmem:s1+$0x300];
	_ =	sdelay $0x4  }
0x49b: {  	[tilespmem:v3+s19+$0x0] =	vst.idx.msk $0xffff, v2  }
0x49c: {  	v3 =	vor.u32 s0, v47;
	v2 =	vld [tilespmem:s1+$0x380];
	_ =	sdelay $0x4  }
0x49d: {  	[tilespmem:v3+s19+$0x0] =	vst.idx.msk $0xffff, v2  }
0x49e: {  	v3 =	vor.u32 s0, v48;
	v2 =	vld [tilespmem:s1+$0x800];
	_ =	sdelay $0x4  }
0x49f: {  	[tilespmem:v3+s19+$0x0] =	vst.idx.msk $0xffff, v2  }
0x4a0: {  	v3 =	vor.u32 s0, v49;
	v2 =	vld [tilespmem:s1+$0x880];
	_ =	sdelay $0x4  }
0x4a1: {  	[tilespmem:v3+s19+$0x0] =	vst.idx.msk $0xffff, v2  }
0x4a2: {  	v3 =	vor.u32 s0, v50;
	v2 =	vld [tilespmem:s1+$0x900];
	_ =	sdelay $0x4  }
0x4a3: {  	[tilespmem:v3+s19+$0x0] =	vst.idx.msk $0xffff, v2  }
0x4a4: {  	v3 =	vor.u32 s0, v51;
	v2 =	vld [tilespmem:s1+$0x980];
	_ =	sdelay $0x4  }
0x4a5: {  	[tilespmem:v3+s19+$0x0] =	vst.idx.msk $0xffff, v2  }
0x4a6: {  	v3 =	vor.u32 s0, v52;
	v2 =	vld [tilespmem:s1+$0xA00];
	_ =	sdelay $0x4  }
0x4a7: {  	[tilespmem:v3+s19+$0x0] =	vst.idx.msk $0xffff, v2  }
0x4a8: {  	v3 =	vor.u32 s0, v53;
	v2 =	vld [tilespmem:s1+$0xA80];
	_ =	sdelay $0x4  }
0x4a9: {  	[tilespmem:v3+s19+$0x0] =	vst.idx.msk $0xffff, v2  }
0x4aa: {  	v3 =	vor.u32 s0, v54;
	v2 =	vld [tilespmem:s1+$0xB00];
	_ =	sdelay $0x4  }
0x4ab: {  	[tilespmem:v3+s19+$0x0] =	vst.idx.msk $0xffff, v2  }
0x4ac: {  	v3 =	vor.u32 s0, v55;
	v2 =	vld [tilespmem:s1+$0xB80];
	_ =	sdelay $0x4  }
0x4ad: {  	[tilespmem:v3+s19+$0x0] =	vst.idx.msk $0xffff, v2  }
0x4ae: {  	v3 =	vor.u32 s0, v57;
	v2 =	vld [tilespmem:s1+$0x1000];
	_ =	sdelay $0x4  }
0x4af: {  	[tilespmem:v3+s19+$0x0] =	vst.idx.msk $0xffff, v2  }
0x4b0: {  	v3 =	vor.u32 s0, v58;
	v2 =	vld [tilespmem:s1+$0x1080];
	_ =	sdelay $0x4  }
0x4b1: {  	[tilespmem:v3+s19+$0x0] =	vst.idx.msk $0xffff, v2  }
0x4b2: {  	v3 =	vor.u32 s0, v60;
	v2 =	vld [tilespmem:s1+$0x1100];
	_ =	sdelay $0x4  }
0x4b3: {  	[tilespmem:v3+s19+$0x0] =	vst.idx.msk $0xffff, v2  }
0x4b4: {  	v3 =	vor.u32 s0, v61;
	v2 =	vld [tilespmem:s1+$0x1180];
	_ =	sdelay $0x4  }
0x4b5: {  	[tilespmem:v3+s19+$0x0] =	vst.idx.msk $0xffff, v2  }
0x4b6: {  	v3 =	vor.u32 s0, v59;
	v2 =	vld [tilespmem:s1+$0x1200];
	_ =	sdelay $0x4  }
0x4b7: {  	[tilespmem:v3+s19+$0x0] =	vst.idx.msk $0xffff, v2  }
0x4b8: {  	v3 =	vor.u32 s0, v62;
	v2 =	vld [tilespmem:s1+$0x1280];
	_ =	sdelay $0x4  }
0x4b9: {  	[tilespmem:v3+s19+$0x0] =	vst.idx.msk $0xffff, v2  }
0x4ba: {  	v3 =	vor.u32 s0, v9;
	v2 =	vld [tilespmem:s1+$0x1300];
	_ =	sdelay $0x4  }
0x4bb: {  	[tilespmem:v3+s19+$0x0] =	vst.idx.msk $0xffff, v2  }
0x4bc: {  	v3 =	vor.u32 s0, v7;
	v2 =	vld [tilespmem:s1+$0x1380];
	_ =	sdelay $0x4  }
0x4bd: {  	[tilespmem:v3+s19+$0x0] =	vst.idx.msk $0xffff, v2  }
0x4be: {  	v3 =	vor.u32 s0, v6;
	v2 =	vld [tilespmem:s1+$0x1800];
	_ =	sdelay $0x4  }
0x4bf: {  	[tilespmem:v3+s19+$0x0] =	vst.idx.msk $0xffff, v2  }
0x4c0: {  	v3 =	vor.u32 s0, v8;
	v2 =	vld [tilespmem:s1+$0x1880]  }
0x4c1: {  	v0 =	vld [tilespmem:$0x1FF70];
	_ =	sdelay $0x3  }
0x4c2: {  	[tilespmem:v3+s19+$0x0] =	vst.idx.msk $0xffff, v2  }
0x4c3: {  	v3 =	vor.u32 s0, v0;
	v2 =	vld [tilespmem:s1+$0x1900]  }
0x4c4: {  	v11 =	vld [tilespmem:$0x1FFA0];
	_ =	sdelay $0x3  }
0x4c5: {  	[tilespmem:v3+s19+$0x0] =	vst.idx.msk $0xffff, v2  }
0x4c6: {  	v3 =	vor.u32 s0, v11;
	v2 =	vld [tilespmem:s1+$0x1980]  }
0x4c7: {  	v0 =	vld [tilespmem:$0x1FF80];
	_ =	sdelay $0x3  }
0x4c8: {  	[tilespmem:v3+s19+$0x0] =	vst.idx.msk $0xffff, v2  }
0x4c9: {  	v3 =	vor.u32 s0, v0;
	v2 =	vld [tilespmem:s1+$0x1A00]  }
0x4ca: {  	v0 =	vld [tilespmem:$0x1FF90];
	_ =	sdelay $0x3  }
0x4cb: {  	[tilespmem:v3+s19+$0x0] =	vst.idx.msk $0xffff, v2  }
0x4cc: {  	v3 =	vor.u32 s0, v0;
	v2 =	vld [tilespmem:s1+$0x1A80];
	_ =	sdelay $0x4  }
0x4cd: {  	[tilespmem:v3+s19+$0x0] =	vst.idx.msk $0xffff, v2  }
0x4ce: {  	v1 =	vor.u32 s0, v1;
	v2 =	vld [tilespmem:s1+$0x1B00];
	_ =	sdelay $0x4  }
0x4cf: {  	[tilespmem:v1+s19+$0x0] =	vst.idx.msk $0xffff, v2  }
0x4d0: {  	v2 =	vor.u32 s0, v63;
	v1 =	vld [tilespmem:s1+$0x1B80];
	_ =	sdelay $0x3  }
0x4d1: {  	v12 =	vmovc v15;
	v15 =	vmov v18;
	v18 =	vmov v21;
	v21 =	vmov v24  }
.Ltmp11:
0x4d2: {  	v24 =	vmovc v27;
	v27 =	vmovc v30;
	v30 =	vmov v33;
	v33 =	vmov v36;
	v36 =	vmov v39;
	[tilespmem:v2+s19+$0x0] =	vst.idx.msk $0xffff, v1;
	(pc) =	sbr.rel .LBB2_15-.Ltmp11, $4  }
0x4d3: {  	v39 =	vmovc v42;
	v42 =	vmovc v45;
	v45 =	vmov v48;
	v48 =	vmov v51;
	v51 =	vmov v54;
	[hbm4b:s7+s2] =	stream.linear.scatter [tilespmem:s19], [sflag:$0x5], $0x1000, $0x38;
	[tilespmem:$0x10000] =	vst v63  }
0x4d4: {  	v54 =	vmovc v58;
	v57 =	vmovc v13;
	v13 =	vmov v16;
	v16 =	vmov v19;
	v19 =	vmov v22;
	_ =	swait.ge [sflag:s30], $0x1000  }
0x4d5: {  	v22 =	vmovc v25;
	v25 =	vmovc v28;
	v28 =	vmov v31;
	v31 =	vmov v34;
	v34 =	vmov v37;
	[sflag:s30] =	ssyncset.done $0x0;
	v8 =	vld [tilespmem:$0x1FFE0]  }
0x4d6: {  	v61 =	vmovc v10;
	v7 =	vmovc v56;
	v6 =	vmov v62;
	v63 =	vmov v0;
	v1 =	vmov v11;
	v37 =	vld [tilespmem:$0x1FFD0];
	[sflag:s30] =	ssyncadd.s32 $0xFFFFF000  }
.LBB2_16:
0x4d7: {  	_ =	sfence.sel $0x180000  }
0x4d8: {  	[bflag:$0x0] =	sbarrier.arrive $0xFFFF  }
0x4d9: {  	_ =	strace $0x90000047  }
0x4da: {  	s0 =	stileid.u32;
	[bflag:$0x2] =	sbarrier.arrive $0xFFFF  }
0x4db: {  	p0 =	sne.s32 s0, $0x0;
	s0 =	rddreg [dreg:$0x2]  }
0x4dc: {  	s0 =	sadd.s32 @!p0 $0x100000, s0  }
0x4dd: {  	[sflag:s0] =	ssyncadd.tile.s32 @!p0 $0x1;
	_ =	shalt  }
.Lfunc_end2:
_tile_overlayer_lowered:
.L_overlay_start_2:
0x4de: {  	(tag) =	ssettag $0x2  }
0x4df: {  	s0 =	rddreg [dreg:$0x0];
	s2 =	stileid.u32  }
0x4e0: {  	s1 =	rddreg [dreg:$0x1];
	p0 =	sne.s32 s2, $0x0  }
0x4e1: {  	s3 =	rddreg [dreg:$0x2];
	[bflag:$0x3] =	sbarrier.arrive $0xFFFF;
	s2 =	simm.s32 @!p0 $0x1C05  }
0x4e2: {  	[timem:s3], [sflag:s2] =	dma.local @!p0 [hbm:s0], s1  }
0x4e3: {  	s0 =	simm.s32 @!p0 $0x5  }
0x4e4: {  	_ =	swait.ge @!p0 [sflag:s0], s1  }
0x4e5: {  	s1 =	ssub.s32 @!p0 $0x0, s1;
	[sflag:s0] =	ssyncset.done @!p0 $0x0  }
0x4e6: {  	[sflag:s0] =	ssyncadd.s32 @!p0 s1  }
0x4e7: {  	[bflag:$0x3] =	sbarrier.arrive $0xFFFF  }
0x4e8: {  	_ =	shalt  }

// kernel: kernel.7.cloned.1.call-start
scs
__scs_entry_jumppad:
0x0: {  	(pc) =	sbr.rel $0x88, $3  }
0x1: {  	(tag) =	ssettag $0x0;
	lr =	simm.s32 $0x1  }
0x2: {  	[smem:$0x3F9F] =	sst lr;
	_ =	strace $0xD0000000  }
0x3: {  	_ = 	snop  }
0x4: {  	_ = 	snop  }
0x5: {  	_ = 	snop  }
0x6: {  	_ = 	snop  }
0x7: {  	_ = 	snop  }
__scs_overlays_trampoline_lowered:
0x8: {  	[smem:$0x3FAE] =	sst s0  }
0x9: {  	[smem:$0x3FAF] =	sst s1  }
0xa: {  	[smem:$0x3FB0] =	sst s2  }
0xb: {  	[smem:$0x3FB1] =	sst s3  }
0xc: {  	[smem:$0x3FB2] =	sst s4  }
0xd: {  	[smem:$0x3FB3] =	sst s5  }
0xe: {  	[smem:$0x3FB4] =	sst s6  }
0xf: {  	[smem:$0x3FB5] =	sst s7  }
0x10: {  	[smem:$0x3FB6] =	sst s8  }
0x11: {  	[smem:$0x3FB7] =	sst s9;
	s0 =	simm.s32 @!p0 $0x0  }
0x12: {  	s1 =	sld [smem:$0x3F9D];
	s0 =	simm.s32 @p0 $0x1  }
0x13: {  	[smem:$0x3FB8] =	sst s0;
	s0 =	simm.s32 @!p1 $0x0  }
0x14: {  	s2 =	sld [smem:$0x3F9C];
	s0 =	simm.s32 @p1 $0x1  }
0x15: {  	[smem:$0x3FB9] =	sst s0;
	s0 =	simm.s32 @!p2 $0x0  }
0x16: {  	s3 =	sld [smem:$0x3FDB];
	s0 =	simm.s32 @p2 $0x1  }
0x17: {  	s4 =	simm.s32 $0x1BF5;
	[smem:$0x3FBB] =	sst s0  }
0x18: {  	s0 =	sld [smem:$0x3F9E];
	_ =	swait.ge [sflag:s4], $0x0  }
0x19: {  	s7 =	sld [smem:$0x3F9F]  }
0x1a: {  	s8 =	sadd.s32 $0xFFFFE003, lr  }
0x1b: {  	s9 =	sadd.s32 $0xFFFFFEF7, lr;
	s5 =	simm.s32 $0xFFFFFFFF;
	p2 =	slt.u32 s8, $0xFFFFF086  }
0x1c: {  	p1 =	slt.u32 s9, $0xF7A;
	s5 =	simm.s32 @!p2 $0x0  }
0x1d: {  	s5 =	simm.s32 @p1 $0x1;
	p0 =	seq.s32 s7, s2  }
0x1e: {  	s7 =	smul.u32 @!p0 $0xF7A, s2;
	p2 =	seq.s32 @!p0 s5, $0x0  }
0x1f: {  	s9 =	smul.u32 $0xF7A, s1;
	s8 =	simm.s32 @!p0 $0x1BF5;
	p2 =	por !p2, p0  }
0x20: {  	[sflag:s8] =	ssyncset.s32 @!p0 $0xFFFFF086;
	s6 =	sadd.s32 @!p0 s3, s7;
	s7 =	simm.s32 @!p0 $0x108  }
0x21: {  	s3 =	sadd.s32 s3, s9;
	s6 =	sadd.s32 @!p0 $0x88, s6;
	s7 =	simm.s32 @p2 $0x1082  }
0x22: {  	[simem:s7], [sflag:s8] =	dma.local @!p0 [hbm:s6], $0xF7A  }
0x23: {  	s9 =	sor.u32 $0xD0000000, s2;
	s6 =	simm.s32 $0x108;
	_ =	swait.ge @!p0 [sflag:s8], $0x0  }
0x24: {  	s3 =	sadd.s32 $0x88, s3;
	s6 =	simm.s32 @!p1 $0x1082;
	[sflag:s4] =	ssyncset.s32 $0xFFFFF086  }
0x25: {  	[simem:s6], [sflag:s4] =	dma.local [hbm:s3], $0xF7A  }
0x26: {  	[smem:$0x3F9F] =	sst s1;
	(tag) =	ssettag s2;
	_ =	strace s9  }
0x27: {  	s1 =	sld [smem:$0x3FAF]  }
0x28: {  	s2 =	sld [smem:$0x3FB0]  }
0x29: {  	s4 =	sld [smem:$0x3FB2]  }
0x2a: {  	p0 =	seq.s32 s5, $0x0;
	s5 =	sld [smem:$0x3FB3]  }
0x2b: {  	s6 =	sld [smem:$0x3FB4]  }
0x2c: {  	s7 =	sld [smem:$0x3FB5]  }
0x2d: {  	s3 =	simm.s32 $0x108;
	s8 =	sld [smem:$0x3FB6]  }
0x2e: {  	s3 =	simm.s32 @!p0 $0x1082;
	s9 =	sld [smem:$0x3FB7]  }
0x2f: {  	lr =	sadd.s32 s0, s3;
	s0 =	sld [smem:$0x3FAE]  }
0x30: {  	s3 =	sld [smem:$0x3FB1]  }
0x31: {  	[smem:$0x3FBA] =	sst s10  }
0x32: {  	s10 =	sld [smem:$0x3FB8];
	_ =	sdelay $0x3  }
0x33: {  	p0 =	seq.s32 s10, $0x1;
	s10 =	sld [smem:$0x3FBA];
	_ =	sdelay $0x3  }
0x34: {  	[smem:$0x3FBA] =	sst s10  }
0x35: {  	s10 =	sld [smem:$0x3FB9];
	_ =	sdelay $0x3  }
0x36: {  	p1 =	seq.s32 s10, $0x1;
	s10 =	sld [smem:$0x3FBA];
	_ =	sdelay $0x3  }
0x37: {  	[smem:$0x3FBA] =	sst s10  }
0x38: {  	s10 =	sld [smem:$0x3FBB]  }
0x39: {  	_ = 	snop;
	(pc) =	sbr.ind lr, $3  }
0x3a: {  	_ = 	snop  }
0x3b: {  	_ = 	snop  }
0x3c: {  	p2 =	seq.s32 s10, $0x1;
	s10 =	sld [smem:$0x3FBA]  }
0x3d: {  	_ =	shalt  }
0x3e: {  	_ =	shalt  }
0x3f: {  	_ =	shalt  }
0x40: {  	_ =	shalt  }
0x41: {  	_ =	shalt  }
0x42: {  	_ =	shalt  }
0x43: {  	_ =	shalt  }
0x44: {  	_ =	shalt  }
0x45: {  	_ =	shalt  }
0x46: {  	_ =	shalt  }
0x47: {  	_ =	shalt  }
0x48: {  	_ =	shalt  }
0x49: {  	_ =	shalt  }
0x4a: {  	_ =	shalt  }
0x4b: {  	_ =	shalt  }
0x4c: {  	_ =	shalt  }
0x4d: {  	_ =	shalt  }
0x4e: {  	_ =	shalt  }
0x4f: {  	_ =	shalt  }
0x50: {  	_ =	shalt  }
0x51: {  	_ =	shalt  }
0x52: {  	_ =	shalt  }
0x53: {  	_ =	shalt  }
0x54: {  	_ =	shalt  }
0x55: {  	_ =	shalt  }
0x56: {  	_ =	shalt  }
0x57: {  	_ =	shalt  }
0x58: {  	_ =	shalt  }
0x59: {  	_ =	shalt  }
0x5a: {  	_ =	shalt  }
0x5b: {  	_ =	shalt  }
0x5c: {  	_ =	shalt  }
0x5d: {  	_ =	shalt  }
0x5e: {  	_ =	shalt  }
0x5f: {  	_ =	shalt  }
0x60: {  	_ =	shalt  }
0x61: {  	_ =	shalt  }
0x62: {  	_ =	shalt  }
0x63: {  	_ =	shalt  }
0x64: {  	_ =	shalt  }
0x65: {  	_ =	shalt  }
0x66: {  	_ =	shalt  }
0x67: {  	_ =	shalt  }
0x68: {  	_ =	shalt  }
0x69: {  	_ =	shalt  }
0x6a: {  	_ =	shalt  }
0x6b: {  	_ =	shalt  }
0x6c: {  	_ =	shalt  }
0x6d: {  	_ =	shalt  }
0x6e: {  	_ =	shalt  }
0x6f: {  	_ =	shalt  }
0x70: {  	_ =	shalt  }
0x71: {  	_ =	shalt  }
0x72: {  	_ =	shalt  }
0x73: {  	_ =	shalt  }
0x74: {  	_ =	shalt  }
0x75: {  	_ =	shalt  }
0x76: {  	_ =	shalt  }
0x77: {  	_ =	shalt  }
0x78: {  	_ =	shalt  }
0x79: {  	_ =	shalt  }
0x7a: {  	_ =	shalt  }
0x7b: {  	_ =	shalt  }
0x7c: {  	_ =	shalt  }
0x7d: {  	_ =	shalt  }
0x7e: {  	_ =	shalt  }
0x7f: {  	_ =	shalt  }
0x80: {  	_ =	shalt  }
0x81: {  	_ =	shalt  }
0x82: {  	_ =	shalt  }
0x83: {  	_ =	shalt  }
0x84: {  	_ =	shalt  }
0x85: {  	_ =	shalt  }
0x86: {  	_ =	shalt  }
0x87: {  	_ =	shalt  }
.Lfunc_end0:
.L_simem_size_0:
called_computation.2_lowered:
.L_overlay_start_0:
0x88: {  	s2 =	sld [smem:$0x3FD9]  }
0x89: {  	s3 =	sld [smem:$0x3FFE];
	_ =	sdelay $0x1  }
0x8a: {  	s1 =	srdreg.scid  }
0x8b: {  	s0 =	sand.u32 $0x1, s1  }
0x8c: {  	s17 =	sshll.u32 s0, $0xA;
	s2 =	sadd.s32 s3, s2  }
0x8d: {  	s2 =	sadd.s32 s2, s17  }
0x8e: {  	[smem:$0x3FC6] =	sst s2  }
0x8f: {  	_ = 	snop  }
0x90: {  	s2 =	sld [smem:$0x3FD0];
	(tm) =	ssettm $0x1  }
0x91: {  	s18 =	sld [smem:$0x3FFB];
	_ =	sdelay $0x3  }
0x92: {  	_ =	strace s18  }
0x93: {  	s3 =	sld [smem:$0x3FFC];
	_ =	sdelay $0x3  }
0x94: {  	_ =	strace s3  }
0x95: {  	s3 =	sld [smem:$0x3FFD];
	_ =	sdelay $0x3  }
0x96: {  	_ =	strace s3  }
0x97: {  	_ =	strace $0x8FFFFFFF  }
0x98: {  	s19 =	sld [smem:$0x3FDB];
	_ =	sdelay $0x1  }
0x99: {  	s4 =	simm.s32 $_scs_section_size  }
0x9a: {  	s5 =	simm.s32 $_size__tile_overlayer_lowered;
	s6 =	simm.s32 $_tile_overlayer_lowered  }
0x9b: {  	s22 =	simm.s32 $0x1BFF;
	s21 =	sshll.u32 s6, $0x1;
	s3 =	sadd.s32 s4, s19  }
0x9c: {  	s7 =	simm.s32 $0x0;
	s20 =	sshll.u32 s5, $0x1;
	s5 =	sadd.s32 s21, s3  }
0x9d: {  	[timem:s7], [sflag:s22] =	dma.local [hbm:s5], s20  }
0x9e: {  	_ =	swait.ge [sflag:s22], s20  }
0x9f: {  	s4 =	ssub.s32 $0x0, s20;
	[sflag:s22] =	ssyncset.done $0x0  }
0xa0: {  	[sflag:s22] =	ssyncadd.s32 s4;
	_ =	sdelay $0x1  }
0xa1: {  	s23 =	simm.s32 $0x1B8B  }
0xa2: {  	_ =	swait.ge [sflag:s23], $0x1  }
0xa3: {  	[sflag:s23] =	ssyncset.done $0x0  }
0xa4: {  	s25 =	simm.s32 $0x1B8E;
	s24 =	sld [smem:$0x3FFE];
	[sflag:s23] =	ssyncadd.s32 $0xFFFFFFFF  }
0xa5: {  	s26 =	simm.s32 $execute0_lowered;
	[smem:$0x3FD2] =	sst s25  }
0xa6: {  	s5 =	sshll.u32 s26, $0x1;
	_ =	strace $0x80000049;
	[dreg:$0x1] =	wrdreg $0xFFFFFFFF  }
0xa7: {  	s28 =	simm.s32 $_size_execute0_lowered;
	s3 =	sadd.s32 s3, s5;
	[dreg:$0x0] =	wrdreg $0x0  }
0xa8: {  	s5 =	sshll.u32 s28, $0x1;
	[dreg:$0x2] =	wrdreg s3  }
0xa9: {  	[dreg:$0x3] =	wrdreg s5  }
0xaa: {  	[dreg:$0x4] =	wrdreg $0xC0  }
0xab: {  	_ =	task [dreg:s7], $0x5FFFF  }
0xac: {  	[dreg:$0x1] =	wrdreg $0xFFFFFFFF  }
0xad: {  	[dreg:$0x0] =	wrdreg $0x60  }
0xae: {  	[dreg:$0x2] =	wrdreg s2  }
0xaf: {  	[dreg:$0x3] =	wrdreg s24  }
0xb0: {  	[dreg:$0x4] =	wrdreg $0x9  }
0xb1: {  	_ =	task.clear_ibuf [dreg:s7], $0x5FFFF;
	_ =	strace $0x90000049  }
0xb2: {  	s29 =	simm.s32 $0x9;
	_ =	strace $0x8000004B  }
0xb3: {  	_ =	swait.ge [sflag:s29], $0x1  }
0xb4: {  	[sflag:s29] =	ssyncadd.s32 $0xFFFFFFFF  }
0xb5: {  	_ =	strace $0x9000004B  }
0xb6: {  	_ =	sfence  }
0xb7: {  	s30 =	sld [smem:$0x0];
	_ =	sdelay $0x2  }
0xb8: {  	s31 =	sshll.u32 s1, $0xD;
	s1 =	sshrl.u32 s1, $0x2  }
0xb9: {  	s3 =	sand.u32 $0x4000, s31;
	s1 =	sadd.s32 s1, s30  }
0xba: {  	s0 =	sor.u32 s3, s0;
	s1 =	sshll.u32 s1, $0x11  }
0xbb: {  	s0 =	sor.u32 s1, s0  }
0xbc: {  	s0 =	sadd.s32 $0x8F2B, s0  }
0xbd: {  	[sflag:s0] =	ssyncadd.remote.s32 $0x1  }
0xbe: {  	_ =	sfence.sel $0xFFFF  }
0xbf: {  	[dreg:$0x0] =	wrdreg $0xFFFFFFFF;
	(pc) =	sbr.abs _section_cstart, $3  }
0xc0: {  	[dreg:$0x1] =	wrdreg $0xFFFFFFFF  }
0xc1: {  	_ =	task.clear_ibuf [dreg:s7], $0x2FFFF;
	_ =	strace $0x9FFFFFFF  }
0xc2: {  	(tm) =	ssettm $0x7FFFFFFF  }
0xc3: {  	_ =	shalt  }
tec
execute0_lowered:
.L_overlay_start_1:
0x0: {  	(tag) =	ssettag $0x1  }
0x1: {  	s0 =	rddreg [dreg:$0x0]  }
0x2: {  	s1 =	rddreg [dreg:$0x1]  }
0x3: {  	s2 =	srdreg.scid;
	s3 =	simm.s32 $0x0;
	s8 =	stileid.u32  }
0x4: {  	s10 =	simm.s32 $0x60;
	s23 =	simm.s32 $0x12C00;
	s24 =	simm.s32 $0x14600  }
0x5: {  	s25 =	simm.s32 $0x17800;
	s26 =	simm.s32 $0x19000;
	s28 =	simm.s32 $0x1AA00  }
0x6: {  	s31 =	simm.s32 $0x1DC00;
	s29 =	simm.s32 $0x2;
	s30 =	simm.s32 $0x3  }
0x7: {  	s14 =	simm.s32 $0x1C200;
	s11 =	simm.s32 $0x8;
	s2 =	sand.u32 $0x1, s2  }
0x8: {  	[smem:$0x7FF] =	sst s3;
	s17 =	sshll.u32 s8, $0x8;
	s3 =	sadd.s32 $0x1200, s1  }
0x9: {  	s1 =	sadd.s32 $0x7A2400, s1;
	_ =	strace $0x8000004A;
	[dreg:$0x5] =	wrdreg s23  }
0xa: {  	s18 =	smul.u32 $0xC8000, s8;
	s8 =	simm.s32 $0x68;
	[dreg:$0x6] =	wrdreg s24  }
0xb: {  	s4 =	sshll.u32 s2, $0x7;
	s5 =	ssub.s32 $0x2, s2;
	[dreg:$0x7] =	wrdreg s25  }
0xc: {  	s2 =	smul.u32 $0x64000, s2;
	[dreg:$0x8] =	wrdreg s26;
	s4 =	sor.u32 s4, s17  }
0xd: {  	[dreg:$0x9] =	wrdreg s28;
	s7 =	sshrl.u32 s5, $0x1;
	s6 =	smul.u32 $0xC80, s4  }
0xe: {  	[dreg:$0xa] =	wrdreg s31;
	s4 =	smul.u32 $0x19, s4;
	s5 =	ssub.s32 s5, s7  }
0xf: {  	s25 =	simm.s32 $0x40;
	s26 =	simm.s32 $0x80;
	s21 =	smax.u32 s5, $0x1  }
0x10: {  	s6 =	sadd.s32 s6, s1;
	s0 =	sadd.s32 s0, s4;
	[dreg:$0xc] =	wrdreg s21  }
0x11: {  	s24 =	simm.s32 $0x15E00;
	[dreg:$0xb] =	wrdreg s0;
	s19 =	sadd.s32 $0x60E00, s6  }
0x12: {  	s1 =	sadd.s32 s18, s1;
	s20 =	sadd.s32 $0x62700, s6;
	[dreg:$0x3] =	wrdreg s19  }
0x13: {  	s5 =	simm.s32 $0x0;
	s22 =	sadd.s32 s2, s1;
	[dreg:$0x4] =	wrdreg s20  }
0x14: {  	s0 =	simm.s32 $0x4;
	s1 =	simm.s32 $0x6;
	[dreg:$0xd] =	wrdreg s22  }
.LBB2_1:
0x15: {  	[dreg:$0xe] =	wrdreg s5  }
0x16: {  	s2 =	simm.s32 $0x0;
	s4 =	rddreg [dreg:$0xb];
	s28 =	simm.s32 $0x11  }
0x17: {  	[tilespmem:s2], [sflag:$0x11] =	stream.linear.gather [hbm4b:s4+s2], $0x6400, $0x38;
	[tilespmem:$0x1F400] =	vst v63  }
0x18: {  	_ =	swait.ge [sflag:s28], $0x6400  }
0x19: {  	[sflag:s28] =	ssyncset.done $0x0  }
0x1a: {  	s6 =	simm.s32 $0x6400;
	[sflag:s28] =	ssyncadd.s32 $0xFFFF9C00  }
0x1b: {  	[tilespmem:s6], [sflag:$0x1] =	stream.indirect.gather [hbm4b:s3+s8], $0x40, s2, s8, $0xb8;
	[tilespmem:$0x1F400] =	vst v63  }
0x1c: {  	s31 =	simm.s32 $0x7E00  }
0x1d: {  	[tilespmem:s31], [sflag:$0x1] =	stream.indirect.gather [hbm4b:s3+s10], $0x40, s8, s10, $0xb8;
	[tilespmem:$0x1F400] =	vst v63  }
0x1e: {  	s7 =	simm.s32 $0x9600;
	s4 =	simm.s32 $0xC8  }
0x1f: {  	[tilespmem:s7], [sflag:$0x2] =	stream.indirect.gather [hbm4b:s3+s8], $0x40, s4, s8, $0xb8;
	[tilespmem:$0x1F400] =	vst v63  }
0x20: {  	s5 =	simm.s32 $0x130;
	s9 =	simm.s32 $0xB000  }
0x21: {  	[tilespmem:s9], [sflag:$0x2] =	stream.indirect.gather [hbm4b:s3+s10], $0x40, s5, s10, $0xb8;
	[tilespmem:$0x1F400] =	vst v63  }
0x22: {  	s12 =	simm.s32 $0x190;
	s9 =	simm.s32 $0xC800  }
0x23: {  	[tilespmem:s9], [sflag:$0x3] =	stream.indirect.gather [hbm4b:s3+s8], $0x40, s12, s8, $0xb8;
	[tilespmem:$0x1F400] =	vst v63  }
0x24: {  	s13 =	simm.s32 $0x1F8;
	s15 =	simm.s32 $0xE200;
	p0 =	por $0x1, $0x1  }
0x25: {  	[tilespmem:s15], [sflag:$0x3] =	stream.indirect.gather [hbm4b:s3+s10], $0x40, s13, s10, $0xb8;
	[tilespmem:$0x1F400] =	vst v63  }
0x26: {  	s16 =	simm.s32 $0x258;
	p0 =	por p0, p0;
	s12 =	simm.s32 $0xFA00  }
0x27: {  	[tilespmem:s12], [sflag:$0x4] =	stream.indirect.gather [hbm4b:s3+s8], $0x40, s16, s8, $0xb8;
	[tilespmem:$0x1F400] =	vst v63  }
0x28: {  	s17 =	simm.s32 $0x2C0;
	s18 =	simm.s32 $0x11400;
	s2 =	simm.s32 @!p0 $0xD  }
0x29: {  	[tilespmem:s18], [sflag:$0x4] =	stream.indirect.gather [hbm4b:s3+s10], $0x40, s17, s10, $0xb8;
	[tilespmem:$0x1F400] =	vst v63  }
0x2a: {  	_ =	swait.ge @!p0 [sflag:s2], $0x3200  }
0x2b: {  	[sflag:s2] =	ssyncset.done @!p0 $0x0  }
0x2c: {  	s20 =	simm.s32 $0x320;
	s19 =	rddreg [dreg:$0x5];
	[sflag:s2] =	ssyncadd.s32 @!p0 $0xFFFFCE00  }
0x2d: {  	[tilespmem:s19], [sflag:$0x5] =	stream.indirect.gather [hbm4b:s3+s8], $0x40, s20, s8, $0xb8;
	[tilespmem:$0x1F400] =	vst v63  }
0x2e: {  	s22 =	simm.s32 $0x388;
	s23 =	simm.s32 $0x1;
	s21 =	rddreg [dreg:$0x6]  }
0x2f: {  	[tilespmem:s21], [sflag:$0x5] =	stream.indirect.gather [hbm4b:s3+s10], $0x40, s22, s10, $0xb8;
	[tilespmem:$0x1F400] =	vst v63  }
0x30: {  	_ =	swait.ge [sflag:s23], $0x3200  }
0x31: {  	[sflag:s23] =	ssyncset.done $0x0  }
0x32: {  	s2 =	simm.s32 @!p0 $0xE;
	s13 =	rddreg [dreg:$0xd];
	[sflag:s23] =	ssyncadd.s32 $0xFFFFCE00  }
0x33: {  	[hbm4b:s13+s25] =	stream.strided.scatter [tilespmem:s6], [sflag:$0x9], $0x3200, s26, s25, $0x38;
	[tilespmem:$0x1F400] =	vst v63  }
0x34: {  	_ =	swait.ge @!p0 [sflag:s2], $0x3200  }
0x35: {  	[sflag:s2] =	ssyncset.done @!p0 $0x0  }
0x36: {  	s28 =	simm.s32 $0x3E8;
	s15 =	simm.s32 $0x15E00;
	[sflag:s2] =	ssyncadd.s32 @!p0 $0xFFFFCE00  }
0x37: {  	[tilespmem:s15], [sflag:$0x6] =	stream.indirect.gather [hbm4b:s3+s8], $0x40, s28, s8, $0xb8;
	[tilespmem:$0x1F400] =	vst v63  }
0x38: {  	s5 =	simm.s32 $0x450;
	s31 =	rddreg [dreg:$0x7]  }
0x39: {  	[tilespmem:s31], [sflag:$0x6] =	stream.indirect.gather [hbm4b:s3+s10], $0x40, s5, s10, $0xb8;
	[tilespmem:$0x1F400] =	vst v63  }
0x3a: {  	_ =	swait.ge [sflag:s29], $0x3200  }
0x3b: {  	[sflag:s29] =	ssyncset.done $0x0  }
0x3c: {  	s4 =	simm.s32 @!p0 $0xF;
	s6 =	sadd.s32 $0xC80, s13;
	[sflag:s29] =	ssyncadd.s32 $0xFFFFCE00  }
0x3d: {  	[hbm4b:s6+s25] =	stream.strided.scatter [tilespmem:s7], [sflag:$0xA], $0x3200, s26, s25, $0x38;
	[tilespmem:$0x1F400] =	vst v63  }
0x3e: {  	_ =	swait.ge @!p0 [sflag:s4], $0x3200  }
0x3f: {  	[sflag:s4] =	ssyncset.done @!p0 $0x0  }
0x40: {  	s17 =	simm.s32 $0x4B0;
	s16 =	rddreg [dreg:$0x8];
	[sflag:s4] =	ssyncadd.s32 @!p0 $0xFFFFCE00  }
0x41: {  	[tilespmem:s16], [sflag:$0x7] =	stream.indirect.gather [hbm4b:s3+s8], $0x40, s17, s8, $0xb8;
	[tilespmem:$0x1F400] =	vst v63  }
0x42: {  	s19 =	simm.s32 $0x518;
	s18 =	rddreg [dreg:$0x9]  }
0x43: {  	[tilespmem:s18], [sflag:$0x7] =	stream.indirect.gather [hbm4b:s3+s10], $0x40, s19, s10, $0xb8;
	[tilespmem:$0x1F400] =	vst v63  }
0x44: {  	_ =	swait.ge [sflag:s30], $0x3200  }
0x45: {  	p0 =	por $0x1, $0x1;
	[sflag:s30] =	ssyncset.done $0x0  }
0x46: {  	s20 =	sadd.s32 $0x1900, s13;
	s2 =	simm.s32 @!p0 $0x10;
	[sflag:s30] =	ssyncadd.s32 $0xFFFFCE00  }
0x47: {  	[hbm4b:s20+s25] =	stream.strided.scatter [tilespmem:s9], [sflag:$0xB], $0x3200, s26, s25, $0x38;
	[tilespmem:$0x1F400] =	vst v63  }
0x48: {  	_ =	swait.ge @!p0 [sflag:s2], $0x3200  }
0x49: {  	[sflag:s2] =	ssyncset.done @!p0 $0x0  }
0x4a: {  	s21 =	simm.s32 $0x578;
	[sflag:s2] =	ssyncadd.s32 @!p0 $0xFFFFCE00  }
0x4b: {  	[tilespmem:s14], [sflag:$0x8] =	stream.indirect.gather [hbm4b:s3+s8], $0x40, s21, s8, $0xb8;
	[tilespmem:$0x1F400] =	vst v63  }
0x4c: {  	s23 =	simm.s32 $0x5E0;
	s22 =	rddreg [dreg:$0xa]  }
0x4d: {  	[tilespmem:s22], [sflag:$0x8] =	stream.indirect.gather [hbm4b:s3+s10], $0x40, s23, s10, $0xb8;
	[tilespmem:$0x1F400] =	vst v63  }
0x4e: {  	_ =	swait.ge [sflag:s0], $0x3200  }
0x4f: {  	p0 =	por $0x0, $0x0;
	[sflag:s0] =	ssyncset.done $0x0  }
0x50: {  	s28 =	sadd.s32 $0x2580, s13;
	s4 =	simm.s32 @p0 $0x5;
	[sflag:s0] =	ssyncadd.s32 $0xFFFFCE00  }
0x51: {  	[hbm4b:s28+s25] =	stream.strided.scatter [tilespmem:s12], [sflag:$0xC], $0x3200, s26, s25, $0x38;
	[tilespmem:$0x1F400] =	vst v63  }
0x52: {  	s5 =	simm.s32 @p0 $0x12C00;
	_ =	swait.ge @p0 [sflag:s4], $0x3200  }
0x53: {  	s6 =	simm.s32 @p0 $0x80;
	s7 =	simm.s32 @!p0 $0x9;
	[sflag:s4] =	ssyncset.done @p0 $0x0  }
0x54: {  	s2 =	rddreg [dreg:$0x3];
	[sflag:s4] =	ssyncadd.s32 @p0 $0xFFFFCE00;
	s4 =	simm.s32 @p0 $0x40  }
0x55: {  	[hbm4b:s2+s4] =	stream.strided.scatter @p0 [tilespmem:s5], [sflag:$0xD], $0x3200, s6, s4, $0x38;
	[tilespmem:$0x1F400] =	vst v63  }
0x56: {  	_ =	swait.ge @!p0 [sflag:s7], $0x3200  }
0x57: {  	s9 =	simm.s32 @!p0 $0x68;
	s12 =	simm.s32 @!p0 $0x6400;
	[sflag:s7] =	ssyncset.done @!p0 $0x0  }
0x58: {  	s2 =	simm.s32 @!p0 $0x640;
	s5 =	simm.s32 @!p0 $0x6A8;
	[sflag:s7] =	ssyncadd.s32 @!p0 $0xFFFFCE00  }
0x59: {  	[tilespmem:s12], [sflag:$0x1] =	stream.indirect.gather @!p0 [hbm4b:s3+s9], $0x40, s2, s9, $0xb8;
	[tilespmem:$0x1F400] =	vst v63  }
0x5a: {  	s7 =	simm.s32 @!p0 $0x7E00;
	s2 =	simm.s32 @!p0 $0x60;
	s12 =	simm.s32 @!p0 $0x5  }
0x5b: {  	[tilespmem:s7], [sflag:$0x1] =	stream.indirect.gather @!p0 [hbm4b:s3+s2], $0x40, s5, s2, $0xb8;
	[tilespmem:$0x1F400] =	vst v63  }
0x5c: {  	_ =	swait.ge @!p0 [sflag:s12], $0x3200  }
0x5d: {  	s14 =	sadd.s32 @!p0 $0x3200, s13;
	s5 =	simm.s32 @!p0 $0x80;
	[sflag:s12] =	ssyncset.done @!p0 $0x0  }
0x5e: {  	s7 =	simm.s32 @!p0 $0x12C00;
	[sflag:s12] =	ssyncadd.s32 @!p0 $0xFFFFCE00;
	s12 =	simm.s32 @!p0 $0x40  }
0x5f: {  	[hbm4b:s14+s12] =	stream.strided.scatter @!p0 [tilespmem:s7], [sflag:$0xD], $0x3200, s5, s12, $0x38;
	[tilespmem:$0x1F400] =	vst v63  }
0x60: {  	s7 =	simm.s32 @!p0 $0xA  }
0x61: {  	_ =	swait.ge @!p0 [sflag:s7], $0x3200  }
0x62: {  	[sflag:s7] =	ssyncset.done @!p0 $0x0  }
0x63: {  	s14 =	simm.s32 @!p0 $0x708;
	[sflag:s7] =	ssyncadd.s32 @!p0 $0xFFFFCE00;
	s7 =	simm.s32 @!p0 $0x9600  }
0x64: {  	[tilespmem:s7], [sflag:$0x2] =	stream.indirect.gather @!p0 [hbm4b:s3+s9], $0x40, s14, s9, $0xb8;
	[tilespmem:$0x1F400] =	vst v63  }
0x65: {  	s7 =	simm.s32 @!p0 $0x770;
	s14 =	simm.s32 @!p0 $0xB000  }
0x66: {  	[tilespmem:s14], [sflag:$0x2] =	stream.indirect.gather @!p0 [hbm4b:s3+s2], $0x40, s7, s2, $0xb8;
	[tilespmem:$0x1F400] =	vst v63  }
0x67: {  	_ =	swait.ge [sflag:s1], $0x3200  }
0x68: {  	[sflag:s1] =	ssyncset.done $0x0  }
0x69: {  	s31 =	sadd.s32 $0x3E80, s13;
	s14 =	simm.s32 @p0 $0x7;
	[sflag:s1] =	ssyncadd.s32 $0xFFFFCE00  }
0x6a: {  	[hbm4b:s31+s25] =	stream.strided.scatter [tilespmem:s15], [sflag:$0xE], $0x3200, s26, s25, $0x38;
	[tilespmem:$0x1F400] =	vst v63  }
0x6b: {  	_ =	swait.ge @p0 [sflag:s14], $0x3200  }
0x6c: {  	[sflag:s14] =	ssyncset.done @p0 $0x0  }
0x6d: {  	s7 =	rddreg [dreg:$0x4];
	[sflag:s14] =	ssyncadd.s32 @p0 $0xFFFFCE00;
	s14 =	simm.s32 @p0 $0x19000  }
0x6e: {  	[hbm4b:s7+s4] =	stream.strided.scatter @p0 [tilespmem:s14], [sflag:$0xF], $0x3200, s6, s4, $0x38;
	[tilespmem:$0x1F400] =	vst v63  }
0x6f: {  	s4 =	simm.s32 @!p0 $0xB  }
0x70: {  	_ =	swait.ge @!p0 [sflag:s4], $0x3200  }
0x71: {  	[sflag:s4] =	ssyncset.done @!p0 $0x0  }
0x72: {  	s6 =	simm.s32 @!p0 $0x7D0;
	[sflag:s4] =	ssyncadd.s32 @!p0 $0xFFFFCE00;
	s4 =	simm.s32 @!p0 $0xC800  }
0x73: {  	[tilespmem:s4], [sflag:$0x3] =	stream.indirect.gather @!p0 [hbm4b:s3+s9], $0x40, s6, s9, $0xb8;
	[tilespmem:$0x1F400] =	vst v63  }
0x74: {  	s4 =	simm.s32 @!p0 $0x838;
	s6 =	simm.s32 @!p0 $0xE200  }
0x75: {  	[tilespmem:s6], [sflag:$0x3] =	stream.indirect.gather @!p0 [hbm4b:s3+s2], $0x40, s4, s2, $0xb8;
	[tilespmem:$0x1F400] =	vst v63  }
0x76: {  	s4 =	simm.s32 @!p0 $0x7  }
0x77: {  	_ =	swait.ge @!p0 [sflag:s4], $0x3200  }
0x78: {  	[sflag:s4] =	ssyncset.done @!p0 $0x0  }
0x79: {  	s6 =	sadd.s32 @!p0 $0x4B00, s13;
	[sflag:s4] =	ssyncadd.s32 @!p0 $0xFFFFCE00;
	s4 =	simm.s32 @!p0 $0x19000  }
0x7a: {  	[hbm4b:s6+s12] =	stream.strided.scatter @!p0 [tilespmem:s4], [sflag:$0xF], $0x3200, s5, s12, $0x38;
	[tilespmem:$0x1F400] =	vst v63  }
0x7b: {  	s4 =	simm.s32 @!p0 $0xC  }
0x7c: {  	_ =	swait.ge @!p0 [sflag:s4], $0x3200  }
0x7d: {  	p1 =	por $0x0, $0x0;
	s7 =	simm.s32 @!p0 $0x11400;
	[sflag:s4] =	ssyncset.done @!p0 $0x0  }
0x7e: {  	s5 =	simm.s32 @!p0 $0x898;
	s6 =	simm.s32 @!p0 $0xFA00;
	[sflag:s4] =	ssyncadd.s32 @!p0 $0xFFFFCE00  }
0x7f: {  	[tilespmem:s6], [sflag:$0x4] =	stream.indirect.gather @!p0 [hbm4b:s3+s9], $0x40, s5, s9, $0xb8;
	[tilespmem:$0x1F400] =	vst v63  }
0x80: {  	s4 =	simm.s32 $0x1900;
	s5 =	simm.s32 $0x0;
	s6 =	simm.s32 @!p0 $0x900  }
0x81: {  	[tilespmem:s7], [sflag:$0x4] =	stream.indirect.gather @!p0 [hbm4b:s3+s2], $0x40, s6, s2, $0xb8;
	[tilespmem:$0x1F400] =	vst v63  }
0x82: {  	s7 =	simm.s32 $0x3200;
	p0 =	por p1, p1;
	_ =	swait.ge [sflag:s11], $0x3200  }
0x83: {  	s6 =	sadd.s32 $0x5780, s13;
	s2 =	sadd.s32 $0x6400, s13;
	[sflag:s11] =	ssyncset.done $0x0  }
.LBB2_2:
0x84: {  	s9 =	simm.s32 @!p0 $0xD;
	[sflag:s11] =	ssyncadd.s32 $0xFFFFCE00;
	s16 =	simm.s32 $0x1C200  }
0x85: {  	[hbm4b:s6+s25] =	stream.strided.scatter [tilespmem:s16], [sflag:$0x10], $0x3200, s26, s25, $0x38;
	[tilespmem:$0x1F400] =	vst v63  }
0x86: {  	_ =	swait.ge @!p0 [sflag:s9], $0x3200  }
0x87: {  	s14 =	sshra.s32 s4, $0x2;
	[sflag:s9] =	ssyncset.done @!p0 $0x0  }
0x88: {  	s13 =	sadd.s32 $0x320, s14;
	s31 =	rddreg [dreg:$0x5];
	[sflag:s9] =	ssyncadd.s32 @!p0 $0xFFFFCE00  }
0x89: {  	[tilespmem:s31], [sflag:$0x5] =	stream.indirect.gather [hbm4b:s3+s8], $0x40, s13, s8, $0xb8;
	[tilespmem:$0x1F400] =	vst v63  }
0x8a: {  	s18 =	simm.s32 $0x1;
	s17 =	sadd.s32 $0x388, s14;
	s15 =	rddreg [dreg:$0x6]  }
0x8b: {  	[tilespmem:s15], [sflag:$0x5] =	stream.indirect.gather [hbm4b:s3+s10], $0x40, s17, s10, $0xb8;
	[tilespmem:$0x1F400] =	vst v63  }
0x8c: {  	_ =	swait.ge [sflag:s18], $0x3200  }
0x8d: {  	[sflag:s18] =	ssyncset.done $0x0  }
0x8e: {  	s19 =	simm.s32 $0x6400;
	s6 =	simm.s32 @!p0 $0xE;
	[sflag:s18] =	ssyncadd.s32 $0xFFFFCE00  }
0x8f: {  	[hbm4b:s2+s25] =	stream.strided.scatter [tilespmem:s19], [sflag:$0x9], $0x3200, s26, s25, $0x38;
	[tilespmem:$0x1F400] =	vst v63  }
0x90: {  	_ =	swait.ge @!p0 [sflag:s6], $0x3200  }
0x91: {  	[sflag:s6] =	ssyncset.done @!p0 $0x0  }
0x92: {  	s20 =	sadd.s32 $0x3E8, s14;
	[sflag:s6] =	ssyncadd.s32 @!p0 $0xFFFFCE00  }
0x93: {  	[tilespmem:s24], [sflag:$0x6] =	stream.indirect.gather [hbm4b:s3+s8], $0x40, s20, s8, $0xb8;
	[tilespmem:$0x1F400] =	vst v63  }
0x94: {  	s22 =	sadd.s32 $0x450, s14;
	s21 =	rddreg [dreg:$0x7]  }
0x95: {  	[tilespmem:s21], [sflag:$0x6] =	stream.indirect.gather [hbm4b:s3+s10], $0x40, s22, s10, $0xb8;
	[tilespmem:$0x1F400] =	vst v63  }
0x96: {  	_ =	swait.ge [sflag:s29], $0x3200  }
0x97: {  	s23 =	sadd.s32 $0xC80, s2;
	[sflag:s29] =	ssyncset.done $0x0  }
0x98: {  	s9 =	simm.s32 @!p0 $0xF;
	s13 =	simm.s32 $0x9600;
	[sflag:s29] =	ssyncadd.s32 $0xFFFFCE00  }
0x99: {  	[hbm4b:s23+s25] =	stream.strided.scatter [tilespmem:s13], [sflag:$0xA], $0x3200, s26, s25, $0x38;
	[tilespmem:$0x1F400] =	vst v63  }
0x9a: {  	_ =	swait.ge @!p0 [sflag:s9], $0x3200  }
0x9b: {  	[sflag:s9] =	ssyncset.done @!p0 $0x0  }
0x9c: {  	s31 =	sadd.s32 $0x4B0, s14;
	s28 =	rddreg [dreg:$0x8];
	[sflag:s9] =	ssyncadd.s32 @!p0 $0xFFFFCE00  }
0x9d: {  	[tilespmem:s28], [sflag:$0x7] =	stream.indirect.gather [hbm4b:s3+s8], $0x40, s31, s8, $0xb8;
	[tilespmem:$0x1F400] =	vst v63  }
0x9e: {  	s5 =	sadd.s32 $0x8, s5;
	s17 =	sadd.s32 $0x518, s14;
	s13 =	rddreg [dreg:$0x9]  }
0x9f: {  	[tilespmem:s13], [sflag:$0x7] =	stream.indirect.gather [hbm4b:s3+s10], $0x40, s17, s10, $0xb8;
	[tilespmem:$0x1F400] =	vst v63  }
0xa0: {  	p2 =	sgt.u32 s5, $0x77;
	s18 =	sadd.s32 $0x1900, s2;
	_ =	swait.ge [sflag:s30], $0x3200  }
0xa1: {  	p0 =	por p2, p2;
	p2 =	seq.s32 s4, $0x0;
	[sflag:s30] =	ssyncset.done $0x0  }
0xa2: {  	s19 =	simm.s32 $0xC800;
	s6 =	simm.s32 @!p2 $0x10;
	[sflag:s30] =	ssyncadd.s32 $0xFFFFCE00  }
0xa3: {  	[hbm4b:s18+s25] =	stream.strided.scatter [tilespmem:s19], [sflag:$0xB], $0x3200, s26, s25, $0x38;
	[tilespmem:$0x1F400] =	vst v63  }
0xa4: {  	_ =	swait.ge @!p2 [sflag:s6], $0x3200  }
0xa5: {  	[sflag:s6] =	ssyncset.done @!p2 $0x0  }
0xa6: {  	s20 =	sadd.s32 $0x578, s14;
	[sflag:s6] =	ssyncadd.s32 @!p2 $0xFFFFCE00  }
0xa7: {  	[tilespmem:s16], [sflag:$0x8] =	stream.indirect.gather [hbm4b:s3+s8], $0x40, s20, s8, $0xb8;
	[tilespmem:$0x1F400] =	vst v63  }
0xa8: {  	s22 =	sadd.s32 $0x5E0, s14;
	s21 =	rddreg [dreg:$0xa]  }
0xa9: {  	[tilespmem:s21], [sflag:$0x8] =	stream.indirect.gather [hbm4b:s3+s10], $0x40, s22, s10, $0xb8;
	[tilespmem:$0x1F400] =	vst v63  }
0xaa: {  	_ =	swait.ge [sflag:s0], $0x3200  }
0xab: {  	s23 =	sadd.s32 $0x2580, s2;
	p2 =	seq.s32 s4, $0x17700;
	[sflag:s0] =	ssyncset.done $0x0  }
0xac: {  	s28 =	simm.s32 $0xFA00;
	s9 =	simm.s32 @p2 $0x5;
	[sflag:s0] =	ssyncadd.s32 $0xFFFFCE00  }
0xad: {  	[hbm4b:s23+s25] =	stream.strided.scatter [tilespmem:s28], [sflag:$0xC], $0x3200, s26, s25, $0x38;
	[tilespmem:$0x1F400] =	vst v63  }
0xae: {  	s12 =	smov.u32 s7;
	s14 =	simm.s32 @p2 $0x12C00;
	_ =	swait.ge @p2 [sflag:s9], $0x3200  }
0xaf: {  	s20 =	simm.s32 @p2 $0x40;
	s23 =	simm.s32 @p2 $0x80;
	[sflag:s9] =	ssyncset.done @p2 $0x0  }
0xb0: {  	s15 =	rddreg [dreg:$0x3];
	[sflag:s9] =	ssyncadd.s32 @p2 $0xFFFFCE00;
	s9 =	simm.s32 @!p2 $0x9  }
0xb1: {  	[hbm4b:s15+s20] =	stream.strided.scatter @p2 [tilespmem:s14], [sflag:$0xD], $0x3200, s23, s20, $0x38;
	[tilespmem:$0x1F400] =	vst v63  }
0xb2: {  	s4 =	sshra.s32 @!p2 s4, $0x2;
	s16 =	simm.s32 @!p2 $0x6400;
	_ =	swait.ge @!p2 [sflag:s9], $0x3200  }
0xb3: {  	s31 =	sadd.s32 @!p2 $0x3200, s2;
	s6 =	sadd.s32 @!p2 $0x640, s4;
	[sflag:s9] =	ssyncset.done @!p2 $0x0  }
0xb4: {  	s13 =	sadd.s32 @!p2 $0x6A8, s4;
	s14 =	simm.s32 @!p2 $0x68;
	[sflag:s9] =	ssyncadd.s32 @!p2 $0xFFFFCE00  }
0xb5: {  	[tilespmem:s16], [sflag:$0x1] =	stream.indirect.gather @!p2 [hbm4b:s3+s14], $0x40, s6, s14, $0xb8;
	[tilespmem:$0x1F400] =	vst v63  }
0xb6: {  	s28 =	simm.s32 @!p2 $0x5;
	s15 =	simm.s32 @!p2 $0x60;
	s9 =	simm.s32 @!p2 $0x7E00  }
0xb7: {  	[tilespmem:s9], [sflag:$0x1] =	stream.indirect.gather @!p2 [hbm4b:s3+s15], $0x40, s13, s15, $0xb8;
	[tilespmem:$0x1F400] =	vst v63  }
0xb8: {  	s17 =	sadd.s32 @!p2 $0x708, s4;
	s19 =	sadd.s32 @!p2 $0x838, s4;
	_ =	swait.ge @!p2 [sflag:s28], $0x3200  }
0xb9: {  	s6 =	simm.s32 @!p2 $0x80;
	s13 =	simm.s32 @!p2 $0x12C00;
	[sflag:s28] =	ssyncset.done @!p2 $0x0  }
0xba: {  	s9 =	simm.s32 @!p2 $0x40;
	[sflag:s28] =	ssyncadd.s32 @!p2 $0xFFFFCE00;
	s28 =	simm.s32 @!p2 $0xA  }
0xbb: {  	[hbm4b:s31+s9] =	stream.strided.scatter @!p2 [tilespmem:s13], [sflag:$0xD], $0x3200, s6, s9, $0x38;
	[tilespmem:$0x1F400] =	vst v63  }
0xbc: {  	s18 =	sadd.s32 @!p2 $0x898, s4;
	s21 =	sadd.s32 @!p2 $0x770, s4;
	_ =	swait.ge @!p2 [sflag:s28], $0x3200  }
0xbd: {  	s22 =	sadd.s32 @!p2 $0x7D0, s4;
	s16 =	sadd.s32 @!p2 $0x900, s4;
	[sflag:s28] =	ssyncset.done @!p2 $0x0  }
0xbe: {  	s4 =	smov.u32 s12;
	s12 =	simm.s32 @!p2 $0x9600;
	[sflag:s28] =	ssyncadd.s32 @!p2 $0xFFFFCE00  }
0xbf: {  	[tilespmem:s12], [sflag:$0x2] =	stream.indirect.gather @!p2 [hbm4b:s3+s14], $0x40, s17, s14, $0xb8;
	[tilespmem:$0x1F400] =	vst v63  }
0xc0: {  	s13 =	simm.s32 @!p2 $0xB000  }
0xc1: {  	[tilespmem:s13], [sflag:$0x2] =	stream.indirect.gather @!p2 [hbm4b:s3+s15], $0x40, s21, s15, $0xb8;
	[tilespmem:$0x1F400] =	vst v63  }
0xc2: {  	_ =	swait.ge [sflag:s1], $0x3200  }
0xc3: {  	[sflag:s1] =	ssyncset.done $0x0  }
0xc4: {  	s31 =	sadd.s32 $0x3E80, s2;
	s13 =	simm.s32 @p2 $0x7;
	[sflag:s1] =	ssyncadd.s32 $0xFFFFCE00  }
0xc5: {  	[hbm4b:s31+s25] =	stream.strided.scatter [tilespmem:s24], [sflag:$0xE], $0x3200, s26, s25, $0x38;
	[tilespmem:$0x1F400] =	vst v63  }
0xc6: {  	_ =	swait.ge @p2 [sflag:s13], $0x3200  }
0xc7: {  	s17 =	simm.s32 @!p2 $0xB;
	[sflag:s13] =	ssyncset.done @p2 $0x0  }
0xc8: {  	s12 =	rddreg [dreg:$0x4];
	[sflag:s13] =	ssyncadd.s32 @p2 $0xFFFFCE00;
	s13 =	simm.s32 @p2 $0x19000  }
0xc9: {  	[hbm4b:s12+s20] =	stream.strided.scatter @p2 [tilespmem:s13], [sflag:$0xF], $0x3200, s23, s20, $0x38;
	[tilespmem:$0x1F400] =	vst v63  }
0xca: {  	_ =	swait.ge @!p2 [sflag:s17], $0x3200  }
0xcb: {  	[sflag:s17] =	ssyncset.done @!p2 $0x0  }
0xcc: {  	s12 =	simm.s32 @!p2 $0xC800;
	[sflag:s17] =	ssyncadd.s32 @!p2 $0xFFFFCE00  }
0xcd: {  	[tilespmem:s12], [sflag:$0x3] =	stream.indirect.gather @!p2 [hbm4b:s3+s14], $0x40, s22, s14, $0xb8;
	[tilespmem:$0x1F400] =	vst v63  }
0xce: {  	s13 =	simm.s32 @!p2 $0xE200;
	s12 =	simm.s32 @!p2 $0x7  }
0xcf: {  	[tilespmem:s13], [sflag:$0x3] =	stream.indirect.gather @!p2 [hbm4b:s3+s15], $0x40, s19, s15, $0xb8;
	[tilespmem:$0x1F400] =	vst v63  }
0xd0: {  	_ =	swait.ge @!p2 [sflag:s12], $0x3200  }
0xd1: {  	s17 =	simm.s32 @!p2 $0x19000;
	[sflag:s12] =	ssyncset.done @!p2 $0x0  }
0xd2: {  	s13 =	sadd.s32 @!p2 $0x4B00, s2;
	[sflag:s12] =	ssyncadd.s32 @!p2 $0xFFFFCE00;
	s12 =	simm.s32 @!p2 $0xC  }
0xd3: {  	[hbm4b:s13+s9] =	stream.strided.scatter @!p2 [tilespmem:s17], [sflag:$0xF], $0x3200, s6, s9, $0x38;
	[tilespmem:$0x1F400] =	vst v63  }
0xd4: {  	_ =	swait.ge @!p2 [sflag:s12], $0x3200  }
0xd5: {  	s7 =	sadd.s32 $0x1900, s7;
	[sflag:s12] =	ssyncset.done @!p2 $0x0  }
0xd6: {  	p1 =	sne.s32 s7, $0x19000;
	s6 =	simm.s32 @!p2 $0xFA00;
	[sflag:s12] =	ssyncadd.s32 @!p2 $0xFFFFCE00  }
0xd7: {  	[tilespmem:s6], [sflag:$0x4] =	stream.indirect.gather @!p2 [hbm4b:s3+s14], $0x40, s18, s14, $0xb8;
	[tilespmem:$0x1F400] =	vst v63  }
.Ltmp0:
0xd8: {  	_ = 	snop;
	(pc) =	sbr.rel @p1 .LBB2_2-.Ltmp0, $4  }
0xd9: {  	s9 =	simm.s32 @!p2 $0x11400  }
0xda: {  	[tilespmem:s9], [sflag:$0x4] =	stream.indirect.gather @!p2 [hbm4b:s3+s15], $0x40, s16, s15, $0xb8;
	[tilespmem:$0x1F400] =	vst v63  }
0xdb: {  	_ =	swait.ge [sflag:s11], $0x3200  }
0xdc: {  	s6 =	sadd.s32 $0x5780, s2;
	s2 =	sadd.s32 $0x6400, s2;
	[sflag:s11] =	ssyncset.done $0x0  }
0xdd: {  	s5 =	simm.s32 @!p0 $0xD;
	[sflag:s11] =	ssyncadd.s32 $0xFFFFCE00;
	s17 =	simm.s32 $0x1C200  }
0xde: {  	[hbm4b:s6+s25] =	stream.strided.scatter [tilespmem:s17], [sflag:$0x10], $0x3200, s26, s25, $0x38;
	[tilespmem:$0x1F400] =	vst v63  }
0xdf: {  	_ =	swait.ge @!p0 [sflag:s5], $0x3200  }
0xe0: {  	s7 =	sshra.s32 s4, $0x2;
	[sflag:s5] =	ssyncset.done @!p0 $0x0  }
0xe1: {  	s16 =	sadd.s32 $0x320, s7;
	s15 =	rddreg [dreg:$0x5];
	[sflag:s5] =	ssyncadd.s32 @!p0 $0xFFFFCE00  }
0xe2: {  	[tilespmem:s15], [sflag:$0x5] =	stream.indirect.gather [hbm4b:s3+s8], $0x40, s16, s8, $0xb8;
	[tilespmem:$0x1F400] =	vst v63  }
0xe3: {  	s19 =	simm.s32 $0x1;
	s18 =	sadd.s32 $0x388, s7;
	s9 =	rddreg [dreg:$0x6]  }
0xe4: {  	[tilespmem:s9], [sflag:$0x5] =	stream.indirect.gather [hbm4b:s3+s10], $0x40, s18, s10, $0xb8;
	[tilespmem:$0x1F400] =	vst v63  }
0xe5: {  	_ =	swait.ge [sflag:s19], $0x3200  }
0xe6: {  	[sflag:s19] =	ssyncset.done $0x0  }
0xe7: {  	s20 =	simm.s32 $0x6400;
	s5 =	simm.s32 @!p0 $0xE;
	[sflag:s19] =	ssyncadd.s32 $0xFFFFCE00  }
0xe8: {  	[hbm4b:s2+s25] =	stream.strided.scatter [tilespmem:s20], [sflag:$0x9], $0x3200, s26, s25, $0x38;
	[tilespmem:$0x1F400] =	vst v63  }
0xe9: {  	_ =	swait.ge @!p0 [sflag:s5], $0x3200  }
0xea: {  	[sflag:s5] =	ssyncset.done @!p0 $0x0  }
0xeb: {  	s21 =	sadd.s32 $0x3E8, s7;
	s16 =	simm.s32 $0x15E00;
	[sflag:s5] =	ssyncadd.s32 @!p0 $0xFFFFCE00  }
0xec: {  	[tilespmem:s16], [sflag:$0x6] =	stream.indirect.gather [hbm4b:s3+s8], $0x40, s21, s8, $0xb8;
	[tilespmem:$0x1F400] =	vst v63  }
0xed: {  	s23 =	sadd.s32 $0x450, s7;
	s22 =	rddreg [dreg:$0x7]  }
0xee: {  	[tilespmem:s22], [sflag:$0x6] =	stream.indirect.gather [hbm4b:s3+s10], $0x40, s23, s10, $0xb8;
	[tilespmem:$0x1F400] =	vst v63  }
0xef: {  	_ =	swait.ge [sflag:s29], $0x3200  }
0xf0: {  	s28 =	sadd.s32 $0xC80, s2;
	[sflag:s29] =	ssyncset.done $0x0  }
0xf1: {  	s31 =	simm.s32 $0x9600;
	s6 =	simm.s32 @!p0 $0xF;
	[sflag:s29] =	ssyncadd.s32 $0xFFFFCE00  }
0xf2: {  	[hbm4b:s28+s25] =	stream.strided.scatter [tilespmem:s31], [sflag:$0xA], $0x3200, s26, s25, $0x38;
	[tilespmem:$0x1F400] =	vst v63  }
0xf3: {  	_ =	swait.ge @!p0 [sflag:s6], $0x3200  }
0xf4: {  	[sflag:s6] =	ssyncset.done @!p0 $0x0  }
0xf5: {  	s13 =	sadd.s32 $0x4B0, s7;
	s12 =	rddreg [dreg:$0x8];
	[sflag:s6] =	ssyncadd.s32 @!p0 $0xFFFFCE00  }
0xf6: {  	[tilespmem:s12], [sflag:$0x7] =	stream.indirect.gather [hbm4b:s3+s8], $0x40, s13, s8, $0xb8;
	[tilespmem:$0x1F400] =	vst v63  }
0xf7: {  	s15 =	sadd.s32 $0x518, s7;
	s14 =	rddreg [dreg:$0x9]  }
0xf8: {  	[tilespmem:s14], [sflag:$0x7] =	stream.indirect.gather [hbm4b:s3+s10], $0x40, s15, s10, $0xb8;
	[tilespmem:$0x1F400] =	vst v63  }
0xf9: {  	_ =	swait.ge [sflag:s30], $0x3200  }
0xfa: {  	s18 =	sadd.s32 $0x1900, s2;
	p0 =	seq.s32 s4, $0x0;
	[sflag:s30] =	ssyncset.done $0x0  }
0xfb: {  	s19 =	simm.s32 $0xC800;
	s5 =	simm.s32 @!p0 $0x10;
	[sflag:s30] =	ssyncadd.s32 $0xFFFFCE00  }
0xfc: {  	[hbm4b:s18+s25] =	stream.strided.scatter [tilespmem:s19], [sflag:$0xB], $0x3200, s26, s25, $0x38;
	[tilespmem:$0x1F400] =	vst v63  }
0xfd: {  	_ =	swait.ge @!p0 [sflag:s5], $0x3200  }
0xfe: {  	[sflag:s5] =	ssyncset.done @!p0 $0x0  }
0xff: {  	s20 =	sadd.s32 $0x578, s7;
	[sflag:s5] =	ssyncadd.s32 @!p0 $0xFFFFCE00  }
0x100: {  	[tilespmem:s17], [sflag:$0x8] =	stream.indirect.gather [hbm4b:s3+s8], $0x40, s20, s8, $0xb8;
	[tilespmem:$0x1F400] =	vst v63  }
0x101: {  	s22 =	sadd.s32 $0x5E0, s7;
	s21 =	rddreg [dreg:$0xa]  }
0x102: {  	[tilespmem:s21], [sflag:$0x8] =	stream.indirect.gather [hbm4b:s3+s10], $0x40, s22, s10, $0xb8;
	[tilespmem:$0x1F400] =	vst v63  }
0x103: {  	_ =	swait.ge [sflag:s0], $0x3200  }
0x104: {  	s23 =	sadd.s32 $0x2580, s2;
	p0 =	seq.s32 s4, $0x17700;
	[sflag:s0] =	ssyncset.done $0x0  }
0x105: {  	s28 =	simm.s32 $0xFA00;
	s6 =	simm.s32 @p0 $0x5;
	[sflag:s0] =	ssyncadd.s32 $0xFFFFCE00  }
0x106: {  	[hbm4b:s23+s25] =	stream.strided.scatter [tilespmem:s28], [sflag:$0xC], $0x3200, s26, s25, $0x38;
	[tilespmem:$0x1F400] =	vst v63  }
0x107: {  	s7 =	simm.s32 @p0 $0x12C00;
	_ =	swait.ge @p0 [sflag:s6], $0x3200  }
0x108: {  	s9 =	simm.s32 @p0 $0x80;
	s12 =	simm.s32 @!p0 $0x9;
	[sflag:s6] =	ssyncset.done @p0 $0x0  }
0x109: {  	s5 =	rddreg [dreg:$0x3];
	[sflag:s6] =	ssyncadd.s32 @p0 $0xFFFFCE00;
	s6 =	simm.s32 @p0 $0x40  }
0x10a: {  	[hbm4b:s5+s6] =	stream.strided.scatter @p0 [tilespmem:s7], [sflag:$0xD], $0x3200, s9, s6, $0x38;
	[tilespmem:$0x1F400] =	vst v63  }
0x10b: {  	s4 =	sshra.s32 @!p0 s4, $0x2;
	_ =	swait.ge @!p0 [sflag:s12], $0x3200  }
0x10c: {  	s13 =	simm.s32 @!p0 $0x68;
	s14 =	simm.s32 @!p0 $0x6400;
	[sflag:s12] =	ssyncset.done @!p0 $0x0  }
0x10d: {  	s5 =	sadd.s32 @!p0 $0x640, s4;
	s7 =	sadd.s32 @!p0 $0x6A8, s4;
	[sflag:s12] =	ssyncadd.s32 @!p0 $0xFFFFCE00  }
0x10e: {  	[tilespmem:s14], [sflag:$0x1] =	stream.indirect.gather @!p0 [hbm4b:s3+s13], $0x40, s5, s13, $0xb8;
	[tilespmem:$0x1F400] =	vst v63  }
0x10f: {  	s12 =	simm.s32 @!p0 $0x7E00;
	s5 =	simm.s32 @!p0 $0x60;
	s14 =	simm.s32 @!p0 $0x5  }
0x110: {  	[tilespmem:s12], [sflag:$0x1] =	stream.indirect.gather @!p0 [hbm4b:s3+s5], $0x40, s7, s5, $0xb8;
	[tilespmem:$0x1F400] =	vst v63  }
0x111: {  	_ =	swait.ge @!p0 [sflag:s14], $0x3200  }
0x112: {  	s15 =	sadd.s32 @!p0 $0x3200, s2;
	s7 =	simm.s32 @!p0 $0x80;
	[sflag:s14] =	ssyncset.done @!p0 $0x0  }
0x113: {  	s12 =	simm.s32 @!p0 $0x12C00;
	[sflag:s14] =	ssyncadd.s32 @!p0 $0xFFFFCE00;
	s14 =	simm.s32 @!p0 $0x40  }
0x114: {  	[hbm4b:s15+s14] =	stream.strided.scatter @!p0 [tilespmem:s12], [sflag:$0xD], $0x3200, s7, s14, $0x38;
	[tilespmem:$0x1F400] =	vst v63  }
0x115: {  	s12 =	simm.s32 @!p0 $0xA  }
0x116: {  	_ =	swait.ge @!p0 [sflag:s12], $0x3200  }
0x117: {  	[sflag:s12] =	ssyncset.done @!p0 $0x0  }
0x118: {  	s15 =	sadd.s32 @!p0 $0x708, s4;
	[sflag:s12] =	ssyncadd.s32 @!p0 $0xFFFFCE00;
	s12 =	simm.s32 @!p0 $0x9600  }
0x119: {  	[tilespmem:s12], [sflag:$0x2] =	stream.indirect.gather @!p0 [hbm4b:s3+s13], $0x40, s15, s13, $0xb8;
	[tilespmem:$0x1F400] =	vst v63  }
0x11a: {  	s12 =	sadd.s32 @!p0 $0x770, s4;
	s15 =	simm.s32 @!p0 $0xB000  }
0x11b: {  	[tilespmem:s15], [sflag:$0x2] =	stream.indirect.gather @!p0 [hbm4b:s3+s5], $0x40, s12, s5, $0xb8;
	[tilespmem:$0x1F400] =	vst v63  }
0x11c: {  	_ =	swait.ge [sflag:s1], $0x3200  }
0x11d: {  	[sflag:s1] =	ssyncset.done $0x0  }
0x11e: {  	s31 =	sadd.s32 $0x3E80, s2;
	s15 =	simm.s32 @p0 $0x7;
	[sflag:s1] =	ssyncadd.s32 $0xFFFFCE00  }
0x11f: {  	[hbm4b:s31+s25] =	stream.strided.scatter [tilespmem:s16], [sflag:$0xE], $0x3200, s26, s25, $0x38;
	[tilespmem:$0x1F400] =	vst v63  }
0x120: {  	_ =	swait.ge @p0 [sflag:s15], $0x3200  }
0x121: {  	[sflag:s15] =	ssyncset.done @p0 $0x0  }
0x122: {  	s12 =	rddreg [dreg:$0x4];
	[sflag:s15] =	ssyncadd.s32 @p0 $0xFFFFCE00;
	s15 =	simm.s32 @p0 $0x19000  }
0x123: {  	[hbm4b:s12+s6] =	stream.strided.scatter @p0 [tilespmem:s15], [sflag:$0xF], $0x3200, s9, s6, $0x38;
	[tilespmem:$0x1F400] =	vst v63  }
0x124: {  	s6 =	simm.s32 @!p0 $0xB  }
0x125: {  	_ =	swait.ge @!p0 [sflag:s6], $0x3200  }
0x126: {  	[sflag:s6] =	ssyncset.done @!p0 $0x0  }
0x127: {  	s9 =	sadd.s32 @!p0 $0x7D0, s4;
	[sflag:s6] =	ssyncadd.s32 @!p0 $0xFFFFCE00;
	s6 =	simm.s32 @!p0 $0xC800  }
0x128: {  	[tilespmem:s6], [sflag:$0x3] =	stream.indirect.gather @!p0 [hbm4b:s3+s13], $0x40, s9, s13, $0xb8;
	[tilespmem:$0x1F400] =	vst v63  }
0x129: {  	s6 =	sadd.s32 @!p0 $0x838, s4;
	s9 =	simm.s32 @!p0 $0xE200  }
0x12a: {  	[tilespmem:s9], [sflag:$0x3] =	stream.indirect.gather @!p0 [hbm4b:s3+s5], $0x40, s6, s5, $0xb8;
	[tilespmem:$0x1F400] =	vst v63  }
0x12b: {  	s6 =	simm.s32 @!p0 $0x7  }
0x12c: {  	_ =	swait.ge @!p0 [sflag:s6], $0x3200  }
0x12d: {  	[sflag:s6] =	ssyncset.done @!p0 $0x0  }
0x12e: {  	s9 =	sadd.s32 @!p0 $0x4B00, s2;
	[sflag:s6] =	ssyncadd.s32 @!p0 $0xFFFFCE00;
	s6 =	simm.s32 @!p0 $0x19000  }
0x12f: {  	[hbm4b:s9+s14] =	stream.strided.scatter @!p0 [tilespmem:s6], [sflag:$0xF], $0x3200, s7, s14, $0x38;
	[tilespmem:$0x1F400] =	vst v63  }
0x130: {  	s6 =	simm.s32 @!p0 $0xC  }
0x131: {  	_ =	swait.ge @!p0 [sflag:s6], $0x3200  }
0x132: {  	[sflag:s6] =	ssyncset.done @!p0 $0x0  }
0x133: {  	s7 =	sadd.s32 @!p0 $0x898, s4;
	[sflag:s6] =	ssyncadd.s32 @!p0 $0xFFFFCE00;
	s6 =	simm.s32 @!p0 $0xFA00  }
0x134: {  	[tilespmem:s6], [sflag:$0x4] =	stream.indirect.gather @!p0 [hbm4b:s3+s13], $0x40, s7, s13, $0xb8;
	[tilespmem:$0x1F400] =	vst v63  }
0x135: {  	s4 =	sadd.s32 @!p0 $0x900, s4;
	s6 =	simm.s32 @!p0 $0x11400  }
0x136: {  	[tilespmem:s6], [sflag:$0x4] =	stream.indirect.gather @!p0 [hbm4b:s3+s5], $0x40, s4, s5, $0xb8;
	[tilespmem:$0x1F400] =	vst v63  }
0x137: {  	_ =	swait.ge [sflag:s11], $0x3200  }
0x138: {  	[sflag:s11] =	ssyncset.done $0x0  }
0x139: {  	s16 =	simm.s32 $0x9;
	s15 =	sadd.s32 $0x5780, s2;
	[sflag:s11] =	ssyncadd.s32 $0xFFFFCE00  }
0x13a: {  	[hbm4b:s15+s25] =	stream.strided.scatter [tilespmem:s17], [sflag:$0x10], $0x3200, s26, s25, $0x38;
	[tilespmem:$0x1F400] =	vst v63  }
0x13b: {  	_ =	swait.ge [sflag:s16], $0x3200  }
0x13c: {  	[sflag:s16] =	ssyncset.done $0x0  }
0x13d: {  	s17 =	simm.s32 $0xA;
	[sflag:s16] =	ssyncadd.s32 $0xFFFFCE00  }
0x13e: {  	_ =	swait.ge [sflag:s17], $0x3200  }
0x13f: {  	[sflag:s17] =	ssyncset.done $0x0  }
0x140: {  	s18 =	simm.s32 $0xB;
	[sflag:s17] =	ssyncadd.s32 $0xFFFFCE00  }
0x141: {  	_ =	swait.ge [sflag:s18], $0x3200  }
0x142: {  	[sflag:s18] =	ssyncset.done $0x0  }
0x143: {  	s19 =	simm.s32 $0xC;
	[sflag:s18] =	ssyncadd.s32 $0xFFFFCE00  }
0x144: {  	_ =	swait.ge [sflag:s19], $0x3200  }
0x145: {  	[sflag:s19] =	ssyncset.done $0x0  }
0x146: {  	s20 =	simm.s32 $0xD;
	[sflag:s19] =	ssyncadd.s32 $0xFFFFCE00  }
0x147: {  	_ =	swait.ge [sflag:s20], $0x3200  }
0x148: {  	[sflag:s20] =	ssyncset.done $0x0  }
0x149: {  	s21 =	simm.s32 $0xE;
	[sflag:s20] =	ssyncadd.s32 $0xFFFFCE00  }
0x14a: {  	_ =	swait.ge [sflag:s21], $0x3200  }
0x14b: {  	[sflag:s21] =	ssyncset.done $0x0  }
0x14c: {  	s22 =	simm.s32 $0xF;
	[sflag:s21] =	ssyncadd.s32 $0xFFFFCE00  }
0x14d: {  	_ =	swait.ge [sflag:s22], $0x3200  }
0x14e: {  	[sflag:s22] =	ssyncset.done $0x0  }
0x14f: {  	s23 =	simm.s32 $0x10;
	[sflag:s22] =	ssyncadd.s32 $0xFFFFCE00  }
0x150: {  	_ =	swait.ge [sflag:s23], $0x3200  }
0x151: {  	s28 =	rddreg [dreg:$0xe]  }
0x152: {  	s31 =	rddreg [dreg:$0xc];
	s5 =	sadd.s32 $0x1, s28  }
0x153: {  	p0 =	sne.s32 s5, s31  }
.Ltmp1:
0x154: {  	_ = 	snop;
	(pc) =	sbr.rel @p0 .LBB2_1-.Ltmp1, $3  }
0x155: {  	_ =	sdelay $0x1  }
0x156: {  	[sflag:s23] =	ssyncset.done $0x0  }
0x157: {  	s14 =	simm.s32 $0x1C200;
	[sflag:s23] =	ssyncadd.s32 $0xFFFFCE00  }
0x158: {  	_ =	sfence.sel $0x180000  }
0x159: {  	[bflag:$0x0] =	sbarrier.arrive $0xFFFF  }
0x15a: {  	_ =	strace $0x9000004A  }
0x15b: {  	s0 =	stileid.u32;
	[bflag:$0x2] =	sbarrier.arrive $0xFFFF  }
0x15c: {  	p0 =	sne.s32 s0, $0x0;
	s0 =	rddreg [dreg:$0x2]  }
0x15d: {  	s0 =	sadd.s32 @!p0 $0x100000, s0  }
0x15e: {  	[sflag:s0] =	ssyncadd.tile.s32 @!p0 $0x1;
	_ =	shalt  }
.Lfunc_end2:
_tile_overlayer_lowered:
.L_overlay_start_2:
0x15f: {  	(tag) =	ssettag $0x2  }
0x160: {  	s0 =	rddreg [dreg:$0x0];
	s2 =	stileid.u32  }
0x161: {  	s1 =	rddreg [dreg:$0x1];
	p0 =	sne.s32 s2, $0x0  }
0x162: {  	s3 =	rddreg [dreg:$0x2];
	[bflag:$0x3] =	sbarrier.arrive $0xFFFF;
	s2 =	simm.s32 @!p0 $0x1C11  }
0x163: {  	[timem:s3], [sflag:s2] =	dma.local @!p0 [hbm:s0], s1  }
0x164: {  	s0 =	simm.s32 @!p0 $0x11  }
0x165: {  	_ =	swait.ge @!p0 [sflag:s0], s1  }
0x166: {  	s1 =	ssub.s32 @!p0 $0x0, s1;
	[sflag:s0] =	ssyncset.done @!p0 $0x0  }
0x167: {  	[sflag:s0] =	ssyncadd.s32 @!p0 s1  }
0x168: {  	[bflag:$0x3] =	sbarrier.arrive $0xFFFF  }
0x169: {  	_ =	shalt  }

// kernel: sparse-core-data-format-call.cloned.1.call-start
scs
called_computation_lowered:
.L_overlay_start_0:
0x0: {  	s2 =	sld [smem:$0x3FD9]  }
0x1: {  	s3 =	sld [smem:$0x3FFE];
	_ =	sdelay $0x1  }
0x2: {  	s1 =	srdreg.scid  }
0x3: {  	s0 =	sand.u32 $0x1, s1  }
0x4: {  	s18 =	sshll.u32 s0, $0xA;
	s2 =	sadd.s32 s3, s2  }
0x5: {  	s2 =	sadd.s32 s2, s18  }
0x6: {  	[smem:$0x3FC6] =	sst s2  }
0x7: {  	_ = 	snop  }
0x8: {  	s2 =	sld [smem:$0x3FD0];
	(tm) =	ssettm $0x1  }
0x9: {  	s19 =	sld [smem:$0x3FFB];
	_ =	sdelay $0x3  }
0xa: {  	_ =	strace s19  }
0xb: {  	s3 =	sld [smem:$0x3FFC];
	_ =	sdelay $0x3  }
0xc: {  	_ =	strace s3  }
0xd: {  	s3 =	sld [smem:$0x3FFD];
	_ =	sdelay $0x3  }
0xe: {  	_ =	strace s3  }
0xf: {  	_ =	strace $0x8FFFFFFF  }
0x10: {  	s20 =	sld [smem:$0x3FDB];
	_ =	sdelay $0x1  }
0x11: {  	s4 =	simm.s32 $_scs_section_size  }
0x12: {  	s5 =	simm.s32 $_size__tile_overlayer_lowered;
	s6 =	simm.s32 $_tile_overlayer_lowered  }
0x13: {  	s23 =	simm.s32 $0x1BFF;
	s22 =	sshll.u32 s6, $0x1;
	s3 =	sadd.s32 s4, s20  }
0x14: {  	s7 =	simm.s32 $0x0;
	s21 =	sshll.u32 s5, $0x1;
	s5 =	sadd.s32 s22, s3  }
0x15: {  	[timem:s7], [sflag:s23] =	dma.local [hbm:s5], s21  }
0x16: {  	_ =	swait.ge [sflag:s23], s21  }
0x17: {  	s4 =	ssub.s32 $0x0, s21;
	[sflag:s23] =	ssyncset.done $0x0  }
0x18: {  	[sflag:s23] =	ssyncadd.s32 s4;
	_ =	sdelay $0x1  }
0x19: {  	s24 =	simm.s32 $0x1B8B  }
0x1a: {  	_ =	swait.ge [sflag:s24], $0x1  }
0x1b: {  	[sflag:s24] =	ssyncset.done $0x0  }
0x1c: {  	s26 =	simm.s32 $0x1B8E;
	s25 =	sld [smem:$0x3FFE];
	[sflag:s24] =	ssyncadd.s32 $0xFFFFFFFF  }
0x1d: {  	s27 =	simm.s32 $execute0_lowered;
	[smem:$0x3FD2] =	sst s26  }
0x1e: {  	s5 =	sshll.u32 s27, $0x1;
	_ =	strace $0x8000004C;
	[dreg:$0x1] =	wrdreg $0xFFFFFFFF  }
0x1f: {  	s28 =	simm.s32 $_size_execute0_lowered;
	s3 =	sadd.s32 s3, s5;
	[dreg:$0x0] =	wrdreg $0x0  }
0x20: {  	s5 =	sshll.u32 s28, $0x1;
	[dreg:$0x2] =	wrdreg s3  }
0x21: {  	[dreg:$0x3] =	wrdreg s5  }
0x22: {  	[dreg:$0x4] =	wrdreg $0xC0  }
0x23: {  	_ =	task [dreg:s7], $0x5FFFF  }
0x24: {  	[dreg:$0x1] =	wrdreg $0xFFFFFFFF  }
0x25: {  	[dreg:$0x0] =	wrdreg $0x60  }
0x26: {  	[dreg:$0x2] =	wrdreg s25  }
0x27: {  	[dreg:$0x3] =	wrdreg s2  }
0x28: {  	[dreg:$0x4] =	wrdreg $0x9  }
0x29: {  	_ =	task.clear_ibuf [dreg:s7], $0x5FFFF;
	_ =	strace $0x9000004C  }
0x2a: {  	s29 =	simm.s32 $0x9;
	_ =	strace $0x8000004E  }
0x2b: {  	_ =	swait.ge [sflag:s29], $0x1  }
0x2c: {  	[sflag:s29] =	ssyncadd.s32 $0xFFFFFFFF  }
0x2d: {  	_ =	strace $0x9000004E  }
0x2e: {  	_ =	sfence  }
0x2f: {  	s30 =	sld [smem:$0x0];
	_ =	sdelay $0x2  }
0x30: {  	s31 =	sshll.u32 s1, $0xD;
	s1 =	sshrl.u32 s1, $0x2  }
0x31: {  	s3 =	sand.u32 $0x4000, s31;
	s1 =	sadd.s32 s1, s30  }
0x32: {  	s0 =	sor.u32 s3, s0;
	s1 =	sshll.u32 s1, $0x11  }
0x33: {  	s0 =	sor.u32 s1, s0  }
0x34: {  	s0 =	sadd.s32 $0x8F2B, s0  }
0x35: {  	[sflag:s0] =	ssyncadd.remote.s32 $0x1  }
0x36: {  	_ =	sfence.sel $0xFFFF  }
0x37: {  	[dreg:$0x0] =	wrdreg $0xFFFFFFFF;
	(pc) =	sbr.abs _section_cstart, $3  }
0x38: {  	[dreg:$0x1] =	wrdreg $0xFFFFFFFF  }
0x39: {  	_ =	task.clear_ibuf [dreg:s7], $0x2FFFF;
	_ =	strace $0x9FFFFFFF  }
0x3a: {  	(tm) =	ssettm $0x7FFFFFFF  }
0x3b: {  	_ =	shalt  }
tec
execute0_lowered:
.L_overlay_start_1:
0x0: {  	(tag) =	ssettag $0x1  }
0x1: {  	s0 =	srdreg.scid  }
0x2: {  	s1 =	sshll.u32 s0, $0x4  }
0x3: {  	s0 =	stileid.u32;
	s1 =	sand.u32 $0x10, s1  }
0x4: {  	s1 =	sor.u32 s0, s1  }
0x5: {  	s6 =	rddreg [dreg:$0x0];
	s4 =	simm.s32 $0x1;
	s2 =	sshll.u32 s1, $0x7  }
0x6: {  	s7 =	simm.s32 $0x2;
	s12 =	simm.s32 $0x0;
	s1 =	ssub.s32 $0x1000, s2  }
0x7: {  	s8 =	simm.s32 $0x8000;
	s13 =	simm.s32 $0x0;
	s3 =	sand.u32 $0xF80, s1  }
0x8: {  	s9 =	simm.s32 $0x0;
	s5 =	sshrl.u32 s1, $0xC;
	p0 =	sne.s32 s3, $0x0  }
.Ltmp0:
0x9: {  	s1 =	rddreg [dreg:$0x2];
	s4 =	simm.s32 @!p0 $0x0;
	(pc) =	sbr.rel .LBB1_1-.Ltmp0, $4  }
0xa: {  	s11 =	simm.s32 $0x0;
	s3 =	rddreg [dreg:$0x1];
	s5 =	sadd.s32 s4, s5  }
0xb: {  	_ =	strace $0x8000004D;
	s4 =	simm.s32 $0x1;
	s5 =	smul.u32 $0xC8, s5  }
0xc: {  	s6 =	sadd.s32 $0x7A2400, s6;
	s10 =	smov.u32 s2;
	[sflag:s4] =	ssyncpa.u1 $0x0  }
0xd: {  	p0 =	por $0x0, $0x0;
	[sflag:s7] =	ssyncpa.u1 $0x0;
	s7 =	sor.u32 $0x1, s5  }
.LBB1_4:
0xe: {  	s16 =	sshll.u32 s13, $0x3;
	s17 =	sand.u32 $0x78, s13  }
0xf: {  	s30 =	sand.u32 $0x7E00, s13;
	s12 =	sshll.u32 s12, $0xF;
	s16 =	sand.u32 $0xC00, s16  }
0x10: {  	[tilespmem:s15+$0x810 ss:$0x81] =	vst.msk $0xffff, v2;
	s31 =	sand.u32 $0x7, s13;
	s16 =	sor.u32 s17, s16;
	s17 =	sadd.s32 s3, s30  }
0x11: {  	[tilespmem:s15+$0x1020 ss:$0x81] =	vst.msk $0xffff, v0;
	s13 =	sshll.u32 s31, $0x12;
	s12 =	sadd.s32 s12, s17;
	s16 =	sshrl.u32 s16, $0x3  }
0x12: {  	[tilespmem:s15+$0x0 ss:$0x81] =	vst.msk $0xffff, v1;
	s13 =	sor.u32 $0x400, s13;
	s12 =	sadd.s32 s16, s12  }
0x13: {  	[hbm4b:s12+s13] =	stream.strided.scatter [tilespmem:s14], [sflag:$0x2], $0x2000, s8, s13, $0x20;
	[tilespmem:$0x8080] =	vst v63  }
.LBB1_5:
0x14: {  	s14 =	sadd.s32 $0x1, s9  }
0x15: {  	s12 =	sadd.s32 $0x1000, s10;
	s16 =	smov.u32 s10;
	p2 =	sgt.s32 s14, $0xC7  }
0x16: {  	s16 =	smov.u32 @p2 s12  }
0x17: {  	s14 =	simm.s32 @p2 $0x0;
	p2 =	sgt.s32 s16, $0xFFF  }
0x18: {  	s16 =	smov.u32 @p2 s2;
	p2 =	sne.s32 s11, s7  }
.Ltmp1:
0x19: {  	p1 =	slt.u32 s11, $0x2;
	(pc) =	sbr.rel @!p2 .LBB1_6-.Ltmp1, $4  }
0x1a: {  	s15 =	simm.s32 @!p1 $0x2  }
0x1b: {  	s13 =	smov.u32 s10;
	p0 =	por !p0, !p0;
	_ =	swait.ge @!p1 [sflag:s15], $0x2000  }
0x1c: {  	s12 =	smov.u32 s9;
	[sflag:s15] =	ssyncset.done @!p1 $0x0;
	s9 =	smov.u32 s14  }
0x1d: {  	s11 =	sadd.s32 $0x1, s11;
	[sflag:s15] =	ssyncadd.s32 @!p1 $0xFFFFE000;
	s10 =	smov.u32 s16  }
.LBB1_1:
0x1e: {  	p1 =	sge.u32 s11, s5  }
0x1f: {  	s14 =	sand.u32 @!p1 $0x1FFFFFF, s9  }
0x20: {  	s15 =	smulhi.u32 @!p1 $0x147AE15, s14;
	_ =	sdelay $0x1  }
0x21: {  	s15 =	smul.u32 @!p1 $0xC8, s15  }
0x22: {  	s16 =	sxor.u32 @!p1 $0xFFFFFFFF, s11;
	s17 =	smul.u32 @!p1 $0xC80, s10  }
0x23: {  	s31 =	sadd.s32 $0xFFFFFFFF, s11;
	s16 =	sshll.u32 @!p1 s16, $0xD;
	s14 =	ssub.s32 @!p1 s14, s15  }
0x24: {  	s15 =	sand.u32 @!p1 $0x2000, s16;
	s16 =	sadd.s32 @!p1 s6, s17;
	s14 =	sshll.u32 @!p1 s14, $0x4  }
0x25: {  	s17 =	simm.s32 @!p1 $0x6400;
	s14 =	sadd.s32 @!p1 s14, s16;
	s16 =	simm.s32 @!p1 $0x40  }
0x26: {  	[tilespmem:s15], [sflag:$0x1] =	stream.strided.gather @!p1 [hbm4b:s14+s16], $0x2000, s17, s16, $0x38;
	[tilespmem:$0x8080] =	vst v63  }
0x27: {  	p1 =	sge.u32 s31, s5  }
.Ltmp2:
0x28: {  	_ = 	snop;
	(pc) =	sbr.rel @p1 .LBB1_5-.Ltmp2, $1  }
0x29: {  	_ =	sdelay $0x3  }
0x2a: {  	s14 =	simm.s32 $0x1  }
0x2b: {  	_ =	swait.ge [sflag:s4], $0x2000;
	s14 =	simm.s32 @!p0 $0x0  }
0x2c: {  	[sflag:s4] =	ssyncset.done $0x0;
	s15 =	sshll.u32 s14, $0xD  }
0x2d: {  	[sflag:s4] =	ssyncadd.s32 $0xFFFFE000;
	s18 =	sor.u32 $0x20, s15  }
0x2e: {  	s14 =	smul.u32 $0x8100, s14;
	v3 =	vld [tilespmem:s18+$0x10]  }
0x2f: {  	s30 =	sand.u32 $0x1, s11;
	v2 =	vld [tilespmem:s18+$0xFFFFFFF0]  }
0x30: {  	s15 =	smul.u32 $0x8100, s30;
	s14 =	sshrl.u32 s14, $0x2;
	v0 =	vld [tilespmem:s18+$0x0]  }
0x31: {  	v1 =	vld [tilespmem:s18+$0xFFFFFFE0];
	s16 =	sor.u32 $0x4000, s14  }
0x32: {  	s31 =	sshrl.u32 s15, $0x2;
	s15 =	sadd.s32 $0x0, s16  }
0x33: {  	s17 =	simm.s32 $0x4;
	s18 =	sadd.s32 $0x40, s18;
	s14 =	sor.u32 $0x4000, s31;
	[tilespmem:s15+$0x1830 ss:$0x81] =	vst.msk $0xffff, v3  }
.LBB1_3:
0x34: {  	v3 =	vld [tilespmem:s18+$0x10];
	p1 =	sne.s32 s17, $0x1FC;
	[tilespmem:s15+$0x810 ss:$0x81] =	vst.msk $0xffff, v2;
	s19 =	smov.u32 s17;
	s17 =	sadd.s32 $0x4, s17  }
.Ltmp3:
0x35: {  	v2 =	vld [tilespmem:s18+$0xFFFFFFF0];
	[tilespmem:s15+$0x1020 ss:$0x81] =	vst.msk $0xffff, v0;
	(pc) =	sbr.rel @p1 .LBB1_3-.Ltmp3, $4  }
0x36: {  	v0 =	vld [tilespmem:s18+$0x0];
	[tilespmem:s15+$0x0 ss:$0x81] =	vst.msk $0xffff, v1  }
0x37: {  	s15 =	sshra.s32 s19, $0x2;
	v1 =	vld [tilespmem:s18+$0xFFFFFFE0]  }
0x38: {  	s15 =	sadd.s32 s15, s16  }
0x39: {  	s18 =	sadd.s32 $0x40, s18;
	[tilespmem:s15+$0x1830 ss:$0x81] =	vst.msk $0xffff, v3  }
.Ltmp4:
0x3a: {  	_ = 	snop;
	(pc) =	sbr.rel .LBB1_4-.Ltmp4, $1  }
0x3b: {  	_ =	sdelay $0x3  }
.LBB1_6:
0x3c: {  	_ =	sfence.sel $0x180000  }
0x3d: {  	s2 =	simm.s32 $0x1;
	[bflag:$0x0] =	sbarrier.arrive $0xFFFF  }
0x3e: {  	s31 =	simm.s32 $0x2;
	[sflag:s2] =	ssyncpa.u1 $0x1  }
0x3f: {  	[sflag:s31] =	ssyncpa.u1 $0x1  }
0x40: {  	p0 =	sne.s32 s0, $0x0;
	_ =	strace $0x9000004D  }
0x41: {  	s0 =	sadd.s32 @!p0 $0x100000, s1;
	[bflag:$0x2] =	sbarrier.arrive $0xFFFF  }
0x42: {  	[sflag:s0] =	ssyncadd.tile.s32 @!p0 $0x1;
	_ =	shalt  }
.Lfunc_end1:
_tile_overlayer_lowered:
.L_overlay_start_2:
0x43: {  	(tag) =	ssettag $0x2  }
0x44: {  	s0 =	rddreg [dreg:$0x0];
	s2 =	stileid.u32  }
0x45: {  	s1 =	rddreg [dreg:$0x1];
	p0 =	sne.s32 s2, $0x0  }
0x46: {  	s3 =	rddreg [dreg:$0x2];
	[bflag:$0x3] =	sbarrier.arrive $0xFFFF;
	s2 =	simm.s32 @!p0 $0x1C01  }
0x47: {  	[timem:s3], [sflag:s2] =	dma.local @!p0 [hbm:s0], s1  }
0x48: {  	s0 =	simm.s32 @!p0 $0x1  }
0x49: {  	_ =	swait.ge @!p0 [sflag:s0], s1  }
0x4a: {  	s1 =	ssub.s32 @!p0 $0x0, s1;
	[sflag:s0] =	ssyncset.done @!p0 $0x0  }
0x4b: {  	[sflag:s0] =	ssyncadd.s32 @!p0 s1  }
0x4c: {  	[bflag:$0x3] =	sbarrier.arrive $0xFFFF  }
0x4d: {  	_ =	shalt  }

</sc_bundles>
